<compile_context>
chip_gen: v7x
topology: tpu7x:2x2x1
jax: 0.10.2.dev20260603
libtpu: 0.0.44.dev20260713+nightly
codegen_flags: <defaults>
</compile_context>

<pallas_src>
import functools

import jax
import jax.numpy as jnp
from jax import lax
from jax.experimental import pallas as pl
from jax.experimental.pallas import tpu as pltpu
from jax.experimental.pallas import tpu_sc as plsc

N = 10000
E = 320000
D = 128
NC, NS = 2, 16
NW = NC * NS
NP = 10240
RPT = NP // NS
EB = 128
RB = 8
PH = 2
CHP = 5
NBP = CHP * RB
EPWP = PH * NBP * EB
EPW = E // NW

_mesh = plsc.VectorSubcoreMesh(
    core_axis_name="c", subcore_axis_name="s", num_cores=NC, num_subcores=NS)


def _sc_degree(dst_r, ones_hbm):
  @functools.partial(
      pl.kernel,
      out_type=jax.ShapeDtypeStruct((NC, NP, 1), jnp.float32),
      mesh=_mesh,
      scratch_types=[
          pltpu.VMEM((CHP, RB, EB), jnp.int32),
          pltpu.VMEM((EB, 1), jnp.float32),
          pltpu.VMEM_SHARED((NP, 1), jnp.float32),
          pltpu.SemaphoreType.DMA,
      ],
  )
  def k(dst_hbm, ones_h, out_hbm, didx, onesv, dacc, dsem):
    c = lax.axis_index("c")
    s = lax.axis_index("s")
    wid = c * NS + s
    pltpu.sync_copy(ones_h.at[pl.ds(0, EB)], onesv)
    pltpu.sync_copy(ones_h.at[pl.ds(s * RPT, RPT)], dacc.at[pl.ds(s * RPT, RPT)])
    plsc.subcore_barrier()
    for ph in range(PH):
      pltpu.sync_copy(dst_hbm.at[wid, ph], didx)

      def body(j, carry):
        pltpu.async_copy(onesv, dacc.at[didx.at[j // RB, lax.rem(j, RB)]],
                         dsem)
        return carry

      lax.fori_loop(0, NBP, body, 0)

      def drain(j, carry):
        pltpu.make_async_copy(onesv, dacc.at[didx.at[0, 0]], dsem).wait()
        return carry

      lax.fori_loop(0, NBP, drain, 0)
    plsc.subcore_barrier()
    pltpu.sync_copy(dacc.at[pl.ds(s * RPT, RPT)],
                    out_hbm.at[c, pl.ds(s * RPT, RPT)])

  return k(dst_r, ones_hbm)


def _sc_adj(u, zeros_hbm, src_r, dst_r):
  @functools.partial(
      pl.kernel,
      out_type=jax.ShapeDtypeStruct((NC, NP, D), jnp.float32),
      mesh=_mesh,
      scratch_types=[
          pltpu.VMEM((CHP, RB, EB), jnp.int32),
          pltpu.VMEM((CHP, RB, EB), jnp.int32),
          pltpu.VMEM((2, EB, D), jnp.float32),
          pltpu.VMEM_SHARED((NP, D), jnp.float32),
          pltpu.SemaphoreType.DMA,
          pltpu.SemaphoreType.DMA,
          pltpu.SemaphoreType.DMA,
      ],
  )
  def k(u_hbm, z_hbm, src_hbm, dst_hbm, out_hbm, sidx, didx, rows, acc,
        gsem, ssem, isem):
    c = lax.axis_index("c")
    s = lax.axis_index("s")
    wid = c * NS + s
    @pl.when(c == 0)
    def _():
      pltpu.async_copy(
          u_hbm.at[pl.ds(s * RPT, RPT)], acc.at[pl.ds(s * RPT, RPT)], isem)

    @pl.when(c == 1)
    def _():
      pltpu.async_copy(z_hbm, acc.at[pl.ds(s * RPT, RPT)], isem)

    def sref(j):
      return sidx.at[j // RB, lax.rem(j, RB)]

    def dref(j):
      return didx.at[j // RB, lax.rem(j, RB)]

    def _wait_gather(slot, j):
      pltpu.make_async_copy(u_hbm.at[sref(j)], rows.at[slot], gsem).wait()

    def _drain_scatter(slot, j):
      pltpu.make_async_copy(rows.at[slot], acc.at[dref(j)], ssem).wait()

    for ph in range(PH):
      pltpu.sync_copy(src_hbm.at[wid, ph], sidx)
      pltpu.sync_copy(dst_hbm.at[wid, ph], didx)
      pltpu.async_copy(u_hbm.at[sref(0)], rows.at[0], gsem)
      if ph == 0:
        pltpu.make_async_copy(
            u_hbm.at[pl.ds(0, RPT)], acc.at[pl.ds(0, RPT)], isem).wait()
        plsc.subcore_barrier()

      def body(i, carry):
        j0 = 2 * i
        j1 = j0 + 1

        @pl.when(i > 0)
        def _():
          _drain_scatter(1, j0)
        pltpu.async_copy(u_hbm.at[sref(j1)], rows.at[1], gsem)
        _wait_gather(0, j0)
        pltpu.async_copy(rows.at[0], acc.at[dref(j0)], ssem)
        _wait_gather(1, j1)
        _drain_scatter(0, j0)

        @pl.when(j0 + 2 < NBP)
        def _():
          pltpu.async_copy(u_hbm.at[sref(j0 + 2)], rows.at[0], gsem)
        pltpu.async_copy(rows.at[1], acc.at[dref(j1)], ssem)
        return carry

      lax.fori_loop(0, NBP // 2, body, 0)
      _drain_scatter(1, 0)
    plsc.subcore_barrier()
    pltpu.sync_copy(acc.at[pl.ds(s * RPT, RPT)],
                    out_hbm.at[c, pl.ds(s * RPT, RPT)])

  return k(u, zeros_hbm, src_r, dst_r)


def _tc_matmul(x, w):
  def body(x_ref, w_ref, o_ref):
    o_ref[pl.ds(0, N), :] = jnp.dot(x_ref[...], w_ref[...],
                                    preferred_element_type=jnp.float32)
    o_ref[pl.ds(N, NP - N), :] = jnp.zeros((NP - N, D), jnp.float32)

  return pl.pallas_call(
      body, out_shape=jax.ShapeDtypeStruct((NP, D), jnp.float32))(x, w)


def _tc_scale(deg_p, y):
  def body(dp_ref, y_ref, d_ref, u_ref):
    dinv = lax.rsqrt(dp_ref[0] + dp_ref[1] - 1.0)
    d_ref[...] = dinv
    u_ref[...] = y_ref[...] * dinv

  return pl.pallas_call(
      body, out_shape=(jax.ShapeDtypeStruct((NP, 1), jnp.float32),
                       jax.ShapeDtypeStruct((NP, D), jnp.float32)))(deg_p, y)


def _tc_layer0(acc, dinv, b):
  def body(a_ref, d_ref, b_ref, o_ref):
    g = d_ref[...] * (a_ref[0] + a_ref[1])
    o_ref[...] = d_ref[...] * jnp.maximum(g + b_ref[...], 0.0)

  return pl.pallas_call(
      body, out_shape=jax.ShapeDtypeStruct((NP, D), jnp.float32))(
          acc, dinv, b.reshape(1, D))


def _tc_layer(acc, dinv, w, b):
  def body(a_ref, d_ref, w_ref, b_ref, o_ref):
    g = d_ref[...] * (a_ref[0] + a_ref[1])
    h = jnp.dot(g, w_ref[...], preferred_element_type=jnp.float32) + b_ref[...]
    o_ref[...] = d_ref[...] * jnp.maximum(h, 0.0)

  return pl.pallas_call(
      body, out_shape=jax.ShapeDtypeStruct((NP, D), jnp.float32))(
          acc, dinv, w, b.reshape(1, D))


def _tc_head(acc, dinv, wmu, bmu, wls, bls):
  dout = wmu.shape[1]

  def body(a_ref, d_ref, wm_ref, bm_ref, wl_ref, bl_ref,
           mu_ref, ls_ref):
    g = (d_ref[...] * (a_ref[0] + a_ref[1]))[:N]
    mu_ref[...] = jnp.dot(
        g, wm_ref[...], preferred_element_type=jnp.float32) + bm_ref[...]
    ls_ref[...] = jnp.dot(
        g, wl_ref[...], preferred_element_type=jnp.float32) + bl_ref[...]

  return pl.pallas_call(
      body,
      out_shape=(jax.ShapeDtypeStruct((N, dout), jnp.float32),
                 jax.ShapeDtypeStruct((N, dout), jnp.float32)))(
          acc, dinv, wmu, bmu.reshape(1, dout),
          wls, bls.reshape(1, dout))


def _pad_edges(row):
  npad = NW * EPWP - E
  pad = N + jnp.arange(npad, dtype=jnp.int32) % (NP - N)
  return jnp.concatenate([row, pad]).reshape(NW, PH, CHP, RB, EB)


def kernel(x, edge_index, W0, b0, W1, b1, W2, b2, Wmu, bmu, Wls, bls):
  ei = edge_index.astype(jnp.int32)
  dst_r = _pad_edges(ei[1])
  zeros_hbm = jnp.zeros((RPT, D), jnp.float32)

  y0 = _tc_matmul(x, W0)
  deg_p = _sc_degree(dst_r, jnp.ones((NP, 1), jnp.float32))
  src_r = _pad_edges(ei[0])
  dinv, u = _tc_scale(deg_p, y0)

  acc = _sc_adj(u, zeros_hbm, src_r, dst_r)
  u = _tc_layer0(acc, dinv, b0)
  for w, b in ((W1, b1), (W2, b2)):
    acc = _sc_adj(u, zeros_hbm, src_r, dst_r)
    u = _tc_layer(acc, dinv, w, b)
  acc = _sc_adj(u, zeros_hbm, src_r, dst_r)
  mu, logstd = _tc_head(acc, dinv, Wmu, bmu, Wls, bls)
  return (mu, logstd)

# --- scband reference (transcript-rebuilt; emitter-appended) ---
"""Pipeline reference for scband-graph-encoder-48034914238515 (READ-ONLY COPY).

The authoritative reference and input builder live on the scoring server;
editing this copy changes nothing except your own understanding.
"""

import jax, jax.numpy as jnp
import numpy as np

N_NODES = 10000
N_EDGES = 320000
D_IN = 128
D_HID = 128
D_OUT = 64


def gcn_conv(x, edge_index, W, b):
    # PyG GCNConv: add self-loops, symmetric normalization, x@W, scatter-add, + bias
    n = x.shape[0]
    loop = jnp.arange(n, dtype=edge_index.dtype)
    src = jnp.concatenate([edge_index[0], loop])
    dst = jnp.concatenate([edge_index[1], loop])
    deg = jnp.zeros((n,), dtype=x.dtype).at[dst].add(1.0)
    dinv = jnp.where(deg > 0, 1.0 / jnp.sqrt(deg), 0.0)
    norm = dinv[src] * dinv[dst]
    h = x @ W
    msg = jnp.take(h, src, axis=0) * norm[:, None]
    out = jnp.zeros((n, W.shape[1]), dtype=x.dtype).at[dst].add(msg)
    return out + b


def setup_inputs(seed: int = 0) -> dict:
    key = jax.random.key(seed)
    ks = jax.random.split(key, 16)
    x = jax.random.normal(ks[0], (N_NODES, D_IN), dtype=jnp.float32)
    edge_index = jax.random.randint(ks[1], (2, N_EDGES), 0, N_NODES, dtype=jnp.int64)
    def glorot(k, fan_in, fan_out):
        s = jnp.sqrt(6.0 / (fan_in + fan_out))
        return jax.random.uniform(k, (fan_in, fan_out), minval=-s, maxval=s, dtype=jnp.float32)
    W0 = glorot(ks[2], D_IN, D_HID); b0 = jnp.zeros((D_HID,), dtype=jnp.float32)
    W1 = glorot(ks[3], D_HID, D_HID); b1 = jnp.zeros((D_HID,), dtype=jnp.float32)
    W2 = glorot(ks[4], D_HID, D_HID); b2 = jnp.zeros((D_HID,), dtype=jnp.float32)
    Wmu = glorot(ks[5], D_HID, D_OUT); bmu = jnp.zeros((D_OUT,), dtype=jnp.float32)
    Wls = glorot(ks[6], D_HID, D_OUT); bls = jnp.zeros((D_OUT,), dtype=jnp.float32)
    return {"x": x, "edge_index": edge_index,
            "W0": W0, "b0": b0, "W1": W1, "b1": b1, "W2": W2, "b2": b2,
            "Wmu": Wmu, "bmu": bmu, "Wls": Wls, "bls": bls}


def reference(x, edge_index, W0, b0, W1, b1, W2, b2, Wmu, bmu, Wls, bls):
    h = jax.nn.relu(gcn_conv(x, edge_index, W0, b0))
    h = jax.nn.relu(gcn_conv(h, edge_index, W1, b1))
    h = jax.nn.relu(gcn_conv(h, edge_index, W2, b2))
    mu = gcn_conv(h, edge_index, Wmu, bmu)
    logstd = gcn_conv(h, edge_index, Wls, bls)
    return (mu, logstd)

if __name__ == "__main__":
    import jax
    _d = setup_inputs()
    print(jax.jit(kernel)(*tuple(_d.values())))

</pallas_src>

<mosaic_0001>
#map = affine_map<(d0, d1) -> (0, 0)>
#map1 = affine_map<(d0, d1) -> (0, 0, 0, 0, 0)>
#map2 = affine_map<(d0, d1) -> (0, 0, 0)>
module attributes {stable_mosaic.version = 14 : i64} {
  func.func @k(%arg0: i32, %arg1: i32, %arg2: memref<10240x128xf32, #tpu.memory_space<hbm>>, %arg3: memref<640x128xf32, #tpu.memory_space<hbm>>, %arg4: memref<32x2x5x8x128xi32, #tpu.memory_space<hbm>>, %arg5: memref<32x2x5x8x128xi32, #tpu.memory_space<hbm>>, %arg6: memref<2x10240x128xf32, #tpu.memory_space<hbm>>, %arg7: memref<5x8x128xi32, #tpu.memory_space<vmem>>, %arg8: memref<5x8x128xi32, #tpu.memory_space<vmem>>, %arg9: memref<2x128x128xf32, #tpu.memory_space<vmem>>, %arg10: memref<10240x128xf32, #tpu.memory_space<vmem_shared>>, %arg11: memref<!tpu.dma_semaphore, #tpu.memory_space<semaphore_mem>>, %arg12: memref<!tpu.dma_semaphore, #tpu.memory_space<semaphore_mem>>, %arg13: memref<!tpu.dma_semaphore, #tpu.memory_space<semaphore_mem>>) attributes {dimension_semantics = [#tpu.dimension_semantics<core_parallel>, #tpu.dimension_semantics<subcore_parallel>], iteration_bounds = array<i64: 2, 16>, scalar_prefetch = 0 : i64, scratch_operands = 7 : i64, tpu.core_type = #tpu.core_type<sc_vector_subcore>, window_params = [{transform_indices = #map}, {transform_indices = #map}, {transform_indices = #map1}, {transform_indices = #map1}, {transform_indices = #map2}]} {
    %mul3A = arith.constant 16 : i32
    %mul3A_0 = arith.muli %arg0, %mul3A : i32
    %add3A = arith.addi %mul3A_0, %arg1 : i32
    %eq3A = arith.constant 0 : i32
    %eq3A_1 = arith.cmpi eq, %arg0, %eq3A : i32
    %convert_element_type3A = arith.extui %eq3A_1 : i1 to i32
    %cond3A = arith.constant 0 : i32
    %cond3A_2 = arith.cmpi ne, %convert_element_type3A, %cond3A : i32
    scf.if %cond3A_2 {
      %mul3A_90 = arith.constant 640 : i32
      %mul3A_91 = arith.muli %arg1, %mul3A_90 : i32
      %mul3A_92 = arith.constant 640 : i32
      %mul3A_93 = arith.muli %arg1, %mul3A_92 : i32
      %dma_start3A_94 = arith.constant 0 : i32
      %dma_start3A_95 = tpu.memref_slice %arg10[%mul3A_93, %dma_start3A_94] : memref<10240x128xf32, #tpu.memory_space<vmem_shared>> -> memref<640x128xf32, #tpu.memory_space<vmem_shared>>
      %dma_start3A_96 = arith.constant 0 : i32
      %dma_start3A_97 = tpu.memref_slice %arg2[%mul3A_91, %dma_start3A_96] : memref<10240x128xf32, #tpu.memory_space<hbm>> -> memref<640x128xf32, #tpu.memory_space<hbm>>
      tpu.enqueue_dma source(%dma_start3A_97 : memref<640x128xf32, #tpu.memory_space<hbm>>) target(%dma_start3A_95 : memref<640x128xf32, #tpu.memory_space<vmem_shared>>) target_semaphore(%arg13 : memref<!tpu.dma_semaphore, #tpu.memory_space<semaphore_mem>>)
    } else {
    }
    %eq3A_3 = arith.constant 1 : i32
    %eq3A_4 = arith.cmpi eq, %arg0, %eq3A_3 : i32
    %convert_element_type3A_5 = arith.extui %eq3A_4 : i1 to i32
    %cond3A_6 = arith.constant 0 : i32
    %cond3A_7 = arith.cmpi ne, %convert_element_type3A_5, %cond3A_6 : i32
    scf.if %cond3A_7 {
      %mul3A_90 = arith.constant 640 : i32
      %mul3A_91 = arith.muli %arg1, %mul3A_90 : i32
      %dma_start3A_92 = arith.constant 0 : i32
      %dma_start3A_93 = tpu.memref_slice %arg10[%mul3A_91, %dma_start3A_92] : memref<10240x128xf32, #tpu.memory_space<vmem_shared>> -> memref<640x128xf32, #tpu.memory_space<vmem_shared>>
      tpu.enqueue_dma source(%arg3 : memref<640x128xf32, #tpu.memory_space<hbm>>) target(%dma_start3A_93 : memref<640x128xf32, #tpu.memory_space<vmem_shared>>) target_semaphore(%arg13 : memref<!tpu.dma_semaphore, #tpu.memory_space<semaphore_mem>>)
    } else {
    }
    %run_scoped3A = arith.constant 0 : i32
    "tpu.region"() ({
      %run_scoped3A_90 = tpu.sem_alloc : memref<!tpu.dma_semaphore, #tpu.memory_space<semaphore_mem>>
      %dma_start3A_91 = arith.constant 0 : i32
      %dma_start3A_92 = arith.constant 0 : i32
      %dma_start3A_93 = arith.constant 0 : i32
      %dma_start3A_94 = tpu.memref_slice %arg4[%add3A, %run_scoped3A, %dma_start3A_91, %dma_start3A_92, %dma_start3A_93] : memref<32x2x5x8x128xi32, #tpu.memory_space<hbm>> -> memref<1x1x5x8x128xi32, #tpu.memory_space<hbm>>
      %dma_start3A_95 = tpu.memref_squeeze %dma_start3A_94 : memref<1x1x5x8x128xi32, #tpu.memory_space<hbm>> -> memref<5x8x128xi32, #tpu.memory_space<hbm>>
      %dma_start3A_96 = arith.constant 0 : i32
      %dma_start3A_97 = arith.constant 0 : i32
      %dma_start3A_98 = arith.constant 0 : i32
      %dma_start3A_99 = tpu.memref_slice %arg4[%add3A, %run_scoped3A, %dma_start3A_96, %dma_start3A_97, %dma_start3A_98] : memref<32x2x5x8x128xi32, #tpu.memory_space<hbm>> -> memref<1x1x5x8x128xi32, #tpu.memory_space<hbm>>
      %dma_start3A_100 = tpu.memref_squeeze %dma_start3A_99 : memref<1x1x5x8x128xi32, #tpu.memory_space<hbm>> -> memref<5x8x128xi32, #tpu.memory_space<hbm>>
      tpu.enqueue_dma source(%dma_start3A_100 : memref<5x8x128xi32, #tpu.memory_space<hbm>>) target(%arg7 : memref<5x8x128xi32, #tpu.memory_space<vmem>>) target_semaphore(%run_scoped3A_90 : memref<!tpu.dma_semaphore, #tpu.memory_space<semaphore_mem>>)
      %dma_wait3A_101 = arith.constant 0 : i32
      %dma_wait3A_102 = arith.constant 0 : i32
      %dma_wait3A_103 = arith.constant 0 : i32
      %dma_wait3A_104 = tpu.memref_slice %arg4[%add3A, %run_scoped3A, %dma_wait3A_101, %dma_wait3A_102, %dma_wait3A_103] : memref<32x2x5x8x128xi32, #tpu.memory_space<hbm>> -> memref<1x1x5x8x128xi32, #tpu.memory_space<hbm>>
      %dma_wait3A_105 = tpu.memref_squeeze %dma_wait3A_104 : memref<1x1x5x8x128xi32, #tpu.memory_space<hbm>> -> memref<5x8x128xi32, #tpu.memory_space<hbm>>
      %dma_wait3A_106 = arith.constant 0 : i32
      %dma_wait3A_107 = arith.constant 0 : i32
      %dma_wait3A_108 = arith.constant 0 : i32
      %dma_wait3A_109 = tpu.memref_slice %arg4[%add3A, %run_scoped3A, %dma_wait3A_106, %dma_wait3A_107, %dma_wait3A_108] : memref<32x2x5x8x128xi32, #tpu.memory_space<hbm>> -> memref<1x1x5x8x128xi32, #tpu.memory_space<hbm>>
      %dma_wait3A_110 = tpu.memref_squeeze %dma_wait3A_109 : memref<1x1x5x8x128xi32, #tpu.memory_space<hbm>> -> memref<5x8x128xi32, #tpu.memory_space<hbm>>
      tpu.wait_dma2 semaphore(%run_scoped3A_90 : memref<!tpu.dma_semaphore, #tpu.memory_space<semaphore_mem>>) src(%dma_wait3A_110 : memref<5x8x128xi32, #tpu.memory_space<hbm>>) dst(%arg7 : memref<5x8x128xi32, #tpu.memory_space<vmem>>)
      tpu.yield
    }) : () -> ()
    %run_scoped3A_8 = arith.constant 0 : i32
    "tpu.region"() ({
      %run_scoped3A_90 = tpu.sem_alloc : memref<!tpu.dma_semaphore, #tpu.memory_space<semaphore_mem>>
      %dma_start3A_91 = arith.constant 0 : i32
      %dma_start3A_92 = arith.constant 0 : i32
      %dma_start3A_93 = arith.constant 0 : i32
      %dma_start3A_94 = tpu.memref_slice %arg5[%add3A, %run_scoped3A_8, %dma_start3A_91, %dma_start3A_92, %dma_start3A_93] : memref<32x2x5x8x128xi32, #tpu.memory_space<hbm>> -> memref<1x1x5x8x128xi32, #tpu.memory_space<hbm>>
      %dma_start3A_95 = tpu.memref_squeeze %dma_start3A_94 : memref<1x1x5x8x128xi32, #tpu.memory_space<hbm>> -> memref<5x8x128xi32, #tpu.memory_space<hbm>>
      %dma_start3A_96 = arith.constant 0 : i32
      %dma_start3A_97 = arith.constant 0 : i32
      %dma_start3A_98 = arith.constant 0 : i32
      %dma_start3A_99 = tpu.memref_slice %arg5[%add3A, %run_scoped3A_8, %dma_start3A_96, %dma_start3A_97, %dma_start3A_98] : memref<32x2x5x8x128xi32, #tpu.memory_space<hbm>> -> memref<1x1x5x8x128xi32, #tpu.memory_space<hbm>>
      %dma_start3A_100 = tpu.memref_squeeze %dma_start3A_99 : memref<1x1x5x8x128xi32, #tpu.memory_space<hbm>> -> memref<5x8x128xi32, #tpu.memory_space<hbm>>
      tpu.enqueue_dma source(%dma_start3A_100 : memref<5x8x128xi32, #tpu.memory_space<hbm>>) target(%arg8 : memref<5x8x128xi32, #tpu.memory_space<vmem>>) target_semaphore(%run_scoped3A_90 : memref<!tpu.dma_semaphore, #tpu.memory_space<semaphore_mem>>)
      %dma_wait3A_101 = arith.constant 0 : i32
      %dma_wait3A_102 = arith.constant 0 : i32
      %dma_wait3A_103 = arith.constant 0 : i32
      %dma_wait3A_104 = tpu.memref_slice %arg5[%add3A, %run_scoped3A_8, %dma_wait3A_101, %dma_wait3A_102, %dma_wait3A_103] : memref<32x2x5x8x128xi32, #tpu.memory_space<hbm>> -> memref<1x1x5x8x128xi32, #tpu.memory_space<hbm>>
      %dma_wait3A_105 = tpu.memref_squeeze %dma_wait3A_104 : memref<1x1x5x8x128xi32, #tpu.memory_space<hbm>> -> memref<5x8x128xi32, #tpu.memory_space<hbm>>
      %dma_wait3A_106 = arith.constant 0 : i32
      %dma_wait3A_107 = arith.constant 0 : i32
      %dma_wait3A_108 = arith.constant 0 : i32
      %dma_wait3A_109 = tpu.memref_slice %arg5[%add3A, %run_scoped3A_8, %dma_wait3A_106, %dma_wait3A_107, %dma_wait3A_108] : memref<32x2x5x8x128xi32, #tpu.memory_space<hbm>> -> memref<1x1x5x8x128xi32, #tpu.memory_space<hbm>>
      %dma_wait3A_110 = tpu.memref_squeeze %dma_wait3A_109 : memref<1x1x5x8x128xi32, #tpu.memory_space<hbm>> -> memref<5x8x128xi32, #tpu.memory_space<hbm>>
      tpu.wait_dma2 semaphore(%run_scoped3A_90 : memref<!tpu.dma_semaphore, #tpu.memory_space<semaphore_mem>>) src(%dma_wait3A_110 : memref<5x8x128xi32, #tpu.memory_space<hbm>>) dst(%arg8 : memref<5x8x128xi32, #tpu.memory_space<vmem>>)
      tpu.yield
    }) : () -> ()
    %rem3A = arith.constant 0 : i32
    %rem3A_9 = arith.constant 8 : i32
    %rem3A_10 = arith.remsi %rem3A, %rem3A_9 : i32
    %dma_start3A = arith.constant 0 : i32
    %dma_start3A_11 = arith.constant 0 : i32
    %dma_start3A_12 = arith.constant 0 : i32
    %dma_start3A_13 = arith.constant 0 : i32
    %dma_start3A_14 = tpu.memref_slice %arg9[%dma_start3A_11, %dma_start3A_12, %dma_start3A_13] : memref<2x128x128xf32, #tpu.memory_space<vmem>> -> memref<1x128x128xf32, #tpu.memory_space<vmem>>
    %dma_start3A_15 = tpu.memref_squeeze %dma_start3A_14 : memref<1x128x128xf32, #tpu.memory_space<vmem>> -> memref<128x128xf32, #tpu.memory_space<vmem>>
    %dma_start3A_16 = arith.constant 0 : i32
    %dma_start3A_17 = tpu.memref_slice %arg7[%dma_start3A, %rem3A_10, %dma_start3A_16] : memref<5x8x128xi32, #tpu.memory_space<vmem>> -> memref<1x1x128xi32, #tpu.memory_space<vmem>>
    %dma_start3A_18 = tpu.memref_squeeze %dma_start3A_17 : memref<1x1x128xi32, #tpu.memory_space<vmem>> -> memref<128xi32, #tpu.memory_space<vmem>>
    %dma_start3A_19 = arith.constant 0 : i32
    %dma_start3A_20 = arith.constant 0 : i32
    %dma_start3A_21 = tpu.memref_slice %arg2[%dma_start3A_19, %dma_start3A_20] : memref<10240x128xf32, #tpu.memory_space<hbm>> -> memref<10240x128xf32, #tpu.memory_space<hbm>>
    tpu.enqueue_indirect_dma source(%dma_start3A_21 : memref<10240x128xf32, #tpu.memory_space<hbm>>) target(%dma_start3A_15 : memref<128x128xf32, #tpu.memory_space<vmem>>) offsets(%dma_start3A_18 : memref<128xi32, #tpu.memory_space<vmem>>) semaphore(%arg11 : memref<!tpu.dma_semaphore, #tpu.memory_space<semaphore_mem>>)
    %dma_wait3A = arith.constant 0 : i32
    %dma_wait3A_22 = arith.constant 0 : i32
    %dma_wait3A_23 = tpu.memref_slice %arg10[%dma_wait3A, %dma_wait3A_22] : memref<10240x128xf32, #tpu.memory_space<vmem_shared>> -> memref<640x128xf32, #tpu.memory_space<vmem_shared>>
    %dma_wait3A_24 = arith.constant 0 : i32
    %dma_wait3A_25 = arith.constant 0 : i32
    %dma_wait3A_26 = tpu.memref_slice %arg2[%dma_wait3A_24, %dma_wait3A_25] : memref<10240x128xf32, #tpu.memory_space<hbm>> -> memref<640x128xf32, #tpu.memory_space<hbm>>
    tpu.wait_dma2 semaphore(%arg13 : memref<!tpu.dma_semaphore, #tpu.memory_space<semaphore_mem>>) src(%dma_wait3A_26 : memref<640x128xf32, #tpu.memory_space<hbm>>) dst(%dma_wait3A_23 : memref<640x128xf32, #tpu.memory_space<vmem_shared>>)
    %barrier3A = arith.constant 0 : index
    tpu.barrier barrier_id(%barrier3A)
    %scan3A = arith.constant 0 : i32
    %scan3A_27 = arith.constant 0 : i32
    %scan3A_28 = arith.constant 20 : i32
    %scan3A_29 = arith.addi %scan3A_27, %scan3A_28 : i32
    %scan3A_30 = arith.constant 1 : i32
    scf.for %scan3A_90 = %scan3A_27 to %scan3A_29 step %scan3A_30  : i32 {
      %mul3A_91 = arith.constant 2 : i32
      %mul3A_92 = arith.muli %mul3A_91, %scan3A_90 : i32
      %add3A_93 = arith.constant 1 : i32
      %add3A_94 = arith.addi %mul3A_92, %add3A_93 : i32
      %gt3A = arith.constant 0 : i32
      %gt3A_95 = arith.cmpi sgt, %scan3A_90, %gt3A : i32
      %convert_element_type3A_96 = arith.extui %gt3A_95 : i1 to i32
      %cond3A_97 = arith.constant 0 : i32
      %cond3A_98 = arith.cmpi ne, %convert_element_type3A_96, %cond3A_97 : i32
      scf.if %cond3A_98 {
        %jit3A_320 = arith.constant 8 : i32
        %div3A_321 = arith.divsi %mul3A_92, %jit3A_320 : i32
        %sign3A_322 = arith.constant 0 : i32
        %sign3A_323 = arith.cmpi sgt, %mul3A_92, %sign3A_322 : i32
        %sign3A_324 = arith.extui %sign3A_323 : i1 to i32
        %sign3A_325 = arith.constant 0 : i32
        %sign3A_326 = arith.cmpi slt, %mul3A_92, %sign3A_325 : i32
        %sign3A_327 = arith.extui %sign3A_326 : i1 to i32
        %sign3A_328 = arith.subi %sign3A_324, %sign3A_327 : i32
        %sign3A_329 = arith.constant 0 : i32
        %sign3A_330 = arith.cmpi sgt, %jit3A_320, %sign3A_329 : i32
        %sign3A_331 = arith.extui %sign3A_330 : i1 to i32
        %sign3A_332 = arith.constant 0 : i32
        %sign3A_333 = arith.cmpi slt, %jit3A_320, %sign3A_332 : i32
        %sign3A_334 = arith.extui %sign3A_333 : i1 to i32
        %sign3A_335 = arith.subi %sign3A_331, %sign3A_334 : i32
        %ne3A_336 = arith.cmpi ne, %sign3A_328, %sign3A_335 : i32
        %rem3A_337 = arith.remsi %mul3A_92, %jit3A_320 : i32
        %ne3A_338 = arith.constant 0 : i32
        %ne3A_339 = arith.cmpi ne, %rem3A_337, %ne3A_338 : i32
        %and3A_340 = arith.andi %ne3A_336, %ne3A_339 : i1
        %sub3A_341 = arith.constant 1 : i32
        %sub3A_342 = arith.subi %div3A_321, %sub3A_341 : i32
        %select_n3A_343 = arith.select %and3A_340, %sub3A_342, %div3A_321 : i32
        %rem3A_344 = arith.constant 8 : i32
        %rem3A_345 = arith.remsi %mul3A_92, %rem3A_344 : i32
        %dma_wait3A_346 = arith.constant 1 : i32
        %dma_wait3A_347 = arith.constant 0 : i32
        %dma_wait3A_348 = arith.constant 0 : i32
        %dma_wait3A_349 = tpu.memref_slice %arg9[%dma_wait3A_346, %dma_wait3A_347, %dma_wait3A_348] : memref<2x128x128xf32, #tpu.memory_space<vmem>> -> memref<1x128x128xf32, #tpu.memory_space<vmem>>
        %dma_wait3A_350 = tpu.memref_squeeze %dma_wait3A_349 : memref<1x128x128xf32, #tpu.memory_space<vmem>> -> memref<128x128xf32, #tpu.memory_space<vmem>>
        %dma_wait3A_351 = arith.constant 0 : i32
        %dma_wait3A_352 = tpu.memref_slice %arg8[%select_n3A_343, %rem3A_345, %dma_wait3A_351] : memref<5x8x128xi32, #tpu.memory_space<vmem>> -> memref<1x1x128xi32, #tpu.memory_space<vmem>>
        %dma_wait3A_353 = tpu.memref_squeeze %dma_wait3A_352 : memref<1x1x128xi32, #tpu.memory_space<vmem>> -> memref<128xi32, #tpu.memory_space<vmem>>
        %dma_wait3A_354 = arith.constant 0 : i32
        %dma_wait3A_355 = arith.constant 0 : i32
        %dma_wait3A_356 = tpu.memref_slice %arg10[%dma_wait3A_354, %dma_wait3A_355] : memref<10240x128xf32, #tpu.memory_space<vmem_shared>> -> memref<10240x128xf32, #tpu.memory_space<vmem_shared>>
        tpu.wait_indirect_dma semaphore(%arg12 : memref<!tpu.dma_semaphore, #tpu.memory_space<semaphore_mem>>) src(%dma_wait3A_350 : memref<128x128xf32, #tpu.memory_space<vmem>>) dst(%dma_wait3A_356 : memref<10240x128xf32, #tpu.memory_space<vmem_shared>>)
      } else {
      }
      %jit3A = arith.constant 8 : i32
      %div3A = arith.divsi %add3A_94, %jit3A : i32
      %sign3A = arith.constant 0 : i32
      %sign3A_99 = arith.cmpi sgt, %add3A_94, %sign3A : i32
      %sign3A_100 = arith.extui %sign3A_99 : i1 to i32
      %sign3A_101 = arith.constant 0 : i32
      %sign3A_102 = arith.cmpi slt, %add3A_94, %sign3A_101 : i32
      %sign3A_103 = arith.extui %sign3A_102 : i1 to i32
      %sign3A_104 = arith.subi %sign3A_100, %sign3A_103 : i32
      %sign3A_105 = arith.constant 0 : i32
      %sign3A_106 = arith.cmpi sgt, %jit3A, %sign3A_105 : i32
      %sign3A_107 = arith.extui %sign3A_106 : i1 to i32
      %sign3A_108 = arith.constant 0 : i32
      %sign3A_109 = arith.cmpi slt, %jit3A, %sign3A_108 : i32
      %sign3A_110 = arith.extui %sign3A_109 : i1 to i32
      %sign3A_111 = arith.subi %sign3A_107, %sign3A_110 : i32
      %ne3A = arith.cmpi ne, %sign3A_104, %sign3A_111 : i32
      %rem3A_112 = arith.remsi %add3A_94, %jit3A : i32
      %ne3A_113 = arith.constant 0 : i32
      %ne3A_114 = arith.cmpi ne, %rem3A_112, %ne3A_113 : i32
      %and3A = arith.andi %ne3A, %ne3A_114 : i1
      %sub3A = arith.constant 1 : i32
      %sub3A_115 = arith.subi %div3A, %sub3A : i32
      %select_n3A = arith.select %and3A, %sub3A_115, %div3A : i32
      %rem3A_116 = arith.constant 8 : i32
      %rem3A_117 = arith.remsi %add3A_94, %rem3A_116 : i32
      %dma_start3A_118 = arith.constant 1 : i32
      %dma_start3A_119 = arith.constant 0 : i32
      %dma_start3A_120 = arith.constant 0 : i32
      %dma_start3A_121 = tpu.memref_slice %arg9[%dma_start3A_118, %dma_start3A_119, %dma_start3A_120] : memref<2x128x128xf32, #tpu.memory_space<vmem>> -> memref<1x128x128xf32, #tpu.memory_space<vmem>>
      %dma_start3A_122 = tpu.memref_squeeze %dma_start3A_121 : memref<1x128x128xf32, #tpu.memory_space<vmem>> -> memref<128x128xf32, #tpu.memory_space<vmem>>
      %dma_start3A_123 = arith.constant 0 : i32
      %dma_start3A_124 = tpu.memref_slice %arg7[%select_n3A, %rem3A_117, %dma_start3A_123] : memref<5x8x128xi32, #tpu.memory_space<vmem>> -> memref<1x1x128xi32, #tpu.memory_space<vmem>>
      %dma_start3A_125 = tpu.memref_squeeze %dma_start3A_124 : memref<1x1x128xi32, #tpu.memory_space<vmem>> -> memref<128xi32, #tpu.memory_space<vmem>>
      %dma_start3A_126 = arith.constant 0 : i32
      %dma_start3A_127 = arith.constant 0 : i32
      %dma_start3A_128 = tpu.memref_slice %arg2[%dma_start3A_126, %dma_start3A_127] : memref<10240x128xf32, #tpu.memory_space<hbm>> -> memref<10240x128xf32, #tpu.memory_space<hbm>>
      tpu.enqueue_indirect_dma source(%dma_start3A_128 : memref<10240x128xf32, #tpu.memory_space<hbm>>) target(%dma_start3A_122 : memref<128x128xf32, #tpu.memory_space<vmem>>) offsets(%dma_start3A_125 : memref<128xi32, #tpu.memory_space<vmem>>) semaphore(%arg11 : memref<!tpu.dma_semaphore, #tpu.memory_space<semaphore_mem>>)
      %jit3A_129 = arith.constant 8 : i32
      %div3A_130 = arith.divsi %mul3A_92, %jit3A_129 : i32
      %sign3A_131 = arith.constant 0 : i32
      %sign3A_132 = arith.cmpi sgt, %mul3A_92, %sign3A_131 : i32
      %sign3A_133 = arith.extui %sign3A_132 : i1 to i32
      %sign3A_134 = arith.constant 0 : i32
      %sign3A_135 = arith.cmpi slt, %mul3A_92, %sign3A_134 : i32
      %sign3A_136 = arith.extui %sign3A_135 : i1 to i32
      %sign3A_137 = arith.subi %sign3A_133, %sign3A_136 : i32
      %sign3A_138 = arith.constant 0 : i32
      %sign3A_139 = arith.cmpi sgt, %jit3A_129, %sign3A_138 : i32
      %sign3A_140 = arith.extui %sign3A_139 : i1 to i32
      %sign3A_141 = arith.constant 0 : i32
      %sign3A_142 = arith.cmpi slt, %jit3A_129, %sign3A_141 : i32
      %sign3A_143 = arith.extui %sign3A_142 : i1 to i32
      %sign3A_144 = arith.subi %sign3A_140, %sign3A_143 : i32
      %ne3A_145 = arith.cmpi ne, %sign3A_137, %sign3A_144 : i32
      %rem3A_146 = arith.remsi %mul3A_92, %jit3A_129 : i32
      %ne3A_147 = arith.constant 0 : i32
      %ne3A_148 = arith.cmpi ne, %rem3A_146, %ne3A_147 : i32
      %and3A_149 = arith.andi %ne3A_145, %ne3A_148 : i1
      %sub3A_150 = arith.constant 1 : i32
      %sub3A_151 = arith.subi %div3A_130, %sub3A_150 : i32
      %select_n3A_152 = arith.select %and3A_149, %sub3A_151, %div3A_130 : i32
      %rem3A_153 = arith.constant 8 : i32
      %rem3A_154 = arith.remsi %mul3A_92, %rem3A_153 : i32
      %dma_wait3A_155 = arith.constant 0 : i32
      %dma_wait3A_156 = arith.constant 0 : i32
      %dma_wait3A_157 = arith.constant 0 : i32
      %dma_wait3A_158 = tpu.memref_slice %arg9[%dma_wait3A_155, %dma_wait3A_156, %dma_wait3A_157] : memref<2x128x128xf32, #tpu.memory_space<vmem>> -> memref<1x128x128xf32, #tpu.memory_space<vmem>>
      %dma_wait3A_159 = tpu.memref_squeeze %dma_wait3A_158 : memref<1x128x128xf32, #tpu.memory_space<vmem>> -> memref<128x128xf32, #tpu.memory_space<vmem>>
      %dma_wait3A_160 = arith.constant 0 : i32
      %dma_wait3A_161 = tpu.memref_slice %arg7[%select_n3A_152, %rem3A_154, %dma_wait3A_160] : memref<5x8x128xi32, #tpu.memory_space<vmem>> -> memref<1x1x128xi32, #tpu.memory_space<vmem>>
      %dma_wait3A_162 = tpu.memref_squeeze %dma_wait3A_161 : memref<1x1x128xi32, #tpu.memory_space<vmem>> -> memref<128xi32, #tpu.memory_space<vmem>>
      %dma_wait3A_163 = arith.constant 0 : i32
      %dma_wait3A_164 = arith.constant 0 : i32
      %dma_wait3A_165 = tpu.memref_slice %arg2[%dma_wait3A_163, %dma_wait3A_164] : memref<10240x128xf32, #tpu.memory_space<hbm>> -> memref<10240x128xf32, #tpu.memory_space<hbm>>
      tpu.wait_indirect_dma semaphore(%arg11 : memref<!tpu.dma_semaphore, #tpu.memory_space<semaphore_mem>>) src(%dma_wait3A_165 : memref<10240x128xf32, #tpu.memory_space<hbm>>) dst(%dma_wait3A_159 : memref<128x128xf32, #tpu.memory_space<vmem>>)
      %jit3A_166 = arith.constant 8 : i32
      %div3A_167 = arith.divsi %mul3A_92, %jit3A_166 : i32
      %sign3A_168 = arith.constant 0 : i32
      %sign3A_169 = arith.cmpi sgt, %mul3A_92, %sign3A_168 : i32
      %sign3A_170 = arith.extui %sign3A_169 : i1 to i32
      %sign3A_171 = arith.constant 0 : i32
      %sign3A_172 = arith.cmpi slt, %mul3A_92, %sign3A_171 : i32
      %sign3A_173 = arith.extui %sign3A_172 : i1 to i32
      %sign3A_174 = arith.subi %sign3A_170, %sign3A_173 : i32
      %sign3A_175 = arith.constant 0 : i32
      %sign3A_176 = arith.cmpi sgt, %jit3A_166, %sign3A_175 : i32
      %sign3A_177 = arith.extui %sign3A_176 : i1 to i32
      %sign3A_178 = arith.constant 0 : i32
      %sign3A_179 = arith.cmpi slt, %jit3A_166, %sign3A_178 : i32
      %sign3A_180 = arith.extui %sign3A_179 : i1 to i32
      %sign3A_181 = arith.subi %sign3A_177, %sign3A_180 : i32
      %ne3A_182 = arith.cmpi ne, %sign3A_174, %sign3A_181 : i32
      %rem3A_183 = arith.remsi %mul3A_92, %jit3A_166 : i32
      %ne3A_184 = arith.constant 0 : i32
      %ne3A_185 = arith.cmpi ne, %rem3A_183, %ne3A_184 : i32
      %and3A_186 = arith.andi %ne3A_182, %ne3A_185 : i1
      %sub3A_187 = arith.constant 1 : i32
      %sub3A_188 = arith.subi %div3A_167, %sub3A_187 : i32
      %select_n3A_189 = arith.select %and3A_186, %sub3A_188, %div3A_167 : i32
      %rem3A_190 = arith.constant 8 : i32
      %rem3A_191 = arith.remsi %mul3A_92, %rem3A_190 : i32
      %dma_start3A_192 = arith.constant 0 : i32
      %dma_start3A_193 = arith.constant 0 : i32
      %dma_start3A_194 = arith.constant 0 : i32
      %dma_start3A_195 = tpu.memref_slice %arg9[%dma_start3A_192, %dma_start3A_193, %dma_start3A_194] : memref<2x128x128xf32, #tpu.memory_space<vmem>> -> memref<1x128x128xf32, #tpu.memory_space<vmem>>
      %dma_start3A_196 = tpu.memref_squeeze %dma_start3A_195 : memref<1x128x128xf32, #tpu.memory_space<vmem>> -> memref<128x128xf32, #tpu.memory_space<vmem>>
      %dma_start3A_197 = arith.constant 0 : i32
      %dma_start3A_198 = tpu.memref_slice %arg8[%select_n3A_189, %rem3A_191, %dma_start3A_197] : memref<5x8x128xi32, #tpu.memory_space<vmem>> -> memref<1x1x128xi32, #tpu.memory_space<vmem>>
      %dma_start3A_199 = tpu.memref_squeeze %dma_start3A_198 : memref<1x1x128xi32, #tpu.memory_space<vmem>> -> memref<128xi32, #tpu.memory_space<vmem>>
      %dma_start3A_200 = arith.constant 0 : i32
      %dma_start3A_201 = arith.constant 0 : i32
      %dma_start3A_202 = tpu.memref_slice %arg10[%dma_start3A_200, %dma_start3A_201] : memref<10240x128xf32, #tpu.memory_space<vmem_shared>> -> memref<10240x128xf32, #tpu.memory_space<vmem_shared>>
      tpu.enqueue_indirect_dma source(%dma_start3A_196 : memref<128x128xf32, #tpu.memory_space<vmem>>) target(%dma_start3A_202 : memref<10240x128xf32, #tpu.memory_space<vmem_shared>>) offsets(%dma_start3A_199 : memref<128xi32, #tpu.memory_space<vmem>>) semaphore(%arg12 : memref<!tpu.dma_semaphore, #tpu.memory_space<semaphore_mem>>)
      %jit3A_203 = arith.constant 8 : i32
      %div3A_204 = arith.divsi %add3A_94, %jit3A_203 : i32
      %sign3A_205 = arith.constant 0 : i32
      %sign3A_206 = arith.cmpi sgt, %add3A_94, %sign3A_205 : i32
      %sign3A_207 = arith.extui %sign3A_206 : i1 to i32
      %sign3A_208 = arith.constant 0 : i32
      %sign3A_209 = arith.cmpi slt, %add3A_94, %sign3A_208 : i32
      %sign3A_210 = arith.extui %sign3A_209 : i1 to i32
      %sign3A_211 = arith.subi %sign3A_207, %sign3A_210 : i32
      %sign3A_212 = arith.constant 0 : i32
      %sign3A_213 = arith.cmpi sgt, %jit3A_203, %sign3A_212 : i32
      %sign3A_214 = arith.extui %sign3A_213 : i1 to i32
      %sign3A_215 = arith.constant 0 : i32
      %sign3A_216 = arith.cmpi slt, %jit3A_203, %sign3A_215 : i32
      %sign3A_217 = arith.extui %sign3A_216 : i1 to i32
      %sign3A_218 = arith.subi %sign3A_214, %sign3A_217 : i32
      %ne3A_219 = arith.cmpi ne, %sign3A_211, %sign3A_218 : i32
      %rem3A_220 = arith.remsi %add3A_94, %jit3A_203 : i32
      %ne3A_221 = arith.constant 0 : i32
      %ne3A_222 = arith.cmpi ne, %rem3A_220, %ne3A_221 : i32
      %and3A_223 = arith.andi %ne3A_219, %ne3A_222 : i1
      %sub3A_224 = arith.constant 1 : i32
      %sub3A_225 = arith.subi %div3A_204, %sub3A_224 : i32
      %select_n3A_226 = arith.select %and3A_223, %sub3A_225, %div3A_204 : i32
      %rem3A_227 = arith.constant 8 : i32
      %rem3A_228 = arith.remsi %add3A_94, %rem3A_227 : i32
      %dma_wait3A_229 = arith.constant 1 : i32
      %dma_wait3A_230 = arith.constant 0 : i32
      %dma_wait3A_231 = arith.constant 0 : i32
      %dma_wait3A_232 = tpu.memref_slice %arg9[%dma_wait3A_229, %dma_wait3A_230, %dma_wait3A_231] : memref<2x128x128xf32, #tpu.memory_space<vmem>> -> memref<1x128x128xf32, #tpu.memory_space<vmem>>
      %dma_wait3A_233 = tpu.memref_squeeze %dma_wait3A_232 : memref<1x128x128xf32, #tpu.memory_space<vmem>> -> memref<128x128xf32, #tpu.memory_space<vmem>>
      %dma_wait3A_234 = arith.constant 0 : i32
      %dma_wait3A_235 = tpu.memref_slice %arg7[%select_n3A_226, %rem3A_228, %dma_wait3A_234] : memref<5x8x128xi32, #tpu.memory_space<vmem>> -> memref<1x1x128xi32, #tpu.memory_space<vmem>>
      %dma_wait3A_236 = tpu.memref_squeeze %dma_wait3A_235 : memref<1x1x128xi32, #tpu.memory_space<vmem>> -> memref<128xi32, #tpu.memory_space<vmem>>
      %dma_wait3A_237 = arith.constant 0 : i32
      %dma_wait3A_238 = arith.constant 0 : i32
      %dma_wait3A_239 = tpu.memref_slice %arg2[%dma_wait3A_237, %dma_wait3A_238] : memref<10240x128xf32, #tpu.memory_space<hbm>> -> memref<10240x128xf32, #tpu.memory_space<hbm>>
      tpu.wait_indirect_dma semaphore(%arg11 : memref<!tpu.dma_semaphore, #tpu.memory_space<semaphore_mem>>) src(%dma_wait3A_239 : memref<10240x128xf32, #tpu.memory_space<hbm>>) dst(%dma_wait3A_233 : memref<128x128xf32, #tpu.memory_space<vmem>>)
      %jit3A_240 = arith.constant 8 : i32
      %div3A_241 = arith.divsi %mul3A_92, %jit3A_240 : i32
      %sign3A_242 = arith.constant 0 : i32
      %sign3A_243 = arith.cmpi sgt, %mul3A_92, %sign3A_242 : i32
      %sign3A_244 = arith.extui %sign3A_243 : i1 to i32
      %sign3A_245 = arith.constant 0 : i32
      %sign3A_246 = arith.cmpi slt, %mul3A_92, %sign3A_245 : i32
      %sign3A_247 = arith.extui %sign3A_246 : i1 to i32
      %sign3A_248 = arith.subi %sign3A_244, %sign3A_247 : i32
      %sign3A_249 = arith.constant 0 : i32
      %sign3A_250 = arith.cmpi sgt, %jit3A_240, %sign3A_249 : i32
      %sign3A_251 = arith.extui %sign3A_250 : i1 to i32
      %sign3A_252 = arith.constant 0 : i32
      %sign3A_253 = arith.cmpi slt, %jit3A_240, %sign3A_252 : i32
      %sign3A_254 = arith.extui %sign3A_253 : i1 to i32
      %sign3A_255 = arith.subi %sign3A_251, %sign3A_254 : i32
      %ne3A_256 = arith.cmpi ne, %sign3A_248, %sign3A_255 : i32
      %rem3A_257 = arith.remsi %mul3A_92, %jit3A_240 : i32
      %ne3A_258 = arith.constant 0 : i32
      %ne3A_259 = arith.cmpi ne, %rem3A_257, %ne3A_258 : i32
      %and3A_260 = arith.andi %ne3A_256, %ne3A_259 : i1
      %sub3A_261 = arith.constant 1 : i32
      %sub3A_262 = arith.subi %div3A_241, %sub3A_261 : i32
      %select_n3A_263 = arith.select %and3A_260, %sub3A_262, %div3A_241 : i32
      %rem3A_264 = arith.constant 8 : i32
      %rem3A_265 = arith.remsi %mul3A_92, %rem3A_264 : i32
      %dma_wait3A_266 = arith.constant 0 : i32
      %dma_wait3A_267 = arith.constant 0 : i32
      %dma_wait3A_268 = arith.constant 0 : i32
      %dma_wait3A_269 = tpu.memref_slice %arg9[%dma_wait3A_266, %dma_wait3A_267, %dma_wait3A_268] : memref<2x128x128xf32, #tpu.memory_space<vmem>> -> memref<1x128x128xf32, #tpu.memory_space<vmem>>
      %dma_wait3A_270 = tpu.memref_squeeze %dma_wait3A_269 : memref<1x128x128xf32, #tpu.memory_space<vmem>> -> memref<128x128xf32, #tpu.memory_space<vmem>>
      %dma_wait3A_271 = arith.constant 0 : i32
      %dma_wait3A_272 = tpu.memref_slice %arg8[%select_n3A_263, %rem3A_265, %dma_wait3A_271] : memref<5x8x128xi32, #tpu.memory_space<vmem>> -> memref<1x1x128xi32, #tpu.memory_space<vmem>>
      %dma_wait3A_273 = tpu.memref_squeeze %dma_wait3A_272 : memref<1x1x128xi32, #tpu.memory_space<vmem>> -> memref<128xi32, #tpu.memory_space<vmem>>
      %dma_wait3A_274 = arith.constant 0 : i32
      %dma_wait3A_275 = arith.constant 0 : i32
      %dma_wait3A_276 = tpu.memref_slice %arg10[%dma_wait3A_274, %dma_wait3A_275] : memref<10240x128xf32, #tpu.memory_space<vmem_shared>> -> memref<10240x128xf32, #tpu.memory_space<vmem_shared>>
      tpu.wait_indirect_dma semaphore(%arg12 : memref<!tpu.dma_semaphore, #tpu.memory_space<semaphore_mem>>) src(%dma_wait3A_270 : memref<128x128xf32, #tpu.memory_space<vmem>>) dst(%dma_wait3A_276 : memref<10240x128xf32, #tpu.memory_space<vmem_shared>>)
      %add3A_277 = arith.constant 2 : i32
      %add3A_278 = arith.addi %mul3A_92, %add3A_277 : i32
      %lt3A = arith.constant 40 : i32
      %lt3A_279 = arith.cmpi slt, %add3A_278, %lt3A : i32
      %convert_element_type3A_280 = arith.extui %lt3A_279 : i1 to i32
      %cond3A_281 = arith.constant 0 : i32
      %cond3A_282 = arith.cmpi ne, %convert_element_type3A_280, %cond3A_281 : i32
      scf.if %cond3A_282 {
        %add3A_320 = arith.constant 2 : i32
        %add3A_321 = arith.addi %mul3A_92, %add3A_320 : i32
        %jit3A_322 = arith.constant 8 : i32
        %div3A_323 = arith.divsi %add3A_321, %jit3A_322 : i32
        %sign3A_324 = arith.constant 0 : i32
        %sign3A_325 = arith.cmpi sgt, %add3A_321, %sign3A_324 : i32
        %sign3A_326 = arith.extui %sign3A_325 : i1 to i32
        %sign3A_327 = arith.constant 0 : i32
        %sign3A_328 = arith.cmpi slt, %add3A_321, %sign3A_327 : i32
        %sign3A_329 = arith.extui %sign3A_328 : i1 to i32
        %sign3A_330 = arith.subi %sign3A_326, %sign3A_329 : i32
        %sign3A_331 = arith.constant 0 : i32
        %sign3A_332 = arith.cmpi sgt, %jit3A_322, %sign3A_331 : i32
        %sign3A_333 = arith.extui %sign3A_332 : i1 to i32
        %sign3A_334 = arith.constant 0 : i32
        %sign3A_335 = arith.cmpi slt, %jit3A_322, %sign3A_334 : i32
        %sign3A_336 = arith.extui %sign3A_335 : i1 to i32
        %sign3A_337 = arith.subi %sign3A_333, %sign3A_336 : i32
        %ne3A_338 = arith.cmpi ne, %sign3A_330, %sign3A_337 : i32
        %rem3A_339 = arith.remsi %add3A_321, %jit3A_322 : i32
        %ne3A_340 = arith.constant 0 : i32
        %ne3A_341 = arith.cmpi ne, %rem3A_339, %ne3A_340 : i32
        %and3A_342 = arith.andi %ne3A_338, %ne3A_341 : i1
        %sub3A_343 = arith.constant 1 : i32
        %sub3A_344 = arith.subi %div3A_323, %sub3A_343 : i32
        %select_n3A_345 = arith.select %and3A_342, %sub3A_344, %div3A_323 : i32
        %rem3A_346 = arith.constant 8 : i32
        %rem3A_347 = arith.remsi %add3A_321, %rem3A_346 : i32
        %dma_start3A_348 = arith.constant 0 : i32
        %dma_start3A_349 = arith.constant 0 : i32
        %dma_start3A_350 = arith.constant 0 : i32
        %dma_start3A_351 = tpu.memref_slice %arg9[%dma_start3A_348, %dma_start3A_349, %dma_start3A_350] : memref<2x128x128xf32, #tpu.memory_space<vmem>> -> memref<1x128x128xf32, #tpu.memory_space<vmem>>
        %dma_start3A_352 = tpu.memref_squeeze %dma_start3A_351 : memref<1x128x128xf32, #tpu.memory_space<vmem>> -> memref<128x128xf32, #tpu.memory_space<vmem>>
        %dma_start3A_353 = arith.constant 0 : i32
        %dma_start3A_354 = tpu.memref_slice %arg7[%select_n3A_345, %rem3A_347, %dma_start3A_353] : memref<5x8x128xi32, #tpu.memory_space<vmem>> -> memref<1x1x128xi32, #tpu.memory_space<vmem>>
        %dma_start3A_355 = tpu.memref_squeeze %dma_start3A_354 : memref<1x1x128xi32, #tpu.memory_space<vmem>> -> memref<128xi32, #tpu.memory_space<vmem>>
        %dma_start3A_356 = arith.constant 0 : i32
        %dma_start3A_357 = arith.constant 0 : i32
        %dma_start3A_358 = tpu.memref_slice %arg2[%dma_start3A_356, %dma_start3A_357] : memref<10240x128xf32, #tpu.memory_space<hbm>> -> memref<10240x128xf32, #tpu.memory_space<hbm>>
        tpu.enqueue_indirect_dma source(%dma_start3A_358 : memref<10240x128xf32, #tpu.memory_space<hbm>>) target(%dma_start3A_352 : memref<128x128xf32, #tpu.memory_space<vmem>>) offsets(%dma_start3A_355 : memref<128xi32, #tpu.memory_space<vmem>>) semaphore(%arg11 : memref<!tpu.dma_semaphore, #tpu.memory_space<semaphore_mem>>)
      } else {
      }
      %jit3A_283 = arith.constant 8 : i32
      %div3A_284 = arith.divsi %add3A_94, %jit3A_283 : i32
      %sign3A_285 = arith.constant 0 : i32
      %sign3A_286 = arith.cmpi sgt, %add3A_94, %sign3A_285 : i32
      %sign3A_287 = arith.extui %sign3A_286 : i1 to i32
      %sign3A_288 = arith.constant 0 : i32
      %sign3A_289 = arith.cmpi slt, %add3A_94, %sign3A_288 : i32
      %sign3A_290 = arith.extui %sign3A_289 : i1 to i32
      %sign3A_291 = arith.subi %sign3A_287, %sign3A_290 : i32
      %sign3A_292 = arith.constant 0 : i32
      %sign3A_293 = arith.cmpi sgt, %jit3A_283, %sign3A_292 : i32
      %sign3A_294 = arith.extui %sign3A_293 : i1 to i32
      %sign3A_295 = arith.constant 0 : i32
      %sign3A_296 = arith.cmpi slt, %jit3A_283, %sign3A_295 : i32
      %sign3A_297 = arith.extui %sign3A_296 : i1 to i32
      %sign3A_298 = arith.subi %sign3A_294, %sign3A_297 : i32
      %ne3A_299 = arith.cmpi ne, %sign3A_291, %sign3A_298 : i32
      %rem3A_300 = arith.remsi %add3A_94, %jit3A_283 : i32
      %ne3A_301 = arith.constant 0 : i32
      %ne3A_302 = arith.cmpi ne, %rem3A_300, %ne3A_301 : i32
      %and3A_303 = arith.andi %ne3A_299, %ne3A_302 : i1
      %sub3A_304 = arith.constant 1 : i32
      %sub3A_305 = arith.subi %div3A_284, %sub3A_304 : i32
      %select_n3A_306 = arith.select %and3A_303, %sub3A_305, %div3A_284 : i32
      %rem3A_307 = arith.constant 8 : i32
      %rem3A_308 = arith.remsi %add3A_94, %rem3A_307 : i32
      %dma_start3A_309 = arith.constant 1 : i32
      %dma_start3A_310 = arith.constant 0 : i32
      %dma_start3A_311 = arith.constant 0 : i32
      %dma_start3A_312 = tpu.memref_slice %arg9[%dma_start3A_309, %dma_start3A_310, %dma_start3A_311] : memref<2x128x128xf32, #tpu.memory_space<vmem>> -> memref<1x128x128xf32, #tpu.memory_space<vmem>>
      %dma_start3A_313 = tpu.memref_squeeze %dma_start3A_312 : memref<1x128x128xf32, #tpu.memory_space<vmem>> -> memref<128x128xf32, #tpu.memory_space<vmem>>
      %dma_start3A_314 = arith.constant 0 : i32
      %dma_start3A_315 = tpu.memref_slice %arg8[%select_n3A_306, %rem3A_308, %dma_start3A_314] : memref<5x8x128xi32, #tpu.memory_space<vmem>> -> memref<1x1x128xi32, #tpu.memory_space<vmem>>
      %dma_start3A_316 = tpu.memref_squeeze %dma_start3A_315 : memref<1x1x128xi32, #tpu.memory_space<vmem>> -> memref<128xi32, #tpu.memory_space<vmem>>
      %dma_start3A_317 = arith.constant 0 : i32
      %dma_start3A_318 = arith.constant 0 : i32
      %dma_start3A_319 = tpu.memref_slice %arg10[%dma_start3A_317, %dma_start3A_318] : memref<10240x128xf32, #tpu.memory_space<vmem_shared>> -> memref<10240x128xf32, #tpu.memory_space<vmem_shared>>
      tpu.enqueue_indirect_dma source(%dma_start3A_313 : memref<128x128xf32, #tpu.memory_space<vmem>>) target(%dma_start3A_319 : memref<10240x128xf32, #tpu.memory_space<vmem_shared>>) offsets(%dma_start3A_316 : memref<128xi32, #tpu.memory_space<vmem>>) semaphore(%arg12 : memref<!tpu.dma_semaphore, #tpu.memory_space<semaphore_mem>>)
    }
    %scan3A_31 = arith.constant 20 : i32
    %rem3A_32 = arith.constant 0 : i32
    %rem3A_33 = arith.constant 8 : i32
    %rem3A_34 = arith.remsi %rem3A_32, %rem3A_33 : i32
    %dma_wait3A_35 = arith.constant 1 : i32
    %dma_wait3A_36 = arith.constant 0 : i32
    %dma_wait3A_37 = arith.constant 0 : i32
    %dma_wait3A_38 = arith.constant 0 : i32
    %dma_wait3A_39 = tpu.memref_slice %arg9[%dma_wait3A_35, %dma_wait3A_37, %dma_wait3A_38] : memref<2x128x128xf32, #tpu.memory_space<vmem>> -> memref<1x128x128xf32, #tpu.memory_space<vmem>>
    %dma_wait3A_40 = tpu.memref_squeeze %dma_wait3A_39 : memref<1x128x128xf32, #tpu.memory_space<vmem>> -> memref<128x128xf32, #tpu.memory_space<vmem>>
    %dma_wait3A_41 = arith.constant 0 : i32
    %dma_wait3A_42 = tpu.memref_slice %arg8[%dma_wait3A_36, %rem3A_34, %dma_wait3A_41] : memref<5x8x128xi32, #tpu.memory_space<vmem>> -> memref<1x1x128xi32, #tpu.memory_space<vmem>>
    %dma_wait3A_43 = tpu.memref_squeeze %dma_wait3A_42 : memref<1x1x128xi32, #tpu.memory_space<vmem>> -> memref<128xi32, #tpu.memory_space<vmem>>
    %dma_wait3A_44 = arith.constant 0 : i32
    %dma_wait3A_45 = arith.constant 0 : i32
    %dma_wait3A_46 = tpu.memref_slice %arg10[%dma_wait3A_44, %dma_wait3A_45] : memref<10240x128xf32, #tpu.memory_space<vmem_shared>> -> memref<10240x128xf32, #tpu.memory_space<vmem_shared>>
    tpu.wait_indirect_dma semaphore(%arg12 : memref<!tpu.dma_semaphore, #tpu.memory_space<semaphore_mem>>) src(%dma_wait3A_40 : memref<128x128xf32, #tpu.memory_space<vmem>>) dst(%dma_wait3A_46 : memref<10240x128xf32, #tpu.memory_space<vmem_shared>>)
    %run_scoped3A_47 = arith.constant 1 : i32
    "tpu.region"() ({
      %run_scoped3A_90 = tpu.sem_alloc : memref<!tpu.dma_semaphore, #tpu.memory_space<semaphore_mem>>
      %dma_start3A_91 = arith.constant 0 : i32
      %dma_start3A_92 = arith.constant 0 : i32
      %dma_start3A_93 = arith.constant 0 : i32
      %dma_start3A_94 = tpu.memref_slice %arg4[%add3A, %run_scoped3A_47, %dma_start3A_91, %dma_start3A_92, %dma_start3A_93] : memref<32x2x5x8x128xi32, #tpu.memory_space<hbm>> -> memref<1x1x5x8x128xi32, #tpu.memory_space<hbm>>
      %dma_start3A_95 = tpu.memref_squeeze %dma_start3A_94 : memref<1x1x5x8x128xi32, #tpu.memory_space<hbm>> -> memref<5x8x128xi32, #tpu.memory_space<hbm>>
      %dma_start3A_96 = arith.constant 0 : i32
      %dma_start3A_97 = arith.constant 0 : i32
      %dma_start3A_98 = arith.constant 0 : i32
      %dma_start3A_99 = tpu.memref_slice %arg4[%add3A, %run_scoped3A_47, %dma_start3A_96, %dma_start3A_97, %dma_start3A_98] : memref<32x2x5x8x128xi32, #tpu.memory_space<hbm>> -> memref<1x1x5x8x128xi32, #tpu.memory_space<hbm>>
      %dma_start3A_100 = tpu.memref_squeeze %dma_start3A_99 : memref<1x1x5x8x128xi32, #tpu.memory_space<hbm>> -> memref<5x8x128xi32, #tpu.memory_space<hbm>>
      tpu.enqueue_dma source(%dma_start3A_100 : memref<5x8x128xi32, #tpu.memory_space<hbm>>) target(%arg7 : memref<5x8x128xi32, #tpu.memory_space<vmem>>) target_semaphore(%run_scoped3A_90 : memref<!tpu.dma_semaphore, #tpu.memory_space<semaphore_mem>>)
      %dma_wait3A_101 = arith.constant 0 : i32
      %dma_wait3A_102 = arith.constant 0 : i32
      %dma_wait3A_103 = arith.constant 0 : i32
      %dma_wait3A_104 = tpu.memref_slice %arg4[%add3A, %run_scoped3A_47, %dma_wait3A_101, %dma_wait3A_102, %dma_wait3A_103] : memref<32x2x5x8x128xi32, #tpu.memory_space<hbm>> -> memref<1x1x5x8x128xi32, #tpu.memory_space<hbm>>
      %dma_wait3A_105 = tpu.memref_squeeze %dma_wait3A_104 : memref<1x1x5x8x128xi32, #tpu.memory_space<hbm>> -> memref<5x8x128xi32, #tpu.memory_space<hbm>>
      %dma_wait3A_106 = arith.constant 0 : i32
      %dma_wait3A_107 = arith.constant 0 : i32
      %dma_wait3A_108 = arith.constant 0 : i32
      %dma_wait3A_109 = tpu.memref_slice %arg4[%add3A, %run_scoped3A_47, %dma_wait3A_106, %dma_wait3A_107, %dma_wait3A_108] : memref<32x2x5x8x128xi32, #tpu.memory_space<hbm>> -> memref<1x1x5x8x128xi32, #tpu.memory_space<hbm>>
      %dma_wait3A_110 = tpu.memref_squeeze %dma_wait3A_109 : memref<1x1x5x8x128xi32, #tpu.memory_space<hbm>> -> memref<5x8x128xi32, #tpu.memory_space<hbm>>
      tpu.wait_dma2 semaphore(%run_scoped3A_90 : memref<!tpu.dma_semaphore, #tpu.memory_space<semaphore_mem>>) src(%dma_wait3A_110 : memref<5x8x128xi32, #tpu.memory_space<hbm>>) dst(%arg7 : memref<5x8x128xi32, #tpu.memory_space<vmem>>)
      tpu.yield
    }) : () -> ()
    %run_scoped3A_48 = arith.constant 1 : i32
    "tpu.region"() ({
      %run_scoped3A_90 = tpu.sem_alloc : memref<!tpu.dma_semaphore, #tpu.memory_space<semaphore_mem>>
      %dma_start3A_91 = arith.constant 0 : i32
      %dma_start3A_92 = arith.constant 0 : i32
      %dma_start3A_93 = arith.constant 0 : i32
      %dma_start3A_94 = tpu.memref_slice %arg5[%add3A, %run_scoped3A_48, %dma_start3A_91, %dma_start3A_92, %dma_start3A_93] : memref<32x2x5x8x128xi32, #tpu.memory_space<hbm>> -> memref<1x1x5x8x128xi32, #tpu.memory_space<hbm>>
      %dma_start3A_95 = tpu.memref_squeeze %dma_start3A_94 : memref<1x1x5x8x128xi32, #tpu.memory_space<hbm>> -> memref<5x8x128xi32, #tpu.memory_space<hbm>>
      %dma_start3A_96 = arith.constant 0 : i32
      %dma_start3A_97 = arith.constant 0 : i32
      %dma_start3A_98 = arith.constant 0 : i32
      %dma_start3A_99 = tpu.memref_slice %arg5[%add3A, %run_scoped3A_48, %dma_start3A_96, %dma_start3A_97, %dma_start3A_98] : memref<32x2x5x8x128xi32, #tpu.memory_space<hbm>> -> memref<1x1x5x8x128xi32, #tpu.memory_space<hbm>>
      %dma_start3A_100 = tpu.memref_squeeze %dma_start3A_99 : memref<1x1x5x8x128xi32, #tpu.memory_space<hbm>> -> memref<5x8x128xi32, #tpu.memory_space<hbm>>
      tpu.enqueue_dma source(%dma_start3A_100 : memref<5x8x128xi32, #tpu.memory_space<hbm>>) target(%arg8 : memref<5x8x128xi32, #tpu.memory_space<vmem>>) target_semaphore(%run_scoped3A_90 : memref<!tpu.dma_semaphore, #tpu.memory_space<semaphore_mem>>)
      %dma_wait3A_101 = arith.constant 0 : i32
      %dma_wait3A_102 = arith.constant 0 : i32
      %dma_wait3A_103 = arith.constant 0 : i32
      %dma_wait3A_104 = tpu.memref_slice %arg5[%add3A, %run_scoped3A_48, %dma_wait3A_101, %dma_wait3A_102, %dma_wait3A_103] : memref<32x2x5x8x128xi32, #tpu.memory_space<hbm>> -> memref<1x1x5x8x128xi32, #tpu.memory_space<hbm>>
      %dma_wait3A_105 = tpu.memref_squeeze %dma_wait3A_104 : memref<1x1x5x8x128xi32, #tpu.memory_space<hbm>> -> memref<5x8x128xi32, #tpu.memory_space<hbm>>
      %dma_wait3A_106 = arith.constant 0 : i32
      %dma_wait3A_107 = arith.constant 0 : i32
      %dma_wait3A_108 = arith.constant 0 : i32
      %dma_wait3A_109 = tpu.memref_slice %arg5[%add3A, %run_scoped3A_48, %dma_wait3A_106, %dma_wait3A_107, %dma_wait3A_108] : memref<32x2x5x8x128xi32, #tpu.memory_space<hbm>> -> memref<1x1x5x8x128xi32, #tpu.memory_space<hbm>>
      %dma_wait3A_110 = tpu.memref_squeeze %dma_wait3A_109 : memref<1x1x5x8x128xi32, #tpu.memory_space<hbm>> -> memref<5x8x128xi32, #tpu.memory_space<hbm>>
      tpu.wait_dma2 semaphore(%run_scoped3A_90 : memref<!tpu.dma_semaphore, #tpu.memory_space<semaphore_mem>>) src(%dma_wait3A_110 : memref<5x8x128xi32, #tpu.memory_space<hbm>>) dst(%arg8 : memref<5x8x128xi32, #tpu.memory_space<vmem>>)
      tpu.yield
    }) : () -> ()
    %rem3A_49 = arith.constant 0 : i32
    %rem3A_50 = arith.constant 8 : i32
    %rem3A_51 = arith.remsi %rem3A_49, %rem3A_50 : i32
    %dma_start3A_52 = arith.constant 0 : i32
    %dma_start3A_53 = arith.constant 0 : i32
    %dma_start3A_54 = arith.constant 0 : i32
    %dma_start3A_55 = arith.constant 0 : i32
    %dma_start3A_56 = tpu.memref_slice %arg9[%dma_start3A_53, %dma_start3A_54, %dma_start3A_55] : memref<2x128x128xf32, #tpu.memory_space<vmem>> -> memref<1x128x128xf32, #tpu.memory_space<vmem>>
    %dma_start3A_57 = tpu.memref_squeeze %dma_start3A_56 : memref<1x128x128xf32, #tpu.memory_space<vmem>> -> memref<128x128xf32, #tpu.memory_space<vmem>>
    %dma_start3A_58 = arith.constant 0 : i32
    %dma_start3A_59 = tpu.memref_slice %arg7[%dma_start3A_52, %rem3A_51, %dma_start3A_58] : memref<5x8x128xi32, #tpu.memory_space<vmem>> -> memref<1x1x128xi32, #tpu.memory_space<vmem>>
    %dma_start3A_60 = tpu.memref_squeeze %dma_start3A_59 : memref<1x1x128xi32, #tpu.memory_space<vmem>> -> memref<128xi32, #tpu.memory_space<vmem>>
    %dma_start3A_61 = arith.constant 0 : i32
    %dma_start3A_62 = arith.constant 0 : i32
    %dma_start3A_63 = tpu.memref_slice %arg2[%dma_start3A_61, %dma_start3A_62] : memref<10240x128xf32, #tpu.memory_space<hbm>> -> memref<10240x128xf32, #tpu.memory_space<hbm>>
    tpu.enqueue_indirect_dma source(%dma_start3A_63 : memref<10240x128xf32, #tpu.memory_space<hbm>>) target(%dma_start3A_57 : memref<128x128xf32, #tpu.memory_space<vmem>>) offsets(%dma_start3A_60 : memref<128xi32, #tpu.memory_space<vmem>>) semaphore(%arg11 : memref<!tpu.dma_semaphore, #tpu.memory_space<semaphore_mem>>)
    %scan3A_64 = arith.constant 0 : i32
    %scan3A_65 = arith.constant 0 : i32
    %scan3A_66 = arith.constant 20 : i32
    %scan3A_67 = arith.addi %scan3A_65, %scan3A_66 : i32
    %scan3A_68 = arith.constant 1 : i32
    scf.for %scan3A_90 = %scan3A_65 to %scan3A_67 step %scan3A_68  : i32 {
      %mul3A_91 = arith.constant 2 : i32
      %mul3A_92 = arith.muli %mul3A_91, %scan3A_90 : i32
      %add3A_93 = arith.constant 1 : i32
      %add3A_94 = arith.addi %mul3A_92, %add3A_93 : i32
      %gt3A = arith.constant 0 : i32
      %gt3A_95 = arith.cmpi sgt, %scan3A_90, %gt3A : i32
      %convert_element_type3A_96 = arith.extui %gt3A_95 : i1 to i32
      %cond3A_97 = arith.constant 0 : i32
      %cond3A_98 = arith.cmpi ne, %convert_element_type3A_96, %cond3A_97 : i32
      scf.if %cond3A_98 {
        %jit3A_320 = arith.constant 8 : i32
        %div3A_321 = arith.divsi %mul3A_92, %jit3A_320 : i32
        %sign3A_322 = arith.constant 0 : i32
        %sign3A_323 = arith.cmpi sgt, %mul3A_92, %sign3A_322 : i32
        %sign3A_324 = arith.extui %sign3A_323 : i1 to i32
        %sign3A_325 = arith.constant 0 : i32
        %sign3A_326 = arith.cmpi slt, %mul3A_92, %sign3A_325 : i32
        %sign3A_327 = arith.extui %sign3A_326 : i1 to i32
        %sign3A_328 = arith.subi %sign3A_324, %sign3A_327 : i32
        %sign3A_329 = arith.constant 0 : i32
        %sign3A_330 = arith.cmpi sgt, %jit3A_320, %sign3A_329 : i32
        %sign3A_331 = arith.extui %sign3A_330 : i1 to i32
        %sign3A_332 = arith.constant 0 : i32
        %sign3A_333 = arith.cmpi slt, %jit3A_320, %sign3A_332 : i32
        %sign3A_334 = arith.extui %sign3A_333 : i1 to i32
        %sign3A_335 = arith.subi %sign3A_331, %sign3A_334 : i32
        %ne3A_336 = arith.cmpi ne, %sign3A_328, %sign3A_335 : i32
        %rem3A_337 = arith.remsi %mul3A_92, %jit3A_320 : i32
        %ne3A_338 = arith.constant 0 : i32
        %ne3A_339 = arith.cmpi ne, %rem3A_337, %ne3A_338 : i32
        %and3A_340 = arith.andi %ne3A_336, %ne3A_339 : i1
        %sub3A_341 = arith.constant 1 : i32
        %sub3A_342 = arith.subi %div3A_321, %sub3A_341 : i32
        %select_n3A_343 = arith.select %and3A_340, %sub3A_342, %div3A_321 : i32
        %rem3A_344 = arith.constant 8 : i32
        %rem3A_345 = arith.remsi %mul3A_92, %rem3A_344 : i32
        %dma_wait3A_346 = arith.constant 1 : i32
        %dma_wait3A_347 = arith.constant 0 : i32
        %dma_wait3A_348 = arith.constant 0 : i32
        %dma_wait3A_349 = tpu.memref_slice %arg9[%dma_wait3A_346, %dma_wait3A_347, %dma_wait3A_348] : memref<2x128x128xf32, #tpu.memory_space<vmem>> -> memref<1x128x128xf32, #tpu.memory_space<vmem>>
        %dma_wait3A_350 = tpu.memref_squeeze %dma_wait3A_349 : memref<1x128x128xf32, #tpu.memory_space<vmem>> -> memref<128x128xf32, #tpu.memory_space<vmem>>
        %dma_wait3A_351 = arith.constant 0 : i32
        %dma_wait3A_352 = tpu.memref_slice %arg8[%select_n3A_343, %rem3A_345, %dma_wait3A_351] : memref<5x8x128xi32, #tpu.memory_space<vmem>> -> memref<1x1x128xi32, #tpu.memory_space<vmem>>
        %dma_wait3A_353 = tpu.memref_squeeze %dma_wait3A_352 : memref<1x1x128xi32, #tpu.memory_space<vmem>> -> memref<128xi32, #tpu.memory_space<vmem>>
        %dma_wait3A_354 = arith.constant 0 : i32
        %dma_wait3A_355 = arith.constant 0 : i32
        %dma_wait3A_356 = tpu.memref_slice %arg10[%dma_wait3A_354, %dma_wait3A_355] : memref<10240x128xf32, #tpu.memory_space<vmem_shared>> -> memref<10240x128xf32, #tpu.memory_space<vmem_shared>>
        tpu.wait_indirect_dma semaphore(%arg12 : memref<!tpu.dma_semaphore, #tpu.memory_space<semaphore_mem>>) src(%dma_wait3A_350 : memref<128x128xf32, #tpu.memory_space<vmem>>) dst(%dma_wait3A_356 : memref<10240x128xf32, #tpu.memory_space<vmem_shared>>)
      } else {
      }
      %jit3A = arith.constant 8 : i32
      %div3A = arith.divsi %add3A_94, %jit3A : i32
      %sign3A = arith.constant 0 : i32
      %sign3A_99 = arith.cmpi sgt, %add3A_94, %sign3A : i32
      %sign3A_100 = arith.extui %sign3A_99 : i1 to i32
      %sign3A_101 = arith.constant 0 : i32
      %sign3A_102 = arith.cmpi slt, %add3A_94, %sign3A_101 : i32
      %sign3A_103 = arith.extui %sign3A_102 : i1 to i32
      %sign3A_104 = arith.subi %sign3A_100, %sign3A_103 : i32
      %sign3A_105 = arith.constant 0 : i32
      %sign3A_106 = arith.cmpi sgt, %jit3A, %sign3A_105 : i32
      %sign3A_107 = arith.extui %sign3A_106 : i1 to i32
      %sign3A_108 = arith.constant 0 : i32
      %sign3A_109 = arith.cmpi slt, %jit3A, %sign3A_108 : i32
      %sign3A_110 = arith.extui %sign3A_109 : i1 to i32
      %sign3A_111 = arith.subi %sign3A_107, %sign3A_110 : i32
      %ne3A = arith.cmpi ne, %sign3A_104, %sign3A_111 : i32
      %rem3A_112 = arith.remsi %add3A_94, %jit3A : i32
      %ne3A_113 = arith.constant 0 : i32
      %ne3A_114 = arith.cmpi ne, %rem3A_112, %ne3A_113 : i32
      %and3A = arith.andi %ne3A, %ne3A_114 : i1
      %sub3A = arith.constant 1 : i32
      %sub3A_115 = arith.subi %div3A, %sub3A : i32
      %select_n3A = arith.select %and3A, %sub3A_115, %div3A : i32
      %rem3A_116 = arith.constant 8 : i32
      %rem3A_117 = arith.remsi %add3A_94, %rem3A_116 : i32
      %dma_start3A_118 = arith.constant 1 : i32
      %dma_start3A_119 = arith.constant 0 : i32
      %dma_start3A_120 = arith.constant 0 : i32
      %dma_start3A_121 = tpu.memref_slice %arg9[%dma_start3A_118, %dma_start3A_119, %dma_start3A_120] : memref<2x128x128xf32, #tpu.memory_space<vmem>> -> memref<1x128x128xf32, #tpu.memory_space<vmem>>
      %dma_start3A_122 = tpu.memref_squeeze %dma_start3A_121 : memref<1x128x128xf32, #tpu.memory_space<vmem>> -> memref<128x128xf32, #tpu.memory_space<vmem>>
      %dma_start3A_123 = arith.constant 0 : i32
      %dma_start3A_124 = tpu.memref_slice %arg7[%select_n3A, %rem3A_117, %dma_start3A_123] : memref<5x8x128xi32, #tpu.memory_space<vmem>> -> memref<1x1x128xi32, #tpu.memory_space<vmem>>
      %dma_start3A_125 = tpu.memref_squeeze %dma_start3A_124 : memref<1x1x128xi32, #tpu.memory_space<vmem>> -> memref<128xi32, #tpu.memory_space<vmem>>
      %dma_start3A_126 = arith.constant 0 : i32
      %dma_start3A_127 = arith.constant 0 : i32
      %dma_start3A_128 = tpu.memref_slice %arg2[%dma_start3A_126, %dma_start3A_127] : memref<10240x128xf32, #tpu.memory_space<hbm>> -> memref<10240x128xf32, #tpu.memory_space<hbm>>
      tpu.enqueue_indirect_dma source(%dma_start3A_128 : memref<10240x128xf32, #tpu.memory_space<hbm>>) target(%dma_start3A_122 : memref<128x128xf32, #tpu.memory_space<vmem>>) offsets(%dma_start3A_125 : memref<128xi32, #tpu.memory_space<vmem>>) semaphore(%arg11 : memref<!tpu.dma_semaphore, #tpu.memory_space<semaphore_mem>>)
      %jit3A_129 = arith.constant 8 : i32
      %div3A_130 = arith.divsi %mul3A_92, %jit3A_129 : i32
      %sign3A_131 = arith.constant 0 : i32
      %sign3A_132 = arith.cmpi sgt, %mul3A_92, %sign3A_131 : i32
      %sign3A_133 = arith.extui %sign3A_132 : i1 to i32
      %sign3A_134 = arith.constant 0 : i32
      %sign3A_135 = arith.cmpi slt, %mul3A_92, %sign3A_134 : i32
      %sign3A_136 = arith.extui %sign3A_135 : i1 to i32
      %sign3A_137 = arith.subi %sign3A_133, %sign3A_136 : i32
      %sign3A_138 = arith.constant 0 : i32
      %sign3A_139 = arith.cmpi sgt, %jit3A_129, %sign3A_138 : i32
      %sign3A_140 = arith.extui %sign3A_139 : i1 to i32
      %sign3A_141 = arith.constant 0 : i32
      %sign3A_142 = arith.cmpi slt, %jit3A_129, %sign3A_141 : i32
      %sign3A_143 = arith.extui %sign3A_142 : i1 to i32
      %sign3A_144 = arith.subi %sign3A_140, %sign3A_143 : i32
      %ne3A_145 = arith.cmpi ne, %sign3A_137, %sign3A_144 : i32
      %rem3A_146 = arith.remsi %mul3A_92, %jit3A_129 : i32
      %ne3A_147 = arith.constant 0 : i32
      %ne3A_148 = arith.cmpi ne, %rem3A_146, %ne3A_147 : i32
      %and3A_149 = arith.andi %ne3A_145, %ne3A_148 : i1
      %sub3A_150 = arith.constant 1 : i32
      %sub3A_151 = arith.subi %div3A_130, %sub3A_150 : i32
      %select_n3A_152 = arith.select %and3A_149, %sub3A_151, %div3A_130 : i32
      %rem3A_153 = arith.constant 8 : i32
      %rem3A_154 = arith.remsi %mul3A_92, %rem3A_153 : i32
      %dma_wait3A_155 = arith.constant 0 : i32
      %dma_wait3A_156 = arith.constant 0 : i32
      %dma_wait3A_157 = arith.constant 0 : i32
      %dma_wait3A_158 = tpu.memref_slice %arg9[%dma_wait3A_155, %dma_wait3A_156, %dma_wait3A_157] : memref<2x128x128xf32, #tpu.memory_space<vmem>> -> memref<1x128x128xf32, #tpu.memory_space<vmem>>
      %dma_wait3A_159 = tpu.memref_squeeze %dma_wait3A_158 : memref<1x128x128xf32, #tpu.memory_space<vmem>> -> memref<128x128xf32, #tpu.memory_space<vmem>>
      %dma_wait3A_160 = arith.constant 0 : i32
      %dma_wait3A_161 = tpu.memref_slice %arg7[%select_n3A_152, %rem3A_154, %dma_wait3A_160] : memref<5x8x128xi32, #tpu.memory_space<vmem>> -> memref<1x1x128xi32, #tpu.memory_space<vmem>>
      %dma_wait3A_162 = tpu.memref_squeeze %dma_wait3A_161 : memref<1x1x128xi32, #tpu.memory_space<vmem>> -> memref<128xi32, #tpu.memory_space<vmem>>
      %dma_wait3A_163 = arith.constant 0 : i32
      %dma_wait3A_164 = arith.constant 0 : i32
      %dma_wait3A_165 = tpu.memref_slice %arg2[%dma_wait3A_163, %dma_wait3A_164] : memref<10240x128xf32, #tpu.memory_space<hbm>> -> memref<10240x128xf32, #tpu.memory_space<hbm>>
      tpu.wait_indirect_dma semaphore(%arg11 : memref<!tpu.dma_semaphore, #tpu.memory_space<semaphore_mem>>) src(%dma_wait3A_165 : memref<10240x128xf32, #tpu.memory_space<hbm>>) dst(%dma_wait3A_159 : memref<128x128xf32, #tpu.memory_space<vmem>>)
      %jit3A_166 = arith.constant 8 : i32
      %div3A_167 = arith.divsi %mul3A_92, %jit3A_166 : i32
      %sign3A_168 = arith.constant 0 : i32
      %sign3A_169 = arith.cmpi sgt, %mul3A_92, %sign3A_168 : i32
      %sign3A_170 = arith.extui %sign3A_169 : i1 to i32
      %sign3A_171 = arith.constant 0 : i32
      %sign3A_172 = arith.cmpi slt, %mul3A_92, %sign3A_171 : i32
      %sign3A_173 = arith.extui %sign3A_172 : i1 to i32
      %sign3A_174 = arith.subi %sign3A_170, %sign3A_173 : i32
      %sign3A_175 = arith.constant 0 : i32
      %sign3A_176 = arith.cmpi sgt, %jit3A_166, %sign3A_175 : i32
      %sign3A_177 = arith.extui %sign3A_176 : i1 to i32
      %sign3A_178 = arith.constant 0 : i32
      %sign3A_179 = arith.cmpi slt, %jit3A_166, %sign3A_178 : i32
      %sign3A_180 = arith.extui %sign3A_179 : i1 to i32
      %sign3A_181 = arith.subi %sign3A_177, %sign3A_180 : i32
      %ne3A_182 = arith.cmpi ne, %sign3A_174, %sign3A_181 : i32
      %rem3A_183 = arith.remsi %mul3A_92, %jit3A_166 : i32
      %ne3A_184 = arith.constant 0 : i32
      %ne3A_185 = arith.cmpi ne, %rem3A_183, %ne3A_184 : i32
      %and3A_186 = arith.andi %ne3A_182, %ne3A_185 : i1
      %sub3A_187 = arith.constant 1 : i32
      %sub3A_188 = arith.subi %div3A_167, %sub3A_187 : i32
      %select_n3A_189 = arith.select %and3A_186, %sub3A_188, %div3A_167 : i32
      %rem3A_190 = arith.constant 8 : i32
      %rem3A_191 = arith.remsi %mul3A_92, %rem3A_190 : i32
      %dma_start3A_192 = arith.constant 0 : i32
      %dma_start3A_193 = arith.constant 0 : i32
      %dma_start3A_194 = arith.constant 0 : i32
      %dma_start3A_195 = tpu.memref_slice %arg9[%dma_start3A_192, %dma_start3A_193, %dma_start3A_194] : memref<2x128x128xf32, #tpu.memory_space<vmem>> -> memref<1x128x128xf32, #tpu.memory_space<vmem>>
      %dma_start3A_196 = tpu.memref_squeeze %dma_start3A_195 : memref<1x128x128xf32, #tpu.memory_space<vmem>> -> memref<128x128xf32, #tpu.memory_space<vmem>>
      %dma_start3A_197 = arith.constant 0 : i32
      %dma_start3A_198 = tpu.memref_slice %arg8[%select_n3A_189, %rem3A_191, %dma_start3A_197] : memref<5x8x128xi32, #tpu.memory_space<vmem>> -> memref<1x1x128xi32, #tpu.memory_space<vmem>>
      %dma_start3A_199 = tpu.memref_squeeze %dma_start3A_198 : memref<1x1x128xi32, #tpu.memory_space<vmem>> -> memref<128xi32, #tpu.memory_space<vmem>>
      %dma_start3A_200 = arith.constant 0 : i32
      %dma_start3A_201 = arith.constant 0 : i32
      %dma_start3A_202 = tpu.memref_slice %arg10[%dma_start3A_200, %dma_start3A_201] : memref<10240x128xf32, #tpu.memory_space<vmem_shared>> -> memref<10240x128xf32, #tpu.memory_space<vmem_shared>>
      tpu.enqueue_indirect_dma source(%dma_start3A_196 : memref<128x128xf32, #tpu.memory_space<vmem>>) target(%dma_start3A_202 : memref<10240x128xf32, #tpu.memory_space<vmem_shared>>) offsets(%dma_start3A_199 : memref<128xi32, #tpu.memory_space<vmem>>) semaphore(%arg12 : memref<!tpu.dma_semaphore, #tpu.memory_space<semaphore_mem>>)
      %jit3A_203 = arith.constant 8 : i32
      %div3A_204 = arith.divsi %add3A_94, %jit3A_203 : i32
      %sign3A_205 = arith.constant 0 : i32
      %sign3A_206 = arith.cmpi sgt, %add3A_94, %sign3A_205 : i32
      %sign3A_207 = arith.extui %sign3A_206 : i1 to i32
      %sign3A_208 = arith.constant 0 : i32
      %sign3A_209 = arith.cmpi slt, %add3A_94, %sign3A_208 : i32
      %sign3A_210 = arith.extui %sign3A_209 : i1 to i32
      %sign3A_211 = arith.subi %sign3A_207, %sign3A_210 : i32
      %sign3A_212 = arith.constant 0 : i32
      %sign3A_213 = arith.cmpi sgt, %jit3A_203, %sign3A_212 : i32
      %sign3A_214 = arith.extui %sign3A_213 : i1 to i32
      %sign3A_215 = arith.constant 0 : i32
      %sign3A_216 = arith.cmpi slt, %jit3A_203, %sign3A_215 : i32
      %sign3A_217 = arith.extui %sign3A_216 : i1 to i32
      %sign3A_218 = arith.subi %sign3A_214, %sign3A_217 : i32
      %ne3A_219 = arith.cmpi ne, %sign3A_211, %sign3A_218 : i32
      %rem3A_220 = arith.remsi %add3A_94, %jit3A_203 : i32
      %ne3A_221 = arith.constant 0 : i32
      %ne3A_222 = arith.cmpi ne, %rem3A_220, %ne3A_221 : i32
      %and3A_223 = arith.andi %ne3A_219, %ne3A_222 : i1
      %sub3A_224 = arith.constant 1 : i32
      %sub3A_225 = arith.subi %div3A_204, %sub3A_224 : i32
      %select_n3A_226 = arith.select %and3A_223, %sub3A_225, %div3A_204 : i32
      %rem3A_227 = arith.constant 8 : i32
      %rem3A_228 = arith.remsi %add3A_94, %rem3A_227 : i32
      %dma_wait3A_229 = arith.constant 1 : i32
      %dma_wait3A_230 = arith.constant 0 : i32
      %dma_wait3A_231 = arith.constant 0 : i32
      %dma_wait3A_232 = tpu.memref_slice %arg9[%dma_wait3A_229, %dma_wait3A_230, %dma_wait3A_231] : memref<2x128x128xf32, #tpu.memory_space<vmem>> -> memref<1x128x128xf32, #tpu.memory_space<vmem>>
      %dma_wait3A_233 = tpu.memref_squeeze %dma_wait3A_232 : memref<1x128x128xf32, #tpu.memory_space<vmem>> -> memref<128x128xf32, #tpu.memory_space<vmem>>
      %dma_wait3A_234 = arith.constant 0 : i32
      %dma_wait3A_235 = tpu.memref_slice %arg7[%select_n3A_226, %rem3A_228, %dma_wait3A_234] : memref<5x8x128xi32, #tpu.memory_space<vmem>> -> memref<1x1x128xi32, #tpu.memory_space<vmem>>
      %dma_wait3A_236 = tpu.memref_squeeze %dma_wait3A_235 : memref<1x1x128xi32, #tpu.memory_space<vmem>> -> memref<128xi32, #tpu.memory_space<vmem>>
      %dma_wait3A_237 = arith.constant 0 : i32
      %dma_wait3A_238 = arith.constant 0 : i32
      %dma_wait3A_239 = tpu.memref_slice %arg2[%dma_wait3A_237, %dma_wait3A_238] : memref<10240x128xf32, #tpu.memory_space<hbm>> -> memref<10240x128xf32, #tpu.memory_space<hbm>>
      tpu.wait_indirect_dma semaphore(%arg11 : memref<!tpu.dma_semaphore, #tpu.memory_space<semaphore_mem>>) src(%dma_wait3A_239 : memref<10240x128xf32, #tpu.memory_space<hbm>>) dst(%dma_wait3A_233 : memref<128x128xf32, #tpu.memory_space<vmem>>)
      %jit3A_240 = arith.constant 8 : i32
      %div3A_241 = arith.divsi %mul3A_92, %jit3A_240 : i32
      %sign3A_242 = arith.constant 0 : i32
      %sign3A_243 = arith.cmpi sgt, %mul3A_92, %sign3A_242 : i32
      %sign3A_244 = arith.extui %sign3A_243 : i1 to i32
      %sign3A_245 = arith.constant 0 : i32
      %sign3A_246 = arith.cmpi slt, %mul3A_92, %sign3A_245 : i32
      %sign3A_247 = arith.extui %sign3A_246 : i1 to i32
      %sign3A_248 = arith.subi %sign3A_244, %sign3A_247 : i32
      %sign3A_249 = arith.constant 0 : i32
      %sign3A_250 = arith.cmpi sgt, %jit3A_240, %sign3A_249 : i32
      %sign3A_251 = arith.extui %sign3A_250 : i1 to i32
      %sign3A_252 = arith.constant 0 : i32
      %sign3A_253 = arith.cmpi slt, %jit3A_240, %sign3A_252 : i32
      %sign3A_254 = arith.extui %sign3A_253 : i1 to i32
      %sign3A_255 = arith.subi %sign3A_251, %sign3A_254 : i32
      %ne3A_256 = arith.cmpi ne, %sign3A_248, %sign3A_255 : i32
      %rem3A_257 = arith.remsi %mul3A_92, %jit3A_240 : i32
      %ne3A_258 = arith.constant 0 : i32
      %ne3A_259 = arith.cmpi ne, %rem3A_257, %ne3A_258 : i32
      %and3A_260 = arith.andi %ne3A_256, %ne3A_259 : i1
      %sub3A_261 = arith.constant 1 : i32
      %sub3A_262 = arith.subi %div3A_241, %sub3A_261 : i32
      %select_n3A_263 = arith.select %and3A_260, %sub3A_262, %div3A_241 : i32
      %rem3A_264 = arith.constant 8 : i32
      %rem3A_265 = arith.remsi %mul3A_92, %rem3A_264 : i32
      %dma_wait3A_266 = arith.constant 0 : i32
      %dma_wait3A_267 = arith.constant 0 : i32
      %dma_wait3A_268 = arith.constant 0 : i32
      %dma_wait3A_269 = tpu.memref_slice %arg9[%dma_wait3A_266, %dma_wait3A_267, %dma_wait3A_268] : memref<2x128x128xf32, #tpu.memory_space<vmem>> -> memref<1x128x128xf32, #tpu.memory_space<vmem>>
      %dma_wait3A_270 = tpu.memref_squeeze %dma_wait3A_269 : memref<1x128x128xf32, #tpu.memory_space<vmem>> -> memref<128x128xf32, #tpu.memory_space<vmem>>
      %dma_wait3A_271 = arith.constant 0 : i32
      %dma_wait3A_272 = tpu.memref_slice %arg8[%select_n3A_263, %rem3A_265, %dma_wait3A_271] : memref<5x8x128xi32, #tpu.memory_space<vmem>> -> memref<1x1x128xi32, #tpu.memory_space<vmem>>
      %dma_wait3A_273 = tpu.memref_squeeze %dma_wait3A_272 : memref<1x1x128xi32, #tpu.memory_space<vmem>> -> memref<128xi32, #tpu.memory_space<vmem>>
      %dma_wait3A_274 = arith.constant 0 : i32
      %dma_wait3A_275 = arith.constant 0 : i32
      %dma_wait3A_276 = tpu.memref_slice %arg10[%dma_wait3A_274, %dma_wait3A_275] : memref<10240x128xf32, #tpu.memory_space<vmem_shared>> -> memref<10240x128xf32, #tpu.memory_space<vmem_shared>>
      tpu.wait_indirect_dma semaphore(%arg12 : memref<!tpu.dma_semaphore, #tpu.memory_space<semaphore_mem>>) src(%dma_wait3A_270 : memref<128x128xf32, #tpu.memory_space<vmem>>) dst(%dma_wait3A_276 : memref<10240x128xf32, #tpu.memory_space<vmem_shared>>)
      %add3A_277 = arith.constant 2 : i32
      %add3A_278 = arith.addi %mul3A_92, %add3A_277 : i32
      %lt3A = arith.constant 40 : i32
      %lt3A_279 = arith.cmpi slt, %add3A_278, %lt3A : i32
      %convert_element_type3A_280 = arith.extui %lt3A_279 : i1 to i32
      %cond3A_281 = arith.constant 0 : i32
      %cond3A_282 = arith.cmpi ne, %convert_element_type3A_280, %cond3A_281 : i32
      scf.if %cond3A_282 {
        %add3A_320 = arith.constant 2 : i32
        %add3A_321 = arith.addi %mul3A_92, %add3A_320 : i32
        %jit3A_322 = arith.constant 8 : i32
        %div3A_323 = arith.divsi %add3A_321, %jit3A_322 : i32
        %sign3A_324 = arith.constant 0 : i32
        %sign3A_325 = arith.cmpi sgt, %add3A_321, %sign3A_324 : i32
        %sign3A_326 = arith.extui %sign3A_325 : i1 to i32
        %sign3A_327 = arith.constant 0 : i32
        %sign3A_328 = arith.cmpi slt, %add3A_321, %sign3A_327 : i32
        %sign3A_329 = arith.extui %sign3A_328 : i1 to i32
        %sign3A_330 = arith.subi %sign3A_326, %sign3A_329 : i32
        %sign3A_331 = arith.constant 0 : i32
        %sign3A_332 = arith.cmpi sgt, %jit3A_322, %sign3A_331 : i32
        %sign3A_333 = arith.extui %sign3A_332 : i1 to i32
        %sign3A_334 = arith.constant 0 : i32
        %sign3A_335 = arith.cmpi slt, %jit3A_322, %sign3A_334 : i32
        %sign3A_336 = arith.extui %sign3A_335 : i1 to i32
        %sign3A_337 = arith.subi %sign3A_333, %sign3A_336 : i32
        %ne3A_338 = arith.cmpi ne, %sign3A_330, %sign3A_337 : i32
        %rem3A_339 = arith.remsi %add3A_321, %jit3A_322 : i32
        %ne3A_340 = arith.constant 0 : i32
        %ne3A_341 = arith.cmpi ne, %rem3A_339, %ne3A_340 : i32
        %and3A_342 = arith.andi %ne3A_338, %ne3A_341 : i1
        %sub3A_343 = arith.constant 1 : i32
        %sub3A_344 = arith.subi %div3A_323, %sub3A_343 : i32
        %select_n3A_345 = arith.select %and3A_342, %sub3A_344, %div3A_323 : i32
        %rem3A_346 = arith.constant 8 : i32
        %rem3A_347 = arith.remsi %add3A_321, %rem3A_346 : i32
        %dma_start3A_348 = arith.constant 0 : i32
        %dma_start3A_349 = arith.constant 0 : i32
        %dma_start3A_350 = arith.constant 0 : i32
        %dma_start3A_351 = tpu.memref_slice %arg9[%dma_start3A_348, %dma_start3A_349, %dma_start3A_350] : memref<2x128x128xf32, #tpu.memory_space<vmem>> -> memref<1x128x128xf32, #tpu.memory_space<vmem>>
        %dma_start3A_352 = tpu.memref_squeeze %dma_start3A_351 : memref<1x128x128xf32, #tpu.memory_space<vmem>> -> memref<128x128xf32, #tpu.memory_space<vmem>>
        %dma_start3A_353 = arith.constant 0 : i32
        %dma_start3A_354 = tpu.memref_slice %arg7[%select_n3A_345, %rem3A_347, %dma_start3A_353] : memref<5x8x128xi32, #tpu.memory_space<vmem>> -> memref<1x1x128xi32, #tpu.memory_space<vmem>>
        %dma_start3A_355 = tpu.memref_squeeze %dma_start3A_354 : memref<1x1x128xi32, #tpu.memory_space<vmem>> -> memref<128xi32, #tpu.memory_space<vmem>>
        %dma_start3A_356 = arith.constant 0 : i32
        %dma_start3A_357 = arith.constant 0 : i32
        %dma_start3A_358 = tpu.memref_slice %arg2[%dma_start3A_356, %dma_start3A_357] : memref<10240x128xf32, #tpu.memory_space<hbm>> -> memref<10240x128xf32, #tpu.memory_space<hbm>>
        tpu.enqueue_indirect_dma source(%dma_start3A_358 : memref<10240x128xf32, #tpu.memory_space<hbm>>) target(%dma_start3A_352 : memref<128x128xf32, #tpu.memory_space<vmem>>) offsets(%dma_start3A_355 : memref<128xi32, #tpu.memory_space<vmem>>) semaphore(%arg11 : memref<!tpu.dma_semaphore, #tpu.memory_space<semaphore_mem>>)
      } else {
      }
      %jit3A_283 = arith.constant 8 : i32
      %div3A_284 = arith.divsi %add3A_94, %jit3A_283 : i32
      %sign3A_285 = arith.constant 0 : i32
      %sign3A_286 = arith.cmpi sgt, %add3A_94, %sign3A_285 : i32
      %sign3A_287 = arith.extui %sign3A_286 : i1 to i32
      %sign3A_288 = arith.constant 0 : i32
      %sign3A_289 = arith.cmpi slt, %add3A_94, %sign3A_288 : i32
      %sign3A_290 = arith.extui %sign3A_289 : i1 to i32
      %sign3A_291 = arith.subi %sign3A_287, %sign3A_290 : i32
      %sign3A_292 = arith.constant 0 : i32
      %sign3A_293 = arith.cmpi sgt, %jit3A_283, %sign3A_292 : i32
      %sign3A_294 = arith.extui %sign3A_293 : i1 to i32
      %sign3A_295 = arith.constant 0 : i32
      %sign3A_296 = arith.cmpi slt, %jit3A_283, %sign3A_295 : i32
      %sign3A_297 = arith.extui %sign3A_296 : i1 to i32
      %sign3A_298 = arith.subi %sign3A_294, %sign3A_297 : i32
      %ne3A_299 = arith.cmpi ne, %sign3A_291, %sign3A_298 : i32
      %rem3A_300 = arith.remsi %add3A_94, %jit3A_283 : i32
      %ne3A_301 = arith.constant 0 : i32
      %ne3A_302 = arith.cmpi ne, %rem3A_300, %ne3A_301 : i32
      %and3A_303 = arith.andi %ne3A_299, %ne3A_302 : i1
      %sub3A_304 = arith.constant 1 : i32
      %sub3A_305 = arith.subi %div3A_284, %sub3A_304 : i32
      %select_n3A_306 = arith.select %and3A_303, %sub3A_305, %div3A_284 : i32
      %rem3A_307 = arith.constant 8 : i32
      %rem3A_308 = arith.remsi %add3A_94, %rem3A_307 : i32
      %dma_start3A_309 = arith.constant 1 : i32
      %dma_start3A_310 = arith.constant 0 : i32
      %dma_start3A_311 = arith.constant 0 : i32
      %dma_start3A_312 = tpu.memref_slice %arg9[%dma_start3A_309, %dma_start3A_310, %dma_start3A_311] : memref<2x128x128xf32, #tpu.memory_space<vmem>> -> memref<1x128x128xf32, #tpu.memory_space<vmem>>
      %dma_start3A_313 = tpu.memref_squeeze %dma_start3A_312 : memref<1x128x128xf32, #tpu.memory_space<vmem>> -> memref<128x128xf32, #tpu.memory_space<vmem>>
      %dma_start3A_314 = arith.constant 0 : i32
      %dma_start3A_315 = tpu.memref_slice %arg8[%select_n3A_306, %rem3A_308, %dma_start3A_314] : memref<5x8x128xi32, #tpu.memory_space<vmem>> -> memref<1x1x128xi32, #tpu.memory_space<vmem>>
      %dma_start3A_316 = tpu.memref_squeeze %dma_start3A_315 : memref<1x1x128xi32, #tpu.memory_space<vmem>> -> memref<128xi32, #tpu.memory_space<vmem>>
      %dma_start3A_317 = arith.constant 0 : i32
      %dma_start3A_318 = arith.constant 0 : i32
      %dma_start3A_319 = tpu.memref_slice %arg10[%dma_start3A_317, %dma_start3A_318] : memref<10240x128xf32, #tpu.memory_space<vmem_shared>> -> memref<10240x128xf32, #tpu.memory_space<vmem_shared>>
      tpu.enqueue_indirect_dma source(%dma_start3A_313 : memref<128x128xf32, #tpu.memory_space<vmem>>) target(%dma_start3A_319 : memref<10240x128xf32, #tpu.memory_space<vmem_shared>>) offsets(%dma_start3A_316 : memref<128xi32, #tpu.memory_space<vmem>>) semaphore(%arg12 : memref<!tpu.dma_semaphore, #tpu.memory_space<semaphore_mem>>)
    }
    %scan3A_69 = arith.constant 20 : i32
    %rem3A_70 = arith.constant 0 : i32
    %rem3A_71 = arith.constant 8 : i32
    %rem3A_72 = arith.remsi %rem3A_70, %rem3A_71 : i32
    %dma_wait3A_73 = arith.constant 1 : i32
    %dma_wait3A_74 = arith.constant 0 : i32
    %dma_wait3A_75 = arith.constant 0 : i32
    %dma_wait3A_76 = arith.constant 0 : i32
    %dma_wait3A_77 = tpu.memref_slice %arg9[%dma_wait3A_73, %dma_wait3A_75, %dma_wait3A_76] : memref<2x128x128xf32, #tpu.memory_space<vmem>> -> memref<1x128x128xf32, #tpu.memory_space<vmem>>
    %dma_wait3A_78 = tpu.memref_squeeze %dma_wait3A_77 : memref<1x128x128xf32, #tpu.memory_space<vmem>> -> memref<128x128xf32, #tpu.memory_space<vmem>>
    %dma_wait3A_79 = arith.constant 0 : i32
    %dma_wait3A_80 = tpu.memref_slice %arg8[%dma_wait3A_74, %rem3A_72, %dma_wait3A_79] : memref<5x8x128xi32, #tpu.memory_space<vmem>> -> memref<1x1x128xi32, #tpu.memory_space<vmem>>
    %dma_wait3A_81 = tpu.memref_squeeze %dma_wait3A_80 : memref<1x1x128xi32, #tpu.memory_space<vmem>> -> memref<128xi32, #tpu.memory_space<vmem>>
    %dma_wait3A_82 = arith.constant 0 : i32
    %dma_wait3A_83 = arith.constant 0 : i32
    %dma_wait3A_84 = tpu.memref_slice %arg10[%dma_wait3A_82, %dma_wait3A_83] : memref<10240x128xf32, #tpu.memory_space<vmem_shared>> -> memref<10240x128xf32, #tpu.memory_space<vmem_shared>>
    tpu.wait_indirect_dma semaphore(%arg12 : memref<!tpu.dma_semaphore, #tpu.memory_space<semaphore_mem>>) src(%dma_wait3A_78 : memref<128x128xf32, #tpu.memory_space<vmem>>) dst(%dma_wait3A_84 : memref<10240x128xf32, #tpu.memory_space<vmem_shared>>)
    %barrier3A_85 = arith.constant 0 : index
    tpu.barrier barrier_id(%barrier3A_85)
    %mul3A_86 = arith.constant 640 : i32
    %mul3A_87 = arith.muli %arg1, %mul3A_86 : i32
    %mul3A_88 = arith.constant 640 : i32
    %mul3A_89 = arith.muli %arg1, %mul3A_88 : i32
    "tpu.region"() ({
      %run_scoped3A_90 = tpu.sem_alloc : memref<!tpu.dma_semaphore, #tpu.memory_space<semaphore_mem>>
      %dma_start3A_91 = arith.constant 0 : i32
      %dma_start3A_92 = tpu.memref_slice %arg6[%arg0, %mul3A_89, %dma_start3A_91] : memref<2x10240x128xf32, #tpu.memory_space<hbm>> -> memref<1x640x128xf32, #tpu.memory_space<hbm>>
      %dma_start3A_93 = tpu.memref_squeeze %dma_start3A_92 : memref<1x640x128xf32, #tpu.memory_space<hbm>> -> memref<640x128xf32, #tpu.memory_space<hbm>>
      %dma_start3A_94 = arith.constant 0 : i32
      %dma_start3A_95 = tpu.memref_slice %arg10[%mul3A_87, %dma_start3A_94] : memref<10240x128xf32, #tpu.memory_space<vmem_shared>> -> memref<640x128xf32, #tpu.memory_space<vmem_shared>>
      tpu.enqueue_dma source(%dma_start3A_95 : memref<640x128xf32, #tpu.memory_space<vmem_shared>>) target(%dma_start3A_93 : memref<640x128xf32, #tpu.memory_space<hbm>>) target_semaphore(%run_scoped3A_90 : memref<!tpu.dma_semaphore, #tpu.memory_space<semaphore_mem>>)
      %dma_wait3A_96 = arith.constant 0 : i32
      %dma_wait3A_97 = tpu.memref_slice %arg6[%arg0, %mul3A_89, %dma_wait3A_96] : memref<2x10240x128xf32, #tpu.memory_space<hbm>> -> memref<1x640x128xf32, #tpu.memory_space<hbm>>
      %dma_wait3A_98 = tpu.memref_squeeze %dma_wait3A_97 : memref<1x640x128xf32, #tpu.memory_space<hbm>> -> memref<640x128xf32, #tpu.memory_space<hbm>>
      %dma_wait3A_99 = arith.constant 0 : i32
      %dma_wait3A_100 = tpu.memref_slice %arg10[%mul3A_87, %dma_wait3A_99] : memref<10240x128xf32, #tpu.memory_space<vmem_shared>> -> memref<640x128xf32, #tpu.memory_space<vmem_shared>>
      tpu.wait_dma2 semaphore(%run_scoped3A_90 : memref<!tpu.dma_semaphore, #tpu.memory_space<semaphore_mem>>) src(%dma_wait3A_100 : memref<640x128xf32, #tpu.memory_space<vmem_shared>>) dst(%dma_wait3A_98 : memref<640x128xf32, #tpu.memory_space<hbm>>)
      tpu.yield
    }) : () -> ()
    return
  }
}

#map = affine_map<(d0, d1) -> (0, 0)>
#map1 = affine_map<(d0, d1) -> (0, 0, 0, 0, 0)>
#map2 = affine_map<(d0, d1) -> (0, 0, 0)>
module attributes {stable_mosaic.version = 14 : i64} {
  func.func @k(%arg0: i32, %arg1: i32, %arg2: memref<10240x128xf32, #tpu.memory_space<hbm>>, %arg3: memref<640x128xf32, #tpu.memory_space<hbm>>, %arg4: memref<32x2x5x8x128xi32, #tpu.memory_space<hbm>>, %arg5: memref<32x2x5x8x128xi32, #tpu.memory_space<hbm>>, %arg6: memref<2x10240x128xf32, #tpu.memory_space<hbm>>, %arg7: memref<5x8x128xi32, #tpu.memory_space<vmem>>, %arg8: memref<5x8x128xi32, #tpu.memory_space<vmem>>, %arg9: memref<2x128x128xf32, #tpu.memory_space<vmem>>, %arg10: memref<10240x128xf32, #tpu.memory_space<vmem_shared>>, %arg11: memref<!tpu.dma_semaphore, #tpu.memory_space<semaphore_mem>>, %arg12: memref<!tpu.dma_semaphore, #tpu.memory_space<semaphore_mem>>, %arg13: memref<!tpu.dma_semaphore, #tpu.memory_space<semaphore_mem>>) attributes {dimension_semantics = [#tpu.dimension_semantics<core_parallel>, #tpu.dimension_semantics<subcore_parallel>], iteration_bounds = array<i64: 2, 16>, scalar_prefetch = 0 : i64, scratch_operands = 7 : i64, tpu.core_type = #tpu.core_type<sc_vector_subcore>, window_params = [{transform_indices = #map}, {transform_indices = #map}, {transform_indices = #map1}, {transform_indices = #map1}, {transform_indices = #map2}]} {
    %mul3A = arith.constant 16 : i32
    %mul3A_0 = arith.muli %arg0, %mul3A : i32
    %add3A = arith.addi %mul3A_0, %arg1 : i32
    %eq3A = arith.constant 0 : i32
    %eq3A_1 = arith.cmpi eq, %arg0, %eq3A : i32
    %convert_element_type3A = arith.extui %eq3A_1 : i1 to i32
    %cond3A = arith.constant 0 : i32
    %cond3A_2 = arith.cmpi ne, %convert_element_type3A, %cond3A : i32
    scf.if %cond3A_2 {
      %mul3A_90 = arith.constant 640 : i32
      %mul3A_91 = arith.muli %arg1, %mul3A_90 : i32
      %mul3A_92 = arith.constant 640 : i32
      %mul3A_93 = arith.muli %arg1, %mul3A_92 : i32
      %dma_start3A_94 = arith.constant 0 : i32
      %dma_start3A_95 = tpu.memref_slice %arg10[%mul3A_93, %dma_start3A_94] : memref<10240x128xf32, #tpu.memory_space<vmem_shared>> -> memref<640x128xf32, #tpu.memory_space<vmem_shared>>
      %dma_start3A_96 = arith.constant 0 : i32
      %dma_start3A_97 = tpu.memref_slice %arg2[%mul3A_91, %dma_start3A_96] : memref<10240x128xf32, #tpu.memory_space<hbm>> -> memref<640x128xf32, #tpu.memory_space<hbm>>
      tpu.enqueue_dma source(%dma_start3A_97 : memref<640x128xf32, #tpu.memory_space<hbm>>) target(%dma_start3A_95 : memref<640x128xf32, #tpu.memory_space<vmem_shared>>) target_semaphore(%arg13 : memref<!tpu.dma_semaphore, #tpu.memory_space<semaphore_mem>>)
    } else {
    }
    %eq3A_3 = arith.constant 1 : i32
    %eq3A_4 = arith.cmpi eq, %arg0, %eq3A_3 : i32
    %convert_element_type3A_5 = arith.extui %eq3A_4 : i1 to i32
    %cond3A_6 = arith.constant 0 : i32
    %cond3A_7 = arith.cmpi ne, %convert_element_type3A_5, %cond3A_6 : i32
    scf.if %cond3A_7 {
      %mul3A_90 = arith.constant 640 : i32
      %mul3A_91 = arith.muli %arg1, %mul3A_90 : i32
      %dma_start3A_92 = arith.constant 0 : i32
      %dma_start3A_93 = tpu.memref_slice %arg10[%mul3A_91, %dma_start3A_92] : memref<10240x128xf32, #tpu.memory_space<vmem_shared>> -> memref<640x128xf32, #tpu.memory_space<vmem_shared>>
      tpu.enqueue_dma source(%arg3 : memref<640x128xf32, #tpu.memory_space<hbm>>) target(%dma_start3A_93 : memref<640x128xf32, #tpu.memory_space<vmem_shared>>) target_semaphore(%arg13 : memref<!tpu.dma_semaphore, #tpu.memory_space<semaphore_mem>>)
    } else {
    }
    %run_scoped3A = arith.constant 0 : i32
    "tpu.region"() ({
      %run_scoped3A_90 = tpu.sem_alloc : memref<!tpu.dma_semaphore, #tpu.memory_space<semaphore_mem>>
      %dma_start3A_91 = arith.constant 0 : i32
      %dma_start3A_92 = arith.constant 0 : i32
      %dma_start3A_93 = arith.constant 0 : i32
      %dma_start3A_94 = tpu.memref_slice %arg4[%add3A, %run_scoped3A, %dma_start3A_91, %dma_start3A_92, %dma_start3A_93] : memref<32x2x5x8x128xi32, #tpu.memory_space<hbm>> -> memref<1x1x5x8x128xi32, #tpu.memory_space<hbm>>
      %dma_start3A_95 = tpu.memref_squeeze %dma_start3A_94 : memref<1x1x5x8x128xi32, #tpu.memory_space<hbm>> -> memref<5x8x128xi32, #tpu.memory_space<hbm>>
      %dma_start3A_96 = arith.constant 0 : i32
      %dma_start3A_97 = arith.constant 0 : i32
      %dma_start3A_98 = arith.constant 0 : i32
      %dma_start3A_99 = tpu.memref_slice %arg4[%add3A, %run_scoped3A, %dma_start3A_96, %dma_start3A_97, %dma_start3A_98] : memref<32x2x5x8x128xi32, #tpu.memory_space<hbm>> -> memref<1x1x5x8x128xi32, #tpu.memory_space<hbm>>
      %dma_start3A_100 = tpu.memref_squeeze %dma_start3A_99 : memref<1x1x5x8x128xi32, #tpu.memory_space<hbm>> -> memref<5x8x128xi32, #tpu.memory_space<hbm>>
      tpu.enqueue_dma source(%dma_start3A_100 : memref<5x8x128xi32, #tpu.memory_space<hbm>>) target(%arg7 : memref<5x8x128xi32, #tpu.memory_space<vmem>>) target_semaphore(%run_scoped3A_90 : memref<!tpu.dma_semaphore, #tpu.memory_space<semaphore_mem>>)
      %dma_wait3A_101 = arith.constant 0 : i32
      %dma_wait3A_102 = arith.constant 0 : i32
      %dma_wait3A_103 = arith.constant 0 : i32
      %dma_wait3A_104 = tpu.memref_slice %arg4[%add3A, %run_scoped3A, %dma_wait3A_101, %dma_wait3A_102, %dma_wait3A_103] : memref<32x2x5x8x128xi32, #tpu.memory_space<hbm>> -> memref<1x1x5x8x128xi32, #tpu.memory_space<hbm>>
      %dma_wait3A_105 = tpu.memref_squeeze %dma_wait3A_104 : memref<1x1x5x8x128xi32, #tpu.memory_space<hbm>> -> memref<5x8x128xi32, #tpu.memory_space<hbm>>
      %dma_wait3A_106 = arith.constant 0 : i32
      %dma_wait3A_107 = arith.constant 0 : i32
      %dma_wait3A_108 = arith.constant 0 : i32
      %dma_wait3A_109 = tpu.memref_slice %arg4[%add3A, %run_scoped3A, %dma_wait3A_106, %dma_wait3A_107, %dma_wait3A_108] : memref<32x2x5x8x128xi32, #tpu.memory_space<hbm>> -> memref<1x1x5x8x128xi32, #tpu.memory_space<hbm>>
      %dma_wait3A_110 = tpu.memref_squeeze %dma_wait3A_109 : memref<1x1x5x8x128xi32, #tpu.memory_space<hbm>> -> memref<5x8x128xi32, #tpu.memory_space<hbm>>
      tpu.wait_dma2 semaphore(%run_scoped3A_90 : memref<!tpu.dma_semaphore, #tpu.memory_space<semaphore_mem>>) src(%dma_wait3A_110 : memref<5x8x128xi32, #tpu.memory_space<hbm>>) dst(%arg7 : memref<5x8x128xi32, #tpu.memory_space<vmem>>)
      tpu.yield
    }) : () -> ()
    %run_scoped3A_8 = arith.constant 0 : i32
    "tpu.region"() ({
      %run_scoped3A_90 = tpu.sem_alloc : memref<!tpu.dma_semaphore, #tpu.memory_space<semaphore_mem>>
      %dma_start3A_91 = arith.constant 0 : i32
      %dma_start3A_92 = arith.constant 0 : i32
      %dma_start3A_93 = arith.constant 0 : i32
      %dma_start3A_94 = tpu.memref_slice %arg5[%add3A, %run_scoped3A_8, %dma_start3A_91, %dma_start3A_92, %dma_start3A_93] : memref<32x2x5x8x128xi32, #tpu.memory_space<hbm>> -> memref<1x1x5x8x128xi32, #tpu.memory_space<hbm>>
      %dma_start3A_95 = tpu.memref_squeeze %dma_start3A_94 : memref<1x1x5x8x128xi32, #tpu.memory_space<hbm>> -> memref<5x8x128xi32, #tpu.memory_space<hbm>>
      %dma_start3A_96 = arith.constant 0 : i32
      %dma_start3A_97 = arith.constant 0 : i32
      %dma_start3A_98 = arith.constant 0 : i32
      %dma_start3A_99 = tpu.memref_slice %arg5[%add3A, %run_scoped3A_8, %dma_start3A_96, %dma_start3A_97, %dma_start3A_98] : memref<32x2x5x8x128xi32, #tpu.memory_space<hbm>> -> memref<1x1x5x8x128xi32, #tpu.memory_space<hbm>>
      %dma_start3A_100 = tpu.memref_squeeze %dma_start3A_99 : memref<1x1x5x8x128xi32, #tpu.memory_space<hbm>> -> memref<5x8x128xi32, #tpu.memory_space<hbm>>
      tpu.enqueue_dma source(%dma_start3A_100 : memref<5x8x128xi32, #tpu.memory_space<hbm>>) target(%arg8 : memref<5x8x128xi32, #tpu.memory_space<vmem>>) target_semaphore(%run_scoped3A_90 : memref<!tpu.dma_semaphore, #tpu.memory_space<semaphore_mem>>)
      %dma_wait3A_101 = arith.constant 0 : i32
      %dma_wait3A_102 = arith.constant 0 : i32
      %dma_wait3A_103 = arith.constant 0 : i32
      %dma_wait3A_104 = tpu.memref_slice %arg5[%add3A, %run_scoped3A_8, %dma_wait3A_101, %dma_wait3A_102, %dma_wait3A_103] : memref<32x2x5x8x128xi32, #tpu.memory_space<hbm>> -> memref<1x1x5x8x128xi32, #tpu.memory_space<hbm>>
      %dma_wait3A_105 = tpu.memref_squeeze %dma_wait3A_104 : memref<1x1x5x8x128xi32, #tpu.memory_space<hbm>> -> memref<5x8x128xi32, #tpu.memory_space<hbm>>
      %dma_wait3A_106 = arith.constant 0 : i32
      %dma_wait3A_107 = arith.constant 0 : i32
      %dma_wait3A_108 = arith.constant 0 : i32
      %dma_wait3A_109 = tpu.memref_slice %arg5[%add3A, %run_scoped3A_8, %dma_wait3A_106, %dma_wait3A_107, %dma_wait3A_108] : memref<32x2x5x8x128xi32, #tpu.memory_space<hbm>> -> memref<1x1x5x8x128xi32, #tpu.memory_space<hbm>>
      %dma_wait3A_110 = tpu.memref_squeeze %dma_wait3A_109 : memref<1x1x5x8x128xi32, #tpu.memory_space<hbm>> -> memref<5x8x128xi32, #tpu.memory_space<hbm>>
      tpu.wait_dma2 semaphore(%run_scoped3A_90 : memref<!tpu.dma_semaphore, #tpu.memory_space<semaphore_mem>>) src(%dma_wait3A_110 : memref<5x8x128xi32, #tpu.memory_space<hbm>>) dst(%arg8 : memref<5x8x128xi32, #tpu.memory_space<vmem>>)
      tpu.yield
    }) : () -> ()
    %rem3A = arith.constant 0 : i32
    %rem3A_9 = arith.constant 8 : i32
    %rem3A_10 = arith.remsi %rem3A, %rem3A_9 : i32
    %dma_start3A = arith.constant 0 : i32
    %dma_start3A_11 = arith.constant 0 : i32
    %dma_start3A_12 = arith.constant 0 : i32
    %dma_start3A_13 = arith.constant 0 : i32
    %dma_start3A_14 = tpu.memref_slice %arg9[%dma_start3A_11, %dma_start3A_12, %dma_start3A_13] : memref<2x128x128xf32, #tpu.memory_space<vmem>> -> memref<1x128x128xf32, #tpu.memory_space<vmem>>
    %dma_start3A_15 = tpu.memref_squeeze %dma_start3A_14 : memref<1x128x128xf32, #tpu.memory_space<vmem>> -> memref<128x128xf32, #tpu.memory_space<vmem>>
    %dma_start3A_16 = arith.constant 0 : i32
    %dma_start3A_17 = tpu.memref_slice %arg7[%dma_start3A, %rem3A_10, %dma_start3A_16] : memref<5x8x128xi32, #tpu.memory_space<vmem>> -> memref<1x1x128xi32, #tpu.memory_space<vmem>>
    %dma_start3A_18 = tpu.memref_squeeze %dma_start3A_17 : memref<1x1x128xi32, #tpu.memory_space<vmem>> -> memref<128xi32, #tpu.memory_space<vmem>>
    %dma_start3A_19 = arith.constant 0 : i32
    %dma_start3A_20 = arith.constant 0 : i32
    %dma_start3A_21 = tpu.memref_slice %arg2[%dma_start3A_19, %dma_start3A_20] : memref<10240x128xf32, #tpu.memory_space<hbm>> -> memref<10240x128xf32, #tpu.memory_space<hbm>>
    tpu.enqueue_indirect_dma source(%dma_start3A_21 : memref<10240x128xf32, #tpu.memory_space<hbm>>) target(%dma_start3A_15 : memref<128x128xf32, #tpu.memory_space<vmem>>) offsets(%dma_start3A_18 : memref<128xi32, #tpu.memory_space<vmem>>) semaphore(%arg11 : memref<!tpu.dma_semaphore, #tpu.memory_space<semaphore_mem>>)
    %dma_wait3A = arith.constant 0 : i32
    %dma_wait3A_22 = arith.constant 0 : i32
    %dma_wait3A_23 = tpu.memref_slice %arg10[%dma_wait3A, %dma_wait3A_22] : memref<10240x128xf32, #tpu.memory_space<vmem_shared>> -> memref<640x128xf32, #tpu.memory_space<vmem_shared>>
    %dma_wait3A_24 = arith.constant 0 : i32
    %dma_wait3A_25 = arith.constant 0 : i32
    %dma_wait3A_26 = tpu.memref_slice %arg2[%dma_wait3A_24, %dma_wait3A_25] : memref<10240x128xf32, #tpu.memory_space<hbm>> -> memref<640x128xf32, #tpu.memory_space<hbm>>
    tpu.wait_dma2 semaphore(%arg13 : memref<!tpu.dma_semaphore, #tpu.memory_space<semaphore_mem>>) src(%dma_wait3A_26 : memref<640x128xf32, #tpu.memory_space<hbm>>) dst(%dma_wait3A_23 : memref<640x128xf32, #tpu.memory_space<vmem_shared>>)
    %barrier3A = arith.constant 0 : index
    tpu.barrier barrier_id(%barrier3A)
    %scan3A = arith.constant 0 : i32
    %scan3A_27 = arith.constant 0 : i32
    %scan3A_28 = arith.constant 20 : i32
    %scan3A_29 = arith.addi %scan3A_27, %scan3A_28 : i32
    %scan3A_30 = arith.constant 1 : i32
    scf.for %scan3A_90 = %scan3A_27 to %scan3A_29 step %scan3A_30  : i32 {
      %mul3A_91 = arith.constant 2 : i32
      %mul3A_92 = arith.muli %mul3A_91, %scan3A_90 : i32
      %add3A_93 = arith.constant 1 : i32
      %add3A_94 = arith.addi %mul3A_92, %add3A_93 : i32
      %gt3A = arith.constant 0 : i32
      %gt3A_95 = arith.cmpi sgt, %scan3A_90, %gt3A : i32
      %convert_element_type3A_96 = arith.extui %gt3A_95 : i1 to i32
      %cond3A_97 = arith.constant 0 : i32
      %cond3A_98 = arith.cmpi ne, %convert_element_type3A_96, %cond3A_97 : i32
      scf.if %cond3A_98 {
        %jit3A_320 = arith.constant 8 : i32
        %div3A_321 = arith.divsi %mul3A_92, %jit3A_320 : i32
        %sign3A_322 = arith.constant 0 : i32
        %sign3A_323 = arith.cmpi sgt, %mul3A_92, %sign3A_322 : i32
        %sign3A_324 = arith.extui %sign3A_323 : i1 to i32
        %sign3A_325 = arith.constant 0 : i32
        %sign3A_326 = arith.cmpi slt, %mul3A_92, %sign3A_325 : i32
        %sign3A_327 = arith.extui %sign3A_326 : i1 to i32
        %sign3A_328 = arith.subi %sign3A_324, %sign3A_327 : i32
        %sign3A_329 = arith.constant 0 : i32
        %sign3A_330 = arith.cmpi sgt, %jit3A_320, %sign3A_329 : i32
        %sign3A_331 = arith.extui %sign3A_330 : i1 to i32
        %sign3A_332 = arith.constant 0 : i32
        %sign3A_333 = arith.cmpi slt, %jit3A_320, %sign3A_332 : i32
        %sign3A_334 = arith.extui %sign3A_333 : i1 to i32
        %sign3A_335 = arith.subi %sign3A_331, %sign3A_334 : i32
        %ne3A_336 = arith.cmpi ne, %sign3A_328, %sign3A_335 : i32
        %rem3A_337 = arith.remsi %mul3A_92, %jit3A_320 : i32
        %ne3A_338 = arith.constant 0 : i32
        %ne3A_339 = arith.cmpi ne, %rem3A_337, %ne3A_338 : i32
        %and3A_340 = arith.andi %ne3A_336, %ne3A_339 : i1
        %sub3A_341 = arith.constant 1 : i32
        %sub3A_342 = arith.subi %div3A_321, %sub3A_341 : i32
        %select_n3A_343 = arith.select %and3A_340, %sub3A_342, %div3A_321 : i32
        %rem3A_344 = arith.constant 8 : i32
        %rem3A_345 = arith.remsi %mul3A_92, %rem3A_344 : i32
        %dma_wait3A_346 = arith.constant 1 : i32
        %dma_wait3A_347 = arith.constant 0 : i32
        %dma_wait3A_348 = arith.constant 0 : i32
        %dma_wait3A_349 = tpu.memref_slice %arg9[%dma_wait3A_346, %dma_wait3A_347, %dma_wait3A_348] : memref<2x128x128xf32, #tpu.memory_space<vmem>> -> memref<1x128x128xf32, #tpu.memory_space<vmem>>
        %dma_wait3A_350 = tpu.memref_squeeze %dma_wait3A_349 : memref<1x128x128xf32, #tpu.memory_space<vmem>> -> memref<128x128xf32, #tpu.memory_space<vmem>>
        %dma_wait3A_351 = arith.constant 0 : i32
        %dma_wait3A_352 = tpu.memref_slice %arg8[%select_n3A_343, %rem3A_345, %dma_wait3A_351] : memref<5x8x128xi32, #tpu.memory_space<vmem>> -> memref<1x1x128xi32, #tpu.memory_space<vmem>>
        %dma_wait3A_353 = tpu.memref_squeeze %dma_wait3A_352 : memref<1x1x128xi32, #tpu.memory_space<vmem>> -> memref<128xi32, #tpu.memory_space<vmem>>
        %dma_wait3A_354 = arith.constant 0 : i32
        %dma_wait3A_355 = arith.constant 0 : i32
        %dma_wait3A_356 = tpu.memref_slice %arg10[%dma_wait3A_354, %dma_wait3A_355] : memref<10240x128xf32, #tpu.memory_space<vmem_shared>> -> memref<10240x128xf32, #tpu.memory_space<vmem_shared>>
        tpu.wait_indirect_dma semaphore(%arg12 : memref<!tpu.dma_semaphore, #tpu.memory_space<semaphore_mem>>) src(%dma_wait3A_350 : memref<128x128xf32, #tpu.memory_space<vmem>>) dst(%dma_wait3A_356 : memref<10240x128xf32, #tpu.memory_space<vmem_shared>>)
      } else {
      }
      %jit3A = arith.constant 8 : i32
      %div3A = arith.divsi %add3A_94, %jit3A : i32
      %sign3A = arith.constant 0 : i32
      %sign3A_99 = arith.cmpi sgt, %add3A_94, %sign3A : i32
      %sign3A_100 = arith.extui %sign3A_99 : i1 to i32
      %sign3A_101 = arith.constant 0 : i32
      %sign3A_102 = arith.cmpi slt, %add3A_94, %sign3A_101 : i32
      %sign3A_103 = arith.extui %sign3A_102 : i1 to i32
      %sign3A_104 = arith.subi %sign3A_100, %sign3A_103 : i32
      %sign3A_105 = arith.constant 0 : i32
      %sign3A_106 = arith.cmpi sgt, %jit3A, %sign3A_105 : i32
      %sign3A_107 = arith.extui %sign3A_106 : i1 to i32
      %sign3A_108 = arith.constant 0 : i32
      %sign3A_109 = arith.cmpi slt, %jit3A, %sign3A_108 : i32
      %sign3A_110 = arith.extui %sign3A_109 : i1 to i32
      %sign3A_111 = arith.subi %sign3A_107, %sign3A_110 : i32
      %ne3A = arith.cmpi ne, %sign3A_104, %sign3A_111 : i32
      %rem3A_112 = arith.remsi %add3A_94, %jit3A : i32
      %ne3A_113 = arith.constant 0 : i32
      %ne3A_114 = arith.cmpi ne, %rem3A_112, %ne3A_113 : i32
      %and3A = arith.andi %ne3A, %ne3A_114 : i1
      %sub3A = arith.constant 1 : i32
      %sub3A_115 = arith.subi %div3A, %sub3A : i32
      %select_n3A = arith.select %and3A, %sub3A_115, %div3A : i32
      %rem3A_116 = arith.constant 8 : i32
      %rem3A_117 = arith.remsi %add3A_94, %rem3A_116 : i32
      %dma_start3A_118 = arith.constant 1 : i32
      %dma_start3A_119 = arith.constant 0 : i32
      %dma_start3A_120 = arith.constant 0 : i32
      %dma_start3A_121 = tpu.memref_slice %arg9[%dma_start3A_118, %dma_start3A_119, %dma_start3A_120] : memref<2x128x128xf32, #tpu.memory_space<vmem>> -> memref<1x128x128xf32, #tpu.memory_space<vmem>>
      %dma_start3A_122 = tpu.memref_squeeze %dma_start3A_121 : memref<1x128x128xf32, #tpu.memory_space<vmem>> -> memref<128x128xf32, #tpu.memory_space<vmem>>
      %dma_start3A_123 = arith.constant 0 : i32
      %dma_start3A_124 = tpu.memref_slice %arg7[%select_n3A, %rem3A_117, %dma_start3A_123] : memref<5x8x128xi32, #tpu.memory_space<vmem>> -> memref<1x1x128xi32, #tpu.memory_space<vmem>>
      %dma_start3A_125 = tpu.memref_squeeze %dma_start3A_124 : memref<1x1x128xi32, #tpu.memory_space<vmem>> -> memref<128xi32, #tpu.memory_space<vmem>>
      %dma_start3A_126 = arith.constant 0 : i32
      %dma_start3A_127 = arith.constant 0 : i32
      %dma_start3A_128 = tpu.memref_slice %arg2[%dma_start3A_126, %dma_start3A_127] : memref<10240x128xf32, #tpu.memory_space<hbm>> -> memref<10240x128xf32, #tpu.memory_space<hbm>>
      tpu.enqueue_indirect_dma source(%dma_start3A_128 : memref<10240x128xf32, #tpu.memory_space<hbm>>) target(%dma_start3A_122 : memref<128x128xf32, #tpu.memory_space<vmem>>) offsets(%dma_start3A_125 : memref<128xi32, #tpu.memory_space<vmem>>) semaphore(%arg11 : memref<!tpu.dma_semaphore, #tpu.memory_space<semaphore_mem>>)
      %jit3A_129 = arith.constant 8 : i32
      %div3A_130 = arith.divsi %mul3A_92, %jit3A_129 : i32
      %sign3A_131 = arith.constant 0 : i32
      %sign3A_132 = arith.cmpi sgt, %mul3A_92, %sign3A_131 : i32
      %sign3A_133 = arith.extui %sign3A_132 : i1 to i32
      %sign3A_134 = arith.constant 0 : i32
      %sign3A_135 = arith.cmpi slt, %mul3A_92, %sign3A_134 : i32
      %sign3A_136 = arith.extui %sign3A_135 : i1 to i32
      %sign3A_137 = arith.subi %sign3A_133, %sign3A_136 : i32
      %sign3A_138 = arith.constant 0 : i32
      %sign3A_139 = arith.cmpi sgt, %jit3A_129, %sign3A_138 : i32
      %sign3A_140 = arith.extui %sign3A_139 : i1 to i32
      %sign3A_141 = arith.constant 0 : i32
      %sign3A_142 = arith.cmpi slt, %jit3A_129, %sign3A_141 : i32
      %sign3A_143 = arith.extui %sign3A_142 : i1 to i32
      %sign3A_144 = arith.subi %sign3A_140, %sign3A_143 : i32
      %ne3A_145 = arith.cmpi ne, %sign3A_137, %sign3A_144 : i32
      %rem3A_146 = arith.remsi %mul3A_92, %jit3A_129 : i32
      %ne3A_147 = arith.constant 0 : i32
      %ne3A_148 = arith.cmpi ne, %rem3A_146, %ne3A_147 : i32
      %and3A_149 = arith.andi %ne3A_145, %ne3A_148 : i1
      %sub3A_150 = arith.constant 1 : i32
      %sub3A_151 = arith.subi %div3A_130, %sub3A_150 : i32
      %select_n3A_152 = arith.select %and3A_149, %sub3A_151, %div3A_130 : i32
      %rem3A_153 = arith.constant 8 : i32
      %rem3A_154 = arith.remsi %mul3A_92, %rem3A_153 : i32
      %dma_wait3A_155 = arith.constant 0 : i32
      %dma_wait3A_156 = arith.constant 0 : i32
      %dma_wait3A_157 = arith.constant 0 : i32
      %dma_wait3A_158 = tpu.memref_slice %arg9[%dma_wait3A_155, %dma_wait3A_156, %dma_wait3A_157] : memref<2x128x128xf32, #tpu.memory_space<vmem>> -> memref<1x128x128xf32, #tpu.memory_space<vmem>>
      %dma_wait3A_159 = tpu.memref_squeeze %dma_wait3A_158 : memref<1x128x128xf32, #tpu.memory_space<vmem>> -> memref<128x128xf32, #tpu.memory_space<vmem>>
      %dma_wait3A_160 = arith.constant 0 : i32
      %dma_wait3A_161 = tpu.memref_slice %arg7[%select_n3A_152, %rem3A_154, %dma_wait3A_160] : memref<5x8x128xi32, #tpu.memory_space<vmem>> -> memref<1x1x128xi32, #tpu.memory_space<vmem>>
      %dma_wait3A_162 = tpu.memref_squeeze %dma_wait3A_161 : memref<1x1x128xi32, #tpu.memory_space<vmem>> -> memref<128xi32, #tpu.memory_space<vmem>>
      %dma_wait3A_163 = arith.constant 0 : i32
      %dma_wait3A_164 = arith.constant 0 : i32
      %dma_wait3A_165 = tpu.memref_slice %arg2[%dma_wait3A_163, %dma_wait3A_164] : memref<10240x128xf32, #tpu.memory_space<hbm>> -> memref<10240x128xf32, #tpu.memory_space<hbm>>
      tpu.wait_indirect_dma semaphore(%arg11 : memref<!tpu.dma_semaphore, #tpu.memory_space<semaphore_mem>>) src(%dma_wait3A_165 : memref<10240x128xf32, #tpu.memory_space<hbm>>) dst(%dma_wait3A_159 : memref<128x128xf32, #tpu.memory_space<vmem>>)
      %jit3A_166 = arith.constant 8 : i32
      %div3A_167 = arith.divsi %mul3A_92, %jit3A_166 : i32
      %sign3A_168 = arith.constant 0 : i32
      %sign3A_169 = arith.cmpi sgt, %mul3A_92, %sign3A_168 : i32
      %sign3A_170 = arith.extui %sign3A_169 : i1 to i32
      %sign3A_171 = arith.constant 0 : i32
      %sign3A_172 = arith.cmpi slt, %mul3A_92, %sign3A_171 : i32
      %sign3A_173 = arith.extui %sign3A_172 : i1 to i32
      %sign3A_174 = arith.subi %sign3A_170, %sign3A_173 : i32
      %sign3A_175 = arith.constant 0 : i32
      %sign3A_176 = arith.cmpi sgt, %jit3A_166, %sign3A_175 : i32
      %sign3A_177 = arith.extui %sign3A_176 : i1 to i32
      %sign3A_178 = arith.constant 0 : i32
      %sign3A_179 = arith.cmpi slt, %jit3A_166, %sign3A_178 : i32
      %sign3A_180 = arith.extui %sign3A_179 : i1 to i32
      %sign3A_181 = arith.subi %sign3A_177, %sign3A_180 : i32
      %ne3A_182 = arith.cmpi ne, %sign3A_174, %sign3A_181 : i32
      %rem3A_183 = arith.remsi %mul3A_92, %jit3A_166 : i32
      %ne3A_184 = arith.constant 0 : i32
      %ne3A_185 = arith.cmpi ne, %rem3A_183, %ne3A_184 : i32
      %and3A_186 = arith.andi %ne3A_182, %ne3A_185 : i1
      %sub3A_187 = arith.constant 1 : i32
      %sub3A_188 = arith.subi %div3A_167, %sub3A_187 : i32
      %select_n3A_189 = arith.select %and3A_186, %sub3A_188, %div3A_167 : i32
      %rem3A_190 = arith.constant 8 : i32
      %rem3A_191 = arith.remsi %mul3A_92, %rem3A_190 : i32
      %dma_start3A_192 = arith.constant 0 : i32
      %dma_start3A_193 = arith.constant 0 : i32
      %dma_start3A_194 = arith.constant 0 : i32
      %dma_start3A_195 = tpu.memref_slice %arg9[%dma_start3A_192, %dma_start3A_193, %dma_start3A_194] : memref<2x128x128xf32, #tpu.memory_space<vmem>> -> memref<1x128x128xf32, #tpu.memory_space<vmem>>
      %dma_start3A_196 = tpu.memref_squeeze %dma_start3A_195 : memref<1x128x128xf32, #tpu.memory_space<vmem>> -> memref<128x128xf32, #tpu.memory_space<vmem>>
      %dma_start3A_197 = arith.constant 0 : i32
      %dma_start3A_198 = tpu.memref_slice %arg8[%select_n3A_189, %rem3A_191, %dma_start3A_197] : memref<5x8x128xi32, #tpu.memory_space<vmem>> -> memref<1x1x128xi32, #tpu.memory_space<vmem>>
      %dma_start3A_199 = tpu.memref_squeeze %dma_start3A_198 : memref<1x1x128xi32, #tpu.memory_space<vmem>> -> memref<128xi32, #tpu.memory_space<vmem>>
      %dma_start3A_200 = arith.constant 0 : i32
      %dma_start3A_201 = arith.constant 0 : i32
      %dma_start3A_202 = tpu.memref_slice %arg10[%dma_start3A_200, %dma_start3A_201] : memref<10240x128xf32, #tpu.memory_space<vmem_shared>> -> memref<10240x128xf32, #tpu.memory_space<vmem_shared>>
      tpu.enqueue_indirect_dma source(%dma_start3A_196 : memref<128x128xf32, #tpu.memory_space<vmem>>) target(%dma_start3A_202 : memref<10240x128xf32, #tpu.memory_space<vmem_shared>>) offsets(%dma_start3A_199 : memref<128xi32, #tpu.memory_space<vmem>>) semaphore(%arg12 : memref<!tpu.dma_semaphore, #tpu.memory_space<semaphore_mem>>)
      %jit3A_203 = arith.constant 8 : i32
      %div3A_204 = arith.divsi %add3A_94, %jit3A_203 : i32
      %sign3A_205 = arith.constant 0 : i32
      %sign3A_206 = arith.cmpi sgt, %add3A_94, %sign3A_205 : i32
      %sign3A_207 = arith.extui %sign3A_206 : i1 to i32
      %sign3A_208 = arith.constant 0 : i32
      %sign3A_209 = arith.cmpi slt, %add3A_94, %sign3A_208 : i32
      %sign3A_210 = arith.extui %sign3A_209 : i1 to i32
      %sign3A_211 = arith.subi %sign3A_207, %sign3A_210 : i32
      %sign3A_212 = arith.constant 0 : i32
      %sign3A_213 = arith.cmpi sgt, %jit3A_203, %sign3A_212 : i32
      %sign3A_214 = arith.extui %sign3A_213 : i1 to i32
      %sign3A_215 = arith.constant 0 : i32
      %sign3A_216 = arith.cmpi slt, %jit3A_203, %sign3A_215 : i32
      %sign3A_217 = arith.extui %sign3A_216 : i1 to i32
      %sign3A_218 = arith.subi %sign3A_214, %sign3A_217 : i32
      %ne3A_219 = arith.cmpi ne, %sign3A_211, %sign3A_218 : i32
      %rem3A_220 = arith.remsi %add3A_94, %jit3A_203 : i32
      %ne3A_221 = arith.constant 0 : i32
      %ne3A_222 = arith.cmpi ne, %rem3A_220, %ne3A_221 : i32
      %and3A_223 = arith.andi %ne3A_219, %ne3A_222 : i1
      %sub3A_224 = arith.constant 1 : i32
      %sub3A_225 = arith.subi %div3A_204, %sub3A_224 : i32
      %select_n3A_226 = arith.select %and3A_223, %sub3A_225, %div3A_204 : i32
      %rem3A_227 = arith.constant 8 : i32
      %rem3A_228 = arith.remsi %add3A_94, %rem3A_227 : i32
      %dma_wait3A_229 = arith.constant 1 : i32
      %dma_wait3A_230 = arith.constant 0 : i32
      %dma_wait3A_231 = arith.constant 0 : i32
      %dma_wait3A_232 = tpu.memref_slice %arg9[%dma_wait3A_229, %dma_wait3A_230, %dma_wait3A_231] : memref<2x128x128xf32, #tpu.memory_space<vmem>> -> memref<1x128x128xf32, #tpu.memory_space<vmem>>
      %dma_wait3A_233 = tpu.memref_squeeze %dma_wait3A_232 : memref<1x128x128xf32, #tpu.memory_space<vmem>> -> memref<128x128xf32, #tpu.memory_space<vmem>>
      %dma_wait3A_234 = arith.constant 0 : i32
      %dma_wait3A_235 = tpu.memref_slice %arg7[%select_n3A_226, %rem3A_228, %dma_wait3A_234] : memref<5x8x128xi32, #tpu.memory_space<vmem>> -> memref<1x1x128xi32, #tpu.memory_space<vmem>>
      %dma_wait3A_236 = tpu.memref_squeeze %dma_wait3A_235 : memref<1x1x128xi32, #tpu.memory_space<vmem>> -> memref<128xi32, #tpu.memory_space<vmem>>
      %dma_wait3A_237 = arith.constant 0 : i32
      %dma_wait3A_238 = arith.constant 0 : i32
      %dma_wait3A_239 = tpu.memref_slice %arg2[%dma_wait3A_237, %dma_wait3A_238] : memref<10240x128xf32, #tpu.memory_space<hbm>> -> memref<10240x128xf32, #tpu.memory_space<hbm>>
      tpu.wait_indirect_dma semaphore(%arg11 : memref<!tpu.dma_semaphore, #tpu.memory_space<semaphore_mem>>) src(%dma_wait3A_239 : memref<10240x128xf32, #tpu.memory_space<hbm>>) dst(%dma_wait3A_233 : memref<128x128xf32, #tpu.memory_space<vmem>>)
      %jit3A_240 = arith.constant 8 : i32
      %div3A_241 = arith.divsi %mul3A_92, %jit3A_240 : i32
      %sign3A_242 = arith.constant 0 : i32
      %sign3A_243 = arith.cmpi sgt, %mul3A_92, %sign3A_242 : i32
      %sign3A_244 = arith.extui %sign3A_243 : i1 to i32
      %sign3A_245 = arith.constant 0 : i32
      %sign3A_246 = arith.cmpi slt, %mul3A_92, %sign3A_245 : i32
      %sign3A_247 = arith.extui %sign3A_246 : i1 to i32
      %sign3A_248 = arith.subi %sign3A_244, %sign3A_247 : i32
      %sign3A_249 = arith.constant 0 : i32
      %sign3A_250 = arith.cmpi sgt, %jit3A_240, %sign3A_249 : i32
      %sign3A_251 = arith.extui %sign3A_250 : i1 to i32
      %sign3A_252 = arith.constant 0 : i32
      %sign3A_253 = arith.cmpi slt, %jit3A_240, %sign3A_252 : i32
      %sign3A_254 = arith.extui %sign3A_253 : i1 to i32
      %sign3A_255 = arith.subi %sign3A_251, %sign3A_254 : i32
      %ne3A_256 = arith.cmpi ne, %sign3A_248, %sign3A_255 : i32
      %rem3A_257 = arith.remsi %mul3A_92, %jit3A_240 : i32
      %ne3A_258 = arith.constant 0 : i32
      %ne3A_259 = arith.cmpi ne, %rem3A_257, %ne3A_258 : i32
      %and3A_260 = arith.andi %ne3A_256, %ne3A_259 : i1
      %sub3A_261 = arith.constant 1 : i32
      %sub3A_262 = arith.subi %div3A_241, %sub3A_261 : i32
      %select_n3A_263 = arith.select %and3A_260, %sub3A_262, %div3A_241 : i32
      %rem3A_264 = arith.constant 8 : i32
      %rem3A_265 = arith.remsi %mul3A_92, %rem3A_264 : i32
      %dma_wait3A_266 = arith.constant 0 : i32
      %dma_wait3A_267 = arith.constant 0 : i32
      %dma_wait3A_268 = arith.constant 0 : i32
      %dma_wait3A_269 = tpu.memref_slice %arg9[%dma_wait3A_266, %dma_wait3A_267, %dma_wait3A_268] : memref<2x128x128xf32, #tpu.memory_space<vmem>> -> memref<1x128x128xf32, #tpu.memory_space<vmem>>
      %dma_wait3A_270 = tpu.memref_squeeze %dma_wait3A_269 : memref<1x128x128xf32, #tpu.memory_space<vmem>> -> memref<128x128xf32, #tpu.memory_space<vmem>>
      %dma_wait3A_271 = arith.constant 0 : i32
      %dma_wait3A_272 = tpu.memref_slice %arg8[%select_n3A_263, %rem3A_265, %dma_wait3A_271] : memref<5x8x128xi32, #tpu.memory_space<vmem>> -> memref<1x1x128xi32, #tpu.memory_space<vmem>>
      %dma_wait3A_273 = tpu.memref_squeeze %dma_wait3A_272 : memref<1x1x128xi32, #tpu.memory_space<vmem>> -> memref<128xi32, #tpu.memory_space<vmem>>
      %dma_wait3A_274 = arith.constant 0 : i32
      %dma_wait3A_275 = arith.constant 0 : i32
      %dma_wait3A_276 = tpu.memref_slice %arg10[%dma_wait3A_274, %dma_wait3A_275] : memref<10240x128xf32, #tpu.memory_space<vmem_shared>> -> memref<10240x128xf32, #tpu.memory_space<vmem_shared>>
      tpu.wait_indirect_dma semaphore(%arg12 : memref<!tpu.dma_semaphore, #tpu.memory_space<semaphore_mem>>) src(%dma_wait3A_270 : memref<128x128xf32, #tpu.memory_space<vmem>>) dst(%dma_wait3A_276 : memref<10240x128xf32, #tpu.memory_space<vmem_shared>>)
      %add3A_277 = arith.constant 2 : i32
      %add3A_278 = arith.addi %mul3A_92, %add3A_277 : i32
      %lt3A = arith.constant 40 : i32
      %lt3A_279 = arith.cmpi slt, %add3A_278, %lt3A : i32
      %convert_element_type3A_280 = arith.extui %lt3A_279 : i1 to i32
      %cond3A_281 = arith.constant 0 : i32
      %cond3A_282 = arith.cmpi ne, %convert_element_type3A_280, %cond3A_281 : i32
      scf.if %cond3A_282 {
        %add3A_320 = arith.constant 2 : i32
        %add3A_321 = arith.addi %mul3A_92, %add3A_320 : i32
        %jit3A_322 = arith.constant 8 : i32
        %div3A_323 = arith.divsi %add3A_321, %jit3A_322 : i32
        %sign3A_324 = arith.constant 0 : i32
        %sign3A_325 = arith.cmpi sgt, %add3A_321, %sign3A_324 : i32
        %sign3A_326 = arith.extui %sign3A_325 : i1 to i32
        %sign3A_327 = arith.constant 0 : i32
        %sign3A_328 = arith.cmpi slt, %add3A_321, %sign3A_327 : i32
        %sign3A_329 = arith.extui %sign3A_328 : i1 to i32
        %sign3A_330 = arith.subi %sign3A_326, %sign3A_329 : i32
        %sign3A_331 = arith.constant 0 : i32
        %sign3A_332 = arith.cmpi sgt, %jit3A_322, %sign3A_331 : i32
        %sign3A_333 = arith.extui %sign3A_332 : i1 to i32
        %sign3A_334 = arith.constant 0 : i32
        %sign3A_335 = arith.cmpi slt, %jit3A_322, %sign3A_334 : i32
        %sign3A_336 = arith.extui %sign3A_335 : i1 to i32
        %sign3A_337 = arith.subi %sign3A_333, %sign3A_336 : i32
        %ne3A_338 = arith.cmpi ne, %sign3A_330, %sign3A_337 : i32
        %rem3A_339 = arith.remsi %add3A_321, %jit3A_322 : i32
        %ne3A_340 = arith.constant 0 : i32
        %ne3A_341 = arith.cmpi ne, %rem3A_339, %ne3A_340 : i32
        %and3A_342 = arith.andi %ne3A_338, %ne3A_341 : i1
        %sub3A_343 = arith.constant 1 : i32
        %sub3A_344 = arith.subi %div3A_323, %sub3A_343 : i32
        %select_n3A_345 = arith.select %and3A_342, %sub3A_344, %div3A_323 : i32
        %rem3A_346 = arith.constant 8 : i32
        %rem3A_347 = arith.remsi %add3A_321, %rem3A_346 : i32
        %dma_start3A_348 = arith.constant 0 : i32
        %dma_start3A_349 = arith.constant 0 : i32
        %dma_start3A_350 = arith.constant 0 : i32
        %dma_start3A_351 = tpu.memref_slice %arg9[%dma_start3A_348, %dma_start3A_349, %dma_start3A_350] : memref<2x128x128xf32, #tpu.memory_space<vmem>> -> memref<1x128x128xf32, #tpu.memory_space<vmem>>
        %dma_start3A_352 = tpu.memref_squeeze %dma_start3A_351 : memref<1x128x128xf32, #tpu.memory_space<vmem>> -> memref<128x128xf32, #tpu.memory_space<vmem>>
        %dma_start3A_353 = arith.constant 0 : i32
        %dma_start3A_354 = tpu.memref_slice %arg7[%select_n3A_345, %rem3A_347, %dma_start3A_353] : memref<5x8x128xi32, #tpu.memory_space<vmem>> -> memref<1x1x128xi32, #tpu.memory_space<vmem>>
        %dma_start3A_355 = tpu.memref_squeeze %dma_start3A_354 : memref<1x1x128xi32, #tpu.memory_space<vmem>> -> memref<128xi32, #tpu.memory_space<vmem>>
        %dma_start3A_356 = arith.constant 0 : i32
        %dma_start3A_357 = arith.constant 0 : i32
        %dma_start3A_358 = tpu.memref_slice %arg2[%dma_start3A_356, %dma_start3A_357] : memref<10240x128xf32, #tpu.memory_space<hbm>> -> memref<10240x128xf32, #tpu.memory_space<hbm>>
        tpu.enqueue_indirect_dma source(%dma_start3A_358 : memref<10240x128xf32, #tpu.memory_space<hbm>>) target(%dma_start3A_352 : memref<128x128xf32, #tpu.memory_space<vmem>>) offsets(%dma_start3A_355 : memref<128xi32, #tpu.memory_space<vmem>>) semaphore(%arg11 : memref<!tpu.dma_semaphore, #tpu.memory_space<semaphore_mem>>)
      } else {
      }
      %jit3A_283 = arith.constant 8 : i32
      %div3A_284 = arith.divsi %add3A_94, %jit3A_283 : i32
      %sign3A_285 = arith.constant 0 : i32
      %sign3A_286 = arith.cmpi sgt, %add3A_94, %sign3A_285 : i32
      %sign3A_287 = arith.extui %sign3A_286 : i1 to i32
      %sign3A_288 = arith.constant 0 : i32
      %sign3A_289 = arith.cmpi slt, %add3A_94, %sign3A_288 : i32
      %sign3A_290 = arith.extui %sign3A_289 : i1 to i32
      %sign3A_291 = arith.subi %sign3A_287, %sign3A_290 : i32
      %sign3A_292 = arith.constant 0 : i32
      %sign3A_293 = arith.cmpi sgt, %jit3A_283, %sign3A_292 : i32
      %sign3A_294 = arith.extui %sign3A_293 : i1 to i32
      %sign3A_295 = arith.constant 0 : i32
      %sign3A_296 = arith.cmpi slt, %jit3A_283, %sign3A_295 : i32
      %sign3A_297 = arith.extui %sign3A_296 : i1 to i32
      %sign3A_298 = arith.subi %sign3A_294, %sign3A_297 : i32
      %ne3A_299 = arith.cmpi ne, %sign3A_291, %sign3A_298 : i32
      %rem3A_300 = arith.remsi %add3A_94, %jit3A_283 : i32
      %ne3A_301 = arith.constant 0 : i32
      %ne3A_302 = arith.cmpi ne, %rem3A_300, %ne3A_301 : i32
      %and3A_303 = arith.andi %ne3A_299, %ne3A_302 : i1
      %sub3A_304 = arith.constant 1 : i32
      %sub3A_305 = arith.subi %div3A_284, %sub3A_304 : i32
      %select_n3A_306 = arith.select %and3A_303, %sub3A_305, %div3A_284 : i32
      %rem3A_307 = arith.constant 8 : i32
      %rem3A_308 = arith.remsi %add3A_94, %rem3A_307 : i32
      %dma_start3A_309 = arith.constant 1 : i32
      %dma_start3A_310 = arith.constant 0 : i32
      %dma_start3A_311 = arith.constant 0 : i32
      %dma_start3A_312 = tpu.memref_slice %arg9[%dma_start3A_309, %dma_start3A_310, %dma_start3A_311] : memref<2x128x128xf32, #tpu.memory_space<vmem>> -> memref<1x128x128xf32, #tpu.memory_space<vmem>>
      %dma_start3A_313 = tpu.memref_squeeze %dma_start3A_312 : memref<1x128x128xf32, #tpu.memory_space<vmem>> -> memref<128x128xf32, #tpu.memory_space<vmem>>
      %dma_start3A_314 = arith.constant 0 : i32
      %dma_start3A_315 = tpu.memref_slice %arg8[%select_n3A_306, %rem3A_308, %dma_start3A_314] : memref<5x8x128xi32, #tpu.memory_space<vmem>> -> memref<1x1x128xi32, #tpu.memory_space<vmem>>
      %dma_start3A_316 = tpu.memref_squeeze %dma_start3A_315 : memref<1x1x128xi32, #tpu.memory_space<vmem>> -> memref<128xi32, #tpu.memory_space<vmem>>
      %dma_start3A_317 = arith.constant 0 : i32
      %dma_start3A_318 = arith.constant 0 : i32
      %dma_start3A_319 = tpu.memref_slice %arg10[%dma_start3A_317, %dma_start3A_318] : memref<10240x128xf32, #tpu.memory_space<vmem_shared>> -> memref<10240x128xf32, #tpu.memory_space<vmem_shared>>
      tpu.enqueue_indirect_dma source(%dma_start3A_313 : memref<128x128xf32, #tpu.memory_space<vmem>>) target(%dma_start3A_319 : memref<10240x128xf32, #tpu.memory_space<vmem_shared>>) offsets(%dma_start3A_316 : memref<128xi32, #tpu.memory_space<vmem>>) semaphore(%arg12 : memref<!tpu.dma_semaphore, #tpu.memory_space<semaphore_mem>>)
    }
    %scan3A_31 = arith.constant 20 : i32
    %rem3A_32 = arith.constant 0 : i32
    %rem3A_33 = arith.constant 8 : i32
    %rem3A_34 = arith.remsi %rem3A_32, %rem3A_33 : i32
    %dma_wait3A_35 = arith.constant 1 : i32
    %dma_wait3A_36 = arith.constant 0 : i32
    %dma_wait3A_37 = arith.constant 0 : i32
    %dma_wait3A_38 = arith.constant 0 : i32
    %dma_wait3A_39 = tpu.memref_slice %arg9[%dma_wait3A_35, %dma_wait3A_37, %dma_wait3A_38] : memref<2x128x128xf32, #tpu.memory_space<vmem>> -> memref<1x128x128xf32, #tpu.memory_space<vmem>>
    %dma_wait3A_40 = tpu.memref_squeeze %dma_wait3A_39 : memref<1x128x128xf32, #tpu.memory_space<vmem>> -> memref<128x128xf32, #tpu.memory_space<vmem>>
    %dma_wait3A_41 = arith.constant 0 : i32
    %dma_wait3A_42 = tpu.memref_slice %arg8[%dma_wait3A_36, %rem3A_34, %dma_wait3A_41] : memref<5x8x128xi32, #tpu.memory_space<vmem>> -> memref<1x1x128xi32, #tpu.memory_space<vmem>>
    %dma_wait3A_43 = tpu.memref_squeeze %dma_wait3A_42 : memref<1x1x128xi32, #tpu.memory_space<vmem>> -> memref<128xi32, #tpu.memory_space<vmem>>
    %dma_wait3A_44 = arith.constant 0 : i32
    %dma_wait3A_45 = arith.constant 0 : i32
    %dma_wait3A_46 = tpu.memref_slice %arg10[%dma_wait3A_44, %dma_wait3A_45] : memref<10240x128xf32, #tpu.memory_space<vmem_shared>> -> memref<10240x128xf32, #tpu.memory_space<vmem_shared>>
    tpu.wait_indirect_dma semaphore(%arg12 : memref<!tpu.dma_semaphore, #tpu.memory_space<semaphore_mem>>) src(%dma_wait3A_40 : memref<128x128xf32, #tpu.memory_space<vmem>>) dst(%dma_wait3A_46 : memref<10240x128xf32, #tpu.memory_space<vmem_shared>>)
    %run_scoped3A_47 = arith.constant 1 : i32
    "tpu.region"() ({
      %run_scoped3A_90 = tpu.sem_alloc : memref<!tpu.dma_semaphore, #tpu.memory_space<semaphore_mem>>
      %dma_start3A_91 = arith.constant 0 : i32
      %dma_start3A_92 = arith.constant 0 : i32
      %dma_start3A_93 = arith.constant 0 : i32
      %dma_start3A_94 = tpu.memref_slice %arg4[%add3A, %run_scoped3A_47, %dma_start3A_91, %dma_start3A_92, %dma_start3A_93] : memref<32x2x5x8x128xi32, #tpu.memory_space<hbm>> -> memref<1x1x5x8x128xi32, #tpu.memory_space<hbm>>
      %dma_start3A_95 = tpu.memref_squeeze %dma_start3A_94 : memref<1x1x5x8x128xi32, #tpu.memory_space<hbm>> -> memref<5x8x128xi32, #tpu.memory_space<hbm>>
      %dma_start3A_96 = arith.constant 0 : i32
      %dma_start3A_97 = arith.constant 0 : i32
      %dma_start3A_98 = arith.constant 0 : i32
      %dma_start3A_99 = tpu.memref_slice %arg4[%add3A, %run_scoped3A_47, %dma_start3A_96, %dma_start3A_97, %dma_start3A_98] : memref<32x2x5x8x128xi32, #tpu.memory_space<hbm>> -> memref<1x1x5x8x128xi32, #tpu.memory_space<hbm>>
      %dma_start3A_100 = tpu.memref_squeeze %dma_start3A_99 : memref<1x1x5x8x128xi32, #tpu.memory_space<hbm>> -> memref<5x8x128xi32, #tpu.memory_space<hbm>>
      tpu.enqueue_dma source(%dma_start3A_100 : memref<5x8x128xi32, #tpu.memory_space<hbm>>) target(%arg7 : memref<5x8x128xi32, #tpu.memory_space<vmem>>) target_semaphore(%run_scoped3A_90 : memref<!tpu.dma_semaphore, #tpu.memory_space<semaphore_mem>>)
      %dma_wait3A_101 = arith.constant 0 : i32
      %dma_wait3A_102 = arith.constant 0 : i32
      %dma_wait3A_103 = arith.constant 0 : i32
      %dma_wait3A_104 = tpu.memref_slice %arg4[%add3A, %run_scoped3A_47, %dma_wait3A_101, %dma_wait3A_102, %dma_wait3A_103] : memref<32x2x5x8x128xi32, #tpu.memory_space<hbm>> -> memref<1x1x5x8x128xi32, #tpu.memory_space<hbm>>
      %dma_wait3A_105 = tpu.memref_squeeze %dma_wait3A_104 : memref<1x1x5x8x128xi32, #tpu.memory_space<hbm>> -> memref<5x8x128xi32, #tpu.memory_space<hbm>>
      %dma_wait3A_106 = arith.constant 0 : i32
      %dma_wait3A_107 = arith.constant 0 : i32
      %dma_wait3A_108 = arith.constant 0 : i32
      %dma_wait3A_109 = tpu.memref_slice %arg4[%add3A, %run_scoped3A_47, %dma_wait3A_106, %dma_wait3A_107, %dma_wait3A_108] : memref<32x2x5x8x128xi32, #tpu.memory_space<hbm>> -> memref<1x1x5x8x128xi32, #tpu.memory_space<hbm>>
      %dma_wait3A_110 = tpu.memref_squeeze %dma_wait3A_109 : memref<1x1x5x8x128xi32, #tpu.memory_space<hbm>> -> memref<5x8x128xi32, #tpu.memory_space<hbm>>
      tpu.wait_dma2 semaphore(%run_scoped3A_90 : memref<!tpu.dma_semaphore, #tpu.memory_space<semaphore_mem>>) src(%dma_wait3A_110 : memref<5x8x128xi32, #tpu.memory_space<hbm>>) dst(%arg7 : memref<5x8x128xi32, #tpu.memory_space<vmem>>)
      tpu.yield
    }) : () -> ()
    %run_scoped3A_48 = arith.constant 1 : i32
    "tpu.region"() ({
      %run_scoped3A_90 = tpu.sem_alloc : memref<!tpu.dma_semaphore, #tpu.memory_space<semaphore_mem>>
      %dma_start3A_91 = arith.constant 0 : i32
      %dma_start3A_92 = arith.constant 0 : i32
      %dma_start3A_93 = arith.constant 0 : i32
      %dma_start3A_94 = tpu.memref_slice %arg5[%add3A, %run_scoped3A_48, %dma_start3A_91, %dma_start3A_92, %dma_start3A_93] : memref<32x2x5x8x128xi32, #tpu.memory_space<hbm>> -> memref<1x1x5x8x128xi32, #tpu.memory_space<hbm>>
      %dma_start3A_95 = tpu.memref_squeeze %dma_start3A_94 : memref<1x1x5x8x128xi32, #tpu.memory_space<hbm>> -> memref<5x8x128xi32, #tpu.memory_space<hbm>>
      %dma_start3A_96 = arith.constant 0 : i32
      %dma_start3A_97 = arith.constant 0 : i32
      %dma_start3A_98 = arith.constant 0 : i32
      %dma_start3A_99 = tpu.memref_slice %arg5[%add3A, %run_scoped3A_48, %dma_start3A_96, %dma_start3A_97, %dma_start3A_98] : memref<32x2x5x8x128xi32, #tpu.memory_space<hbm>> -> memref<1x1x5x8x128xi32, #tpu.memory_space<hbm>>
      %dma_start3A_100 = tpu.memref_squeeze %dma_start3A_99 : memref<1x1x5x8x128xi32, #tpu.memory_space<hbm>> -> memref<5x8x128xi32, #tpu.memory_space<hbm>>
      tpu.enqueue_dma source(%dma_start3A_100 : memref<5x8x128xi32, #tpu.memory_space<hbm>>) target(%arg8 : memref<5x8x128xi32, #tpu.memory_space<vmem>>) target_semaphore(%run_scoped3A_90 : memref<!tpu.dma_semaphore, #tpu.memory_space<semaphore_mem>>)
      %dma_wait3A_101 = arith.constant 0 : i32
      %dma_wait3A_102 = arith.constant 0 : i32
      %dma_wait3A_103 = arith.constant 0 : i32
      %dma_wait3A_104 = tpu.memref_slice %arg5[%add3A, %run_scoped3A_48, %dma_wait3A_101, %dma_wait3A_102, %dma_wait3A_103] : memref<32x2x5x8x128xi32, #tpu.memory_space<hbm>> -> memref<1x1x5x8x128xi32, #tpu.memory_space<hbm>>
      %dma_wait3A_105 = tpu.memref_squeeze %dma_wait3A_104 : memref<1x1x5x8x128xi32, #tpu.memory_space<hbm>> -> memref<5x8x128xi32, #tpu.memory_space<hbm>>
      %dma_wait3A_106 = arith.constant 0 : i32
      %dma_wait3A_107 = arith.constant 0 : i32
      %dma_wait3A_108 = arith.constant 0 : i32
      %dma_wait3A_109 = tpu.memref_slice %arg5[%add3A, %run_scoped3A_48, %dma_wait3A_106, %dma_wait3A_107, %dma_wait3A_108] : memref<32x2x5x8x128xi32, #tpu.memory_space<hbm>> -> memref<1x1x5x8x128xi32, #tpu.memory_space<hbm>>
      %dma_wait3A_110 = tpu.memref_squeeze %dma_wait3A_109 : memref<1x1x5x8x128xi32, #tpu.memory_space<hbm>> -> memref<5x8x128xi32, #tpu.memory_space<hbm>>
      tpu.wait_dma2 semaphore(%run_scoped3A_90 : memref<!tpu.dma_semaphore, #tpu.memory_space<semaphore_mem>>) src(%dma_wait3A_110 : memref<5x8x128xi32, #tpu.memory_space<hbm>>) dst(%arg8 : memref<5x8x128xi32, #tpu.memory_space<vmem>>)
      tpu.yield
    }) : () -> ()
    %rem3A_49 = arith.constant 0 : i32
    %rem3A_50 = arith.constant 8 : i32
    %rem3A_51 = arith.remsi %rem3A_49, %rem3A_50 : i32
    %dma_start3A_52 = arith.constant 0 : i32
    %dma_start3A_53 = arith.constant 0 : i32
    %dma_start3A_54 = arith.constant 0 : i32
    %dma_start3A_55 = arith.constant 0 : i32
    %dma_start3A_56 = tpu.memref_slice %arg9[%dma_start3A_53, %dma_start3A_54, %dma_start3A_55] : memref<2x128x128xf32, #tpu.memory_space<vmem>> -> memref<1x128x128xf32, #tpu.memory_space<vmem>>
    %dma_start3A_57 = tpu.memref_squeeze %dma_start3A_56 : memref<1x128x128xf32, #tpu.memory_space<vmem>> -> memref<128x128xf32, #tpu.memory_space<vmem>>
    %dma_start3A_58 = arith.constant 0 : i32
    %dma_start3A_59 = tpu.memref_slice %arg7[%dma_start3A_52, %rem3A_51, %dma_start3A_58] : memref<5x8x128xi32, #tpu.memory_space<vmem>> -> memref<1x1x128xi32, #tpu.memory_space<vmem>>
    %dma_start3A_60 = tpu.memref_squeeze %dma_start3A_59 : memref<1x1x128xi32, #tpu.memory_space<vmem>> -> memref<128xi32, #tpu.memory_space<vmem>>
    %dma_start3A_61 = arith.constant 0 : i32
    %dma_start3A_62 = arith.constant 0 : i32
    %dma_start3A_63 = tpu.memref_slice %arg2[%dma_start3A_61, %dma_start3A_62] : memref<10240x128xf32, #tpu.memory_space<hbm>> -> memref<10240x128xf32, #tpu.memory_space<hbm>>
    tpu.enqueue_indirect_dma source(%dma_start3A_63 : memref<10240x128xf32, #tpu.memory_space<hbm>>) target(%dma_start3A_57 : memref<128x128xf32, #tpu.memory_space<vmem>>) offsets(%dma_start3A_60 : memref<128xi32, #tpu.memory_space<vmem>>) semaphore(%arg11 : memref<!tpu.dma_semaphore, #tpu.memory_space<semaphore_mem>>)
    %scan3A_64 = arith.constant 0 : i32
    %scan3A_65 = arith.constant 0 : i32
    %scan3A_66 = arith.constant 20 : i32
    %scan3A_67 = arith.addi %scan3A_65, %scan3A_66 : i32
    %scan3A_68 = arith.constant 1 : i32
    scf.for %scan3A_90 = %scan3A_65 to %scan3A_67 step %scan3A_68  : i32 {
      %mul3A_91 = arith.constant 2 : i32
      %mul3A_92 = arith.muli %mul3A_91, %scan3A_90 : i32
      %add3A_93 = arith.constant 1 : i32
      %add3A_94 = arith.addi %mul3A_92, %add3A_93 : i32
      %gt3A = arith.constant 0 : i32
      %gt3A_95 = arith.cmpi sgt, %scan3A_90, %gt3A : i32
      %convert_element_type3A_96 = arith.extui %gt3A_95 : i1 to i32
      %cond3A_97 = arith.constant 0 : i32
      %cond3A_98 = arith.cmpi ne, %convert_element_type3A_96, %cond3A_97 : i32
      scf.if %cond3A_98 {
        %jit3A_320 = arith.constant 8 : i32
        %div3A_321 = arith.divsi %mul3A_92, %jit3A_320 : i32
        %sign3A_322 = arith.constant 0 : i32
        %sign3A_323 = arith.cmpi sgt, %mul3A_92, %sign3A_322 : i32
        %sign3A_324 = arith.extui %sign3A_323 : i1 to i32
        %sign3A_325 = arith.constant 0 : i32
        %sign3A_326 = arith.cmpi slt, %mul3A_92, %sign3A_325 : i32
        %sign3A_327 = arith.extui %sign3A_326 : i1 to i32
        %sign3A_328 = arith.subi %sign3A_324, %sign3A_327 : i32
        %sign3A_329 = arith.constant 0 : i32
        %sign3A_330 = arith.cmpi sgt, %jit3A_320, %sign3A_329 : i32
        %sign3A_331 = arith.extui %sign3A_330 : i1 to i32
        %sign3A_332 = arith.constant 0 : i32
        %sign3A_333 = arith.cmpi slt, %jit3A_320, %sign3A_332 : i32
        %sign3A_334 = arith.extui %sign3A_333 : i1 to i32
        %sign3A_335 = arith.subi %sign3A_331, %sign3A_334 : i32
        %ne3A_336 = arith.cmpi ne, %sign3A_328, %sign3A_335 : i32
        %rem3A_337 = arith.remsi %mul3A_92, %jit3A_320 : i32
        %ne3A_338 = arith.constant 0 : i32
        %ne3A_339 = arith.cmpi ne, %rem3A_337, %ne3A_338 : i32
        %and3A_340 = arith.andi %ne3A_336, %ne3A_339 : i1
        %sub3A_341 = arith.constant 1 : i32
        %sub3A_342 = arith.subi %div3A_321, %sub3A_341 : i32
        %select_n3A_343 = arith.select %and3A_340, %sub3A_342, %div3A_321 : i32
        %rem3A_344 = arith.constant 8 : i32
        %rem3A_345 = arith.remsi %mul3A_92, %rem3A_344 : i32
        %dma_wait3A_346 = arith.constant 1 : i32
        %dma_wait3A_347 = arith.constant 0 : i32
        %dma_wait3A_348 = arith.constant 0 : i32
        %dma_wait3A_349 = tpu.memref_slice %arg9[%dma_wait3A_346, %dma_wait3A_347, %dma_wait3A_348] : memref<2x128x128xf32, #tpu.memory_space<vmem>> -> memref<1x128x128xf32, #tpu.memory_space<vmem>>
        %dma_wait3A_350 = tpu.memref_squeeze %dma_wait3A_349 : memref<1x128x128xf32, #tpu.memory_space<vmem>> -> memref<128x128xf32, #tpu.memory_space<vmem>>
        %dma_wait3A_351 = arith.constant 0 : i32
        %dma_wait3A_352 = tpu.memref_slice %arg8[%select_n3A_343, %rem3A_345, %dma_wait3A_351] : memref<5x8x128xi32, #tpu.memory_space<vmem>> -> memref<1x1x128xi32, #tpu.memory_space<vmem>>
        %dma_wait3A_353 = tpu.memref_squeeze %dma_wait3A_352 : memref<1x1x128xi32, #tpu.memory_space<vmem>> -> memref<128xi32, #tpu.memory_space<vmem>>
        %dma_wait3A_354 = arith.constant 0 : i32
        %dma_wait3A_355 = arith.constant 0 : i32
        %dma_wait3A_356 = tpu.memref_slice %arg10[%dma_wait3A_354, %dma_wait3A_355] : memref<10240x128xf32, #tpu.memory_space<vmem_shared>> -> memref<10240x128xf32, #tpu.memory_space<vmem_shared>>
        tpu.wait_indirect_dma semaphore(%arg12 : memref<!tpu.dma_semaphore, #tpu.memory_space<semaphore_mem>>) src(%dma_wait3A_350 : memref<128x128xf32, #tpu.memory_space<vmem>>) dst(%dma_wait3A_356 : memref<10240x128xf32, #tpu.memory_space<vmem_shared>>)
      } else {
      }
      %jit3A = arith.constant 8 : i32
      %div3A = arith.divsi %add3A_94, %jit3A : i32
      %sign3A = arith.constant 0 : i32
      %sign3A_99 = arith.cmpi sgt, %add3A_94, %sign3A : i32
      %sign3A_100 = arith.extui %sign3A_99 : i1 to i32
      %sign3A_101 = arith.constant 0 : i32
      %sign3A_102 = arith.cmpi slt, %add3A_94, %sign3A_101 : i32
      %sign3A_103 = arith.extui %sign3A_102 : i1 to i32
      %sign3A_104 = arith.subi %sign3A_100, %sign3A_103 : i32
      %sign3A_105 = arith.constant 0 : i32
      %sign3A_106 = arith.cmpi sgt, %jit3A, %sign3A_105 : i32
      %sign3A_107 = arith.extui %sign3A_106 : i1 to i32
      %sign3A_108 = arith.constant 0 : i32
      %sign3A_109 = arith.cmpi slt, %jit3A, %sign3A_108 : i32
      %sign3A_110 = arith.extui %sign3A_109 : i1 to i32
      %sign3A_111 = arith.subi %sign3A_107, %sign3A_110 : i32
      %ne3A = arith.cmpi ne, %sign3A_104, %sign3A_111 : i32
      %rem3A_112 = arith.remsi %add3A_94, %jit3A : i32
      %ne3A_113 = arith.constant 0 : i32
      %ne3A_114 = arith.cmpi ne, %rem3A_112, %ne3A_113 : i32
      %and3A = arith.andi %ne3A, %ne3A_114 : i1
      %sub3A = arith.constant 1 : i32
      %sub3A_115 = arith.subi %div3A, %sub3A : i32
      %select_n3A = arith.select %and3A, %sub3A_115, %div3A : i32
      %rem3A_116 = arith.constant 8 : i32
      %rem3A_117 = arith.remsi %add3A_94, %rem3A_116 : i32
      %dma_start3A_118 = arith.constant 1 : i32
      %dma_start3A_119 = arith.constant 0 : i32
      %dma_start3A_120 = arith.constant 0 : i32
      %dma_start3A_121 = tpu.memref_slice %arg9[%dma_start3A_118, %dma_start3A_119, %dma_start3A_120] : memref<2x128x128xf32, #tpu.memory_space<vmem>> -> memref<1x128x128xf32, #tpu.memory_space<vmem>>
      %dma_start3A_122 = tpu.memref_squeeze %dma_start3A_121 : memref<1x128x128xf32, #tpu.memory_space<vmem>> -> memref<128x128xf32, #tpu.memory_space<vmem>>
      %dma_start3A_123 = arith.constant 0 : i32
      %dma_start3A_124 = tpu.memref_slice %arg7[%select_n3A, %rem3A_117, %dma_start3A_123] : memref<5x8x128xi32, #tpu.memory_space<vmem>> -> memref<1x1x128xi32, #tpu.memory_space<vmem>>
      %dma_start3A_125 = tpu.memref_squeeze %dma_start3A_124 : memref<1x1x128xi32, #tpu.memory_space<vmem>> -> memref<128xi32, #tpu.memory_space<vmem>>
      %dma_start3A_126 = arith.constant 0 : i32
      %dma_start3A_127 = arith.constant 0 : i32
      %dma_start3A_128 = tpu.memref_slice %arg2[%dma_start3A_126, %dma_start3A_127] : memref<10240x128xf32, #tpu.memory_space<hbm>> -> memref<10240x128xf32, #tpu.memory_space<hbm>>
      tpu.enqueue_indirect_dma source(%dma_start3A_128 : memref<10240x128xf32, #tpu.memory_space<hbm>>) target(%dma_start3A_122 : memref<128x128xf32, #tpu.memory_space<vmem>>) offsets(%dma_start3A_125 : memref<128xi32, #tpu.memory_space<vmem>>) semaphore(%arg11 : memref<!tpu.dma_semaphore, #tpu.memory_space<semaphore_mem>>)
      %jit3A_129 = arith.constant 8 : i32
      %div3A_130 = arith.divsi %mul3A_92, %jit3A_129 : i32
      %sign3A_131 = arith.constant 0 : i32
      %sign3A_132 = arith.cmpi sgt, %mul3A_92, %sign3A_131 : i32
      %sign3A_133 = arith.extui %sign3A_132 : i1 to i32
      %sign3A_134 = arith.constant 0 : i32
      %sign3A_135 = arith.cmpi slt, %mul3A_92, %sign3A_134 : i32
      %sign3A_136 = arith.extui %sign3A_135 : i1 to i32
      %sign3A_137 = arith.subi %sign3A_133, %sign3A_136 : i32
      %sign3A_138 = arith.constant 0 : i32
      %sign3A_139 = arith.cmpi sgt, %jit3A_129, %sign3A_138 : i32
      %sign3A_140 = arith.extui %sign3A_139 : i1 to i32
      %sign3A_141 = arith.constant 0 : i32
      %sign3A_142 = arith.cmpi slt, %jit3A_129, %sign3A_141 : i32
      %sign3A_143 = arith.extui %sign3A_142 : i1 to i32
      %sign3A_144 = arith.subi %sign3A_140, %sign3A_143 : i32
      %ne3A_145 = arith.cmpi ne, %sign3A_137, %sign3A_144 : i32
      %rem3A_146 = arith.remsi %mul3A_92, %jit3A_129 : i32
      %ne3A_147 = arith.constant 0 : i32
      %ne3A_148 = arith.cmpi ne, %rem3A_146, %ne3A_147 : i32
      %and3A_149 = arith.andi %ne3A_145, %ne3A_148 : i1
      %sub3A_150 = arith.constant 1 : i32
      %sub3A_151 = arith.subi %div3A_130, %sub3A_150 : i32
      %select_n3A_152 = arith.select %and3A_149, %sub3A_151, %div3A_130 : i32
      %rem3A_153 = arith.constant 8 : i32
      %rem3A_154 = arith.remsi %mul3A_92, %rem3A_153 : i32
      %dma_wait3A_155 = arith.constant 0 : i32
      %dma_wait3A_156 = arith.constant 0 : i32
      %dma_wait3A_157 = arith.constant 0 : i32
      %dma_wait3A_158 = tpu.memref_slice %arg9[%dma_wait3A_155, %dma_wait3A_156, %dma_wait3A_157] : memref<2x128x128xf32, #tpu.memory_space<vmem>> -> memref<1x128x128xf32, #tpu.memory_space<vmem>>
      %dma_wait3A_159 = tpu.memref_squeeze %dma_wait3A_158 : memref<1x128x128xf32, #tpu.memory_space<vmem>> -> memref<128x128xf32, #tpu.memory_space<vmem>>
      %dma_wait3A_160 = arith.constant 0 : i32
      %dma_wait3A_161 = tpu.memref_slice %arg7[%select_n3A_152, %rem3A_154, %dma_wait3A_160] : memref<5x8x128xi32, #tpu.memory_space<vmem>> -> memref<1x1x128xi32, #tpu.memory_space<vmem>>
      %dma_wait3A_162 = tpu.memref_squeeze %dma_wait3A_161 : memref<1x1x128xi32, #tpu.memory_space<vmem>> -> memref<128xi32, #tpu.memory_space<vmem>>
      %dma_wait3A_163 = arith.constant 0 : i32
      %dma_wait3A_164 = arith.constant 0 : i32
      %dma_wait3A_165 = tpu.memref_slice %arg2[%dma_wait3A_163, %dma_wait3A_164] : memref<10240x128xf32, #tpu.memory_space<hbm>> -> memref<10240x128xf32, #tpu.memory_space<hbm>>
      tpu.wait_indirect_dma semaphore(%arg11 : memref<!tpu.dma_semaphore, #tpu.memory_space<semaphore_mem>>) src(%dma_wait3A_165 : memref<10240x128xf32, #tpu.memory_space<hbm>>) dst(%dma_wait3A_159 : memref<128x128xf32, #tpu.memory_space<vmem>>)
      %jit3A_166 = arith.constant 8 : i32
      %div3A_167 = arith.divsi %mul3A_92, %jit3A_166 : i32
      %sign3A_168 = arith.constant 0 : i32
      %sign3A_169 = arith.cmpi sgt, %mul3A_92, %sign3A_168 : i32
      %sign3A_170 = arith.extui %sign3A_169 : i1 to i32
      %sign3A_171 = arith.constant 0 : i32
      %sign3A_172 = arith.cmpi slt, %mul3A_92, %sign3A_171 : i32
      %sign3A_173 = arith.extui %sign3A_172 : i1 to i32
      %sign3A_174 = arith.subi %sign3A_170, %sign3A_173 : i32
      %sign3A_175 = arith.constant 0 : i32
      %sign3A_176 = arith.cmpi sgt, %jit3A_166, %sign3A_175 : i32
      %sign3A_177 = arith.extui %sign3A_176 : i1 to i32
      %sign3A_178 = arith.constant 0 : i32
      %sign3A_179 = arith.cmpi slt, %jit3A_166, %sign3A_178 : i32
      %sign3A_180 = arith.extui %sign3A_179 : i1 to i32
      %sign3A_181 = arith.subi %sign3A_177, %sign3A_180 : i32
      %ne3A_182 = arith.cmpi ne, %sign3A_174, %sign3A_181 : i32
      %rem3A_183 = arith.remsi %mul3A_92, %jit3A_166 : i32
      %ne3A_184 = arith.constant 0 : i32
      %ne3A_185 = arith.cmpi ne, %rem3A_183, %ne3A_184 : i32
      %and3A_186 = arith.andi %ne3A_182, %ne3A_185 : i1
      %sub3A_187 = arith.constant 1 : i32
      %sub3A_188 = arith.subi %div3A_167, %sub3A_187 : i32
      %select_n3A_189 = arith.select %and3A_186, %sub3A_188, %div3A_167 : i32
      %rem3A_190 = arith.constant 8 : i32
      %rem3A_191 = arith.remsi %mul3A_92, %rem3A_190 : i32
      %dma_start3A_192 = arith.constant 0 : i32
      %dma_start3A_193 = arith.constant 0 : i32
      %dma_start3A_194 = arith.constant 0 : i32
      %dma_start3A_195 = tpu.memref_slice %arg9[%dma_start3A_192, %dma_start3A_193, %dma_start3A_194] : memref<2x128x128xf32, #tpu.memory_space<vmem>> -> memref<1x128x128xf32, #tpu.memory_space<vmem>>
      %dma_start3A_196 = tpu.memref_squeeze %dma_start3A_195 : memref<1x128x128xf32, #tpu.memory_space<vmem>> -> memref<128x128xf32, #tpu.memory_space<vmem>>
      %dma_start3A_197 = arith.constant 0 : i32
      %dma_start3A_198 = tpu.memref_slice %arg8[%select_n3A_189, %rem3A_191, %dma_start3A_197] : memref<5x8x128xi32, #tpu.memory_space<vmem>> -> memref<1x1x128xi32, #tpu.memory_space<vmem>>
      %dma_start3A_199 = tpu.memref_squeeze %dma_start3A_198 : memref<1x1x128xi32, #tpu.memory_space<vmem>> -> memref<128xi32, #tpu.memory_space<vmem>>
      %dma_start3A_200 = arith.constant 0 : i32
      %dma_start3A_201 = arith.constant 0 : i32
      %dma_start3A_202 = tpu.memref_slice %arg10[%dma_start3A_200, %dma_start3A_201] : memref<10240x128xf32, #tpu.memory_space<vmem_shared>> -> memref<10240x128xf32, #tpu.memory_space<vmem_shared>>
      tpu.enqueue_indirect_dma source(%dma_start3A_196 : memref<128x128xf32, #tpu.memory_space<vmem>>) target(%dma_start3A_202 : memref<10240x128xf32, #tpu.memory_space<vmem_shared>>) offsets(%dma_start3A_199 : memref<128xi32, #tpu.memory_space<vmem>>) semaphore(%arg12 : memref<!tpu.dma_semaphore, #tpu.memory_space<semaphore_mem>>)
      %jit3A_203 = arith.constant 8 : i32
      %div3A_204 = arith.divsi %add3A_94, %jit3A_203 : i32
      %sign3A_205 = arith.constant 0 : i32
      %sign3A_206 = arith.cmpi sgt, %add3A_94, %sign3A_205 : i32
      %sign3A_207 = arith.extui %sign3A_206 : i1 to i32
      %sign3A_208 = arith.constant 0 : i32
      %sign3A_209 = arith.cmpi slt, %add3A_94, %sign3A_208 : i32
      %sign3A_210 = arith.extui %sign3A_209 : i1 to i32
      %sign3A_211 = arith.subi %sign3A_207, %sign3A_210 : i32
      %sign3A_212 = arith.constant 0 : i32
      %sign3A_213 = arith.cmpi sgt, %jit3A_203, %sign3A_212 : i32
      %sign3A_214 = arith.extui %sign3A_213 : i1 to i32
      %sign3A_215 = arith.constant 0 : i32
      %sign3A_216 = arith.cmpi slt, %jit3A_203, %sign3A_215 : i32
      %sign3A_217 = arith.extui %sign3A_216 : i1 to i32
      %sign3A_218 = arith.subi %sign3A_214, %sign3A_217 : i32
      %ne3A_219 = arith.cmpi ne, %sign3A_211, %sign3A_218 : i32
      %rem3A_220 = arith.remsi %add3A_94, %jit3A_203 : i32
      %ne3A_221 = arith.constant 0 : i32
      %ne3A_222 = arith.cmpi ne, %rem3A_220, %ne3A_221 : i32
      %and3A_223 = arith.andi %ne3A_219, %ne3A_222 : i1
      %sub3A_224 = arith.constant 1 : i32
      %sub3A_225 = arith.subi %div3A_204, %sub3A_224 : i32
      %select_n3A_226 = arith.select %and3A_223, %sub3A_225, %div3A_204 : i32
      %rem3A_227 = arith.constant 8 : i32
      %rem3A_228 = arith.remsi %add3A_94, %rem3A_227 : i32
      %dma_wait3A_229 = arith.constant 1 : i32
      %dma_wait3A_230 = arith.constant 0 : i32
      %dma_wait3A_231 = arith.constant 0 : i32
      %dma_wait3A_232 = tpu.memref_slice %arg9[%dma_wait3A_229, %dma_wait3A_230, %dma_wait3A_231] : memref<2x128x128xf32, #tpu.memory_space<vmem>> -> memref<1x128x128xf32, #tpu.memory_space<vmem>>
      %dma_wait3A_233 = tpu.memref_squeeze %dma_wait3A_232 : memref<1x128x128xf32, #tpu.memory_space<vmem>> -> memref<128x128xf32, #tpu.memory_space<vmem>>
      %dma_wait3A_234 = arith.constant 0 : i32
      %dma_wait3A_235 = tpu.memref_slice %arg7[%select_n3A_226, %rem3A_228, %dma_wait3A_234] : memref<5x8x128xi32, #tpu.memory_space<vmem>> -> memref<1x1x128xi32, #tpu.memory_space<vmem>>
      %dma_wait3A_236 = tpu.memref_squeeze %dma_wait3A_235 : memref<1x1x128xi32, #tpu.memory_space<vmem>> -> memref<128xi32, #tpu.memory_space<vmem>>
      %dma_wait3A_237 = arith.constant 0 : i32
      %dma_wait3A_238 = arith.constant 0 : i32
      %dma_wait3A_239 = tpu.memref_slice %arg2[%dma_wait3A_237, %dma_wait3A_238] : memref<10240x128xf32, #tpu.memory_space<hbm>> -> memref<10240x128xf32, #tpu.memory_space<hbm>>
      tpu.wait_indirect_dma semaphore(%arg11 : memref<!tpu.dma_semaphore, #tpu.memory_space<semaphore_mem>>) src(%dma_wait3A_239 : memref<10240x128xf32, #tpu.memory_space<hbm>>) dst(%dma_wait3A_233 : memref<128x128xf32, #tpu.memory_space<vmem>>)
      %jit3A_240 = arith.constant 8 : i32
      %div3A_241 = arith.divsi %mul3A_92, %jit3A_240 : i32
      %sign3A_242 = arith.constant 0 : i32
      %sign3A_243 = arith.cmpi sgt, %mul3A_92, %sign3A_242 : i32
      %sign3A_244 = arith.extui %sign3A_243 : i1 to i32
      %sign3A_245 = arith.constant 0 : i32
      %sign3A_246 = arith.cmpi slt, %mul3A_92, %sign3A_245 : i32
      %sign3A_247 = arith.extui %sign3A_246 : i1 to i32
      %sign3A_248 = arith.subi %sign3A_244, %sign3A_247 : i32
      %sign3A_249 = arith.constant 0 : i32
      %sign3A_250 = arith.cmpi sgt, %jit3A_240, %sign3A_249 : i32
      %sign3A_251 = arith.extui %sign3A_250 : i1 to i32
      %sign3A_252 = arith.constant 0 : i32
      %sign3A_253 = arith.cmpi slt, %jit3A_240, %sign3A_252 : i32
      %sign3A_254 = arith.extui %sign3A_253 : i1 to i32
      %sign3A_255 = arith.subi %sign3A_251, %sign3A_254 : i32
      %ne3A_256 = arith.cmpi ne, %sign3A_248, %sign3A_255 : i32
      %rem3A_257 = arith.remsi %mul3A_92, %jit3A_240 : i32
      %ne3A_258 = arith.constant 0 : i32
      %ne3A_259 = arith.cmpi ne, %rem3A_257, %ne3A_258 : i32
      %and3A_260 = arith.andi %ne3A_256, %ne3A_259 : i1
      %sub3A_261 = arith.constant 1 : i32
      %sub3A_262 = arith.subi %div3A_241, %sub3A_261 : i32
      %select_n3A_263 = arith.select %and3A_260, %sub3A_262, %div3A_241 : i32
      %rem3A_264 = arith.constant 8 : i32
      %rem3A_265 = arith.remsi %mul3A_92, %rem3A_264 : i32
      %dma_wait3A_266 = arith.constant 0 : i32
      %dma_wait3A_267 = arith.constant 0 : i32
      %dma_wait3A_268 = arith.constant 0 : i32
      %dma_wait3A_269 = tpu.memref_slice %arg9[%dma_wait3A_266, %dma_wait3A_267, %dma_wait3A_268] : memref<2x128x128xf32, #tpu.memory_space<vmem>> -> memref<1x128x128xf32, #tpu.memory_space<vmem>>
      %dma_wait3A_270 = tpu.memref_squeeze %dma_wait3A_269 : memref<1x128x128xf32, #tpu.memory_space<vmem>> -> memref<128x128xf32, #tpu.memory_space<vmem>>
      %dma_wait3A_271 = arith.constant 0 : i32
      %dma_wait3A_272 = tpu.memref_slice %arg8[%select_n3A_263, %rem3A_265, %dma_wait3A_271] : memref<5x8x128xi32, #tpu.memory_space<vmem>> -> memref<1x1x128xi32, #tpu.memory_space<vmem>>
      %dma_wait3A_273 = tpu.memref_squeeze %dma_wait3A_272 : memref<1x1x128xi32, #tpu.memory_space<vmem>> -> memref<128xi32, #tpu.memory_space<vmem>>
      %dma_wait3A_274 = arith.constant 0 : i32
      %dma_wait3A_275 = arith.constant 0 : i32
      %dma_wait3A_276 = tpu.memref_slice %arg10[%dma_wait3A_274, %dma_wait3A_275] : memref<10240x128xf32, #tpu.memory_space<vmem_shared>> -> memref<10240x128xf32, #tpu.memory_space<vmem_shared>>
      tpu.wait_indirect_dma semaphore(%arg12 : memref<!tpu.dma_semaphore, #tpu.memory_space<semaphore_mem>>) src(%dma_wait3A_270 : memref<128x128xf32, #tpu.memory_space<vmem>>) dst(%dma_wait3A_276 : memref<10240x128xf32, #tpu.memory_space<vmem_shared>>)
      %add3A_277 = arith.constant 2 : i32
      %add3A_278 = arith.addi %mul3A_92, %add3A_277 : i32
      %lt3A = arith.constant 40 : i32
      %lt3A_279 = arith.cmpi slt, %add3A_278, %lt3A : i32
      %convert_element_type3A_280 = arith.extui %lt3A_279 : i1 to i32
      %cond3A_281 = arith.constant 0 : i32
      %cond3A_282 = arith.cmpi ne, %convert_element_type3A_280, %cond3A_281 : i32
      scf.if %cond3A_282 {
        %add3A_320 = arith.constant 2 : i32
        %add3A_321 = arith.addi %mul3A_92, %add3A_320 : i32
        %jit3A_322 = arith.constant 8 : i32
        %div3A_323 = arith.divsi %add3A_321, %jit3A_322 : i32
        %sign3A_324 = arith.constant 0 : i32
        %sign3A_325 = arith.cmpi sgt, %add3A_321, %sign3A_324 : i32
        %sign3A_326 = arith.extui %sign3A_325 : i1 to i32
        %sign3A_327 = arith.constant 0 : i32
        %sign3A_328 = arith.cmpi slt, %add3A_321, %sign3A_327 : i32
        %sign3A_329 = arith.extui %sign3A_328 : i1 to i32
        %sign3A_330 = arith.subi %sign3A_326, %sign3A_329 : i32
        %sign3A_331 = arith.constant 0 : i32
        %sign3A_332 = arith.cmpi sgt, %jit3A_322, %sign3A_331 : i32
        %sign3A_333 = arith.extui %sign3A_332 : i1 to i32
        %sign3A_334 = arith.constant 0 : i32
        %sign3A_335 = arith.cmpi slt, %jit3A_322, %sign3A_334 : i32
        %sign3A_336 = arith.extui %sign3A_335 : i1 to i32
        %sign3A_337 = arith.subi %sign3A_333, %sign3A_336 : i32
        %ne3A_338 = arith.cmpi ne, %sign3A_330, %sign3A_337 : i32
        %rem3A_339 = arith.remsi %add3A_321, %jit3A_322 : i32
        %ne3A_340 = arith.constant 0 : i32
        %ne3A_341 = arith.cmpi ne, %rem3A_339, %ne3A_340 : i32
        %and3A_342 = arith.andi %ne3A_338, %ne3A_341 : i1
        %sub3A_343 = arith.constant 1 : i32
        %sub3A_344 = arith.subi %div3A_323, %sub3A_343 : i32
        %select_n3A_345 = arith.select %and3A_342, %sub3A_344, %div3A_323 : i32
        %rem3A_346 = arith.constant 8 : i32
        %rem3A_347 = arith.remsi %add3A_321, %rem3A_346 : i32
        %dma_start3A_348 = arith.constant 0 : i32
        %dma_start3A_349 = arith.constant 0 : i32
        %dma_start3A_350 = arith.constant 0 : i32
        %dma_start3A_351 = tpu.memref_slice %arg9[%dma_start3A_348, %dma_start3A_349, %dma_start3A_350] : memref<2x128x128xf32, #tpu.memory_space<vmem>> -> memref<1x128x128xf32, #tpu.memory_space<vmem>>
        %dma_start3A_352 = tpu.memref_squeeze %dma_start3A_351 : memref<1x128x128xf32, #tpu.memory_space<vmem>> -> memref<128x128xf32, #tpu.memory_space<vmem>>
        %dma_start3A_353 = arith.constant 0 : i32
        %dma_start3A_354 = tpu.memref_slice %arg7[%select_n3A_345, %rem3A_347, %dma_start3A_353] : memref<5x8x128xi32, #tpu.memory_space<vmem>> -> memref<1x1x128xi32, #tpu.memory_space<vmem>>
        %dma_start3A_355 = tpu.memref_squeeze %dma_start3A_354 : memref<1x1x128xi32, #tpu.memory_space<vmem>> -> memref<128xi32, #tpu.memory_space<vmem>>
        %dma_start3A_356 = arith.constant 0 : i32
        %dma_start3A_357 = arith.constant 0 : i32
        %dma_start3A_358 = tpu.memref_slice %arg2[%dma_start3A_356, %dma_start3A_357] : memref<10240x128xf32, #tpu.memory_space<hbm>> -> memref<10240x128xf32, #tpu.memory_space<hbm>>
        tpu.enqueue_indirect_dma source(%dma_start3A_358 : memref<10240x128xf32, #tpu.memory_space<hbm>>) target(%dma_start3A_352 : memref<128x128xf32, #tpu.memory_space<vmem>>) offsets(%dma_start3A_355 : memref<128xi32, #tpu.memory_space<vmem>>) semaphore(%arg11 : memref<!tpu.dma_semaphore, #tpu.memory_space<semaphore_mem>>)
      } else {
      }
      %jit3A_283 = arith.constant 8 : i32
      %div3A_284 = arith.divsi %add3A_94, %jit3A_283 : i32
      %sign3A_285 = arith.constant 0 : i32
      %sign3A_286 = arith.cmpi sgt, %add3A_94, %sign3A_285 : i32
      %sign3A_287 = arith.extui %sign3A_286 : i1 to i32
      %sign3A_288 = arith.constant 0 : i32
      %sign3A_289 = arith.cmpi slt, %add3A_94, %sign3A_288 : i32
      %sign3A_290 = arith.extui %sign3A_289 : i1 to i32
      %sign3A_291 = arith.subi %sign3A_287, %sign3A_290 : i32
      %sign3A_292 = arith.constant 0 : i32
      %sign3A_293 = arith.cmpi sgt, %jit3A_283, %sign3A_292 : i32
      %sign3A_294 = arith.extui %sign3A_293 : i1 to i32
      %sign3A_295 = arith.constant 0 : i32
      %sign3A_296 = arith.cmpi slt, %jit3A_283, %sign3A_295 : i32
      %sign3A_297 = arith.extui %sign3A_296 : i1 to i32
      %sign3A_298 = arith.subi %sign3A_294, %sign3A_297 : i32
      %ne3A_299 = arith.cmpi ne, %sign3A_291, %sign3A_298 : i32
      %rem3A_300 = arith.remsi %add3A_94, %jit3A_283 : i32
      %ne3A_301 = arith.constant 0 : i32
      %ne3A_302 = arith.cmpi ne, %rem3A_300, %ne3A_301 : i32
      %and3A_303 = arith.andi %ne3A_299, %ne3A_302 : i1
      %sub3A_304 = arith.constant 1 : i32
      %sub3A_305 = arith.subi %div3A_284, %sub3A_304 : i32
      %select_n3A_306 = arith.select %and3A_303, %sub3A_305, %div3A_284 : i32
      %rem3A_307 = arith.constant 8 : i32
      %rem3A_308 = arith.remsi %add3A_94, %rem3A_307 : i32
      %dma_start3A_309 = arith.constant 1 : i32
      %dma_start3A_310 = arith.constant 0 : i32
      %dma_start3A_311 = arith.constant 0 : i32
      %dma_start3A_312 = tpu.memref_slice %arg9[%dma_start3A_309, %dma_start3A_310, %dma_start3A_311] : memref<2x128x128xf32, #tpu.memory_space<vmem>> -> memref<1x128x128xf32, #tpu.memory_space<vmem>>
      %dma_start3A_313 = tpu.memref_squeeze %dma_start3A_312 : memref<1x128x128xf32, #tpu.memory_space<vmem>> -> memref<128x128xf32, #tpu.memory_space<vmem>>
      %dma_start3A_314 = arith.constant 0 : i32
      %dma_start3A_315 = tpu.memref_slice %arg8[%select_n3A_306, %rem3A_308, %dma_start3A_314] : memref<5x8x128xi32, #tpu.memory_space<vmem>> -> memref<1x1x128xi32, #tpu.memory_space<vmem>>
      %dma_start3A_316 = tpu.memref_squeeze %dma_start3A_315 : memref<1x1x128xi32, #tpu.memory_space<vmem>> -> memref<128xi32, #tpu.memory_space<vmem>>
      %dma_start3A_317 = arith.constant 0 : i32
      %dma_start3A_318 = arith.constant 0 : i32
      %dma_start3A_319 = tpu.memref_slice %arg10[%dma_start3A_317, %dma_start3A_318] : memref<10240x128xf32, #tpu.memory_space<vmem_shared>> -> memref<10240x128xf32, #tpu.memory_space<vmem_shared>>
      tpu.enqueue_indirect_dma source(%dma_start3A_313 : memref<128x128xf32, #tpu.memory_space<vmem>>) target(%dma_start3A_319 : memref<10240x128xf32, #tpu.memory_space<vmem_shared>>) offsets(%dma_start3A_316 : memref<128xi32, #tpu.memory_space<vmem>>) semaphore(%arg12 : memref<!tpu.dma_semaphore, #tpu.memory_space<semaphore_mem>>)
    }
    %scan3A_69 = arith.constant 20 : i32
    %rem3A_70 = arith.constant 0 : i32
    %rem3A_71 = arith.constant 8 : i32
    %rem3A_72 = arith.remsi %rem3A_70, %rem3A_71 : i32
    %dma_wait3A_73 = arith.constant 1 : i32
    %dma_wait3A_74 = arith.constant 0 : i32
    %dma_wait3A_75 = arith.constant 0 : i32
    %dma_wait3A_76 = arith.constant 0 : i32
    %dma_wait3A_77 = tpu.memref_slice %arg9[%dma_wait3A_73, %dma_wait3A_75, %dma_wait3A_76] : memref<2x128x128xf32, #tpu.memory_space<vmem>> -> memref<1x128x128xf32, #tpu.memory_space<vmem>>
    %dma_wait3A_78 = tpu.memref_squeeze %dma_wait3A_77 : memref<1x128x128xf32, #tpu.memory_space<vmem>> -> memref<128x128xf32, #tpu.memory_space<vmem>>
    %dma_wait3A_79 = arith.constant 0 : i32
    %dma_wait3A_80 = tpu.memref_slice %arg8[%dma_wait3A_74, %rem3A_72, %dma_wait3A_79] : memref<5x8x128xi32, #tpu.memory_space<vmem>> -> memref<1x1x128xi32, #tpu.memory_space<vmem>>
    %dma_wait3A_81 = tpu.memref_squeeze %dma_wait3A_80 : memref<1x1x128xi32, #tpu.memory_space<vmem>> -> memref<128xi32, #tpu.memory_space<vmem>>
    %dma_wait3A_82 = arith.constant 0 : i32
    %dma_wait3A_83 = arith.constant 0 : i32
    %dma_wait3A_84 = tpu.memref_slice %arg10[%dma_wait3A_82, %dma_wait3A_83] : memref<10240x128xf32, #tpu.memory_space<vmem_shared>> -> memref<10240x128xf32, #tpu.memory_space<vmem_shared>>
    tpu.wait_indirect_dma semaphore(%arg12 : memref<!tpu.dma_semaphore, #tpu.memory_space<semaphore_mem>>) src(%dma_wait3A_78 : memref<128x128xf32, #tpu.memory_space<vmem>>) dst(%dma_wait3A_84 : memref<10240x128xf32, #tpu.memory_space<vmem_shared>>)
    %barrier3A_85 = arith.constant 0 : index
    tpu.barrier barrier_id(%barrier3A_85)
    %mul3A_86 = arith.constant 640 : i32
    %mul3A_87 = arith.muli %arg1, %mul3A_86 : i32
    %mul3A_88 = arith.constant 640 : i32
    %mul3A_89 = arith.muli %arg1, %mul3A_88 : i32
    "tpu.region"() ({
      %run_scoped3A_90 = tpu.sem_alloc : memref<!tpu.dma_semaphore, #tpu.memory_space<semaphore_mem>>
      %dma_start3A_91 = arith.constant 0 : i32
      %dma_start3A_92 = tpu.memref_slice %arg6[%arg0, %mul3A_89, %dma_start3A_91] : memref<2x10240x128xf32, #tpu.memory_space<hbm>> -> memref<1x640x128xf32, #tpu.memory_space<hbm>>
      %dma_start3A_93 = tpu.memref_squeeze %dma_start3A_92 : memref<1x640x128xf32, #tpu.memory_space<hbm>> -> memref<640x128xf32, #tpu.memory_space<hbm>>
      %dma_start3A_94 = arith.constant 0 : i32
      %dma_start3A_95 = tpu.memref_slice %arg10[%mul3A_87, %dma_start3A_94] : memref<10240x128xf32, #tpu.memory_space<vmem_shared>> -> memref<640x128xf32, #tpu.memory_space<vmem_shared>>
      tpu.enqueue_dma source(%dma_start3A_95 : memref<640x128xf32, #tpu.memory_space<vmem_shared>>) target(%dma_start3A_93 : memref<640x128xf32, #tpu.memory_space<hbm>>) target_semaphore(%run_scoped3A_90 : memref<!tpu.dma_semaphore, #tpu.memory_space<semaphore_mem>>)
      %dma_wait3A_96 = arith.constant 0 : i32
      %dma_wait3A_97 = tpu.memref_slice %arg6[%arg0, %mul3A_89, %dma_wait3A_96] : memref<2x10240x128xf32, #tpu.memory_space<hbm>> -> memref<1x640x128xf32, #tpu.memory_space<hbm>>
      %dma_wait3A_98 = tpu.memref_squeeze %dma_wait3A_97 : memref<1x640x128xf32, #tpu.memory_space<hbm>> -> memref<640x128xf32, #tpu.memory_space<hbm>>
      %dma_wait3A_99 = arith.constant 0 : i32
      %dma_wait3A_100 = tpu.memref_slice %arg10[%mul3A_87, %dma_wait3A_99] : memref<10240x128xf32, #tpu.memory_space<vmem_shared>> -> memref<640x128xf32, #tpu.memory_space<vmem_shared>>
      tpu.wait_dma2 semaphore(%run_scoped3A_90 : memref<!tpu.dma_semaphore, #tpu.memory_space<semaphore_mem>>) src(%dma_wait3A_100 : memref<640x128xf32, #tpu.memory_space<vmem_shared>>) dst(%dma_wait3A_98 : memref<640x128xf32, #tpu.memory_space<hbm>>)
      tpu.yield
    }) : () -> ()
    return
  }
}

#map = affine_map<(d0, d1) -> (0, 0, 0, 0, 0)>
#map1 = affine_map<(d0, d1) -> (0, 0)>
#map2 = affine_map<(d0, d1) -> (0, 0, 0)>
module attributes {stable_mosaic.version = 14 : i64} {
  func.func @k(%arg0: i32, %arg1: i32, %arg2: memref<32x2x5x8x128xi32, #tpu.memory_space<hbm>>, %arg3: memref<10240x1xf32, #tpu.memory_space<hbm>>, %arg4: memref<2x10240x1xf32, #tpu.memory_space<hbm>>, %arg5: memref<5x8x128xi32, #tpu.memory_space<vmem>>, %arg6: memref<128x1xf32, #tpu.memory_space<vmem>>, %arg7: memref<10240x1xf32, #tpu.memory_space<vmem_shared>>, %arg8: memref<!tpu.dma_semaphore, #tpu.memory_space<semaphore_mem>>) attributes {dimension_semantics = [#tpu.dimension_semantics<core_parallel>, #tpu.dimension_semantics<subcore_parallel>], iteration_bounds = array<i64: 2, 16>, scalar_prefetch = 0 : i64, scratch_operands = 4 : i64, tpu.core_type = #tpu.core_type<sc_vector_subcore>, window_params = [{transform_indices = #map}, {transform_indices = #map1}, {transform_indices = #map2}]} {
    %mul3A = arith.constant 16 : i32
    %mul3A_0 = arith.muli %arg0, %mul3A : i32
    %add3A = arith.addi %mul3A_0, %arg1 : i32
    "tpu.region"() ({
      %run_scoped3A_34 = tpu.sem_alloc : memref<!tpu.dma_semaphore, #tpu.memory_space<semaphore_mem>>
      %dma_start3A = arith.constant 0 : i32
      %dma_start3A_35 = arith.constant 0 : i32
      %dma_start3A_36 = tpu.memref_slice %arg3[%dma_start3A, %dma_start3A_35] : memref<10240x1xf32, #tpu.memory_space<hbm>> -> memref<128x1xf32, #tpu.memory_space<hbm>>
      %dma_start3A_37 = arith.constant 0 : i32
      %dma_start3A_38 = arith.constant 0 : i32
      %dma_start3A_39 = tpu.memref_slice %arg3[%dma_start3A_37, %dma_start3A_38] : memref<10240x1xf32, #tpu.memory_space<hbm>> -> memref<128x1xf32, #tpu.memory_space<hbm>>
      tpu.enqueue_dma source(%dma_start3A_39 : memref<128x1xf32, #tpu.memory_space<hbm>>) target(%arg6 : memref<128x1xf32, #tpu.memory_space<vmem>>) target_semaphore(%run_scoped3A_34 : memref<!tpu.dma_semaphore, #tpu.memory_space<semaphore_mem>>)
      %dma_wait3A = arith.constant 0 : i32
      %dma_wait3A_40 = arith.constant 0 : i32
      %dma_wait3A_41 = tpu.memref_slice %arg3[%dma_wait3A, %dma_wait3A_40] : memref<10240x1xf32, #tpu.memory_space<hbm>> -> memref<128x1xf32, #tpu.memory_space<hbm>>
      %dma_wait3A_42 = arith.constant 0 : i32
      %dma_wait3A_43 = arith.constant 0 : i32
      %dma_wait3A_44 = tpu.memref_slice %arg3[%dma_wait3A_42, %dma_wait3A_43] : memref<10240x1xf32, #tpu.memory_space<hbm>> -> memref<128x1xf32, #tpu.memory_space<hbm>>
      tpu.wait_dma2 semaphore(%run_scoped3A_34 : memref<!tpu.dma_semaphore, #tpu.memory_space<semaphore_mem>>) src(%dma_wait3A_44 : memref<128x1xf32, #tpu.memory_space<hbm>>) dst(%arg6 : memref<128x1xf32, #tpu.memory_space<vmem>>)
      tpu.yield
    }) : () -> ()
    %mul3A_1 = arith.constant 640 : i32
    %mul3A_2 = arith.muli %arg1, %mul3A_1 : i32
    %mul3A_3 = arith.constant 640 : i32
    %mul3A_4 = arith.muli %arg1, %mul3A_3 : i32
    "tpu.region"() ({
      %run_scoped3A_34 = tpu.sem_alloc : memref<!tpu.dma_semaphore, #tpu.memory_space<semaphore_mem>>
      %dma_start3A = arith.constant 0 : i32
      %dma_start3A_35 = tpu.memref_slice %arg7[%mul3A_4, %dma_start3A] : memref<10240x1xf32, #tpu.memory_space<vmem_shared>> -> memref<640x1xf32, #tpu.memory_space<vmem_shared>>
      %dma_start3A_36 = arith.constant 0 : i32
      %dma_start3A_37 = tpu.memref_slice %arg3[%mul3A_2, %dma_start3A_36] : memref<10240x1xf32, #tpu.memory_space<hbm>> -> memref<640x1xf32, #tpu.memory_space<hbm>>
      tpu.enqueue_dma source(%dma_start3A_37 : memref<640x1xf32, #tpu.memory_space<hbm>>) target(%dma_start3A_35 : memref<640x1xf32, #tpu.memory_space<vmem_shared>>) target_semaphore(%run_scoped3A_34 : memref<!tpu.dma_semaphore, #tpu.memory_space<semaphore_mem>>)
      %dma_wait3A = arith.constant 0 : i32
      %dma_wait3A_38 = tpu.memref_slice %arg7[%mul3A_4, %dma_wait3A] : memref<10240x1xf32, #tpu.memory_space<vmem_shared>> -> memref<640x1xf32, #tpu.memory_space<vmem_shared>>
      %dma_wait3A_39 = arith.constant 0 : i32
      %dma_wait3A_40 = tpu.memref_slice %arg3[%mul3A_2, %dma_wait3A_39] : memref<10240x1xf32, #tpu.memory_space<hbm>> -> memref<640x1xf32, #tpu.memory_space<hbm>>
      tpu.wait_dma2 semaphore(%run_scoped3A_34 : memref<!tpu.dma_semaphore, #tpu.memory_space<semaphore_mem>>) src(%dma_wait3A_40 : memref<640x1xf32, #tpu.memory_space<hbm>>) dst(%dma_wait3A_38 : memref<640x1xf32, #tpu.memory_space<vmem_shared>>)
      tpu.yield
    }) : () -> ()
    %barrier3A = arith.constant 0 : index
    tpu.barrier barrier_id(%barrier3A)
    %run_scoped3A = arith.constant 0 : i32
    "tpu.region"() ({
      %run_scoped3A_34 = tpu.sem_alloc : memref<!tpu.dma_semaphore, #tpu.memory_space<semaphore_mem>>
      %dma_start3A = arith.constant 0 : i32
      %dma_start3A_35 = arith.constant 0 : i32
      %dma_start3A_36 = arith.constant 0 : i32
      %dma_start3A_37 = tpu.memref_slice %arg2[%add3A, %run_scoped3A, %dma_start3A, %dma_start3A_35, %dma_start3A_36] : memref<32x2x5x8x128xi32, #tpu.memory_space<hbm>> -> memref<1x1x5x8x128xi32, #tpu.memory_space<hbm>>
      %dma_start3A_38 = tpu.memref_squeeze %dma_start3A_37 : memref<1x1x5x8x128xi32, #tpu.memory_space<hbm>> -> memref<5x8x128xi32, #tpu.memory_space<hbm>>
      %dma_start3A_39 = arith.constant 0 : i32
      %dma_start3A_40 = arith.constant 0 : i32
      %dma_start3A_41 = arith.constant 0 : i32
      %dma_start3A_42 = tpu.memref_slice %arg2[%add3A, %run_scoped3A, %dma_start3A_39, %dma_start3A_40, %dma_start3A_41] : memref<32x2x5x8x128xi32, #tpu.memory_space<hbm>> -> memref<1x1x5x8x128xi32, #tpu.memory_space<hbm>>
      %dma_start3A_43 = tpu.memref_squeeze %dma_start3A_42 : memref<1x1x5x8x128xi32, #tpu.memory_space<hbm>> -> memref<5x8x128xi32, #tpu.memory_space<hbm>>
      tpu.enqueue_dma source(%dma_start3A_43 : memref<5x8x128xi32, #tpu.memory_space<hbm>>) target(%arg5 : memref<5x8x128xi32, #tpu.memory_space<vmem>>) target_semaphore(%run_scoped3A_34 : memref<!tpu.dma_semaphore, #tpu.memory_space<semaphore_mem>>)
      %dma_wait3A = arith.constant 0 : i32
      %dma_wait3A_44 = arith.constant 0 : i32
      %dma_wait3A_45 = arith.constant 0 : i32
      %dma_wait3A_46 = tpu.memref_slice %arg2[%add3A, %run_scoped3A, %dma_wait3A, %dma_wait3A_44, %dma_wait3A_45] : memref<32x2x5x8x128xi32, #tpu.memory_space<hbm>> -> memref<1x1x5x8x128xi32, #tpu.memory_space<hbm>>
      %dma_wait3A_47 = tpu.memref_squeeze %dma_wait3A_46 : memref<1x1x5x8x128xi32, #tpu.memory_space<hbm>> -> memref<5x8x128xi32, #tpu.memory_space<hbm>>
      %dma_wait3A_48 = arith.constant 0 : i32
      %dma_wait3A_49 = arith.constant 0 : i32
      %dma_wait3A_50 = arith.constant 0 : i32
      %dma_wait3A_51 = tpu.memref_slice %arg2[%add3A, %run_scoped3A, %dma_wait3A_48, %dma_wait3A_49, %dma_wait3A_50] : memref<32x2x5x8x128xi32, #tpu.memory_space<hbm>> -> memref<1x1x5x8x128xi32, #tpu.memory_space<hbm>>
      %dma_wait3A_52 = tpu.memref_squeeze %dma_wait3A_51 : memref<1x1x5x8x128xi32, #tpu.memory_space<hbm>> -> memref<5x8x128xi32, #tpu.memory_space<hbm>>
      tpu.wait_dma2 semaphore(%run_scoped3A_34 : memref<!tpu.dma_semaphore, #tpu.memory_space<semaphore_mem>>) src(%dma_wait3A_52 : memref<5x8x128xi32, #tpu.memory_space<hbm>>) dst(%arg5 : memref<5x8x128xi32, #tpu.memory_space<vmem>>)
      tpu.yield
    }) : () -> ()
    %scan3A = arith.constant 0 : i32
    %scan3A_5 = arith.constant 0 : i32
    %scan3A_6 = arith.constant 40 : i32
    %scan3A_7 = arith.addi %scan3A_5, %scan3A_6 : i32
    %scan3A_8 = arith.constant 1 : i32
    scf.for %scan3A_34 = %scan3A_5 to %scan3A_7 step %scan3A_8  : i32 {
      %jit3A = arith.constant 8 : i32
      %div3A = arith.divsi %scan3A_34, %jit3A : i32
      %sign3A = arith.constant 0 : i32
      %sign3A_35 = arith.cmpi sgt, %scan3A_34, %sign3A : i32
      %sign3A_36 = arith.extui %sign3A_35 : i1 to i32
      %sign3A_37 = arith.constant 0 : i32
      %sign3A_38 = arith.cmpi slt, %scan3A_34, %sign3A_37 : i32
      %sign3A_39 = arith.extui %sign3A_38 : i1 to i32
      %sign3A_40 = arith.subi %sign3A_36, %sign3A_39 : i32
      %sign3A_41 = arith.constant 0 : i32
      %sign3A_42 = arith.cmpi sgt, %jit3A, %sign3A_41 : i32
      %sign3A_43 = arith.extui %sign3A_42 : i1 to i32
      %sign3A_44 = arith.constant 0 : i32
      %sign3A_45 = arith.cmpi slt, %jit3A, %sign3A_44 : i32
      %sign3A_46 = arith.extui %sign3A_45 : i1 to i32
      %sign3A_47 = arith.subi %sign3A_43, %sign3A_46 : i32
      %ne3A = arith.cmpi ne, %sign3A_40, %sign3A_47 : i32
      %rem3A = arith.remsi %scan3A_34, %jit3A : i32
      %ne3A_48 = arith.constant 0 : i32
      %ne3A_49 = arith.cmpi ne, %rem3A, %ne3A_48 : i32
      %and3A = arith.andi %ne3A, %ne3A_49 : i1
      %sub3A = arith.constant 1 : i32
      %sub3A_50 = arith.subi %div3A, %sub3A : i32
      %select_n3A = arith.select %and3A, %sub3A_50, %div3A : i32
      %rem3A_51 = arith.constant 8 : i32
      %rem3A_52 = arith.remsi %scan3A_34, %rem3A_51 : i32
      %dma_start3A = arith.constant 0 : i32
      %dma_start3A_53 = tpu.memref_slice %arg5[%select_n3A, %rem3A_52, %dma_start3A] : memref<5x8x128xi32, #tpu.memory_space<vmem>> -> memref<1x1x128xi32, #tpu.memory_space<vmem>>
      %dma_start3A_54 = tpu.memref_squeeze %dma_start3A_53 : memref<1x1x128xi32, #tpu.memory_space<vmem>> -> memref<128xi32, #tpu.memory_space<vmem>>
      %dma_start3A_55 = arith.constant 0 : i32
      %dma_start3A_56 = arith.constant 0 : i32
      %dma_start3A_57 = tpu.memref_slice %arg7[%dma_start3A_55, %dma_start3A_56] : memref<10240x1xf32, #tpu.memory_space<vmem_shared>> -> memref<10240x1xf32, #tpu.memory_space<vmem_shared>>
      tpu.enqueue_indirect_dma source(%arg6 : memref<128x1xf32, #tpu.memory_space<vmem>>) target(%dma_start3A_57 : memref<10240x1xf32, #tpu.memory_space<vmem_shared>>) offsets(%dma_start3A_54 : memref<128xi32, #tpu.memory_space<vmem>>) semaphore(%arg8 : memref<!tpu.dma_semaphore, #tpu.memory_space<semaphore_mem>>)
    }
    %scan3A_9 = arith.constant 40 : i32
    %scan3A_10 = arith.constant 0 : i32
    %scan3A_11 = arith.constant 0 : i32
    %scan3A_12 = arith.constant 40 : i32
    %scan3A_13 = arith.addi %scan3A_11, %scan3A_12 : i32
    %scan3A_14 = arith.constant 1 : i32
    scf.for %scan3A_34 = %scan3A_11 to %scan3A_13 step %scan3A_14  : i32 {
      %dma_wait3A = arith.constant 0 : i32
      %dma_wait3A_35 = arith.constant 0 : i32
      %dma_wait3A_36 = arith.constant 0 : i32
      %dma_wait3A_37 = tpu.memref_slice %arg5[%dma_wait3A, %dma_wait3A_35, %dma_wait3A_36] : memref<5x8x128xi32, #tpu.memory_space<vmem>> -> memref<1x1x128xi32, #tpu.memory_space<vmem>>
      %dma_wait3A_38 = tpu.memref_squeeze %dma_wait3A_37 : memref<1x1x128xi32, #tpu.memory_space<vmem>> -> memref<128xi32, #tpu.memory_space<vmem>>
      %dma_wait3A_39 = arith.constant 0 : i32
      %dma_wait3A_40 = arith.constant 0 : i32
      %dma_wait3A_41 = tpu.memref_slice %arg7[%dma_wait3A_39, %dma_wait3A_40] : memref<10240x1xf32, #tpu.memory_space<vmem_shared>> -> memref<10240x1xf32, #tpu.memory_space<vmem_shared>>
      tpu.wait_indirect_dma semaphore(%arg8 : memref<!tpu.dma_semaphore, #tpu.memory_space<semaphore_mem>>) src(%arg6 : memref<128x1xf32, #tpu.memory_space<vmem>>) dst(%dma_wait3A_41 : memref<10240x1xf32, #tpu.memory_space<vmem_shared>>)
    }
    %scan3A_15 = arith.constant 40 : i32
    %run_scoped3A_16 = arith.constant 1 : i32
    "tpu.region"() ({
      %run_scoped3A_34 = tpu.sem_alloc : memref<!tpu.dma_semaphore, #tpu.memory_space<semaphore_mem>>
      %dma_start3A = arith.constant 0 : i32
      %dma_start3A_35 = arith.constant 0 : i32
      %dma_start3A_36 = arith.constant 0 : i32
      %dma_start3A_37 = tpu.memref_slice %arg2[%add3A, %run_scoped3A_16, %dma_start3A, %dma_start3A_35, %dma_start3A_36] : memref<32x2x5x8x128xi32, #tpu.memory_space<hbm>> -> memref<1x1x5x8x128xi32, #tpu.memory_space<hbm>>
      %dma_start3A_38 = tpu.memref_squeeze %dma_start3A_37 : memref<1x1x5x8x128xi32, #tpu.memory_space<hbm>> -> memref<5x8x128xi32, #tpu.memory_space<hbm>>
      %dma_start3A_39 = arith.constant 0 : i32
      %dma_start3A_40 = arith.constant 0 : i32
      %dma_start3A_41 = arith.constant 0 : i32
      %dma_start3A_42 = tpu.memref_slice %arg2[%add3A, %run_scoped3A_16, %dma_start3A_39, %dma_start3A_40, %dma_start3A_41] : memref<32x2x5x8x128xi32, #tpu.memory_space<hbm>> -> memref<1x1x5x8x128xi32, #tpu.memory_space<hbm>>
      %dma_start3A_43 = tpu.memref_squeeze %dma_start3A_42 : memref<1x1x5x8x128xi32, #tpu.memory_space<hbm>> -> memref<5x8x128xi32, #tpu.memory_space<hbm>>
      tpu.enqueue_dma source(%dma_start3A_43 : memref<5x8x128xi32, #tpu.memory_space<hbm>>) target(%arg5 : memref<5x8x128xi32, #tpu.memory_space<vmem>>) target_semaphore(%run_scoped3A_34 : memref<!tpu.dma_semaphore, #tpu.memory_space<semaphore_mem>>)
      %dma_wait3A = arith.constant 0 : i32
      %dma_wait3A_44 = arith.constant 0 : i32
      %dma_wait3A_45 = arith.constant 0 : i32
      %dma_wait3A_46 = tpu.memref_slice %arg2[%add3A, %run_scoped3A_16, %dma_wait3A, %dma_wait3A_44, %dma_wait3A_45] : memref<32x2x5x8x128xi32, #tpu.memory_space<hbm>> -> memref<1x1x5x8x128xi32, #tpu.memory_space<hbm>>
      %dma_wait3A_47 = tpu.memref_squeeze %dma_wait3A_46 : memref<1x1x5x8x128xi32, #tpu.memory_space<hbm>> -> memref<5x8x128xi32, #tpu.memory_space<hbm>>
      %dma_wait3A_48 = arith.constant 0 : i32
      %dma_wait3A_49 = arith.constant 0 : i32
      %dma_wait3A_50 = arith.constant 0 : i32
      %dma_wait3A_51 = tpu.memref_slice %arg2[%add3A, %run_scoped3A_16, %dma_wait3A_48, %dma_wait3A_49, %dma_wait3A_50] : memref<32x2x5x8x128xi32, #tpu.memory_space<hbm>> -> memref<1x1x5x8x128xi32, #tpu.memory_space<hbm>>
      %dma_wait3A_52 = tpu.memref_squeeze %dma_wait3A_51 : memref<1x1x5x8x128xi32, #tpu.memory_space<hbm>> -> memref<5x8x128xi32, #tpu.memory_space<hbm>>
      tpu.wait_dma2 semaphore(%run_scoped3A_34 : memref<!tpu.dma_semaphore, #tpu.memory_space<semaphore_mem>>) src(%dma_wait3A_52 : memref<5x8x128xi32, #tpu.memory_space<hbm>>) dst(%arg5 : memref<5x8x128xi32, #tpu.memory_space<vmem>>)
      tpu.yield
    }) : () -> ()
    %scan3A_17 = arith.constant 0 : i32
    %scan3A_18 = arith.constant 0 : i32
    %scan3A_19 = arith.constant 40 : i32
    %scan3A_20 = arith.addi %scan3A_18, %scan3A_19 : i32
    %scan3A_21 = arith.constant 1 : i32
    scf.for %scan3A_34 = %scan3A_18 to %scan3A_20 step %scan3A_21  : i32 {
      %jit3A = arith.constant 8 : i32
      %div3A = arith.divsi %scan3A_34, %jit3A : i32
      %sign3A = arith.constant 0 : i32
      %sign3A_35 = arith.cmpi sgt, %scan3A_34, %sign3A : i32
      %sign3A_36 = arith.extui %sign3A_35 : i1 to i32
      %sign3A_37 = arith.constant 0 : i32
      %sign3A_38 = arith.cmpi slt, %scan3A_34, %sign3A_37 : i32
      %sign3A_39 = arith.extui %sign3A_38 : i1 to i32
      %sign3A_40 = arith.subi %sign3A_36, %sign3A_39 : i32
      %sign3A_41 = arith.constant 0 : i32
      %sign3A_42 = arith.cmpi sgt, %jit3A, %sign3A_41 : i32
      %sign3A_43 = arith.extui %sign3A_42 : i1 to i32
      %sign3A_44 = arith.constant 0 : i32
      %sign3A_45 = arith.cmpi slt, %jit3A, %sign3A_44 : i32
      %sign3A_46 = arith.extui %sign3A_45 : i1 to i32
      %sign3A_47 = arith.subi %sign3A_43, %sign3A_46 : i32
      %ne3A = arith.cmpi ne, %sign3A_40, %sign3A_47 : i32
      %rem3A = arith.remsi %scan3A_34, %jit3A : i32
      %ne3A_48 = arith.constant 0 : i32
      %ne3A_49 = arith.cmpi ne, %rem3A, %ne3A_48 : i32
      %and3A = arith.andi %ne3A, %ne3A_49 : i1
      %sub3A = arith.constant 1 : i32
      %sub3A_50 = arith.subi %div3A, %sub3A : i32
      %select_n3A = arith.select %and3A, %sub3A_50, %div3A : i32
      %rem3A_51 = arith.constant 8 : i32
      %rem3A_52 = arith.remsi %scan3A_34, %rem3A_51 : i32
      %dma_start3A = arith.constant 0 : i32
      %dma_start3A_53 = tpu.memref_slice %arg5[%select_n3A, %rem3A_52, %dma_start3A] : memref<5x8x128xi32, #tpu.memory_space<vmem>> -> memref<1x1x128xi32, #tpu.memory_space<vmem>>
      %dma_start3A_54 = tpu.memref_squeeze %dma_start3A_53 : memref<1x1x128xi32, #tpu.memory_space<vmem>> -> memref<128xi32, #tpu.memory_space<vmem>>
      %dma_start3A_55 = arith.constant 0 : i32
      %dma_start3A_56 = arith.constant 0 : i32
      %dma_start3A_57 = tpu.memref_slice %arg7[%dma_start3A_55, %dma_start3A_56] : memref<10240x1xf32, #tpu.memory_space<vmem_shared>> -> memref<10240x1xf32, #tpu.memory_space<vmem_shared>>
      tpu.enqueue_indirect_dma source(%arg6 : memref<128x1xf32, #tpu.memory_space<vmem>>) target(%dma_start3A_57 : memref<10240x1xf32, #tpu.memory_space<vmem_shared>>) offsets(%dma_start3A_54 : memref<128xi32, #tpu.memory_space<vmem>>) semaphore(%arg8 : memref<!tpu.dma_semaphore, #tpu.memory_space<semaphore_mem>>)
    }
    %scan3A_22 = arith.constant 40 : i32
    %scan3A_23 = arith.constant 0 : i32
    %scan3A_24 = arith.constant 0 : i32
    %scan3A_25 = arith.constant 40 : i32
    %scan3A_26 = arith.addi %scan3A_24, %scan3A_25 : i32
    %scan3A_27 = arith.constant 1 : i32
    scf.for %scan3A_34 = %scan3A_24 to %scan3A_26 step %scan3A_27  : i32 {
      %dma_wait3A = arith.constant 0 : i32
      %dma_wait3A_35 = arith.constant 0 : i32
      %dma_wait3A_36 = arith.constant 0 : i32
      %dma_wait3A_37 = tpu.memref_slice %arg5[%dma_wait3A, %dma_wait3A_35, %dma_wait3A_36] : memref<5x8x128xi32, #tpu.memory_space<vmem>> -> memref<1x1x128xi32, #tpu.memory_space<vmem>>
      %dma_wait3A_38 = tpu.memref_squeeze %dma_wait3A_37 : memref<1x1x128xi32, #tpu.memory_space<vmem>> -> memref<128xi32, #tpu.memory_space<vmem>>
      %dma_wait3A_39 = arith.constant 0 : i32
      %dma_wait3A_40 = arith.constant 0 : i32
      %dma_wait3A_41 = tpu.memref_slice %arg7[%dma_wait3A_39, %dma_wait3A_40] : memref<10240x1xf32, #tpu.memory_space<vmem_shared>> -> memref<10240x1xf32, #tpu.memory_space<vmem_shared>>
      tpu.wait_indirect_dma semaphore(%arg8 : memref<!tpu.dma_semaphore, #tpu.memory_space<semaphore_mem>>) src(%arg6 : memref<128x1xf32, #tpu.memory_space<vmem>>) dst(%dma_wait3A_41 : memref<10240x1xf32, #tpu.memory_space<vmem_shared>>)
    }
    %scan3A_28 = arith.constant 40 : i32
    %barrier3A_29 = arith.constant 0 : index
    tpu.barrier barrier_id(%barrier3A_29)
    %mul3A_30 = arith.constant 640 : i32
    %mul3A_31 = arith.muli %arg1, %mul3A_30 : i32
    %mul3A_32 = arith.constant 640 : i32
    %mul3A_33 = arith.muli %arg1, %mul3A_32 : i32
    "tpu.region"() ({
      %run_scoped3A_34 = tpu.sem_alloc : memref<!tpu.dma_semaphore, #tpu.memory_space<semaphore_mem>>
      %dma_start3A = arith.constant 0 : i32
      %dma_start3A_35 = tpu.memref_slice %arg4[%arg0, %mul3A_33, %dma_start3A] : memref<2x10240x1xf32, #tpu.memory_space<hbm>> -> memref<1x640x1xf32, #tpu.memory_space<hbm>>
      %dma_start3A_36 = tpu.memref_squeeze %dma_start3A_35 : memref<1x640x1xf32, #tpu.memory_space<hbm>> -> memref<640x1xf32, #tpu.memory_space<hbm>>
      %dma_start3A_37 = arith.constant 0 : i32
      %dma_start3A_38 = tpu.memref_slice %arg7[%mul3A_31, %dma_start3A_37] : memref<10240x1xf32, #tpu.memory_space<vmem_shared>> -> memref<640x1xf32, #tpu.memory_space<vmem_shared>>
      tpu.enqueue_dma source(%dma_start3A_38 : memref<640x1xf32, #tpu.memory_space<vmem_shared>>) target(%dma_start3A_36 : memref<640x1xf32, #tpu.memory_space<hbm>>) target_semaphore(%run_scoped3A_34 : memref<!tpu.dma_semaphore, #tpu.memory_space<semaphore_mem>>)
      %dma_wait3A = arith.constant 0 : i32
      %dma_wait3A_39 = tpu.memref_slice %arg4[%arg0, %mul3A_33, %dma_wait3A] : memref<2x10240x1xf32, #tpu.memory_space<hbm>> -> memref<1x640x1xf32, #tpu.memory_space<hbm>>
      %dma_wait3A_40 = tpu.memref_squeeze %dma_wait3A_39 : memref<1x640x1xf32, #tpu.memory_space<hbm>> -> memref<640x1xf32, #tpu.memory_space<hbm>>
      %dma_wait3A_41 = arith.constant 0 : i32
      %dma_wait3A_42 = tpu.memref_slice %arg7[%mul3A_31, %dma_wait3A_41] : memref<10240x1xf32, #tpu.memory_space<vmem_shared>> -> memref<640x1xf32, #tpu.memory_space<vmem_shared>>
      tpu.wait_dma2 semaphore(%run_scoped3A_34 : memref<!tpu.dma_semaphore, #tpu.memory_space<semaphore_mem>>) src(%dma_wait3A_42 : memref<640x1xf32, #tpu.memory_space<vmem_shared>>) dst(%dma_wait3A_40 : memref<640x1xf32, #tpu.memory_space<hbm>>)
      tpu.yield
    }) : () -> ()
    return
  }
}

#map = affine_map<(d0, d1) -> (0, 0)>
#map1 = affine_map<(d0, d1) -> (0, 0, 0, 0, 0)>
#map2 = affine_map<(d0, d1) -> (0, 0, 0)>
module attributes {stable_mosaic.version = 14 : i64} {
  func.func @k(%arg0: i32, %arg1: i32, %arg2: memref<10240x128xf32, #tpu.memory_space<hbm>>, %arg3: memref<640x128xf32, #tpu.memory_space<hbm>>, %arg4: memref<32x2x5x8x128xi32, #tpu.memory_space<hbm>>, %arg5: memref<32x2x5x8x128xi32, #tpu.memory_space<hbm>>, %arg6: memref<2x10240x128xf32, #tpu.memory_space<hbm>>, %arg7: memref<5x8x128xi32, #tpu.memory_space<vmem>>, %arg8: memref<5x8x128xi32, #tpu.memory_space<vmem>>, %arg9: memref<2x128x128xf32, #tpu.memory_space<vmem>>, %arg10: memref<10240x128xf32, #tpu.memory_space<vmem_shared>>, %arg11: memref<!tpu.dma_semaphore, #tpu.memory_space<semaphore_mem>>, %arg12: memref<!tpu.dma_semaphore, #tpu.memory_space<semaphore_mem>>, %arg13: memref<!tpu.dma_semaphore, #tpu.memory_space<semaphore_mem>>) attributes {dimension_semantics = [#tpu.dimension_semantics<core_parallel>, #tpu.dimension_semantics<subcore_parallel>], iteration_bounds = array<i64: 2, 16>, scalar_prefetch = 0 : i64, scratch_operands = 7 : i64, tpu.core_type = #tpu.core_type<sc_vector_subcore>, window_params = [{transform_indices = #map}, {transform_indices = #map}, {transform_indices = #map1}, {transform_indices = #map1}, {transform_indices = #map2}]} {
    %mul3A = arith.constant 16 : i32
    %mul3A_0 = arith.muli %arg0, %mul3A : i32
    %add3A = arith.addi %mul3A_0, %arg1 : i32
    %eq3A = arith.constant 0 : i32
    %eq3A_1 = arith.cmpi eq, %arg0, %eq3A : i32
    %convert_element_type3A = arith.extui %eq3A_1 : i1 to i32
    %cond3A = arith.constant 0 : i32
    %cond3A_2 = arith.cmpi ne, %convert_element_type3A, %cond3A : i32
    scf.if %cond3A_2 {
      %mul3A_90 = arith.constant 640 : i32
      %mul3A_91 = arith.muli %arg1, %mul3A_90 : i32
      %mul3A_92 = arith.constant 640 : i32
      %mul3A_93 = arith.muli %arg1, %mul3A_92 : i32
      %dma_start3A_94 = arith.constant 0 : i32
      %dma_start3A_95 = tpu.memref_slice %arg10[%mul3A_93, %dma_start3A_94] : memref<10240x128xf32, #tpu.memory_space<vmem_shared>> -> memref<640x128xf32, #tpu.memory_space<vmem_shared>>
      %dma_start3A_96 = arith.constant 0 : i32
      %dma_start3A_97 = tpu.memref_slice %arg2[%mul3A_91, %dma_start3A_96] : memref<10240x128xf32, #tpu.memory_space<hbm>> -> memref<640x128xf32, #tpu.memory_space<hbm>>
      tpu.enqueue_dma source(%dma_start3A_97 : memref<640x128xf32, #tpu.memory_space<hbm>>) target(%dma_start3A_95 : memref<640x128xf32, #tpu.memory_space<vmem_shared>>) target_semaphore(%arg13 : memref<!tpu.dma_semaphore, #tpu.memory_space<semaphore_mem>>)
    } else {
    }
    %eq3A_3 = arith.constant 1 : i32
    %eq3A_4 = arith.cmpi eq, %arg0, %eq3A_3 : i32
    %convert_element_type3A_5 = arith.extui %eq3A_4 : i1 to i32
    %cond3A_6 = arith.constant 0 : i32
    %cond3A_7 = arith.cmpi ne, %convert_element_type3A_5, %cond3A_6 : i32
    scf.if %cond3A_7 {
      %mul3A_90 = arith.constant 640 : i32
      %mul3A_91 = arith.muli %arg1, %mul3A_90 : i32
      %dma_start3A_92 = arith.constant 0 : i32
      %dma_start3A_93 = tpu.memref_slice %arg10[%mul3A_91, %dma_start3A_92] : memref<10240x128xf32, #tpu.memory_space<vmem_shared>> -> memref<640x128xf32, #tpu.memory_space<vmem_shared>>
      tpu.enqueue_dma source(%arg3 : memref<640x128xf32, #tpu.memory_space<hbm>>) target(%dma_start3A_93 : memref<640x128xf32, #tpu.memory_space<vmem_shared>>) target_semaphore(%arg13 : memref<!tpu.dma_semaphore, #tpu.memory_space<semaphore_mem>>)
    } else {
    }
    %run_scoped3A = arith.constant 0 : i32
    "tpu.region"() ({
      %run_scoped3A_90 = tpu.sem_alloc : memref<!tpu.dma_semaphore, #tpu.memory_space<semaphore_mem>>
      %dma_start3A_91 = arith.constant 0 : i32
      %dma_start3A_92 = arith.constant 0 : i32
      %dma_start3A_93 = arith.constant 0 : i32
      %dma_start3A_94 = tpu.memref_slice %arg4[%add3A, %run_scoped3A, %dma_start3A_91, %dma_start3A_92, %dma_start3A_93] : memref<32x2x5x8x128xi32, #tpu.memory_space<hbm>> -> memref<1x1x5x8x128xi32, #tpu.memory_space<hbm>>
      %dma_start3A_95 = tpu.memref_squeeze %dma_start3A_94 : memref<1x1x5x8x128xi32, #tpu.memory_space<hbm>> -> memref<5x8x128xi32, #tpu.memory_space<hbm>>
      %dma_start3A_96 = arith.constant 0 : i32
      %dma_start3A_97 = arith.constant 0 : i32
      %dma_start3A_98 = arith.constant 0 : i32
      %dma_start3A_99 = tpu.memref_slice %arg4[%add3A, %run_scoped3A, %dma_start3A_96, %dma_start3A_97, %dma_start3A_98] : memref<32x2x5x8x128xi32, #tpu.memory_space<hbm>> -> memref<1x1x5x8x128xi32, #tpu.memory_space<hbm>>
      %dma_start3A_100 = tpu.memref_squeeze %dma_start3A_99 : memref<1x1x5x8x128xi32, #tpu.memory_space<hbm>> -> memref<5x8x128xi32, #tpu.memory_space<hbm>>
      tpu.enqueue_dma source(%dma_start3A_100 : memref<5x8x128xi32, #tpu.memory_space<hbm>>) target(%arg7 : memref<5x8x128xi32, #tpu.memory_space<vmem>>) target_semaphore(%run_scoped3A_90 : memref<!tpu.dma_semaphore, #tpu.memory_space<semaphore_mem>>)
      %dma_wait3A_101 = arith.constant 0 : i32
      %dma_wait3A_102 = arith.constant 0 : i32
      %dma_wait3A_103 = arith.constant 0 : i32
      %dma_wait3A_104 = tpu.memref_slice %arg4[%add3A, %run_scoped3A, %dma_wait3A_101, %dma_wait3A_102, %dma_wait3A_103] : memref<32x2x5x8x128xi32, #tpu.memory_space<hbm>> -> memref<1x1x5x8x128xi32, #tpu.memory_space<hbm>>
      %dma_wait3A_105 = tpu.memref_squeeze %dma_wait3A_104 : memref<1x1x5x8x128xi32, #tpu.memory_space<hbm>> -> memref<5x8x128xi32, #tpu.memory_space<hbm>>
      %dma_wait3A_106 = arith.constant 0 : i32
      %dma_wait3A_107 = arith.constant 0 : i32
      %dma_wait3A_108 = arith.constant 0 : i32
      %dma_wait3A_109 = tpu.memref_slice %arg4[%add3A, %run_scoped3A, %dma_wait3A_106, %dma_wait3A_107, %dma_wait3A_108] : memref<32x2x5x8x128xi32, #tpu.memory_space<hbm>> -> memref<1x1x5x8x128xi32, #tpu.memory_space<hbm>>
      %dma_wait3A_110 = tpu.memref_squeeze %dma_wait3A_109 : memref<1x1x5x8x128xi32, #tpu.memory_space<hbm>> -> memref<5x8x128xi32, #tpu.memory_space<hbm>>
      tpu.wait_dma2 semaphore(%run_scoped3A_90 : memref<!tpu.dma_semaphore, #tpu.memory_space<semaphore_mem>>) src(%dma_wait3A_110 : memref<5x8x128xi32, #tpu.memory_space<hbm>>) dst(%arg7 : memref<5x8x128xi32, #tpu.memory_space<vmem>>)
      tpu.yield
    }) : () -> ()
    %run_scoped3A_8 = arith.constant 0 : i32
    "tpu.region"() ({
      %run_scoped3A_90 = tpu.sem_alloc : memref<!tpu.dma_semaphore, #tpu.memory_space<semaphore_mem>>
      %dma_start3A_91 = arith.constant 0 : i32
      %dma_start3A_92 = arith.constant 0 : i32
      %dma_start3A_93 = arith.constant 0 : i32
      %dma_start3A_94 = tpu.memref_slice %arg5[%add3A, %run_scoped3A_8, %dma_start3A_91, %dma_start3A_92, %dma_start3A_93] : memref<32x2x5x8x128xi32, #tpu.memory_space<hbm>> -> memref<1x1x5x8x128xi32, #tpu.memory_space<hbm>>
      %dma_start3A_95 = tpu.memref_squeeze %dma_start3A_94 : memref<1x1x5x8x128xi32, #tpu.memory_space<hbm>> -> memref<5x8x128xi32, #tpu.memory_space<hbm>>
      %dma_start3A_96 = arith.constant 0 : i32
      %dma_start3A_97 = arith.constant 0 : i32
      %dma_start3A_98 = arith.constant 0 : i32
      %dma_start3A_99 = tpu.memref_slice %arg5[%add3A, %run_scoped3A_8, %dma_start3A_96, %dma_start3A_97, %dma_start3A_98] : memref<32x2x5x8x128xi32, #tpu.memory_space<hbm>> -> memref<1x1x5x8x128xi32, #tpu.memory_space<hbm>>
      %dma_start3A_100 = tpu.memref_squeeze %dma_start3A_99 : memref<1x1x5x8x128xi32, #tpu.memory_space<hbm>> -> memref<5x8x128xi32, #tpu.memory_space<hbm>>
      tpu.enqueue_dma source(%dma_start3A_100 : memref<5x8x128xi32, #tpu.memory_space<hbm>>) target(%arg8 : memref<5x8x128xi32, #tpu.memory_space<vmem>>) target_semaphore(%run_scoped3A_90 : memref<!tpu.dma_semaphore, #tpu.memory_space<semaphore_mem>>)
      %dma_wait3A_101 = arith.constant 0 : i32
      %dma_wait3A_102 = arith.constant 0 : i32
      %dma_wait3A_103 = arith.constant 0 : i32
      %dma_wait3A_104 = tpu.memref_slice %arg5[%add3A, %run_scoped3A_8, %dma_wait3A_101, %dma_wait3A_102, %dma_wait3A_103] : memref<32x2x5x8x128xi32, #tpu.memory_space<hbm>> -> memref<1x1x5x8x128xi32, #tpu.memory_space<hbm>>
      %dma_wait3A_105 = tpu.memref_squeeze %dma_wait3A_104 : memref<1x1x5x8x128xi32, #tpu.memory_space<hbm>> -> memref<5x8x128xi32, #tpu.memory_space<hbm>>
      %dma_wait3A_106 = arith.constant 0 : i32
      %dma_wait3A_107 = arith.constant 0 : i32
      %dma_wait3A_108 = arith.constant 0 : i32
      %dma_wait3A_109 = tpu.memref_slice %arg5[%add3A, %run_scoped3A_8, %dma_wait3A_106, %dma_wait3A_107, %dma_wait3A_108] : memref<32x2x5x8x128xi32, #tpu.memory_space<hbm>> -> memref<1x1x5x8x128xi32, #tpu.memory_space<hbm>>
      %dma_wait3A_110 = tpu.memref_squeeze %dma_wait3A_109 : memref<1x1x5x8x128xi32, #tpu.memory_space<hbm>> -> memref<5x8x128xi32, #tpu.memory_space<hbm>>
      tpu.wait_dma2 semaphore(%run_scoped3A_90 : memref<!tpu.dma_semaphore, #tpu.memory_space<semaphore_mem>>) src(%dma_wait3A_110 : memref<5x8x128xi32, #tpu.memory_space<hbm>>) dst(%arg8 : memref<5x8x128xi32, #tpu.memory_space<vmem>>)
      tpu.yield
    }) : () -> ()
    %rem3A = arith.constant 0 : i32
    %rem3A_9 = arith.constant 8 : i32
    %rem3A_10 = arith.remsi %rem3A, %rem3A_9 : i32
    %dma_start3A = arith.constant 0 : i32
    %dma_start3A_11 = arith.constant 0 : i32
    %dma_start3A_12 = arith.constant 0 : i32
    %dma_start3A_13 = arith.constant 0 : i32
    %dma_start3A_14 = tpu.memref_slice %arg9[%dma_start3A_11, %dma_start3A_12, %dma_start3A_13] : memref<2x128x128xf32, #tpu.memory_space<vmem>> -> memref<1x128x128xf32, #tpu.memory_space<vmem>>
    %dma_start3A_15 = tpu.memref_squeeze %dma_start3A_14 : memref<1x128x128xf32, #tpu.memory_space<vmem>> -> memref<128x128xf32, #tpu.memory_space<vmem>>
    %dma_start3A_16 = arith.constant 0 : i32
    %dma_start3A_17 = tpu.memref_slice %arg7[%dma_start3A, %rem3A_10, %dma_start3A_16] : memref<5x8x128xi32, #tpu.memory_space<vmem>> -> memref<1x1x128xi32, #tpu.memory_space<vmem>>
    %dma_start3A_18 = tpu.memref_squeeze %dma_start3A_17 : memref<1x1x128xi32, #tpu.memory_space<vmem>> -> memref<128xi32, #tpu.memory_space<vmem>>
    %dma_start3A_19 = arith.constant 0 : i32
    %dma_start3A_20 = arith.constant 0 : i32
    %dma_start3A_21 = tpu.memref_slice %arg2[%dma_start3A_19, %dma_start3A_20] : memref<10240x128xf32, #tpu.memory_space<hbm>> -> memref<10240x128xf32, #tpu.memory_space<hbm>>
    tpu.enqueue_indirect_dma source(%dma_start3A_21 : memref<10240x128xf32, #tpu.memory_space<hbm>>) target(%dma_start3A_15 : memref<128x128xf32, #tpu.memory_space<vmem>>) offsets(%dma_start3A_18 : memref<128xi32, #tpu.memory_space<vmem>>) semaphore(%arg11 : memref<!tpu.dma_semaphore, #tpu.memory_space<semaphore_mem>>)
    %dma_wait3A = arith.constant 0 : i32
    %dma_wait3A_22 = arith.constant 0 : i32
    %dma_wait3A_23 = tpu.memref_slice %arg10[%dma_wait3A, %dma_wait3A_22] : memref<10240x128xf32, #tpu.memory_space<vmem_shared>> -> memref<640x128xf32, #tpu.memory_space<vmem_shared>>
    %dma_wait3A_24 = arith.constant 0 : i32
    %dma_wait3A_25 = arith.constant 0 : i32
    %dma_wait3A_26 = tpu.memref_slice %arg2[%dma_wait3A_24, %dma_wait3A_25] : memref<10240x128xf32, #tpu.memory_space<hbm>> -> memref<640x128xf32, #tpu.memory_space<hbm>>
    tpu.wait_dma2 semaphore(%arg13 : memref<!tpu.dma_semaphore, #tpu.memory_space<semaphore_mem>>) src(%dma_wait3A_26 : memref<640x128xf32, #tpu.memory_space<hbm>>) dst(%dma_wait3A_23 : memref<640x128xf32, #tpu.memory_space<vmem_shared>>)
    %barrier3A = arith.constant 0 : index
    tpu.barrier barrier_id(%barrier3A)
    %scan3A = arith.constant 0 : i32
    %scan3A_27 = arith.constant 0 : i32
    %scan3A_28 = arith.constant 20 : i32
    %scan3A_29 = arith.addi %scan3A_27, %scan3A_28 : i32
    %scan3A_30 = arith.constant 1 : i32
    scf.for %scan3A_90 = %scan3A_27 to %scan3A_29 step %scan3A_30  : i32 {
      %mul3A_91 = arith.constant 2 : i32
      %mul3A_92 = arith.muli %mul3A_91, %scan3A_90 : i32
      %add3A_93 = arith.constant 1 : i32
      %add3A_94 = arith.addi %mul3A_92, %add3A_93 : i32
      %gt3A = arith.constant 0 : i32
      %gt3A_95 = arith.cmpi sgt, %scan3A_90, %gt3A : i32
      %convert_element_type3A_96 = arith.extui %gt3A_95 : i1 to i32
      %cond3A_97 = arith.constant 0 : i32
      %cond3A_98 = arith.cmpi ne, %convert_element_type3A_96, %cond3A_97 : i32
      scf.if %cond3A_98 {
        %jit3A_320 = arith.constant 8 : i32
        %div3A_321 = arith.divsi %mul3A_92, %jit3A_320 : i32
        %sign3A_322 = arith.constant 0 : i32
        %sign3A_323 = arith.cmpi sgt, %mul3A_92, %sign3A_322 : i32
        %sign3A_324 = arith.extui %sign3A_323 : i1 to i32
        %sign3A_325 = arith.constant 0 : i32
        %sign3A_326 = arith.cmpi slt, %mul3A_92, %sign3A_325 : i32
        %sign3A_327 = arith.extui %sign3A_326 : i1 to i32
        %sign3A_328 = arith.subi %sign3A_324, %sign3A_327 : i32
        %sign3A_329 = arith.constant 0 : i32
        %sign3A_330 = arith.cmpi sgt, %jit3A_320, %sign3A_329 : i32
        %sign3A_331 = arith.extui %sign3A_330 : i1 to i32
        %sign3A_332 = arith.constant 0 : i32
        %sign3A_333 = arith.cmpi slt, %jit3A_320, %sign3A_332 : i32
        %sign3A_334 = arith.extui %sign3A_333 : i1 to i32
        %sign3A_335 = arith.subi %sign3A_331, %sign3A_334 : i32
        %ne3A_336 = arith.cmpi ne, %sign3A_328, %sign3A_335 : i32
        %rem3A_337 = arith.remsi %mul3A_92, %jit3A_320 : i32
        %ne3A_338 = arith.constant 0 : i32
        %ne3A_339 = arith.cmpi ne, %rem3A_337, %ne3A_338 : i32
        %and3A_340 = arith.andi %ne3A_336, %ne3A_339 : i1
        %sub3A_341 = arith.constant 1 : i32
        %sub3A_342 = arith.subi %div3A_321, %sub3A_341 : i32
        %select_n3A_343 = arith.select %and3A_340, %sub3A_342, %div3A_321 : i32
        %rem3A_344 = arith.constant 8 : i32
        %rem3A_345 = arith.remsi %mul3A_92, %rem3A_344 : i32
        %dma_wait3A_346 = arith.constant 1 : i32
        %dma_wait3A_347 = arith.constant 0 : i32
        %dma_wait3A_348 = arith.constant 0 : i32
        %dma_wait3A_349 = tpu.memref_slice %arg9[%dma_wait3A_346, %dma_wait3A_347, %dma_wait3A_348] : memref<2x128x128xf32, #tpu.memory_space<vmem>> -> memref<1x128x128xf32, #tpu.memory_space<vmem>>
        %dma_wait3A_350 = tpu.memref_squeeze %dma_wait3A_349 : memref<1x128x128xf32, #tpu.memory_space<vmem>> -> memref<128x128xf32, #tpu.memory_space<vmem>>
        %dma_wait3A_351 = arith.constant 0 : i32
        %dma_wait3A_352 = tpu.memref_slice %arg8[%select_n3A_343, %rem3A_345, %dma_wait3A_351] : memref<5x8x128xi32, #tpu.memory_space<vmem>> -> memref<1x1x128xi32, #tpu.memory_space<vmem>>
        %dma_wait3A_353 = tpu.memref_squeeze %dma_wait3A_352 : memref<1x1x128xi32, #tpu.memory_space<vmem>> -> memref<128xi32, #tpu.memory_space<vmem>>
        %dma_wait3A_354 = arith.constant 0 : i32
        %dma_wait3A_355 = arith.constant 0 : i32
        %dma_wait3A_356 = tpu.memref_slice %arg10[%dma_wait3A_354, %dma_wait3A_355] : memref<10240x128xf32, #tpu.memory_space<vmem_shared>> -> memref<10240x128xf32, #tpu.memory_space<vmem_shared>>
        tpu.wait_indirect_dma semaphore(%arg12 : memref<!tpu.dma_semaphore, #tpu.memory_space<semaphore_mem>>) src(%dma_wait3A_350 : memref<128x128xf32, #tpu.memory_space<vmem>>) dst(%dma_wait3A_356 : memref<10240x128xf32, #tpu.memory_space<vmem_shared>>)
      } else {
      }
      %jit3A = arith.constant 8 : i32
      %div3A = arith.divsi %add3A_94, %jit3A : i32
      %sign3A = arith.constant 0 : i32
      %sign3A_99 = arith.cmpi sgt, %add3A_94, %sign3A : i32
      %sign3A_100 = arith.extui %sign3A_99 : i1 to i32
      %sign3A_101 = arith.constant 0 : i32
      %sign3A_102 = arith.cmpi slt, %add3A_94, %sign3A_101 : i32
      %sign3A_103 = arith.extui %sign3A_102 : i1 to i32
      %sign3A_104 = arith.subi %sign3A_100, %sign3A_103 : i32
      %sign3A_105 = arith.constant 0 : i32
      %sign3A_106 = arith.cmpi sgt, %jit3A, %sign3A_105 : i32
      %sign3A_107 = arith.extui %sign3A_106 : i1 to i32
      %sign3A_108 = arith.constant 0 : i32
      %sign3A_109 = arith.cmpi slt, %jit3A, %sign3A_108 : i32
      %sign3A_110 = arith.extui %sign3A_109 : i1 to i32
      %sign3A_111 = arith.subi %sign3A_107, %sign3A_110 : i32
      %ne3A = arith.cmpi ne, %sign3A_104, %sign3A_111 : i32
      %rem3A_112 = arith.remsi %add3A_94, %jit3A : i32
      %ne3A_113 = arith.constant 0 : i32
      %ne3A_114 = arith.cmpi ne, %rem3A_112, %ne3A_113 : i32
      %and3A = arith.andi %ne3A, %ne3A_114 : i1
      %sub3A = arith.constant 1 : i32
      %sub3A_115 = arith.subi %div3A, %sub3A : i32
      %select_n3A = arith.select %and3A, %sub3A_115, %div3A : i32
      %rem3A_116 = arith.constant 8 : i32
      %rem3A_117 = arith.remsi %add3A_94, %rem3A_116 : i32
      %dma_start3A_118 = arith.constant 1 : i32
      %dma_start3A_119 = arith.constant 0 : i32
      %dma_start3A_120 = arith.constant 0 : i32
      %dma_start3A_121 = tpu.memref_slice %arg9[%dma_start3A_118, %dma_start3A_119, %dma_start3A_120] : memref<2x128x128xf32, #tpu.memory_space<vmem>> -> memref<1x128x128xf32, #tpu.memory_space<vmem>>
      %dma_start3A_122 = tpu.memref_squeeze %dma_start3A_121 : memref<1x128x128xf32, #tpu.memory_space<vmem>> -> memref<128x128xf32, #tpu.memory_space<vmem>>
      %dma_start3A_123 = arith.constant 0 : i32
      %dma_start3A_124 = tpu.memref_slice %arg7[%select_n3A, %rem3A_117, %dma_start3A_123] : memref<5x8x128xi32, #tpu.memory_space<vmem>> -> memref<1x1x128xi32, #tpu.memory_space<vmem>>
      %dma_start3A_125 = tpu.memref_squeeze %dma_start3A_124 : memref<1x1x128xi32, #tpu.memory_space<vmem>> -> memref<128xi32, #tpu.memory_space<vmem>>
      %dma_start3A_126 = arith.constant 0 : i32
      %dma_start3A_127 = arith.constant 0 : i32
      %dma_start3A_128 = tpu.memref_slice %arg2[%dma_start3A_126, %dma_start3A_127] : memref<10240x128xf32, #tpu.memory_space<hbm>> -> memref<10240x128xf32, #tpu.memory_space<hbm>>
      tpu.enqueue_indirect_dma source(%dma_start3A_128 : memref<10240x128xf32, #tpu.memory_space<hbm>>) target(%dma_start3A_122 : memref<128x128xf32, #tpu.memory_space<vmem>>) offsets(%dma_start3A_125 : memref<128xi32, #tpu.memory_space<vmem>>) semaphore(%arg11 : memref<!tpu.dma_semaphore, #tpu.memory_space<semaphore_mem>>)
      %jit3A_129 = arith.constant 8 : i32
      %div3A_130 = arith.divsi %mul3A_92, %jit3A_129 : i32
      %sign3A_131 = arith.constant 0 : i32
      %sign3A_132 = arith.cmpi sgt, %mul3A_92, %sign3A_131 : i32
      %sign3A_133 = arith.extui %sign3A_132 : i1 to i32
      %sign3A_134 = arith.constant 0 : i32
      %sign3A_135 = arith.cmpi slt, %mul3A_92, %sign3A_134 : i32
      %sign3A_136 = arith.extui %sign3A_135 : i1 to i32
      %sign3A_137 = arith.subi %sign3A_133, %sign3A_136 : i32
      %sign3A_138 = arith.constant 0 : i32
      %sign3A_139 = arith.cmpi sgt, %jit3A_129, %sign3A_138 : i32
      %sign3A_140 = arith.extui %sign3A_139 : i1 to i32
      %sign3A_141 = arith.constant 0 : i32
      %sign3A_142 = arith.cmpi slt, %jit3A_129, %sign3A_141 : i32
      %sign3A_143 = arith.extui %sign3A_142 : i1 to i32
      %sign3A_144 = arith.subi %sign3A_140, %sign3A_143 : i32
      %ne3A_145 = arith.cmpi ne, %sign3A_137, %sign3A_144 : i32
      %rem3A_146 = arith.remsi %mul3A_92, %jit3A_129 : i32
      %ne3A_147 = arith.constant 0 : i32
      %ne3A_148 = arith.cmpi ne, %rem3A_146, %ne3A_147 : i32
      %and3A_149 = arith.andi %ne3A_145, %ne3A_148 : i1
      %sub3A_150 = arith.constant 1 : i32
      %sub3A_151 = arith.subi %div3A_130, %sub3A_150 : i32
      %select_n3A_152 = arith.select %and3A_149, %sub3A_151, %div3A_130 : i32
      %rem3A_153 = arith.constant 8 : i32
      %rem3A_154 = arith.remsi %mul3A_92, %rem3A_153 : i32
      %dma_wait3A_155 = arith.constant 0 : i32
      %dma_wait3A_156 = arith.constant 0 : i32
      %dma_wait3A_157 = arith.constant 0 : i32
      %dma_wait3A_158 = tpu.memref_slice %arg9[%dma_wait3A_155, %dma_wait3A_156, %dma_wait3A_157] : memref<2x128x128xf32, #tpu.memory_space<vmem>> -> memref<1x128x128xf32, #tpu.memory_space<vmem>>
      %dma_wait3A_159 = tpu.memref_squeeze %dma_wait3A_158 : memref<1x128x128xf32, #tpu.memory_space<vmem>> -> memref<128x128xf32, #tpu.memory_space<vmem>>
      %dma_wait3A_160 = arith.constant 0 : i32
      %dma_wait3A_161 = tpu.memref_slice %arg7[%select_n3A_152, %rem3A_154, %dma_wait3A_160] : memref<5x8x128xi32, #tpu.memory_space<vmem>> -> memref<1x1x128xi32, #tpu.memory_space<vmem>>
      %dma_wait3A_162 = tpu.memref_squeeze %dma_wait3A_161 : memref<1x1x128xi32, #tpu.memory_space<vmem>> -> memref<128xi32, #tpu.memory_space<vmem>>
      %dma_wait3A_163 = arith.constant 0 : i32
      %dma_wait3A_164 = arith.constant 0 : i32
      %dma_wait3A_165 = tpu.memref_slice %arg2[%dma_wait3A_163, %dma_wait3A_164] : memref<10240x128xf32, #tpu.memory_space<hbm>> -> memref<10240x128xf32, #tpu.memory_space<hbm>>
      tpu.wait_indirect_dma semaphore(%arg11 : memref<!tpu.dma_semaphore, #tpu.memory_space<semaphore_mem>>) src(%dma_wait3A_165 : memref<10240x128xf32, #tpu.memory_space<hbm>>) dst(%dma_wait3A_159 : memref<128x128xf32, #tpu.memory_space<vmem>>)
      %jit3A_166 = arith.constant 8 : i32
      %div3A_167 = arith.divsi %mul3A_92, %jit3A_166 : i32
      %sign3A_168 = arith.constant 0 : i32
      %sign3A_169 = arith.cmpi sgt, %mul3A_92, %sign3A_168 : i32
      %sign3A_170 = arith.extui %sign3A_169 : i1 to i32
      %sign3A_171 = arith.constant 0 : i32
      %sign3A_172 = arith.cmpi slt, %mul3A_92, %sign3A_171 : i32
      %sign3A_173 = arith.extui %sign3A_172 : i1 to i32
      %sign3A_174 = arith.subi %sign3A_170, %sign3A_173 : i32
      %sign3A_175 = arith.constant 0 : i32
      %sign3A_176 = arith.cmpi sgt, %jit3A_166, %sign3A_175 : i32
      %sign3A_177 = arith.extui %sign3A_176 : i1 to i32
      %sign3A_178 = arith.constant 0 : i32
      %sign3A_179 = arith.cmpi slt, %jit3A_166, %sign3A_178 : i32
      %sign3A_180 = arith.extui %sign3A_179 : i1 to i32
      %sign3A_181 = arith.subi %sign3A_177, %sign3A_180 : i32
      %ne3A_182 = arith.cmpi ne, %sign3A_174, %sign3A_181 : i32
      %rem3A_183 = arith.remsi %mul3A_92, %jit3A_166 : i32
      %ne3A_184 = arith.constant 0 : i32
      %ne3A_185 = arith.cmpi ne, %rem3A_183, %ne3A_184 : i32
      %and3A_186 = arith.andi %ne3A_182, %ne3A_185 : i1
      %sub3A_187 = arith.constant 1 : i32
      %sub3A_188 = arith.subi %div3A_167, %sub3A_187 : i32
      %select_n3A_189 = arith.select %and3A_186, %sub3A_188, %div3A_167 : i32
      %rem3A_190 = arith.constant 8 : i32
      %rem3A_191 = arith.remsi %mul3A_92, %rem3A_190 : i32
      %dma_start3A_192 = arith.constant 0 : i32
      %dma_start3A_193 = arith.constant 0 : i32
      %dma_start3A_194 = arith.constant 0 : i32
      %dma_start3A_195 = tpu.memref_slice %arg9[%dma_start3A_192, %dma_start3A_193, %dma_start3A_194] : memref<2x128x128xf32, #tpu.memory_space<vmem>> -> memref<1x128x128xf32, #tpu.memory_space<vmem>>
      %dma_start3A_196 = tpu.memref_squeeze %dma_start3A_195 : memref<1x128x128xf32, #tpu.memory_space<vmem>> -> memref<128x128xf32, #tpu.memory_space<vmem>>
      %dma_start3A_197 = arith.constant 0 : i32
      %dma_start3A_198 = tpu.memref_slice %arg8[%select_n3A_189, %rem3A_191, %dma_start3A_197] : memref<5x8x128xi32, #tpu.memory_space<vmem>> -> memref<1x1x128xi32, #tpu.memory_space<vmem>>
      %dma_start3A_199 = tpu.memref_squeeze %dma_start3A_198 : memref<1x1x128xi32, #tpu.memory_space<vmem>> -> memref<128xi32, #tpu.memory_space<vmem>>
      %dma_start3A_200 = arith.constant 0 : i32
      %dma_start3A_201 = arith.constant 0 : i32
      %dma_start3A_202 = tpu.memref_slice %arg10[%dma_start3A_200, %dma_start3A_201] : memref<10240x128xf32, #tpu.memory_space<vmem_shared>> -> memref<10240x128xf32, #tpu.memory_space<vmem_shared>>
      tpu.enqueue_indirect_dma source(%dma_start3A_196 : memref<128x128xf32, #tpu.memory_space<vmem>>) target(%dma_start3A_202 : memref<10240x128xf32, #tpu.memory_space<vmem_shared>>) offsets(%dma_start3A_199 : memref<128xi32, #tpu.memory_space<vmem>>) semaphore(%arg12 : memref<!tpu.dma_semaphore, #tpu.memory_space<semaphore_mem>>)
      %jit3A_203 = arith.constant 8 : i32
      %div3A_204 = arith.divsi %add3A_94, %jit3A_203 : i32
      %sign3A_205 = arith.constant 0 : i32
      %sign3A_206 = arith.cmpi sgt, %add3A_94, %sign3A_205 : i32
      %sign3A_207 = arith.extui %sign3A_206 : i1 to i32
      %sign3A_208 = arith.constant 0 : i32
      %sign3A_209 = arith.cmpi slt, %add3A_94, %sign3A_208 : i32
      %sign3A_210 = arith.extui %sign3A_209 : i1 to i32
      %sign3A_211 = arith.subi %sign3A_207, %sign3A_210 : i32
      %sign3A_212 = arith.constant 0 : i32
      %sign3A_213 = arith.cmpi sgt, %jit3A_203, %sign3A_212 : i32
      %sign3A_214 = arith.extui %sign3A_213 : i1 to i32
      %sign3A_215 = arith.constant 0 : i32
      %sign3A_216 = arith.cmpi slt, %jit3A_203, %sign3A_215 : i32
      %sign3A_217 = arith.extui %sign3A_216 : i1 to i32
      %sign3A_218 = arith.subi %sign3A_214, %sign3A_217 : i32
      %ne3A_219 = arith.cmpi ne, %sign3A_211, %sign3A_218 : i32
      %rem3A_220 = arith.remsi %add3A_94, %jit3A_203 : i32
      %ne3A_221 = arith.constant 0 : i32
      %ne3A_222 = arith.cmpi ne, %rem3A_220, %ne3A_221 : i32
      %and3A_223 = arith.andi %ne3A_219, %ne3A_222 : i1
      %sub3A_224 = arith.constant 1 : i32
      %sub3A_225 = arith.subi %div3A_204, %sub3A_224 : i32
      %select_n3A_226 = arith.select %and3A_223, %sub3A_225, %div3A_204 : i32
      %rem3A_227 = arith.constant 8 : i32
      %rem3A_228 = arith.remsi %add3A_94, %rem3A_227 : i32
      %dma_wait3A_229 = arith.constant 1 : i32
      %dma_wait3A_230 = arith.constant 0 : i32
      %dma_wait3A_231 = arith.constant 0 : i32
      %dma_wait3A_232 = tpu.memref_slice %arg9[%dma_wait3A_229, %dma_wait3A_230, %dma_wait3A_231] : memref<2x128x128xf32, #tpu.memory_space<vmem>> -> memref<1x128x128xf32, #tpu.memory_space<vmem>>
      %dma_wait3A_233 = tpu.memref_squeeze %dma_wait3A_232 : memref<1x128x128xf32, #tpu.memory_space<vmem>> -> memref<128x128xf32, #tpu.memory_space<vmem>>
      %dma_wait3A_234 = arith.constant 0 : i32
      %dma_wait3A_235 = tpu.memref_slice %arg7[%select_n3A_226, %rem3A_228, %dma_wait3A_234] : memref<5x8x128xi32, #tpu.memory_space<vmem>> -> memref<1x1x128xi32, #tpu.memory_space<vmem>>
      %dma_wait3A_236 = tpu.memref_squeeze %dma_wait3A_235 : memref<1x1x128xi32, #tpu.memory_space<vmem>> -> memref<128xi32, #tpu.memory_space<vmem>>
      %dma_wait3A_237 = arith.constant 0 : i32
      %dma_wait3A_238 = arith.constant 0 : i32
      %dma_wait3A_239 = tpu.memref_slice %arg2[%dma_wait3A_237, %dma_wait3A_238] : memref<10240x128xf32, #tpu.memory_space<hbm>> -> memref<10240x128xf32, #tpu.memory_space<hbm>>
      tpu.wait_indirect_dma semaphore(%arg11 : memref<!tpu.dma_semaphore, #tpu.memory_space<semaphore_mem>>) src(%dma_wait3A_239 : memref<10240x128xf32, #tpu.memory_space<hbm>>) dst(%dma_wait3A_233 : memref<128x128xf32, #tpu.memory_space<vmem>>)
      %jit3A_240 = arith.constant 8 : i32
      %div3A_241 = arith.divsi %mul3A_92, %jit3A_240 : i32
      %sign3A_242 = arith.constant 0 : i32
      %sign3A_243 = arith.cmpi sgt, %mul3A_92, %sign3A_242 : i32
      %sign3A_244 = arith.extui %sign3A_243 : i1 to i32
      %sign3A_245 = arith.constant 0 : i32
      %sign3A_246 = arith.cmpi slt, %mul3A_92, %sign3A_245 : i32
      %sign3A_247 = arith.extui %sign3A_246 : i1 to i32
      %sign3A_248 = arith.subi %sign3A_244, %sign3A_247 : i32
      %sign3A_249 = arith.constant 0 : i32
      %sign3A_250 = arith.cmpi sgt, %jit3A_240, %sign3A_249 : i32
      %sign3A_251 = arith.extui %sign3A_250 : i1 to i32
      %sign3A_252 = arith.constant 0 : i32
      %sign3A_253 = arith.cmpi slt, %jit3A_240, %sign3A_252 : i32
      %sign3A_254 = arith.extui %sign3A_253 : i1 to i32
      %sign3A_255 = arith.subi %sign3A_251, %sign3A_254 : i32
      %ne3A_256 = arith.cmpi ne, %sign3A_248, %sign3A_255 : i32
      %rem3A_257 = arith.remsi %mul3A_92, %jit3A_240 : i32
      %ne3A_258 = arith.constant 0 : i32
      %ne3A_259 = arith.cmpi ne, %rem3A_257, %ne3A_258 : i32
      %and3A_260 = arith.andi %ne3A_256, %ne3A_259 : i1
      %sub3A_261 = arith.constant 1 : i32
      %sub3A_262 = arith.subi %div3A_241, %sub3A_261 : i32
      %select_n3A_263 = arith.select %and3A_260, %sub3A_262, %div3A_241 : i32
      %rem3A_264 = arith.constant 8 : i32
      %rem3A_265 = arith.remsi %mul3A_92, %rem3A_264 : i32
      %dma_wait3A_266 = arith.constant 0 : i32
      %dma_wait3A_267 = arith.constant 0 : i32
      %dma_wait3A_268 = arith.constant 0 : i32
      %dma_wait3A_269 = tpu.memref_slice %arg9[%dma_wait3A_266, %dma_wait3A_267, %dma_wait3A_268] : memref<2x128x128xf32, #tpu.memory_space<vmem>> -> memref<1x128x128xf32, #tpu.memory_space<vmem>>
      %dma_wait3A_270 = tpu.memref_squeeze %dma_wait3A_269 : memref<1x128x128xf32, #tpu.memory_space<vmem>> -> memref<128x128xf32, #tpu.memory_space<vmem>>
      %dma_wait3A_271 = arith.constant 0 : i32
      %dma_wait3A_272 = tpu.memref_slice %arg8[%select_n3A_263, %rem3A_265, %dma_wait3A_271] : memref<5x8x128xi32, #tpu.memory_space<vmem>> -> memref<1x1x128xi32, #tpu.memory_space<vmem>>
      %dma_wait3A_273 = tpu.memref_squeeze %dma_wait3A_272 : memref<1x1x128xi32, #tpu.memory_space<vmem>> -> memref<128xi32, #tpu.memory_space<vmem>>
      %dma_wait3A_274 = arith.constant 0 : i32
      %dma_wait3A_275 = arith.constant 0 : i32
      %dma_wait3A_276 = tpu.memref_slice %arg10[%dma_wait3A_274, %dma_wait3A_275] : memref<10240x128xf32, #tpu.memory_space<vmem_shared>> -> memref<10240x128xf32, #tpu.memory_space<vmem_shared>>
      tpu.wait_indirect_dma semaphore(%arg12 : memref<!tpu.dma_semaphore, #tpu.memory_space<semaphore_mem>>) src(%dma_wait3A_270 : memref<128x128xf32, #tpu.memory_space<vmem>>) dst(%dma_wait3A_276 : memref<10240x128xf32, #tpu.memory_space<vmem_shared>>)
      %add3A_277 = arith.constant 2 : i32
      %add3A_278 = arith.addi %mul3A_92, %add3A_277 : i32
      %lt3A = arith.constant 40 : i32
      %lt3A_279 = arith.cmpi slt, %add3A_278, %lt3A : i32
      %convert_element_type3A_280 = arith.extui %lt3A_279 : i1 to i32
      %cond3A_281 = arith.constant 0 : i32
      %cond3A_282 = arith.cmpi ne, %convert_element_type3A_280, %cond3A_281 : i32
      scf.if %cond3A_282 {
        %add3A_320 = arith.constant 2 : i32
        %add3A_321 = arith.addi %mul3A_92, %add3A_320 : i32
        %jit3A_322 = arith.constant 8 : i32
        %div3A_323 = arith.divsi %add3A_321, %jit3A_322 : i32
        %sign3A_324 = arith.constant 0 : i32
        %sign3A_325 = arith.cmpi sgt, %add3A_321, %sign3A_324 : i32
        %sign3A_326 = arith.extui %sign3A_325 : i1 to i32
        %sign3A_327 = arith.constant 0 : i32
        %sign3A_328 = arith.cmpi slt, %add3A_321, %sign3A_327 : i32
        %sign3A_329 = arith.extui %sign3A_328 : i1 to i32
        %sign3A_330 = arith.subi %sign3A_326, %sign3A_329 : i32
        %sign3A_331 = arith.constant 0 : i32
        %sign3A_332 = arith.cmpi sgt, %jit3A_322, %sign3A_331 : i32
        %sign3A_333 = arith.extui %sign3A_332 : i1 to i32
        %sign3A_334 = arith.constant 0 : i32
        %sign3A_335 = arith.cmpi slt, %jit3A_322, %sign3A_334 : i32
        %sign3A_336 = arith.extui %sign3A_335 : i1 to i32
        %sign3A_337 = arith.subi %sign3A_333, %sign3A_336 : i32
        %ne3A_338 = arith.cmpi ne, %sign3A_330, %sign3A_337 : i32
        %rem3A_339 = arith.remsi %add3A_321, %jit3A_322 : i32
        %ne3A_340 = arith.constant 0 : i32
        %ne3A_341 = arith.cmpi ne, %rem3A_339, %ne3A_340 : i32
        %and3A_342 = arith.andi %ne3A_338, %ne3A_341 : i1
        %sub3A_343 = arith.constant 1 : i32
        %sub3A_344 = arith.subi %div3A_323, %sub3A_343 : i32
        %select_n3A_345 = arith.select %and3A_342, %sub3A_344, %div3A_323 : i32
        %rem3A_346 = arith.constant 8 : i32
        %rem3A_347 = arith.remsi %add3A_321, %rem3A_346 : i32
        %dma_start3A_348 = arith.constant 0 : i32
        %dma_start3A_349 = arith.constant 0 : i32
        %dma_start3A_350 = arith.constant 0 : i32
        %dma_start3A_351 = tpu.memref_slice %arg9[%dma_start3A_348, %dma_start3A_349, %dma_start3A_350] : memref<2x128x128xf32, #tpu.memory_space<vmem>> -> memref<1x128x128xf32, #tpu.memory_space<vmem>>
        %dma_start3A_352 = tpu.memref_squeeze %dma_start3A_351 : memref<1x128x128xf32, #tpu.memory_space<vmem>> -> memref<128x128xf32, #tpu.memory_space<vmem>>
        %dma_start3A_353 = arith.constant 0 : i32
        %dma_start3A_354 = tpu.memref_slice %arg7[%select_n3A_345, %rem3A_347, %dma_start3A_353] : memref<5x8x128xi32, #tpu.memory_space<vmem>> -> memref<1x1x128xi32, #tpu.memory_space<vmem>>
        %dma_start3A_355 = tpu.memref_squeeze %dma_start3A_354 : memref<1x1x128xi32, #tpu.memory_space<vmem>> -> memref<128xi32, #tpu.memory_space<vmem>>
        %dma_start3A_356 = arith.constant 0 : i32
        %dma_start3A_357 = arith.constant 0 : i32
        %dma_start3A_358 = tpu.memref_slice %arg2[%dma_start3A_356, %dma_start3A_357] : memref<10240x128xf32, #tpu.memory_space<hbm>> -> memref<10240x128xf32, #tpu.memory_space<hbm>>
        tpu.enqueue_indirect_dma source(%dma_start3A_358 : memref<10240x128xf32, #tpu.memory_space<hbm>>) target(%dma_start3A_352 : memref<128x128xf32, #tpu.memory_space<vmem>>) offsets(%dma_start3A_355 : memref<128xi32, #tpu.memory_space<vmem>>) semaphore(%arg11 : memref<!tpu.dma_semaphore, #tpu.memory_space<semaphore_mem>>)
      } else {
      }
      %jit3A_283 = arith.constant 8 : i32
      %div3A_284 = arith.divsi %add3A_94, %jit3A_283 : i32
      %sign3A_285 = arith.constant 0 : i32
      %sign3A_286 = arith.cmpi sgt, %add3A_94, %sign3A_285 : i32
      %sign3A_287 = arith.extui %sign3A_286 : i1 to i32
      %sign3A_288 = arith.constant 0 : i32
      %sign3A_289 = arith.cmpi slt, %add3A_94, %sign3A_288 : i32
      %sign3A_290 = arith.extui %sign3A_289 : i1 to i32
      %sign3A_291 = arith.subi %sign3A_287, %sign3A_290 : i32
      %sign3A_292 = arith.constant 0 : i32
      %sign3A_293 = arith.cmpi sgt, %jit3A_283, %sign3A_292 : i32
      %sign3A_294 = arith.extui %sign3A_293 : i1 to i32
      %sign3A_295 = arith.constant 0 : i32
      %sign3A_296 = arith.cmpi slt, %jit3A_283, %sign3A_295 : i32
      %sign3A_297 = arith.extui %sign3A_296 : i1 to i32
      %sign3A_298 = arith.subi %sign3A_294, %sign3A_297 : i32
      %ne3A_299 = arith.cmpi ne, %sign3A_291, %sign3A_298 : i32
      %rem3A_300 = arith.remsi %add3A_94, %jit3A_283 : i32
      %ne3A_301 = arith.constant 0 : i32
      %ne3A_302 = arith.cmpi ne, %rem3A_300, %ne3A_301 : i32
      %and3A_303 = arith.andi %ne3A_299, %ne3A_302 : i1
      %sub3A_304 = arith.constant 1 : i32
      %sub3A_305 = arith.subi %div3A_284, %sub3A_304 : i32
      %select_n3A_306 = arith.select %and3A_303, %sub3A_305, %div3A_284 : i32
      %rem3A_307 = arith.constant 8 : i32
      %rem3A_308 = arith.remsi %add3A_94, %rem3A_307 : i32
      %dma_start3A_309 = arith.constant 1 : i32
      %dma_start3A_310 = arith.constant 0 : i32
      %dma_start3A_311 = arith.constant 0 : i32
      %dma_start3A_312 = tpu.memref_slice %arg9[%dma_start3A_309, %dma_start3A_310, %dma_start3A_311] : memref<2x128x128xf32, #tpu.memory_space<vmem>> -> memref<1x128x128xf32, #tpu.memory_space<vmem>>
      %dma_start3A_313 = tpu.memref_squeeze %dma_start3A_312 : memref<1x128x128xf32, #tpu.memory_space<vmem>> -> memref<128x128xf32, #tpu.memory_space<vmem>>
      %dma_start3A_314 = arith.constant 0 : i32
      %dma_start3A_315 = tpu.memref_slice %arg8[%select_n3A_306, %rem3A_308, %dma_start3A_314] : memref<5x8x128xi32, #tpu.memory_space<vmem>> -> memref<1x1x128xi32, #tpu.memory_space<vmem>>
      %dma_start3A_316 = tpu.memref_squeeze %dma_start3A_315 : memref<1x1x128xi32, #tpu.memory_space<vmem>> -> memref<128xi32, #tpu.memory_space<vmem>>
      %dma_start3A_317 = arith.constant 0 : i32
      %dma_start3A_318 = arith.constant 0 : i32
      %dma_start3A_319 = tpu.memref_slice %arg10[%dma_start3A_317, %dma_start3A_318] : memref<10240x128xf32, #tpu.memory_space<vmem_shared>> -> memref<10240x128xf32, #tpu.memory_space<vmem_shared>>
      tpu.enqueue_indirect_dma source(%dma_start3A_313 : memref<128x128xf32, #tpu.memory_space<vmem>>) target(%dma_start3A_319 : memref<10240x128xf32, #tpu.memory_space<vmem_shared>>) offsets(%dma_start3A_316 : memref<128xi32, #tpu.memory_space<vmem>>) semaphore(%arg12 : memref<!tpu.dma_semaphore, #tpu.memory_space<semaphore_mem>>)
    }
    %scan3A_31 = arith.constant 20 : i32
    %rem3A_32 = arith.constant 0 : i32
    %rem3A_33 = arith.constant 8 : i32
    %rem3A_34 = arith.remsi %rem3A_32, %rem3A_33 : i32
    %dma_wait3A_35 = arith.constant 1 : i32
    %dma_wait3A_36 = arith.constant 0 : i32
    %dma_wait3A_37 = arith.constant 0 : i32
    %dma_wait3A_38 = arith.constant 0 : i32
    %dma_wait3A_39 = tpu.memref_slice %arg9[%dma_wait3A_35, %dma_wait3A_37, %dma_wait3A_38] : memref<2x128x128xf32, #tpu.memory_space<vmem>> -> memref<1x128x128xf32, #tpu.memory_space<vmem>>
    %dma_wait3A_40 = tpu.memref_squeeze %dma_wait3A_39 : memref<1x128x128xf32, #tpu.memory_space<vmem>> -> memref<128x128xf32, #tpu.memory_space<vmem>>
    %dma_wait3A_41 = arith.constant 0 : i32
    %dma_wait3A_42 = tpu.memref_slice %arg8[%dma_wait3A_36, %rem3A_34, %dma_wait3A_41] : memref<5x8x128xi32, #tpu.memory_space<vmem>> -> memref<1x1x128xi32, #tpu.memory_space<vmem>>
    %dma_wait3A_43 = tpu.memref_squeeze %dma_wait3A_42 : memref<1x1x128xi32, #tpu.memory_space<vmem>> -> memref<128xi32, #tpu.memory_space<vmem>>
    %dma_wait3A_44 = arith.constant 0 : i32
    %dma_wait3A_45 = arith.constant 0 : i32
    %dma_wait3A_46 = tpu.memref_slice %arg10[%dma_wait3A_44, %dma_wait3A_45] : memref<10240x128xf32, #tpu.memory_space<vmem_shared>> -> memref<10240x128xf32, #tpu.memory_space<vmem_shared>>
    tpu.wait_indirect_dma semaphore(%arg12 : memref<!tpu.dma_semaphore, #tpu.memory_space<semaphore_mem>>) src(%dma_wait3A_40 : memref<128x128xf32, #tpu.memory_space<vmem>>) dst(%dma_wait3A_46 : memref<10240x128xf32, #tpu.memory_space<vmem_shared>>)
    %run_scoped3A_47 = arith.constant 1 : i32
    "tpu.region"() ({
      %run_scoped3A_90 = tpu.sem_alloc : memref<!tpu.dma_semaphore, #tpu.memory_space<semaphore_mem>>
      %dma_start3A_91 = arith.constant 0 : i32
      %dma_start3A_92 = arith.constant 0 : i32
      %dma_start3A_93 = arith.constant 0 : i32
      %dma_start3A_94 = tpu.memref_slice %arg4[%add3A, %run_scoped3A_47, %dma_start3A_91, %dma_start3A_92, %dma_start3A_93] : memref<32x2x5x8x128xi32, #tpu.memory_space<hbm>> -> memref<1x1x5x8x128xi32, #tpu.memory_space<hbm>>
      %dma_start3A_95 = tpu.memref_squeeze %dma_start3A_94 : memref<1x1x5x8x128xi32, #tpu.memory_space<hbm>> -> memref<5x8x128xi32, #tpu.memory_space<hbm>>
      %dma_start3A_96 = arith.constant 0 : i32
      %dma_start3A_97 = arith.constant 0 : i32
      %dma_start3A_98 = arith.constant 0 : i32
      %dma_start3A_99 = tpu.memref_slice %arg4[%add3A, %run_scoped3A_47, %dma_start3A_96, %dma_start3A_97, %dma_start3A_98] : memref<32x2x5x8x128xi32, #tpu.memory_space<hbm>> -> memref<1x1x5x8x128xi32, #tpu.memory_space<hbm>>
      %dma_start3A_100 = tpu.memref_squeeze %dma_start3A_99 : memref<1x1x5x8x128xi32, #tpu.memory_space<hbm>> -> memref<5x8x128xi32, #tpu.memory_space<hbm>>
      tpu.enqueue_dma source(%dma_start3A_100 : memref<5x8x128xi32, #tpu.memory_space<hbm>>) target(%arg7 : memref<5x8x128xi32, #tpu.memory_space<vmem>>) target_semaphore(%run_scoped3A_90 : memref<!tpu.dma_semaphore, #tpu.memory_space<semaphore_mem>>)
      %dma_wait3A_101 = arith.constant 0 : i32
      %dma_wait3A_102 = arith.constant 0 : i32
      %dma_wait3A_103 = arith.constant 0 : i32
      %dma_wait3A_104 = tpu.memref_slice %arg4[%add3A, %run_scoped3A_47, %dma_wait3A_101, %dma_wait3A_102, %dma_wait3A_103] : memref<32x2x5x8x128xi32, #tpu.memory_space<hbm>> -> memref<1x1x5x8x128xi32, #tpu.memory_space<hbm>>
      %dma_wait3A_105 = tpu.memref_squeeze %dma_wait3A_104 : memref<1x1x5x8x128xi32, #tpu.memory_space<hbm>> -> memref<5x8x128xi32, #tpu.memory_space<hbm>>
      %dma_wait3A_106 = arith.constant 0 : i32
      %dma_wait3A_107 = arith.constant 0 : i32
      %dma_wait3A_108 = arith.constant 0 : i32
      %dma_wait3A_109 = tpu.memref_slice %arg4[%add3A, %run_scoped3A_47, %dma_wait3A_106, %dma_wait3A_107, %dma_wait3A_108] : memref<32x2x5x8x128xi32, #tpu.memory_space<hbm>> -> memref<1x1x5x8x128xi32, #tpu.memory_space<hbm>>
      %dma_wait3A_110 = tpu.memref_squeeze %dma_wait3A_109 : memref<1x1x5x8x128xi32, #tpu.memory_space<hbm>> -> memref<5x8x128xi32, #tpu.memory_space<hbm>>
      tpu.wait_dma2 semaphore(%run_scoped3A_90 : memref<!tpu.dma_semaphore, #tpu.memory_space<semaphore_mem>>) src(%dma_wait3A_110 : memref<5x8x128xi32, #tpu.memory_space<hbm>>) dst(%arg7 : memref<5x8x128xi32, #tpu.memory_space<vmem>>)
      tpu.yield
    }) : () -> ()
    %run_scoped3A_48 = arith.constant 1 : i32
    "tpu.region"() ({
      %run_scoped3A_90 = tpu.sem_alloc : memref<!tpu.dma_semaphore, #tpu.memory_space<semaphore_mem>>
      %dma_start3A_91 = arith.constant 0 : i32
      %dma_start3A_92 = arith.constant 0 : i32
      %dma_start3A_93 = arith.constant 0 : i32
      %dma_start3A_94 = tpu.memref_slice %arg5[%add3A, %run_scoped3A_48, %dma_start3A_91, %dma_start3A_92, %dma_start3A_93] : memref<32x2x5x8x128xi32, #tpu.memory_space<hbm>> -> memref<1x1x5x8x128xi32, #tpu.memory_space<hbm>>
      %dma_start3A_95 = tpu.memref_squeeze %dma_start3A_94 : memref<1x1x5x8x128xi32, #tpu.memory_space<hbm>> -> memref<5x8x128xi32, #tpu.memory_space<hbm>>
      %dma_start3A_96 = arith.constant 0 : i32
      %dma_start3A_97 = arith.constant 0 : i32
      %dma_start3A_98 = arith.constant 0 : i32
      %dma_start3A_99 = tpu.memref_slice %arg5[%add3A, %run_scoped3A_48, %dma_start3A_96, %dma_start3A_97, %dma_start3A_98] : memref<32x2x5x8x128xi32, #tpu.memory_space<hbm>> -> memref<1x1x5x8x128xi32, #tpu.memory_space<hbm>>
      %dma_start3A_100 = tpu.memref_squeeze %dma_start3A_99 : memref<1x1x5x8x128xi32, #tpu.memory_space<hbm>> -> memref<5x8x128xi32, #tpu.memory_space<hbm>>
      tpu.enqueue_dma source(%dma_start3A_100 : memref<5x8x128xi32, #tpu.memory_space<hbm>>) target(%arg8 : memref<5x8x128xi32, #tpu.memory_space<vmem>>) target_semaphore(%run_scoped3A_90 : memref<!tpu.dma_semaphore, #tpu.memory_space<semaphore_mem>>)
      %dma_wait3A_101 = arith.constant 0 : i32
      %dma_wait3A_102 = arith.constant 0 : i32
      %dma_wait3A_103 = arith.constant 0 : i32
      %dma_wait3A_104 = tpu.memref_slice %arg5[%add3A, %run_scoped3A_48, %dma_wait3A_101, %dma_wait3A_102, %dma_wait3A_103] : memref<32x2x5x8x128xi32, #tpu.memory_space<hbm>> -> memref<1x1x5x8x128xi32, #tpu.memory_space<hbm>>
      %dma_wait3A_105 = tpu.memref_squeeze %dma_wait3A_104 : memref<1x1x5x8x128xi32, #tpu.memory_space<hbm>> -> memref<5x8x128xi32, #tpu.memory_space<hbm>>
      %dma_wait3A_106 = arith.constant 0 : i32
      %dma_wait3A_107 = arith.constant 0 : i32
      %dma_wait3A_108 = arith.constant 0 : i32
      %dma_wait3A_109 = tpu.memref_slice %arg5[%add3A, %run_scoped3A_48, %dma_wait3A_106, %dma_wait3A_107, %dma_wait3A_108] : memref<32x2x5x8x128xi32, #tpu.memory_space<hbm>> -> memref<1x1x5x8x128xi32, #tpu.memory_space<hbm>>
      %dma_wait3A_110 = tpu.memref_squeeze %dma_wait3A_109 : memref<1x1x5x8x128xi32, #tpu.memory_space<hbm>> -> memref<5x8x128xi32, #tpu.memory_space<hbm>>
      tpu.wait_dma2 semaphore(%run_scoped3A_90 : memref<!tpu.dma_semaphore, #tpu.memory_space<semaphore_mem>>) src(%dma_wait3A_110 : memref<5x8x128xi32, #tpu.memory_space<hbm>>) dst(%arg8 : memref<5x8x128xi32, #tpu.memory_space<vmem>>)
      tpu.yield
    }) : () -> ()
    %rem3A_49 = arith.constant 0 : i32
    %rem3A_50 = arith.constant 8 : i32
    %rem3A_51 = arith.remsi %rem3A_49, %rem3A_50 : i32
    %dma_start3A_52 = arith.constant 0 : i32
    %dma_start3A_53 = arith.constant 0 : i32
    %dma_start3A_54 = arith.constant 0 : i32
    %dma_start3A_55 = arith.constant 0 : i32
    %dma_start3A_56 = tpu.memref_slice %arg9[%dma_start3A_53, %dma_start3A_54, %dma_start3A_55] : memref<2x128x128xf32, #tpu.memory_space<vmem>> -> memref<1x128x128xf32, #tpu.memory_space<vmem>>
    %dma_start3A_57 = tpu.memref_squeeze %dma_start3A_56 : memref<1x128x128xf32, #tpu.memory_space<vmem>> -> memref<128x128xf32, #tpu.memory_space<vmem>>
    %dma_start3A_58 = arith.constant 0 : i32
    %dma_start3A_59 = tpu.memref_slice %arg7[%dma_start3A_52, %rem3A_51, %dma_start3A_58] : memref<5x8x128xi32, #tpu.memory_space<vmem>> -> memref<1x1x128xi32, #tpu.memory_space<vmem>>
    %dma_start3A_60 = tpu.memref_squeeze %dma_start3A_59 : memref<1x1x128xi32, #tpu.memory_space<vmem>> -> memref<128xi32, #tpu.memory_space<vmem>>
    %dma_start3A_61 = arith.constant 0 : i32
    %dma_start3A_62 = arith.constant 0 : i32
    %dma_start3A_63 = tpu.memref_slice %arg2[%dma_start3A_61, %dma_start3A_62] : memref<10240x128xf32, #tpu.memory_space<hbm>> -> memref<10240x128xf32, #tpu.memory_space<hbm>>
    tpu.enqueue_indirect_dma source(%dma_start3A_63 : memref<10240x128xf32, #tpu.memory_space<hbm>>) target(%dma_start3A_57 : memref<128x128xf32, #tpu.memory_space<vmem>>) offsets(%dma_start3A_60 : memref<128xi32, #tpu.memory_space<vmem>>) semaphore(%arg11 : memref<!tpu.dma_semaphore, #tpu.memory_space<semaphore_mem>>)
    %scan3A_64 = arith.constant 0 : i32
    %scan3A_65 = arith.constant 0 : i32
    %scan3A_66 = arith.constant 20 : i32
    %scan3A_67 = arith.addi %scan3A_65, %scan3A_66 : i32
    %scan3A_68 = arith.constant 1 : i32
    scf.for %scan3A_90 = %scan3A_65 to %scan3A_67 step %scan3A_68  : i32 {
      %mul3A_91 = arith.constant 2 : i32
      %mul3A_92 = arith.muli %mul3A_91, %scan3A_90 : i32
      %add3A_93 = arith.constant 1 : i32
      %add3A_94 = arith.addi %mul3A_92, %add3A_93 : i32
      %gt3A = arith.constant 0 : i32
      %gt3A_95 = arith.cmpi sgt, %scan3A_90, %gt3A : i32
      %convert_element_type3A_96 = arith.extui %gt3A_95 : i1 to i32
      %cond3A_97 = arith.constant 0 : i32
      %cond3A_98 = arith.cmpi ne, %convert_element_type3A_96, %cond3A_97 : i32
      scf.if %cond3A_98 {
        %jit3A_320 = arith.constant 8 : i32
        %div3A_321 = arith.divsi %mul3A_92, %jit3A_320 : i32
        %sign3A_322 = arith.constant 0 : i32
        %sign3A_323 = arith.cmpi sgt, %mul3A_92, %sign3A_322 : i32
        %sign3A_324 = arith.extui %sign3A_323 : i1 to i32
        %sign3A_325 = arith.constant 0 : i32
        %sign3A_326 = arith.cmpi slt, %mul3A_92, %sign3A_325 : i32
        %sign3A_327 = arith.extui %sign3A_326 : i1 to i32
        %sign3A_328 = arith.subi %sign3A_324, %sign3A_327 : i32
        %sign3A_329 = arith.constant 0 : i32
        %sign3A_330 = arith.cmpi sgt, %jit3A_320, %sign3A_329 : i32
        %sign3A_331 = arith.extui %sign3A_330 : i1 to i32
        %sign3A_332 = arith.constant 0 : i32
        %sign3A_333 = arith.cmpi slt, %jit3A_320, %sign3A_332 : i32
        %sign3A_334 = arith.extui %sign3A_333 : i1 to i32
        %sign3A_335 = arith.subi %sign3A_331, %sign3A_334 : i32
        %ne3A_336 = arith.cmpi ne, %sign3A_328, %sign3A_335 : i32
        %rem3A_337 = arith.remsi %mul3A_92, %jit3A_320 : i32
        %ne3A_338 = arith.constant 0 : i32
        %ne3A_339 = arith.cmpi ne, %rem3A_337, %ne3A_338 : i32
        %and3A_340 = arith.andi %ne3A_336, %ne3A_339 : i1
        %sub3A_341 = arith.constant 1 : i32
        %sub3A_342 = arith.subi %div3A_321, %sub3A_341 : i32
        %select_n3A_343 = arith.select %and3A_340, %sub3A_342, %div3A_321 : i32
        %rem3A_344 = arith.constant 8 : i32
        %rem3A_345 = arith.remsi %mul3A_92, %rem3A_344 : i32
        %dma_wait3A_346 = arith.constant 1 : i32
        %dma_wait3A_347 = arith.constant 0 : i32
        %dma_wait3A_348 = arith.constant 0 : i32
        %dma_wait3A_349 = tpu.memref_slice %arg9[%dma_wait3A_346, %dma_wait3A_347, %dma_wait3A_348] : memref<2x128x128xf32, #tpu.memory_space<vmem>> -> memref<1x128x128xf32, #tpu.memory_space<vmem>>
        %dma_wait3A_350 = tpu.memref_squeeze %dma_wait3A_349 : memref<1x128x128xf32, #tpu.memory_space<vmem>> -> memref<128x128xf32, #tpu.memory_space<vmem>>
        %dma_wait3A_351 = arith.constant 0 : i32
        %dma_wait3A_352 = tpu.memref_slice %arg8[%select_n3A_343, %rem3A_345, %dma_wait3A_351] : memref<5x8x128xi32, #tpu.memory_space<vmem>> -> memref<1x1x128xi32, #tpu.memory_space<vmem>>
        %dma_wait3A_353 = tpu.memref_squeeze %dma_wait3A_352 : memref<1x1x128xi32, #tpu.memory_space<vmem>> -> memref<128xi32, #tpu.memory_space<vmem>>
        %dma_wait3A_354 = arith.constant 0 : i32
        %dma_wait3A_355 = arith.constant 0 : i32
        %dma_wait3A_356 = tpu.memref_slice %arg10[%dma_wait3A_354, %dma_wait3A_355] : memref<10240x128xf32, #tpu.memory_space<vmem_shared>> -> memref<10240x128xf32, #tpu.memory_space<vmem_shared>>
        tpu.wait_indirect_dma semaphore(%arg12 : memref<!tpu.dma_semaphore, #tpu.memory_space<semaphore_mem>>) src(%dma_wait3A_350 : memref<128x128xf32, #tpu.memory_space<vmem>>) dst(%dma_wait3A_356 : memref<10240x128xf32, #tpu.memory_space<vmem_shared>>)
      } else {
      }
      %jit3A = arith.constant 8 : i32
      %div3A = arith.divsi %add3A_94, %jit3A : i32
      %sign3A = arith.constant 0 : i32
      %sign3A_99 = arith.cmpi sgt, %add3A_94, %sign3A : i32
      %sign3A_100 = arith.extui %sign3A_99 : i1 to i32
      %sign3A_101 = arith.constant 0 : i32
      %sign3A_102 = arith.cmpi slt, %add3A_94, %sign3A_101 : i32
      %sign3A_103 = arith.extui %sign3A_102 : i1 to i32
      %sign3A_104 = arith.subi %sign3A_100, %sign3A_103 : i32
      %sign3A_105 = arith.constant 0 : i32
      %sign3A_106 = arith.cmpi sgt, %jit3A, %sign3A_105 : i32
      %sign3A_107 = arith.extui %sign3A_106 : i1 to i32
      %sign3A_108 = arith.constant 0 : i32
      %sign3A_109 = arith.cmpi slt, %jit3A, %sign3A_108 : i32
      %sign3A_110 = arith.extui %sign3A_109 : i1 to i32
      %sign3A_111 = arith.subi %sign3A_107, %sign3A_110 : i32
      %ne3A = arith.cmpi ne, %sign3A_104, %sign3A_111 : i32
      %rem3A_112 = arith.remsi %add3A_94, %jit3A : i32
      %ne3A_113 = arith.constant 0 : i32
      %ne3A_114 = arith.cmpi ne, %rem3A_112, %ne3A_113 : i32
      %and3A = arith.andi %ne3A, %ne3A_114 : i1
      %sub3A = arith.constant 1 : i32
      %sub3A_115 = arith.subi %div3A, %sub3A : i32
      %select_n3A = arith.select %and3A, %sub3A_115, %div3A : i32
      %rem3A_116 = arith.constant 8 : i32
      %rem3A_117 = arith.remsi %add3A_94, %rem3A_116 : i32
      %dma_start3A_118 = arith.constant 1 : i32
      %dma_start3A_119 = arith.constant 0 : i32
      %dma_start3A_120 = arith.constant 0 : i32
      %dma_start3A_121 = tpu.memref_slice %arg9[%dma_start3A_118, %dma_start3A_119, %dma_start3A_120] : memref<2x128x128xf32, #tpu.memory_space<vmem>> -> memref<1x128x128xf32, #tpu.memory_space<vmem>>
      %dma_start3A_122 = tpu.memref_squeeze %dma_start3A_121 : memref<1x128x128xf32, #tpu.memory_space<vmem>> -> memref<128x128xf32, #tpu.memory_space<vmem>>
      %dma_start3A_123 = arith.constant 0 : i32
      %dma_start3A_124 = tpu.memref_slice %arg7[%select_n3A, %rem3A_117, %dma_start3A_123] : memref<5x8x128xi32, #tpu.memory_space<vmem>> -> memref<1x1x128xi32, #tpu.memory_space<vmem>>
      %dma_start3A_125 = tpu.memref_squeeze %dma_start3A_124 : memref<1x1x128xi32, #tpu.memory_space<vmem>> -> memref<128xi32, #tpu.memory_space<vmem>>
      %dma_start3A_126 = arith.constant 0 : i32
      %dma_start3A_127 = arith.constant 0 : i32
      %dma_start3A_128 = tpu.memref_slice %arg2[%dma_start3A_126, %dma_start3A_127] : memref<10240x128xf32, #tpu.memory_space<hbm>> -> memref<10240x128xf32, #tpu.memory_space<hbm>>
      tpu.enqueue_indirect_dma source(%dma_start3A_128 : memref<10240x128xf32, #tpu.memory_space<hbm>>) target(%dma_start3A_122 : memref<128x128xf32, #tpu.memory_space<vmem>>) offsets(%dma_start3A_125 : memref<128xi32, #tpu.memory_space<vmem>>) semaphore(%arg11 : memref<!tpu.dma_semaphore, #tpu.memory_space<semaphore_mem>>)
      %jit3A_129 = arith.constant 8 : i32
      %div3A_130 = arith.divsi %mul3A_92, %jit3A_129 : i32
      %sign3A_131 = arith.constant 0 : i32
      %sign3A_132 = arith.cmpi sgt, %mul3A_92, %sign3A_131 : i32
      %sign3A_133 = arith.extui %sign3A_132 : i1 to i32
      %sign3A_134 = arith.constant 0 : i32
      %sign3A_135 = arith.cmpi slt, %mul3A_92, %sign3A_134 : i32
      %sign3A_136 = arith.extui %sign3A_135 : i1 to i32
      %sign3A_137 = arith.subi %sign3A_133, %sign3A_136 : i32
      %sign3A_138 = arith.constant 0 : i32
      %sign3A_139 = arith.cmpi sgt, %jit3A_129, %sign3A_138 : i32
      %sign3A_140 = arith.extui %sign3A_139 : i1 to i32
      %sign3A_141 = arith.constant 0 : i32
      %sign3A_142 = arith.cmpi slt, %jit3A_129, %sign3A_141 : i32
      %sign3A_143 = arith.extui %sign3A_142 : i1 to i32
      %sign3A_144 = arith.subi %sign3A_140, %sign3A_143 : i32
      %ne3A_145 = arith.cmpi ne, %sign3A_137, %sign3A_144 : i32
      %rem3A_146 = arith.remsi %mul3A_92, %jit3A_129 : i32
      %ne3A_147 = arith.constant 0 : i32
      %ne3A_148 = arith.cmpi ne, %rem3A_146, %ne3A_147 : i32
      %and3A_149 = arith.andi %ne3A_145, %ne3A_148 : i1
      %sub3A_150 = arith.constant 1 : i32
      %sub3A_151 = arith.subi %div3A_130, %sub3A_150 : i32
      %select_n3A_152 = arith.select %and3A_149, %sub3A_151, %div3A_130 : i32
      %rem3A_153 = arith.constant 8 : i32
      %rem3A_154 = arith.remsi %mul3A_92, %rem3A_153 : i32
      %dma_wait3A_155 = arith.constant 0 : i32
      %dma_wait3A_156 = arith.constant 0 : i32
      %dma_wait3A_157 = arith.constant 0 : i32
      %dma_wait3A_158 = tpu.memref_slice %arg9[%dma_wait3A_155, %dma_wait3A_156, %dma_wait3A_157] : memref<2x128x128xf32, #tpu.memory_space<vmem>> -> memref<1x128x128xf32, #tpu.memory_space<vmem>>
      %dma_wait3A_159 = tpu.memref_squeeze %dma_wait3A_158 : memref<1x128x128xf32, #tpu.memory_space<vmem>> -> memref<128x128xf32, #tpu.memory_space<vmem>>
      %dma_wait3A_160 = arith.constant 0 : i32
      %dma_wait3A_161 = tpu.memref_slice %arg7[%select_n3A_152, %rem3A_154, %dma_wait3A_160] : memref<5x8x128xi32, #tpu.memory_space<vmem>> -> memref<1x1x128xi32, #tpu.memory_space<vmem>>
      %dma_wait3A_162 = tpu.memref_squeeze %dma_wait3A_161 : memref<1x1x128xi32, #tpu.memory_space<vmem>> -> memref<128xi32, #tpu.memory_space<vmem>>
      %dma_wait3A_163 = arith.constant 0 : i32
      %dma_wait3A_164 = arith.constant 0 : i32
      %dma_wait3A_165 = tpu.memref_slice %arg2[%dma_wait3A_163, %dma_wait3A_164] : memref<10240x128xf32, #tpu.memory_space<hbm>> -> memref<10240x128xf32, #tpu.memory_space<hbm>>
      tpu.wait_indirect_dma semaphore(%arg11 : memref<!tpu.dma_semaphore, #tpu.memory_space<semaphore_mem>>) src(%dma_wait3A_165 : memref<10240x128xf32, #tpu.memory_space<hbm>>) dst(%dma_wait3A_159 : memref<128x128xf32, #tpu.memory_space<vmem>>)
      %jit3A_166 = arith.constant 8 : i32
      %div3A_167 = arith.divsi %mul3A_92, %jit3A_166 : i32
      %sign3A_168 = arith.constant 0 : i32
      %sign3A_169 = arith.cmpi sgt, %mul3A_92, %sign3A_168 : i32
      %sign3A_170 = arith.extui %sign3A_169 : i1 to i32
      %sign3A_171 = arith.constant 0 : i32
      %sign3A_172 = arith.cmpi slt, %mul3A_92, %sign3A_171 : i32
      %sign3A_173 = arith.extui %sign3A_172 : i1 to i32
      %sign3A_174 = arith.subi %sign3A_170, %sign3A_173 : i32
      %sign3A_175 = arith.constant 0 : i32
      %sign3A_176 = arith.cmpi sgt, %jit3A_166, %sign3A_175 : i32
      %sign3A_177 = arith.extui %sign3A_176 : i1 to i32
      %sign3A_178 = arith.constant 0 : i32
      %sign3A_179 = arith.cmpi slt, %jit3A_166, %sign3A_178 : i32
      %sign3A_180 = arith.extui %sign3A_179 : i1 to i32
      %sign3A_181 = arith.subi %sign3A_177, %sign3A_180 : i32
      %ne3A_182 = arith.cmpi ne, %sign3A_174, %sign3A_181 : i32
      %rem3A_183 = arith.remsi %mul3A_92, %jit3A_166 : i32
      %ne3A_184 = arith.constant 0 : i32
      %ne3A_185 = arith.cmpi ne, %rem3A_183, %ne3A_184 : i32
      %and3A_186 = arith.andi %ne3A_182, %ne3A_185 : i1
      %sub3A_187 = arith.constant 1 : i32
      %sub3A_188 = arith.subi %div3A_167, %sub3A_187 : i32
      %select_n3A_189 = arith.select %and3A_186, %sub3A_188, %div3A_167 : i32
      %rem3A_190 = arith.constant 8 : i32
      %rem3A_191 = arith.remsi %mul3A_92, %rem3A_190 : i32
      %dma_start3A_192 = arith.constant 0 : i32
      %dma_start3A_193 = arith.constant 0 : i32
      %dma_start3A_194 = arith.constant 0 : i32
      %dma_start3A_195 = tpu.memref_slice %arg9[%dma_start3A_192, %dma_start3A_193, %dma_start3A_194] : memref<2x128x128xf32, #tpu.memory_space<vmem>> -> memref<1x128x128xf32, #tpu.memory_space<vmem>>
      %dma_start3A_196 = tpu.memref_squeeze %dma_start3A_195 : memref<1x128x128xf32, #tpu.memory_space<vmem>> -> memref<128x128xf32, #tpu.memory_space<vmem>>
      %dma_start3A_197 = arith.constant 0 : i32
      %dma_start3A_198 = tpu.memref_slice %arg8[%select_n3A_189, %rem3A_191, %dma_start3A_197] : memref<5x8x128xi32, #tpu.memory_space<vmem>> -> memref<1x1x128xi32, #tpu.memory_space<vmem>>
      %dma_start3A_199 = tpu.memref_squeeze %dma_start3A_198 : memref<1x1x128xi32, #tpu.memory_space<vmem>> -> memref<128xi32, #tpu.memory_space<vmem>>
      %dma_start3A_200 = arith.constant 0 : i32
      %dma_start3A_201 = arith.constant 0 : i32
      %dma_start3A_202 = tpu.memref_slice %arg10[%dma_start3A_200, %dma_start3A_201] : memref<10240x128xf32, #tpu.memory_space<vmem_shared>> -> memref<10240x128xf32, #tpu.memory_space<vmem_shared>>
      tpu.enqueue_indirect_dma source(%dma_start3A_196 : memref<128x128xf32, #tpu.memory_space<vmem>>) target(%dma_start3A_202 : memref<10240x128xf32, #tpu.memory_space<vmem_shared>>) offsets(%dma_start3A_199 : memref<128xi32, #tpu.memory_space<vmem>>) semaphore(%arg12 : memref<!tpu.dma_semaphore, #tpu.memory_space<semaphore_mem>>)
      %jit3A_203 = arith.constant 8 : i32
      %div3A_204 = arith.divsi %add3A_94, %jit3A_203 : i32
      %sign3A_205 = arith.constant 0 : i32
      %sign3A_206 = arith.cmpi sgt, %add3A_94, %sign3A_205 : i32
      %sign3A_207 = arith.extui %sign3A_206 : i1 to i32
      %sign3A_208 = arith.constant 0 : i32
      %sign3A_209 = arith.cmpi slt, %add3A_94, %sign3A_208 : i32
      %sign3A_210 = arith.extui %sign3A_209 : i1 to i32
      %sign3A_211 = arith.subi %sign3A_207, %sign3A_210 : i32
      %sign3A_212 = arith.constant 0 : i32
      %sign3A_213 = arith.cmpi sgt, %jit3A_203, %sign3A_212 : i32
      %sign3A_214 = arith.extui %sign3A_213 : i1 to i32
      %sign3A_215 = arith.constant 0 : i32
      %sign3A_216 = arith.cmpi slt, %jit3A_203, %sign3A_215 : i32
      %sign3A_217 = arith.extui %sign3A_216 : i1 to i32
      %sign3A_218 = arith.subi %sign3A_214, %sign3A_217 : i32
      %ne3A_219 = arith.cmpi ne, %sign3A_211, %sign3A_218 : i32
      %rem3A_220 = arith.remsi %add3A_94, %jit3A_203 : i32
      %ne3A_221 = arith.constant 0 : i32
      %ne3A_222 = arith.cmpi ne, %rem3A_220, %ne3A_221 : i32
      %and3A_223 = arith.andi %ne3A_219, %ne3A_222 : i1
      %sub3A_224 = arith.constant 1 : i32
      %sub3A_225 = arith.subi %div3A_204, %sub3A_224 : i32
      %select_n3A_226 = arith.select %and3A_223, %sub3A_225, %div3A_204 : i32
      %rem3A_227 = arith.constant 8 : i32
      %rem3A_228 = arith.remsi %add3A_94, %rem3A_227 : i32
      %dma_wait3A_229 = arith.constant 1 : i32
      %dma_wait3A_230 = arith.constant 0 : i32
      %dma_wait3A_231 = arith.constant 0 : i32
      %dma_wait3A_232 = tpu.memref_slice %arg9[%dma_wait3A_229, %dma_wait3A_230, %dma_wait3A_231] : memref<2x128x128xf32, #tpu.memory_space<vmem>> -> memref<1x128x128xf32, #tpu.memory_space<vmem>>
      %dma_wait3A_233 = tpu.memref_squeeze %dma_wait3A_232 : memref<1x128x128xf32, #tpu.memory_space<vmem>> -> memref<128x128xf32, #tpu.memory_space<vmem>>
      %dma_wait3A_234 = arith.constant 0 : i32
      %dma_wait3A_235 = tpu.memref_slice %arg7[%select_n3A_226, %rem3A_228, %dma_wait3A_234] : memref<5x8x128xi32, #tpu.memory_space<vmem>> -> memref<1x1x128xi32, #tpu.memory_space<vmem>>
      %dma_wait3A_236 = tpu.memref_squeeze %dma_wait3A_235 : memref<1x1x128xi32, #tpu.memory_space<vmem>> -> memref<128xi32, #tpu.memory_space<vmem>>
      %dma_wait3A_237 = arith.constant 0 : i32
      %dma_wait3A_238 = arith.constant 0 : i32
      %dma_wait3A_239 = tpu.memref_slice %arg2[%dma_wait3A_237, %dma_wait3A_238] : memref<10240x128xf32, #tpu.memory_space<hbm>> -> memref<10240x128xf32, #tpu.memory_space<hbm>>
      tpu.wait_indirect_dma semaphore(%arg11 : memref<!tpu.dma_semaphore, #tpu.memory_space<semaphore_mem>>) src(%dma_wait3A_239 : memref<10240x128xf32, #tpu.memory_space<hbm>>) dst(%dma_wait3A_233 : memref<128x128xf32, #tpu.memory_space<vmem>>)
      %jit3A_240 = arith.constant 8 : i32
      %div3A_241 = arith.divsi %mul3A_92, %jit3A_240 : i32
      %sign3A_242 = arith.constant 0 : i32
      %sign3A_243 = arith.cmpi sgt, %mul3A_92, %sign3A_242 : i32
      %sign3A_244 = arith.extui %sign3A_243 : i1 to i32
      %sign3A_245 = arith.constant 0 : i32
      %sign3A_246 = arith.cmpi slt, %mul3A_92, %sign3A_245 : i32
      %sign3A_247 = arith.extui %sign3A_246 : i1 to i32
      %sign3A_248 = arith.subi %sign3A_244, %sign3A_247 : i32
      %sign3A_249 = arith.constant 0 : i32
      %sign3A_250 = arith.cmpi sgt, %jit3A_240, %sign3A_249 : i32
      %sign3A_251 = arith.extui %sign3A_250 : i1 to i32
      %sign3A_252 = arith.constant 0 : i32
      %sign3A_253 = arith.cmpi slt, %jit3A_240, %sign3A_252 : i32
      %sign3A_254 = arith.extui %sign3A_253 : i1 to i32
      %sign3A_255 = arith.subi %sign3A_251, %sign3A_254 : i32
      %ne3A_256 = arith.cmpi ne, %sign3A_248, %sign3A_255 : i32
      %rem3A_257 = arith.remsi %mul3A_92, %jit3A_240 : i32
      %ne3A_258 = arith.constant 0 : i32
      %ne3A_259 = arith.cmpi ne, %rem3A_257, %ne3A_258 : i32
      %and3A_260 = arith.andi %ne3A_256, %ne3A_259 : i1
      %sub3A_261 = arith.constant 1 : i32
      %sub3A_262 = arith.subi %div3A_241, %sub3A_261 : i32
      %select_n3A_263 = arith.select %and3A_260, %sub3A_262, %div3A_241 : i32
      %rem3A_264 = arith.constant 8 : i32
      %rem3A_265 = arith.remsi %mul3A_92, %rem3A_264 : i32
      %dma_wait3A_266 = arith.constant 0 : i32
      %dma_wait3A_267 = arith.constant 0 : i32
      %dma_wait3A_268 = arith.constant 0 : i32
      %dma_wait3A_269 = tpu.memref_slice %arg9[%dma_wait3A_266, %dma_wait3A_267, %dma_wait3A_268] : memref<2x128x128xf32, #tpu.memory_space<vmem>> -> memref<1x128x128xf32, #tpu.memory_space<vmem>>
      %dma_wait3A_270 = tpu.memref_squeeze %dma_wait3A_269 : memref<1x128x128xf32, #tpu.memory_space<vmem>> -> memref<128x128xf32, #tpu.memory_space<vmem>>
      %dma_wait3A_271 = arith.constant 0 : i32
      %dma_wait3A_272 = tpu.memref_slice %arg8[%select_n3A_263, %rem3A_265, %dma_wait3A_271] : memref<5x8x128xi32, #tpu.memory_space<vmem>> -> memref<1x1x128xi32, #tpu.memory_space<vmem>>
      %dma_wait3A_273 = tpu.memref_squeeze %dma_wait3A_272 : memref<1x1x128xi32, #tpu.memory_space<vmem>> -> memref<128xi32, #tpu.memory_space<vmem>>
      %dma_wait3A_274 = arith.constant 0 : i32
      %dma_wait3A_275 = arith.constant 0 : i32
      %dma_wait3A_276 = tpu.memref_slice %arg10[%dma_wait3A_274, %dma_wait3A_275] : memref<10240x128xf32, #tpu.memory_space<vmem_shared>> -> memref<10240x128xf32, #tpu.memory_space<vmem_shared>>
      tpu.wait_indirect_dma semaphore(%arg12 : memref<!tpu.dma_semaphore, #tpu.memory_space<semaphore_mem>>) src(%dma_wait3A_270 : memref<128x128xf32, #tpu.memory_space<vmem>>) dst(%dma_wait3A_276 : memref<10240x128xf32, #tpu.memory_space<vmem_shared>>)
      %add3A_277 = arith.constant 2 : i32
      %add3A_278 = arith.addi %mul3A_92, %add3A_277 : i32
      %lt3A = arith.constant 40 : i32
      %lt3A_279 = arith.cmpi slt, %add3A_278, %lt3A : i32
      %convert_element_type3A_280 = arith.extui %lt3A_279 : i1 to i32
      %cond3A_281 = arith.constant 0 : i32
      %cond3A_282 = arith.cmpi ne, %convert_element_type3A_280, %cond3A_281 : i32
      scf.if %cond3A_282 {
        %add3A_320 = arith.constant 2 : i32
        %add3A_321 = arith.addi %mul3A_92, %add3A_320 : i32
        %jit3A_322 = arith.constant 8 : i32
        %div3A_323 = arith.divsi %add3A_321, %jit3A_322 : i32
        %sign3A_324 = arith.constant 0 : i32
        %sign3A_325 = arith.cmpi sgt, %add3A_321, %sign3A_324 : i32
        %sign3A_326 = arith.extui %sign3A_325 : i1 to i32
        %sign3A_327 = arith.constant 0 : i32
        %sign3A_328 = arith.cmpi slt, %add3A_321, %sign3A_327 : i32
        %sign3A_329 = arith.extui %sign3A_328 : i1 to i32
        %sign3A_330 = arith.subi %sign3A_326, %sign3A_329 : i32
        %sign3A_331 = arith.constant 0 : i32
        %sign3A_332 = arith.cmpi sgt, %jit3A_322, %sign3A_331 : i32
        %sign3A_333 = arith.extui %sign3A_332 : i1 to i32
        %sign3A_334 = arith.constant 0 : i32
        %sign3A_335 = arith.cmpi slt, %jit3A_322, %sign3A_334 : i32
        %sign3A_336 = arith.extui %sign3A_335 : i1 to i32
        %sign3A_337 = arith.subi %sign3A_333, %sign3A_336 : i32
        %ne3A_338 = arith.cmpi ne, %sign3A_330, %sign3A_337 : i32
        %rem3A_339 = arith.remsi %add3A_321, %jit3A_322 : i32
        %ne3A_340 = arith.constant 0 : i32
        %ne3A_341 = arith.cmpi ne, %rem3A_339, %ne3A_340 : i32
        %and3A_342 = arith.andi %ne3A_338, %ne3A_341 : i1
        %sub3A_343 = arith.constant 1 : i32
        %sub3A_344 = arith.subi %div3A_323, %sub3A_343 : i32
        %select_n3A_345 = arith.select %and3A_342, %sub3A_344, %div3A_323 : i32
        %rem3A_346 = arith.constant 8 : i32
        %rem3A_347 = arith.remsi %add3A_321, %rem3A_346 : i32
        %dma_start3A_348 = arith.constant 0 : i32
        %dma_start3A_349 = arith.constant 0 : i32
        %dma_start3A_350 = arith.constant 0 : i32
        %dma_start3A_351 = tpu.memref_slice %arg9[%dma_start3A_348, %dma_start3A_349, %dma_start3A_350] : memref<2x128x128xf32, #tpu.memory_space<vmem>> -> memref<1x128x128xf32, #tpu.memory_space<vmem>>
        %dma_start3A_352 = tpu.memref_squeeze %dma_start3A_351 : memref<1x128x128xf32, #tpu.memory_space<vmem>> -> memref<128x128xf32, #tpu.memory_space<vmem>>
        %dma_start3A_353 = arith.constant 0 : i32
        %dma_start3A_354 = tpu.memref_slice %arg7[%select_n3A_345, %rem3A_347, %dma_start3A_353] : memref<5x8x128xi32, #tpu.memory_space<vmem>> -> memref<1x1x128xi32, #tpu.memory_space<vmem>>
        %dma_start3A_355 = tpu.memref_squeeze %dma_start3A_354 : memref<1x1x128xi32, #tpu.memory_space<vmem>> -> memref<128xi32, #tpu.memory_space<vmem>>
        %dma_start3A_356 = arith.constant 0 : i32
        %dma_start3A_357 = arith.constant 0 : i32
        %dma_start3A_358 = tpu.memref_slice %arg2[%dma_start3A_356, %dma_start3A_357] : memref<10240x128xf32, #tpu.memory_space<hbm>> -> memref<10240x128xf32, #tpu.memory_space<hbm>>
        tpu.enqueue_indirect_dma source(%dma_start3A_358 : memref<10240x128xf32, #tpu.memory_space<hbm>>) target(%dma_start3A_352 : memref<128x128xf32, #tpu.memory_space<vmem>>) offsets(%dma_start3A_355 : memref<128xi32, #tpu.memory_space<vmem>>) semaphore(%arg11 : memref<!tpu.dma_semaphore, #tpu.memory_space<semaphore_mem>>)
      } else {
      }
      %jit3A_283 = arith.constant 8 : i32
      %div3A_284 = arith.divsi %add3A_94, %jit3A_283 : i32
      %sign3A_285 = arith.constant 0 : i32
      %sign3A_286 = arith.cmpi sgt, %add3A_94, %sign3A_285 : i32
      %sign3A_287 = arith.extui %sign3A_286 : i1 to i32
      %sign3A_288 = arith.constant 0 : i32
      %sign3A_289 = arith.cmpi slt, %add3A_94, %sign3A_288 : i32
      %sign3A_290 = arith.extui %sign3A_289 : i1 to i32
      %sign3A_291 = arith.subi %sign3A_287, %sign3A_290 : i32
      %sign3A_292 = arith.constant 0 : i32
      %sign3A_293 = arith.cmpi sgt, %jit3A_283, %sign3A_292 : i32
      %sign3A_294 = arith.extui %sign3A_293 : i1 to i32
      %sign3A_295 = arith.constant 0 : i32
      %sign3A_296 = arith.cmpi slt, %jit3A_283, %sign3A_295 : i32
      %sign3A_297 = arith.extui %sign3A_296 : i1 to i32
      %sign3A_298 = arith.subi %sign3A_294, %sign3A_297 : i32
      %ne3A_299 = arith.cmpi ne, %sign3A_291, %sign3A_298 : i32
      %rem3A_300 = arith.remsi %add3A_94, %jit3A_283 : i32
      %ne3A_301 = arith.constant 0 : i32
      %ne3A_302 = arith.cmpi ne, %rem3A_300, %ne3A_301 : i32
      %and3A_303 = arith.andi %ne3A_299, %ne3A_302 : i1
      %sub3A_304 = arith.constant 1 : i32
      %sub3A_305 = arith.subi %div3A_284, %sub3A_304 : i32
      %select_n3A_306 = arith.select %and3A_303, %sub3A_305, %div3A_284 : i32
      %rem3A_307 = arith.constant 8 : i32
      %rem3A_308 = arith.remsi %add3A_94, %rem3A_307 : i32
      %dma_start3A_309 = arith.constant 1 : i32
      %dma_start3A_310 = arith.constant 0 : i32
      %dma_start3A_311 = arith.constant 0 : i32
      %dma_start3A_312 = tpu.memref_slice %arg9[%dma_start3A_309, %dma_start3A_310, %dma_start3A_311] : memref<2x128x128xf32, #tpu.memory_space<vmem>> -> memref<1x128x128xf32, #tpu.memory_space<vmem>>
      %dma_start3A_313 = tpu.memref_squeeze %dma_start3A_312 : memref<1x128x128xf32, #tpu.memory_space<vmem>> -> memref<128x128xf32, #tpu.memory_space<vmem>>
      %dma_start3A_314 = arith.constant 0 : i32
      %dma_start3A_315 = tpu.memref_slice %arg8[%select_n3A_306, %rem3A_308, %dma_start3A_314] : memref<5x8x128xi32, #tpu.memory_space<vmem>> -> memref<1x1x128xi32, #tpu.memory_space<vmem>>
      %dma_start3A_316 = tpu.memref_squeeze %dma_start3A_315 : memref<1x1x128xi32, #tpu.memory_space<vmem>> -> memref<128xi32, #tpu.memory_space<vmem>>
      %dma_start3A_317 = arith.constant 0 : i32
      %dma_start3A_318 = arith.constant 0 : i32
      %dma_start3A_319 = tpu.memref_slice %arg10[%dma_start3A_317, %dma_start3A_318] : memref<10240x128xf32, #tpu.memory_space<vmem_shared>> -> memref<10240x128xf32, #tpu.memory_space<vmem_shared>>
      tpu.enqueue_indirect_dma source(%dma_start3A_313 : memref<128x128xf32, #tpu.memory_space<vmem>>) target(%dma_start3A_319 : memref<10240x128xf32, #tpu.memory_space<vmem_shared>>) offsets(%dma_start3A_316 : memref<128xi32, #tpu.memory_space<vmem>>) semaphore(%arg12 : memref<!tpu.dma_semaphore, #tpu.memory_space<semaphore_mem>>)
    }
    %scan3A_69 = arith.constant 20 : i32
    %rem3A_70 = arith.constant 0 : i32
    %rem3A_71 = arith.constant 8 : i32
    %rem3A_72 = arith.remsi %rem3A_70, %rem3A_71 : i32
    %dma_wait3A_73 = arith.constant 1 : i32
    %dma_wait3A_74 = arith.constant 0 : i32
    %dma_wait3A_75 = arith.constant 0 : i32
    %dma_wait3A_76 = arith.constant 0 : i32
    %dma_wait3A_77 = tpu.memref_slice %arg9[%dma_wait3A_73, %dma_wait3A_75, %dma_wait3A_76] : memref<2x128x128xf32, #tpu.memory_space<vmem>> -> memref<1x128x128xf32, #tpu.memory_space<vmem>>
    %dma_wait3A_78 = tpu.memref_squeeze %dma_wait3A_77 : memref<1x128x128xf32, #tpu.memory_space<vmem>> -> memref<128x128xf32, #tpu.memory_space<vmem>>
    %dma_wait3A_79 = arith.constant 0 : i32
    %dma_wait3A_80 = tpu.memref_slice %arg8[%dma_wait3A_74, %rem3A_72, %dma_wait3A_79] : memref<5x8x128xi32, #tpu.memory_space<vmem>> -> memref<1x1x128xi32, #tpu.memory_space<vmem>>
    %dma_wait3A_81 = tpu.memref_squeeze %dma_wait3A_80 : memref<1x1x128xi32, #tpu.memory_space<vmem>> -> memref<128xi32, #tpu.memory_space<vmem>>
    %dma_wait3A_82 = arith.constant 0 : i32
    %dma_wait3A_83 = arith.constant 0 : i32
    %dma_wait3A_84 = tpu.memref_slice %arg10[%dma_wait3A_82, %dma_wait3A_83] : memref<10240x128xf32, #tpu.memory_space<vmem_shared>> -> memref<10240x128xf32, #tpu.memory_space<vmem_shared>>
    tpu.wait_indirect_dma semaphore(%arg12 : memref<!tpu.dma_semaphore, #tpu.memory_space<semaphore_mem>>) src(%dma_wait3A_78 : memref<128x128xf32, #tpu.memory_space<vmem>>) dst(%dma_wait3A_84 : memref<10240x128xf32, #tpu.memory_space<vmem_shared>>)
    %barrier3A_85 = arith.constant 0 : index
    tpu.barrier barrier_id(%barrier3A_85)
    %mul3A_86 = arith.constant 640 : i32
    %mul3A_87 = arith.muli %arg1, %mul3A_86 : i32
    %mul3A_88 = arith.constant 640 : i32
    %mul3A_89 = arith.muli %arg1, %mul3A_88 : i32
    "tpu.region"() ({
      %run_scoped3A_90 = tpu.sem_alloc : memref<!tpu.dma_semaphore, #tpu.memory_space<semaphore_mem>>
      %dma_start3A_91 = arith.constant 0 : i32
      %dma_start3A_92 = tpu.memref_slice %arg6[%arg0, %mul3A_89, %dma_start3A_91] : memref<2x10240x128xf32, #tpu.memory_space<hbm>> -> memref<1x640x128xf32, #tpu.memory_space<hbm>>
      %dma_start3A_93 = tpu.memref_squeeze %dma_start3A_92 : memref<1x640x128xf32, #tpu.memory_space<hbm>> -> memref<640x128xf32, #tpu.memory_space<hbm>>
      %dma_start3A_94 = arith.constant 0 : i32
      %dma_start3A_95 = tpu.memref_slice %arg10[%mul3A_87, %dma_start3A_94] : memref<10240x128xf32, #tpu.memory_space<vmem_shared>> -> memref<640x128xf32, #tpu.memory_space<vmem_shared>>
      tpu.enqueue_dma source(%dma_start3A_95 : memref<640x128xf32, #tpu.memory_space<vmem_shared>>) target(%dma_start3A_93 : memref<640x128xf32, #tpu.memory_space<hbm>>) target_semaphore(%run_scoped3A_90 : memref<!tpu.dma_semaphore, #tpu.memory_space<semaphore_mem>>)
      %dma_wait3A_96 = arith.constant 0 : i32
      %dma_wait3A_97 = tpu.memref_slice %arg6[%arg0, %mul3A_89, %dma_wait3A_96] : memref<2x10240x128xf32, #tpu.memory_space<hbm>> -> memref<1x640x128xf32, #tpu.memory_space<hbm>>
      %dma_wait3A_98 = tpu.memref_squeeze %dma_wait3A_97 : memref<1x640x128xf32, #tpu.memory_space<hbm>> -> memref<640x128xf32, #tpu.memory_space<hbm>>
      %dma_wait3A_99 = arith.constant 0 : i32
      %dma_wait3A_100 = tpu.memref_slice %arg10[%mul3A_87, %dma_wait3A_99] : memref<10240x128xf32, #tpu.memory_space<vmem_shared>> -> memref<640x128xf32, #tpu.memory_space<vmem_shared>>
      tpu.wait_dma2 semaphore(%run_scoped3A_90 : memref<!tpu.dma_semaphore, #tpu.memory_space<semaphore_mem>>) src(%dma_wait3A_100 : memref<640x128xf32, #tpu.memory_space<vmem_shared>>) dst(%dma_wait3A_98 : memref<640x128xf32, #tpu.memory_space<hbm>>)
      tpu.yield
    }) : () -> ()
    return
  }
}

#map = affine_map<(d0, d1) -> (0, 0)>
#map1 = affine_map<(d0, d1) -> (0, 0, 0, 0, 0)>
#map2 = affine_map<(d0, d1) -> (0, 0, 0)>
module attributes {stable_mosaic.version = 14 : i64} {
  func.func @k(%arg0: i32, %arg1: i32, %arg2: memref<10240x128xf32, #tpu.memory_space<hbm>>, %arg3: memref<640x128xf32, #tpu.memory_space<hbm>>, %arg4: memref<32x2x5x8x128xi32, #tpu.memory_space<hbm>>, %arg5: memref<32x2x5x8x128xi32, #tpu.memory_space<hbm>>, %arg6: memref<2x10240x128xf32, #tpu.memory_space<hbm>>, %arg7: memref<5x8x128xi32, #tpu.memory_space<vmem>>, %arg8: memref<5x8x128xi32, #tpu.memory_space<vmem>>, %arg9: memref<2x128x128xf32, #tpu.memory_space<vmem>>, %arg10: memref<10240x128xf32, #tpu.memory_space<vmem_shared>>, %arg11: memref<!tpu.dma_semaphore, #tpu.memory_space<semaphore_mem>>, %arg12: memref<!tpu.dma_semaphore, #tpu.memory_space<semaphore_mem>>, %arg13: memref<!tpu.dma_semaphore, #tpu.memory_space<semaphore_mem>>) attributes {dimension_semantics = [#tpu.dimension_semantics<core_parallel>, #tpu.dimension_semantics<subcore_parallel>], iteration_bounds = array<i64: 2, 16>, scalar_prefetch = 0 : i64, scratch_operands = 7 : i64, tpu.core_type = #tpu.core_type<sc_vector_subcore>, window_params = [{transform_indices = #map}, {transform_indices = #map}, {transform_indices = #map1}, {transform_indices = #map1}, {transform_indices = #map2}]} {
    %mul3A = arith.constant 16 : i32
    %mul3A_0 = arith.muli %arg0, %mul3A : i32
    %add3A = arith.addi %mul3A_0, %arg1 : i32
    %eq3A = arith.constant 0 : i32
    %eq3A_1 = arith.cmpi eq, %arg0, %eq3A : i32
    %convert_element_type3A = arith.extui %eq3A_1 : i1 to i32
    %cond3A = arith.constant 0 : i32
    %cond3A_2 = arith.cmpi ne, %convert_element_type3A, %cond3A : i32
    scf.if %cond3A_2 {
      %mul3A_90 = arith.constant 640 : i32
      %mul3A_91 = arith.muli %arg1, %mul3A_90 : i32
      %mul3A_92 = arith.constant 640 : i32
      %mul3A_93 = arith.muli %arg1, %mul3A_92 : i32
      %dma_start3A_94 = arith.constant 0 : i32
      %dma_start3A_95 = tpu.memref_slice %arg10[%mul3A_93, %dma_start3A_94] : memref<10240x128xf32, #tpu.memory_space<vmem_shared>> -> memref<640x128xf32, #tpu.memory_space<vmem_shared>>
      %dma_start3A_96 = arith.constant 0 : i32
      %dma_start3A_97 = tpu.memref_slice %arg2[%mul3A_91, %dma_start3A_96] : memref<10240x128xf32, #tpu.memory_space<hbm>> -> memref<640x128xf32, #tpu.memory_space<hbm>>
      tpu.enqueue_dma source(%dma_start3A_97 : memref<640x128xf32, #tpu.memory_space<hbm>>) target(%dma_start3A_95 : memref<640x128xf32, #tpu.memory_space<vmem_shared>>) target_semaphore(%arg13 : memref<!tpu.dma_semaphore, #tpu.memory_space<semaphore_mem>>)
    } else {
    }
    %eq3A_3 = arith.constant 1 : i32
    %eq3A_4 = arith.cmpi eq, %arg0, %eq3A_3 : i32
    %convert_element_type3A_5 = arith.extui %eq3A_4 : i1 to i32
    %cond3A_6 = arith.constant 0 : i32
    %cond3A_7 = arith.cmpi ne, %convert_element_type3A_5, %cond3A_6 : i32
    scf.if %cond3A_7 {
      %mul3A_90 = arith.constant 640 : i32
      %mul3A_91 = arith.muli %arg1, %mul3A_90 : i32
      %dma_start3A_92 = arith.constant 0 : i32
      %dma_start3A_93 = tpu.memref_slice %arg10[%mul3A_91, %dma_start3A_92] : memref<10240x128xf32, #tpu.memory_space<vmem_shared>> -> memref<640x128xf32, #tpu.memory_space<vmem_shared>>
      tpu.enqueue_dma source(%arg3 : memref<640x128xf32, #tpu.memory_space<hbm>>) target(%dma_start3A_93 : memref<640x128xf32, #tpu.memory_space<vmem_shared>>) target_semaphore(%arg13 : memref<!tpu.dma_semaphore, #tpu.memory_space<semaphore_mem>>)
    } else {
    }
    %run_scoped3A = arith.constant 0 : i32
    "tpu.region"() ({
      %run_scoped3A_90 = tpu.sem_alloc : memref<!tpu.dma_semaphore, #tpu.memory_space<semaphore_mem>>
      %dma_start3A_91 = arith.constant 0 : i32
      %dma_start3A_92 = arith.constant 0 : i32
      %dma_start3A_93 = arith.constant 0 : i32
      %dma_start3A_94 = tpu.memref_slice %arg4[%add3A, %run_scoped3A, %dma_start3A_91, %dma_start3A_92, %dma_start3A_93] : memref<32x2x5x8x128xi32, #tpu.memory_space<hbm>> -> memref<1x1x5x8x128xi32, #tpu.memory_space<hbm>>
      %dma_start3A_95 = tpu.memref_squeeze %dma_start3A_94 : memref<1x1x5x8x128xi32, #tpu.memory_space<hbm>> -> memref<5x8x128xi32, #tpu.memory_space<hbm>>
      %dma_start3A_96 = arith.constant 0 : i32
      %dma_start3A_97 = arith.constant 0 : i32
      %dma_start3A_98 = arith.constant 0 : i32
      %dma_start3A_99 = tpu.memref_slice %arg4[%add3A, %run_scoped3A, %dma_start3A_96, %dma_start3A_97, %dma_start3A_98] : memref<32x2x5x8x128xi32, #tpu.memory_space<hbm>> -> memref<1x1x5x8x128xi32, #tpu.memory_space<hbm>>
      %dma_start3A_100 = tpu.memref_squeeze %dma_start3A_99 : memref<1x1x5x8x128xi32, #tpu.memory_space<hbm>> -> memref<5x8x128xi32, #tpu.memory_space<hbm>>
      tpu.enqueue_dma source(%dma_start3A_100 : memref<5x8x128xi32, #tpu.memory_space<hbm>>) target(%arg7 : memref<5x8x128xi32, #tpu.memory_space<vmem>>) target_semaphore(%run_scoped3A_90 : memref<!tpu.dma_semaphore, #tpu.memory_space<semaphore_mem>>)
      %dma_wait3A_101 = arith.constant 0 : i32
      %dma_wait3A_102 = arith.constant 0 : i32
      %dma_wait3A_103 = arith.constant 0 : i32
      %dma_wait3A_104 = tpu.memref_slice %arg4[%add3A, %run_scoped3A, %dma_wait3A_101, %dma_wait3A_102, %dma_wait3A_103] : memref<32x2x5x8x128xi32, #tpu.memory_space<hbm>> -> memref<1x1x5x8x128xi32, #tpu.memory_space<hbm>>
      %dma_wait3A_105 = tpu.memref_squeeze %dma_wait3A_104 : memref<1x1x5x8x128xi32, #tpu.memory_space<hbm>> -> memref<5x8x128xi32, #tpu.memory_space<hbm>>
      %dma_wait3A_106 = arith.constant 0 : i32
      %dma_wait3A_107 = arith.constant 0 : i32
      %dma_wait3A_108 = arith.constant 0 : i32
      %dma_wait3A_109 = tpu.memref_slice %arg4[%add3A, %run_scoped3A, %dma_wait3A_106, %dma_wait3A_107, %dma_wait3A_108] : memref<32x2x5x8x128xi32, #tpu.memory_space<hbm>> -> memref<1x1x5x8x128xi32, #tpu.memory_space<hbm>>
      %dma_wait3A_110 = tpu.memref_squeeze %dma_wait3A_109 : memref<1x1x5x8x128xi32, #tpu.memory_space<hbm>> -> memref<5x8x128xi32, #tpu.memory_space<hbm>>
      tpu.wait_dma2 semaphore(%run_scoped3A_90 : memref<!tpu.dma_semaphore, #tpu.memory_space<semaphore_mem>>) src(%dma_wait3A_110 : memref<5x8x128xi32, #tpu.memory_space<hbm>>) dst(%arg7 : memref<5x8x128xi32, #tpu.memory_space<vmem>>)
      tpu.yield
    }) : () -> ()
    %run_scoped3A_8 = arith.constant 0 : i32
    "tpu.region"() ({
      %run_scoped3A_90 = tpu.sem_alloc : memref<!tpu.dma_semaphore, #tpu.memory_space<semaphore_mem>>
      %dma_start3A_91 = arith.constant 0 : i32
      %dma_start3A_92 = arith.constant 0 : i32
      %dma_start3A_93 = arith.constant 0 : i32
      %dma_start3A_94 = tpu.memref_slice %arg5[%add3A, %run_scoped3A_8, %dma_start3A_91, %dma_start3A_92, %dma_start3A_93] : memref<32x2x5x8x128xi32, #tpu.memory_space<hbm>> -> memref<1x1x5x8x128xi32, #tpu.memory_space<hbm>>
      %dma_start3A_95 = tpu.memref_squeeze %dma_start3A_94 : memref<1x1x5x8x128xi32, #tpu.memory_space<hbm>> -> memref<5x8x128xi32, #tpu.memory_space<hbm>>
      %dma_start3A_96 = arith.constant 0 : i32
      %dma_start3A_97 = arith.constant 0 : i32
      %dma_start3A_98 = arith.constant 0 : i32
      %dma_start3A_99 = tpu.memref_slice %arg5[%add3A, %run_scoped3A_8, %dma_start3A_96, %dma_start3A_97, %dma_start3A_98] : memref<32x2x5x8x128xi32, #tpu.memory_space<hbm>> -> memref<1x1x5x8x128xi32, #tpu.memory_space<hbm>>
      %dma_start3A_100 = tpu.memref_squeeze %dma_start3A_99 : memref<1x1x5x8x128xi32, #tpu.memory_space<hbm>> -> memref<5x8x128xi32, #tpu.memory_space<hbm>>
      tpu.enqueue_dma source(%dma_start3A_100 : memref<5x8x128xi32, #tpu.memory_space<hbm>>) target(%arg8 : memref<5x8x128xi32, #tpu.memory_space<vmem>>) target_semaphore(%run_scoped3A_90 : memref<!tpu.dma_semaphore, #tpu.memory_space<semaphore_mem>>)
      %dma_wait3A_101 = arith.constant 0 : i32
      %dma_wait3A_102 = arith.constant 0 : i32
      %dma_wait3A_103 = arith.constant 0 : i32
      %dma_wait3A_104 = tpu.memref_slice %arg5[%add3A, %run_scoped3A_8, %dma_wait3A_101, %dma_wait3A_102, %dma_wait3A_103] : memref<32x2x5x8x128xi32, #tpu.memory_space<hbm>> -> memref<1x1x5x8x128xi32, #tpu.memory_space<hbm>>
      %dma_wait3A_105 = tpu.memref_squeeze %dma_wait3A_104 : memref<1x1x5x8x128xi32, #tpu.memory_space<hbm>> -> memref<5x8x128xi32, #tpu.memory_space<hbm>>
      %dma_wait3A_106 = arith.constant 0 : i32
      %dma_wait3A_107 = arith.constant 0 : i32
      %dma_wait3A_108 = arith.constant 0 : i32
      %dma_wait3A_109 = tpu.memref_slice %arg5[%add3A, %run_scoped3A_8, %dma_wait3A_106, %dma_wait3A_107, %dma_wait3A_108] : memref<32x2x5x8x128xi32, #tpu.memory_space<hbm>> -> memref<1x1x5x8x128xi32, #tpu.memory_space<hbm>>
      %dma_wait3A_110 = tpu.memref_squeeze %dma_wait3A_109 : memref<1x1x5x8x128xi32, #tpu.memory_space<hbm>> -> memref<5x8x128xi32, #tpu.memory_space<hbm>>
      tpu.wait_dma2 semaphore(%run_scoped3A_90 : memref<!tpu.dma_semaphore, #tpu.memory_space<semaphore_mem>>) src(%dma_wait3A_110 : memref<5x8x128xi32, #tpu.memory_space<hbm>>) dst(%arg8 : memref<5x8x128xi32, #tpu.memory_space<vmem>>)
      tpu.yield
    }) : () -> ()
    %rem3A = arith.constant 0 : i32
    %rem3A_9 = arith.constant 8 : i32
    %rem3A_10 = arith.remsi %rem3A, %rem3A_9 : i32
    %dma_start3A = arith.constant 0 : i32
    %dma_start3A_11 = arith.constant 0 : i32
    %dma_start3A_12 = arith.constant 0 : i32
    %dma_start3A_13 = arith.constant 0 : i32
    %dma_start3A_14 = tpu.memref_slice %arg9[%dma_start3A_11, %dma_start3A_12, %dma_start3A_13] : memref<2x128x128xf32, #tpu.memory_space<vmem>> -> memref<1x128x128xf32, #tpu.memory_space<vmem>>
    %dma_start3A_15 = tpu.memref_squeeze %dma_start3A_14 : memref<1x128x128xf32, #tpu.memory_space<vmem>> -> memref<128x128xf32, #tpu.memory_space<vmem>>
    %dma_start3A_16 = arith.constant 0 : i32
    %dma_start3A_17 = tpu.memref_slice %arg7[%dma_start3A, %rem3A_10, %dma_start3A_16] : memref<5x8x128xi32, #tpu.memory_space<vmem>> -> memref<1x1x128xi32, #tpu.memory_space<vmem>>
    %dma_start3A_18 = tpu.memref_squeeze %dma_start3A_17 : memref<1x1x128xi32, #tpu.memory_space<vmem>> -> memref<128xi32, #tpu.memory_space<vmem>>
    %dma_start3A_19 = arith.constant 0 : i32
    %dma_start3A_20 = arith.constant 0 : i32
    %dma_start3A_21 = tpu.memref_slice %arg2[%dma_start3A_19, %dma_start3A_20] : memref<10240x128xf32, #tpu.memory_space<hbm>> -> memref<10240x128xf32, #tpu.memory_space<hbm>>
    tpu.enqueue_indirect_dma source(%dma_start3A_21 : memref<10240x128xf32, #tpu.memory_space<hbm>>) target(%dma_start3A_15 : memref<128x128xf32, #tpu.memory_space<vmem>>) offsets(%dma_start3A_18 : memref<128xi32, #tpu.memory_space<vmem>>) semaphore(%arg11 : memref<!tpu.dma_semaphore, #tpu.memory_space<semaphore_mem>>)
    %dma_wait3A = arith.constant 0 : i32
    %dma_wait3A_22 = arith.constant 0 : i32
    %dma_wait3A_23 = tpu.memref_slice %arg10[%dma_wait3A, %dma_wait3A_22] : memref<10240x128xf32, #tpu.memory_space<vmem_shared>> -> memref<640x128xf32, #tpu.memory_space<vmem_shared>>
    %dma_wait3A_24 = arith.constant 0 : i32
    %dma_wait3A_25 = arith.constant 0 : i32
    %dma_wait3A_26 = tpu.memref_slice %arg2[%dma_wait3A_24, %dma_wait3A_25] : memref<10240x128xf32, #tpu.memory_space<hbm>> -> memref<640x128xf32, #tpu.memory_space<hbm>>
    tpu.wait_dma2 semaphore(%arg13 : memref<!tpu.dma_semaphore, #tpu.memory_space<semaphore_mem>>) src(%dma_wait3A_26 : memref<640x128xf32, #tpu.memory_space<hbm>>) dst(%dma_wait3A_23 : memref<640x128xf32, #tpu.memory_space<vmem_shared>>)
    %barrier3A = arith.constant 0 : index
    tpu.barrier barrier_id(%barrier3A)
    %scan3A = arith.constant 0 : i32
    %scan3A_27 = arith.constant 0 : i32
    %scan3A_28 = arith.constant 20 : i32
    %scan3A_29 = arith.addi %scan3A_27, %scan3A_28 : i32
    %scan3A_30 = arith.constant 1 : i32
    scf.for %scan3A_90 = %scan3A_27 to %scan3A_29 step %scan3A_30  : i32 {
      %mul3A_91 = arith.constant 2 : i32
      %mul3A_92 = arith.muli %mul3A_91, %scan3A_90 : i32
      %add3A_93 = arith.constant 1 : i32
      %add3A_94 = arith.addi %mul3A_92, %add3A_93 : i32
      %gt3A = arith.constant 0 : i32
      %gt3A_95 = arith.cmpi sgt, %scan3A_90, %gt3A : i32
      %convert_element_type3A_96 = arith.extui %gt3A_95 : i1 to i32
      %cond3A_97 = arith.constant 0 : i32
      %cond3A_98 = arith.cmpi ne, %convert_element_type3A_96, %cond3A_97 : i32
      scf.if %cond3A_98 {
        %jit3A_320 = arith.constant 8 : i32
        %div3A_321 = arith.divsi %mul3A_92, %jit3A_320 : i32
        %sign3A_322 = arith.constant 0 : i32
        %sign3A_323 = arith.cmpi sgt, %mul3A_92, %sign3A_322 : i32
        %sign3A_324 = arith.extui %sign3A_323 : i1 to i32
        %sign3A_325 = arith.constant 0 : i32
        %sign3A_326 = arith.cmpi slt, %mul3A_92, %sign3A_325 : i32
        %sign3A_327 = arith.extui %sign3A_326 : i1 to i32
        %sign3A_328 = arith.subi %sign3A_324, %sign3A_327 : i32
        %sign3A_329 = arith.constant 0 : i32
        %sign3A_330 = arith.cmpi sgt, %jit3A_320, %sign3A_329 : i32
        %sign3A_331 = arith.extui %sign3A_330 : i1 to i32
        %sign3A_332 = arith.constant 0 : i32
        %sign3A_333 = arith.cmpi slt, %jit3A_320, %sign3A_332 : i32
        %sign3A_334 = arith.extui %sign3A_333 : i1 to i32
        %sign3A_335 = arith.subi %sign3A_331, %sign3A_334 : i32
        %ne3A_336 = arith.cmpi ne, %sign3A_328, %sign3A_335 : i32
        %rem3A_337 = arith.remsi %mul3A_92, %jit3A_320 : i32
        %ne3A_338 = arith.constant 0 : i32
        %ne3A_339 = arith.cmpi ne, %rem3A_337, %ne3A_338 : i32
        %and3A_340 = arith.andi %ne3A_336, %ne3A_339 : i1
        %sub3A_341 = arith.constant 1 : i32
        %sub3A_342 = arith.subi %div3A_321, %sub3A_341 : i32
        %select_n3A_343 = arith.select %and3A_340, %sub3A_342, %div3A_321 : i32
        %rem3A_344 = arith.constant 8 : i32
        %rem3A_345 = arith.remsi %mul3A_92, %rem3A_344 : i32
        %dma_wait3A_346 = arith.constant 1 : i32
        %dma_wait3A_347 = arith.constant 0 : i32
        %dma_wait3A_348 = arith.constant 0 : i32
        %dma_wait3A_349 = tpu.memref_slice %arg9[%dma_wait3A_346, %dma_wait3A_347, %dma_wait3A_348] : memref<2x128x128xf32, #tpu.memory_space<vmem>> -> memref<1x128x128xf32, #tpu.memory_space<vmem>>
        %dma_wait3A_350 = tpu.memref_squeeze %dma_wait3A_349 : memref<1x128x128xf32, #tpu.memory_space<vmem>> -> memref<128x128xf32, #tpu.memory_space<vmem>>
        %dma_wait3A_351 = arith.constant 0 : i32
        %dma_wait3A_352 = tpu.memref_slice %arg8[%select_n3A_343, %rem3A_345, %dma_wait3A_351] : memref<5x8x128xi32, #tpu.memory_space<vmem>> -> memref<1x1x128xi32, #tpu.memory_space<vmem>>
        %dma_wait3A_353 = tpu.memref_squeeze %dma_wait3A_352 : memref<1x1x128xi32, #tpu.memory_space<vmem>> -> memref<128xi32, #tpu.memory_space<vmem>>
        %dma_wait3A_354 = arith.constant 0 : i32
        %dma_wait3A_355 = arith.constant 0 : i32
        %dma_wait3A_356 = tpu.memref_slice %arg10[%dma_wait3A_354, %dma_wait3A_355] : memref<10240x128xf32, #tpu.memory_space<vmem_shared>> -> memref<10240x128xf32, #tpu.memory_space<vmem_shared>>
        tpu.wait_indirect_dma semaphore(%arg12 : memref<!tpu.dma_semaphore, #tpu.memory_space<semaphore_mem>>) src(%dma_wait3A_350 : memref<128x128xf32, #tpu.memory_space<vmem>>) dst(%dma_wait3A_356 : memref<10240x128xf32, #tpu.memory_space<vmem_shared>>)
      } else {
      }
      %jit3A = arith.constant 8 : i32
      %div3A = arith.divsi %add3A_94, %jit3A : i32
      %sign3A = arith.constant 0 : i32
      %sign3A_99 = arith.cmpi sgt, %add3A_94, %sign3A : i32
      %sign3A_100 = arith.extui %sign3A_99 : i1 to i32
      %sign3A_101 = arith.constant 0 : i32
      %sign3A_102 = arith.cmpi slt, %add3A_94, %sign3A_101 : i32
      %sign3A_103 = arith.extui %sign3A_102 : i1 to i32
      %sign3A_104 = arith.subi %sign3A_100, %sign3A_103 : i32
      %sign3A_105 = arith.constant 0 : i32
      %sign3A_106 = arith.cmpi sgt, %jit3A, %sign3A_105 : i32
      %sign3A_107 = arith.extui %sign3A_106 : i1 to i32
      %sign3A_108 = arith.constant 0 : i32
      %sign3A_109 = arith.cmpi slt, %jit3A, %sign3A_108 : i32
      %sign3A_110 = arith.extui %sign3A_109 : i1 to i32
      %sign3A_111 = arith.subi %sign3A_107, %sign3A_110 : i32
      %ne3A = arith.cmpi ne, %sign3A_104, %sign3A_111 : i32
      %rem3A_112 = arith.remsi %add3A_94, %jit3A : i32
      %ne3A_113 = arith.constant 0 : i32
      %ne3A_114 = arith.cmpi ne, %rem3A_112, %ne3A_113 : i32
      %and3A = arith.andi %ne3A, %ne3A_114 : i1
      %sub3A = arith.constant 1 : i32
      %sub3A_115 = arith.subi %div3A, %sub3A : i32
      %select_n3A = arith.select %and3A, %sub3A_115, %div3A : i32
      %rem3A_116 = arith.constant 8 : i32
      %rem3A_117 = arith.remsi %add3A_94, %rem3A_116 : i32
      %dma_start3A_118 = arith.constant 1 : i32
      %dma_start3A_119 = arith.constant 0 : i32
      %dma_start3A_120 = arith.constant 0 : i32
      %dma_start3A_121 = tpu.memref_slice %arg9[%dma_start3A_118, %dma_start3A_119, %dma_start3A_120] : memref<2x128x128xf32, #tpu.memory_space<vmem>> -> memref<1x128x128xf32, #tpu.memory_space<vmem>>
      %dma_start3A_122 = tpu.memref_squeeze %dma_start3A_121 : memref<1x128x128xf32, #tpu.memory_space<vmem>> -> memref<128x128xf32, #tpu.memory_space<vmem>>
      %dma_start3A_123 = arith.constant 0 : i32
      %dma_start3A_124 = tpu.memref_slice %arg7[%select_n3A, %rem3A_117, %dma_start3A_123] : memref<5x8x128xi32, #tpu.memory_space<vmem>> -> memref<1x1x128xi32, #tpu.memory_space<vmem>>
      %dma_start3A_125 = tpu.memref_squeeze %dma_start3A_124 : memref<1x1x128xi32, #tpu.memory_space<vmem>> -> memref<128xi32, #tpu.memory_space<vmem>>
      %dma_start3A_126 = arith.constant 0 : i32
      %dma_start3A_127 = arith.constant 0 : i32
      %dma_start3A_128 = tpu.memref_slice %arg2[%dma_start3A_126, %dma_start3A_127] : memref<10240x128xf32, #tpu.memory_space<hbm>> -> memref<10240x128xf32, #tpu.memory_space<hbm>>
      tpu.enqueue_indirect_dma source(%dma_start3A_128 : memref<10240x128xf32, #tpu.memory_space<hbm>>) target(%dma_start3A_122 : memref<128x128xf32, #tpu.memory_space<vmem>>) offsets(%dma_start3A_125 : memref<128xi32, #tpu.memory_space<vmem>>) semaphore(%arg11 : memref<!tpu.dma_semaphore, #tpu.memory_space<semaphore_mem>>)
      %jit3A_129 = arith.constant 8 : i32
      %div3A_130 = arith.divsi %mul3A_92, %jit3A_129 : i32
      %sign3A_131 = arith.constant 0 : i32
      %sign3A_132 = arith.cmpi sgt, %mul3A_92, %sign3A_131 : i32
      %sign3A_133 = arith.extui %sign3A_132 : i1 to i32
      %sign3A_134 = arith.constant 0 : i32
      %sign3A_135 = arith.cmpi slt, %mul3A_92, %sign3A_134 : i32
      %sign3A_136 = arith.extui %sign3A_135 : i1 to i32
      %sign3A_137 = arith.subi %sign3A_133, %sign3A_136 : i32
      %sign3A_138 = arith.constant 0 : i32
      %sign3A_139 = arith.cmpi sgt, %jit3A_129, %sign3A_138 : i32
      %sign3A_140 = arith.extui %sign3A_139 : i1 to i32
      %sign3A_141 = arith.constant 0 : i32
      %sign3A_142 = arith.cmpi slt, %jit3A_129, %sign3A_141 : i32
      %sign3A_143 = arith.extui %sign3A_142 : i1 to i32
      %sign3A_144 = arith.subi %sign3A_140, %sign3A_143 : i32
      %ne3A_145 = arith.cmpi ne, %sign3A_137, %sign3A_144 : i32
      %rem3A_146 = arith.remsi %mul3A_92, %jit3A_129 : i32
      %ne3A_147 = arith.constant 0 : i32
      %ne3A_148 = arith.cmpi ne, %rem3A_146, %ne3A_147 : i32
      %and3A_149 = arith.andi %ne3A_145, %ne3A_148 : i1
      %sub3A_150 = arith.constant 1 : i32
      %sub3A_151 = arith.subi %div3A_130, %sub3A_150 : i32
      %select_n3A_152 = arith.select %and3A_149, %sub3A_151, %div3A_130 : i32
      %rem3A_153 = arith.constant 8 : i32
      %rem3A_154 = arith.remsi %mul3A_92, %rem3A_153 : i32
      %dma_wait3A_155 = arith.constant 0 : i32
      %dma_wait3A_156 = arith.constant 0 : i32
      %dma_wait3A_157 = arith.constant 0 : i32
      %dma_wait3A_158 = tpu.memref_slice %arg9[%dma_wait3A_155, %dma_wait3A_156, %dma_wait3A_157] : memref<2x128x128xf32, #tpu.memory_space<vmem>> -> memref<1x128x128xf32, #tpu.memory_space<vmem>>
      %dma_wait3A_159 = tpu.memref_squeeze %dma_wait3A_158 : memref<1x128x128xf32, #tpu.memory_space<vmem>> -> memref<128x128xf32, #tpu.memory_space<vmem>>
      %dma_wait3A_160 = arith.constant 0 : i32
      %dma_wait3A_161 = tpu.memref_slice %arg7[%select_n3A_152, %rem3A_154, %dma_wait3A_160] : memref<5x8x128xi32, #tpu.memory_space<vmem>> -> memref<1x1x128xi32, #tpu.memory_space<vmem>>
      %dma_wait3A_162 = tpu.memref_squeeze %dma_wait3A_161 : memref<1x1x128xi32, #tpu.memory_space<vmem>> -> memref<128xi32, #tpu.memory_space<vmem>>
      %dma_wait3A_163 = arith.constant 0 : i32
      %dma_wait3A_164 = arith.constant 0 : i32
      %dma_wait3A_165 = tpu.memref_slice %arg2[%dma_wait3A_163, %dma_wait3A_164] : memref<10240x128xf32, #tpu.memory_space<hbm>> -> memref<10240x128xf32, #tpu.memory_space<hbm>>
      tpu.wait_indirect_dma semaphore(%arg11 : memref<!tpu.dma_semaphore, #tpu.memory_space<semaphore_mem>>) src(%dma_wait3A_165 : memref<10240x128xf32, #tpu.memory_space<hbm>>) dst(%dma_wait3A_159 : memref<128x128xf32, #tpu.memory_space<vmem>>)
      %jit3A_166 = arith.constant 8 : i32
      %div3A_167 = arith.divsi %mul3A_92, %jit3A_166 : i32
      %sign3A_168 = arith.constant 0 : i32
      %sign3A_169 = arith.cmpi sgt, %mul3A_92, %sign3A_168 : i32
      %sign3A_170 = arith.extui %sign3A_169 : i1 to i32
      %sign3A_171 = arith.constant 0 : i32
      %sign3A_172 = arith.cmpi slt, %mul3A_92, %sign3A_171 : i32
      %sign3A_173 = arith.extui %sign3A_172 : i1 to i32
      %sign3A_174 = arith.subi %sign3A_170, %sign3A_173 : i32
      %sign3A_175 = arith.constant 0 : i32
      %sign3A_176 = arith.cmpi sgt, %jit3A_166, %sign3A_175 : i32
      %sign3A_177 = arith.extui %sign3A_176 : i1 to i32
      %sign3A_178 = arith.constant 0 : i32
      %sign3A_179 = arith.cmpi slt, %jit3A_166, %sign3A_178 : i32
      %sign3A_180 = arith.extui %sign3A_179 : i1 to i32
      %sign3A_181 = arith.subi %sign3A_177, %sign3A_180 : i32
      %ne3A_182 = arith.cmpi ne, %sign3A_174, %sign3A_181 : i32
      %rem3A_183 = arith.remsi %mul3A_92, %jit3A_166 : i32
      %ne3A_184 = arith.constant 0 : i32
      %ne3A_185 = arith.cmpi ne, %rem3A_183, %ne3A_184 : i32
      %and3A_186 = arith.andi %ne3A_182, %ne3A_185 : i1
      %sub3A_187 = arith.constant 1 : i32
      %sub3A_188 = arith.subi %div3A_167, %sub3A_187 : i32
      %select_n3A_189 = arith.select %and3A_186, %sub3A_188, %div3A_167 : i32
      %rem3A_190 = arith.constant 8 : i32
      %rem3A_191 = arith.remsi %mul3A_92, %rem3A_190 : i32
      %dma_start3A_192 = arith.constant 0 : i32
      %dma_start3A_193 = arith.constant 0 : i32
      %dma_start3A_194 = arith.constant 0 : i32
      %dma_start3A_195 = tpu.memref_slice %arg9[%dma_start3A_192, %dma_start3A_193, %dma_start3A_194] : memref<2x128x128xf32, #tpu.memory_space<vmem>> -> memref<1x128x128xf32, #tpu.memory_space<vmem>>
      %dma_start3A_196 = tpu.memref_squeeze %dma_start3A_195 : memref<1x128x128xf32, #tpu.memory_space<vmem>> -> memref<128x128xf32, #tpu.memory_space<vmem>>
      %dma_start3A_197 = arith.constant 0 : i32
      %dma_start3A_198 = tpu.memref_slice %arg8[%select_n3A_189, %rem3A_191, %dma_start3A_197] : memref<5x8x128xi32, #tpu.memory_space<vmem>> -> memref<1x1x128xi32, #tpu.memory_space<vmem>>
      %dma_start3A_199 = tpu.memref_squeeze %dma_start3A_198 : memref<1x1x128xi32, #tpu.memory_space<vmem>> -> memref<128xi32, #tpu.memory_space<vmem>>
      %dma_start3A_200 = arith.constant 0 : i32
      %dma_start3A_201 = arith.constant 0 : i32
      %dma_start3A_202 = tpu.memref_slice %arg10[%dma_start3A_200, %dma_start3A_201] : memref<10240x128xf32, #tpu.memory_space<vmem_shared>> -> memref<10240x128xf32, #tpu.memory_space<vmem_shared>>
      tpu.enqueue_indirect_dma source(%dma_start3A_196 : memref<128x128xf32, #tpu.memory_space<vmem>>) target(%dma_start3A_202 : memref<10240x128xf32, #tpu.memory_space<vmem_shared>>) offsets(%dma_start3A_199 : memref<128xi32, #tpu.memory_space<vmem>>) semaphore(%arg12 : memref<!tpu.dma_semaphore, #tpu.memory_space<semaphore_mem>>)
      %jit3A_203 = arith.constant 8 : i32
      %div3A_204 = arith.divsi %add3A_94, %jit3A_203 : i32
      %sign3A_205 = arith.constant 0 : i32
      %sign3A_206 = arith.cmpi sgt, %add3A_94, %sign3A_205 : i32
      %sign3A_207 = arith.extui %sign3A_206 : i1 to i32
      %sign3A_208 = arith.constant 0 : i32
      %sign3A_209 = arith.cmpi slt, %add3A_94, %sign3A_208 : i32
      %sign3A_210 = arith.extui %sign3A_209 : i1 to i32
      %sign3A_211 = arith.subi %sign3A_207, %sign3A_210 : i32
      %sign3A_212 = arith.constant 0 : i32
      %sign3A_213 = arith.cmpi sgt, %jit3A_203, %sign3A_212 : i32
      %sign3A_214 = arith.extui %sign3A_213 : i1 to i32
      %sign3A_215 = arith.constant 0 : i32
      %sign3A_216 = arith.cmpi slt, %jit3A_203, %sign3A_215 : i32
      %sign3A_217 = arith.extui %sign3A_216 : i1 to i32
      %sign3A_218 = arith.subi %sign3A_214, %sign3A_217 : i32
      %ne3A_219 = arith.cmpi ne, %sign3A_211, %sign3A_218 : i32
      %rem3A_220 = arith.remsi %add3A_94, %jit3A_203 : i32
      %ne3A_221 = arith.constant 0 : i32
      %ne3A_222 = arith.cmpi ne, %rem3A_220, %ne3A_221 : i32
      %and3A_223 = arith.andi %ne3A_219, %ne3A_222 : i1
      %sub3A_224 = arith.constant 1 : i32
      %sub3A_225 = arith.subi %div3A_204, %sub3A_224 : i32
      %select_n3A_226 = arith.select %and3A_223, %sub3A_225, %div3A_204 : i32
      %rem3A_227 = arith.constant 8 : i32
      %rem3A_228 = arith.remsi %add3A_94, %rem3A_227 : i32
      %dma_wait3A_229 = arith.constant 1 : i32
      %dma_wait3A_230 = arith.constant 0 : i32
      %dma_wait3A_231 = arith.constant 0 : i32
      %dma_wait3A_232 = tpu.memref_slice %arg9[%dma_wait3A_229, %dma_wait3A_230, %dma_wait3A_231] : memref<2x128x128xf32, #tpu.memory_space<vmem>> -> memref<1x128x128xf32, #tpu.memory_space<vmem>>
      %dma_wait3A_233 = tpu.memref_squeeze %dma_wait3A_232 : memref<1x128x128xf32, #tpu.memory_space<vmem>> -> memref<128x128xf32, #tpu.memory_space<vmem>>
      %dma_wait3A_234 = arith.constant 0 : i32
      %dma_wait3A_235 = tpu.memref_slice %arg7[%select_n3A_226, %rem3A_228, %dma_wait3A_234] : memref<5x8x128xi32, #tpu.memory_space<vmem>> -> memref<1x1x128xi32, #tpu.memory_space<vmem>>
      %dma_wait3A_236 = tpu.memref_squeeze %dma_wait3A_235 : memref<1x1x128xi32, #tpu.memory_space<vmem>> -> memref<128xi32, #tpu.memory_space<vmem>>
      %dma_wait3A_237 = arith.constant 0 : i32
      %dma_wait3A_238 = arith.constant 0 : i32
      %dma_wait3A_239 = tpu.memref_slice %arg2[%dma_wait3A_237, %dma_wait3A_238] : memref<10240x128xf32, #tpu.memory_space<hbm>> -> memref<10240x128xf32, #tpu.memory_space<hbm>>
      tpu.wait_indirect_dma semaphore(%arg11 : memref<!tpu.dma_semaphore, #tpu.memory_space<semaphore_mem>>) src(%dma_wait3A_239 : memref<10240x128xf32, #tpu.memory_space<hbm>>) dst(%dma_wait3A_233 : memref<128x128xf32, #tpu.memory_space<vmem>>)
      %jit3A_240 = arith.constant 8 : i32
      %div3A_241 = arith.divsi %mul3A_92, %jit3A_240 : i32
      %sign3A_242 = arith.constant 0 : i32
      %sign3A_243 = arith.cmpi sgt, %mul3A_92, %sign3A_242 : i32
      %sign3A_244 = arith.extui %sign3A_243 : i1 to i32
      %sign3A_245 = arith.constant 0 : i32
      %sign3A_246 = arith.cmpi slt, %mul3A_92, %sign3A_245 : i32
      %sign3A_247 = arith.extui %sign3A_246 : i1 to i32
      %sign3A_248 = arith.subi %sign3A_244, %sign3A_247 : i32
      %sign3A_249 = arith.constant 0 : i32
      %sign3A_250 = arith.cmpi sgt, %jit3A_240, %sign3A_249 : i32
      %sign3A_251 = arith.extui %sign3A_250 : i1 to i32
      %sign3A_252 = arith.constant 0 : i32
      %sign3A_253 = arith.cmpi slt, %jit3A_240, %sign3A_252 : i32
      %sign3A_254 = arith.extui %sign3A_253 : i1 to i32
      %sign3A_255 = arith.subi %sign3A_251, %sign3A_254 : i32
      %ne3A_256 = arith.cmpi ne, %sign3A_248, %sign3A_255 : i32
      %rem3A_257 = arith.remsi %mul3A_92, %jit3A_240 : i32
      %ne3A_258 = arith.constant 0 : i32
      %ne3A_259 = arith.cmpi ne, %rem3A_257, %ne3A_258 : i32
      %and3A_260 = arith.andi %ne3A_256, %ne3A_259 : i1
      %sub3A_261 = arith.constant 1 : i32
      %sub3A_262 = arith.subi %div3A_241, %sub3A_261 : i32
      %select_n3A_263 = arith.select %and3A_260, %sub3A_262, %div3A_241 : i32
      %rem3A_264 = arith.constant 8 : i32
      %rem3A_265 = arith.remsi %mul3A_92, %rem3A_264 : i32
      %dma_wait3A_266 = arith.constant 0 : i32
      %dma_wait3A_267 = arith.constant 0 : i32
      %dma_wait3A_268 = arith.constant 0 : i32
      %dma_wait3A_269 = tpu.memref_slice %arg9[%dma_wait3A_266, %dma_wait3A_267, %dma_wait3A_268] : memref<2x128x128xf32, #tpu.memory_space<vmem>> -> memref<1x128x128xf32, #tpu.memory_space<vmem>>
      %dma_wait3A_270 = tpu.memref_squeeze %dma_wait3A_269 : memref<1x128x128xf32, #tpu.memory_space<vmem>> -> memref<128x128xf32, #tpu.memory_space<vmem>>
      %dma_wait3A_271 = arith.constant 0 : i32
      %dma_wait3A_272 = tpu.memref_slice %arg8[%select_n3A_263, %rem3A_265, %dma_wait3A_271] : memref<5x8x128xi32, #tpu.memory_space<vmem>> -> memref<1x1x128xi32, #tpu.memory_space<vmem>>
      %dma_wait3A_273 = tpu.memref_squeeze %dma_wait3A_272 : memref<1x1x128xi32, #tpu.memory_space<vmem>> -> memref<128xi32, #tpu.memory_space<vmem>>
      %dma_wait3A_274 = arith.constant 0 : i32
      %dma_wait3A_275 = arith.constant 0 : i32
      %dma_wait3A_276 = tpu.memref_slice %arg10[%dma_wait3A_274, %dma_wait3A_275] : memref<10240x128xf32, #tpu.memory_space<vmem_shared>> -> memref<10240x128xf32, #tpu.memory_space<vmem_shared>>
      tpu.wait_indirect_dma semaphore(%arg12 : memref<!tpu.dma_semaphore, #tpu.memory_space<semaphore_mem>>) src(%dma_wait3A_270 : memref<128x128xf32, #tpu.memory_space<vmem>>) dst(%dma_wait3A_276 : memref<10240x128xf32, #tpu.memory_space<vmem_shared>>)
      %add3A_277 = arith.constant 2 : i32
      %add3A_278 = arith.addi %mul3A_92, %add3A_277 : i32
      %lt3A = arith.constant 40 : i32
      %lt3A_279 = arith.cmpi slt, %add3A_278, %lt3A : i32
      %convert_element_type3A_280 = arith.extui %lt3A_279 : i1 to i32
      %cond3A_281 = arith.constant 0 : i32
      %cond3A_282 = arith.cmpi ne, %convert_element_type3A_280, %cond3A_281 : i32
      scf.if %cond3A_282 {
        %add3A_320 = arith.constant 2 : i32
        %add3A_321 = arith.addi %mul3A_92, %add3A_320 : i32
        %jit3A_322 = arith.constant 8 : i32
        %div3A_323 = arith.divsi %add3A_321, %jit3A_322 : i32
        %sign3A_324 = arith.constant 0 : i32
        %sign3A_325 = arith.cmpi sgt, %add3A_321, %sign3A_324 : i32
        %sign3A_326 = arith.extui %sign3A_325 : i1 to i32
        %sign3A_327 = arith.constant 0 : i32
        %sign3A_328 = arith.cmpi slt, %add3A_321, %sign3A_327 : i32
        %sign3A_329 = arith.extui %sign3A_328 : i1 to i32
        %sign3A_330 = arith.subi %sign3A_326, %sign3A_329 : i32
        %sign3A_331 = arith.constant 0 : i32
        %sign3A_332 = arith.cmpi sgt, %jit3A_322, %sign3A_331 : i32
        %sign3A_333 = arith.extui %sign3A_332 : i1 to i32
        %sign3A_334 = arith.constant 0 : i32
        %sign3A_335 = arith.cmpi slt, %jit3A_322, %sign3A_334 : i32
        %sign3A_336 = arith.extui %sign3A_335 : i1 to i32
        %sign3A_337 = arith.subi %sign3A_333, %sign3A_336 : i32
        %ne3A_338 = arith.cmpi ne, %sign3A_330, %sign3A_337 : i32
        %rem3A_339 = arith.remsi %add3A_321, %jit3A_322 : i32
        %ne3A_340 = arith.constant 0 : i32
        %ne3A_341 = arith.cmpi ne, %rem3A_339, %ne3A_340 : i32
        %and3A_342 = arith.andi %ne3A_338, %ne3A_341 : i1
        %sub3A_343 = arith.constant 1 : i32
        %sub3A_344 = arith.subi %div3A_323, %sub3A_343 : i32
        %select_n3A_345 = arith.select %and3A_342, %sub3A_344, %div3A_323 : i32
        %rem3A_346 = arith.constant 8 : i32
        %rem3A_347 = arith.remsi %add3A_321, %rem3A_346 : i32
        %dma_start3A_348 = arith.constant 0 : i32
        %dma_start3A_349 = arith.constant 0 : i32
        %dma_start3A_350 = arith.constant 0 : i32
        %dma_start3A_351 = tpu.memref_slice %arg9[%dma_start3A_348, %dma_start3A_349, %dma_start3A_350] : memref<2x128x128xf32, #tpu.memory_space<vmem>> -> memref<1x128x128xf32, #tpu.memory_space<vmem>>
        %dma_start3A_352 = tpu.memref_squeeze %dma_start3A_351 : memref<1x128x128xf32, #tpu.memory_space<vmem>> -> memref<128x128xf32, #tpu.memory_space<vmem>>
        %dma_start3A_353 = arith.constant 0 : i32
        %dma_start3A_354 = tpu.memref_slice %arg7[%select_n3A_345, %rem3A_347, %dma_start3A_353] : memref<5x8x128xi32, #tpu.memory_space<vmem>> -> memref<1x1x128xi32, #tpu.memory_space<vmem>>
        %dma_start3A_355 = tpu.memref_squeeze %dma_start3A_354 : memref<1x1x128xi32, #tpu.memory_space<vmem>> -> memref<128xi32, #tpu.memory_space<vmem>>
        %dma_start3A_356 = arith.constant 0 : i32
        %dma_start3A_357 = arith.constant 0 : i32
        %dma_start3A_358 = tpu.memref_slice %arg2[%dma_start3A_356, %dma_start3A_357] : memref<10240x128xf32, #tpu.memory_space<hbm>> -> memref<10240x128xf32, #tpu.memory_space<hbm>>
        tpu.enqueue_indirect_dma source(%dma_start3A_358 : memref<10240x128xf32, #tpu.memory_space<hbm>>) target(%dma_start3A_352 : memref<128x128xf32, #tpu.memory_space<vmem>>) offsets(%dma_start3A_355 : memref<128xi32, #tpu.memory_space<vmem>>) semaphore(%arg11 : memref<!tpu.dma_semaphore, #tpu.memory_space<semaphore_mem>>)
      } else {
      }
      %jit3A_283 = arith.constant 8 : i32
      %div3A_284 = arith.divsi %add3A_94, %jit3A_283 : i32
      %sign3A_285 = arith.constant 0 : i32
      %sign3A_286 = arith.cmpi sgt, %add3A_94, %sign3A_285 : i32
      %sign3A_287 = arith.extui %sign3A_286 : i1 to i32
      %sign3A_288 = arith.constant 0 : i32
      %sign3A_289 = arith.cmpi slt, %add3A_94, %sign3A_288 : i32
      %sign3A_290 = arith.extui %sign3A_289 : i1 to i32
      %sign3A_291 = arith.subi %sign3A_287, %sign3A_290 : i32
      %sign3A_292 = arith.constant 0 : i32
      %sign3A_293 = arith.cmpi sgt, %jit3A_283, %sign3A_292 : i32
      %sign3A_294 = arith.extui %sign3A_293 : i1 to i32
      %sign3A_295 = arith.constant 0 : i32
      %sign3A_296 = arith.cmpi slt, %jit3A_283, %sign3A_295 : i32
      %sign3A_297 = arith.extui %sign3A_296 : i1 to i32
      %sign3A_298 = arith.subi %sign3A_294, %sign3A_297 : i32
      %ne3A_299 = arith.cmpi ne, %sign3A_291, %sign3A_298 : i32
      %rem3A_300 = arith.remsi %add3A_94, %jit3A_283 : i32
      %ne3A_301 = arith.constant 0 : i32
      %ne3A_302 = arith.cmpi ne, %rem3A_300, %ne3A_301 : i32
      %and3A_303 = arith.andi %ne3A_299, %ne3A_302 : i1
      %sub3A_304 = arith.constant 1 : i32
      %sub3A_305 = arith.subi %div3A_284, %sub3A_304 : i32
      %select_n3A_306 = arith.select %and3A_303, %sub3A_305, %div3A_284 : i32
      %rem3A_307 = arith.constant 8 : i32
      %rem3A_308 = arith.remsi %add3A_94, %rem3A_307 : i32
      %dma_start3A_309 = arith.constant 1 : i32
      %dma_start3A_310 = arith.constant 0 : i32
      %dma_start3A_311 = arith.constant 0 : i32
      %dma_start3A_312 = tpu.memref_slice %arg9[%dma_start3A_309, %dma_start3A_310, %dma_start3A_311] : memref<2x128x128xf32, #tpu.memory_space<vmem>> -> memref<1x128x128xf32, #tpu.memory_space<vmem>>
      %dma_start3A_313 = tpu.memref_squeeze %dma_start3A_312 : memref<1x128x128xf32, #tpu.memory_space<vmem>> -> memref<128x128xf32, #tpu.memory_space<vmem>>
      %dma_start3A_314 = arith.constant 0 : i32
      %dma_start3A_315 = tpu.memref_slice %arg8[%select_n3A_306, %rem3A_308, %dma_start3A_314] : memref<5x8x128xi32, #tpu.memory_space<vmem>> -> memref<1x1x128xi32, #tpu.memory_space<vmem>>
      %dma_start3A_316 = tpu.memref_squeeze %dma_start3A_315 : memref<1x1x128xi32, #tpu.memory_space<vmem>> -> memref<128xi32, #tpu.memory_space<vmem>>
      %dma_start3A_317 = arith.constant 0 : i32
      %dma_start3A_318 = arith.constant 0 : i32
      %dma_start3A_319 = tpu.memref_slice %arg10[%dma_start3A_317, %dma_start3A_318] : memref<10240x128xf32, #tpu.memory_space<vmem_shared>> -> memref<10240x128xf32, #tpu.memory_space<vmem_shared>>
      tpu.enqueue_indirect_dma source(%dma_start3A_313 : memref<128x128xf32, #tpu.memory_space<vmem>>) target(%dma_start3A_319 : memref<10240x128xf32, #tpu.memory_space<vmem_shared>>) offsets(%dma_start3A_316 : memref<128xi32, #tpu.memory_space<vmem>>) semaphore(%arg12 : memref<!tpu.dma_semaphore, #tpu.memory_space<semaphore_mem>>)
    }
    %scan3A_31 = arith.constant 20 : i32
    %rem3A_32 = arith.constant 0 : i32
    %rem3A_33 = arith.constant 8 : i32
    %rem3A_34 = arith.remsi %rem3A_32, %rem3A_33 : i32
    %dma_wait3A_35 = arith.constant 1 : i32
    %dma_wait3A_36 = arith.constant 0 : i32
    %dma_wait3A_37 = arith.constant 0 : i32
    %dma_wait3A_38 = arith.constant 0 : i32
    %dma_wait3A_39 = tpu.memref_slice %arg9[%dma_wait3A_35, %dma_wait3A_37, %dma_wait3A_38] : memref<2x128x128xf32, #tpu.memory_space<vmem>> -> memref<1x128x128xf32, #tpu.memory_space<vmem>>
    %dma_wait3A_40 = tpu.memref_squeeze %dma_wait3A_39 : memref<1x128x128xf32, #tpu.memory_space<vmem>> -> memref<128x128xf32, #tpu.memory_space<vmem>>
    %dma_wait3A_41 = arith.constant 0 : i32
    %dma_wait3A_42 = tpu.memref_slice %arg8[%dma_wait3A_36, %rem3A_34, %dma_wait3A_41] : memref<5x8x128xi32, #tpu.memory_space<vmem>> -> memref<1x1x128xi32, #tpu.memory_space<vmem>>
    %dma_wait3A_43 = tpu.memref_squeeze %dma_wait3A_42 : memref<1x1x128xi32, #tpu.memory_space<vmem>> -> memref<128xi32, #tpu.memory_space<vmem>>
    %dma_wait3A_44 = arith.constant 0 : i32
    %dma_wait3A_45 = arith.constant 0 : i32
    %dma_wait3A_46 = tpu.memref_slice %arg10[%dma_wait3A_44, %dma_wait3A_45] : memref<10240x128xf32, #tpu.memory_space<vmem_shared>> -> memref<10240x128xf32, #tpu.memory_space<vmem_shared>>
    tpu.wait_indirect_dma semaphore(%arg12 : memref<!tpu.dma_semaphore, #tpu.memory_space<semaphore_mem>>) src(%dma_wait3A_40 : memref<128x128xf32, #tpu.memory_space<vmem>>) dst(%dma_wait3A_46 : memref<10240x128xf32, #tpu.memory_space<vmem_shared>>)
    %run_scoped3A_47 = arith.constant 1 : i32
    "tpu.region"() ({
      %run_scoped3A_90 = tpu.sem_alloc : memref<!tpu.dma_semaphore, #tpu.memory_space<semaphore_mem>>
      %dma_start3A_91 = arith.constant 0 : i32
      %dma_start3A_92 = arith.constant 0 : i32
      %dma_start3A_93 = arith.constant 0 : i32
      %dma_start3A_94 = tpu.memref_slice %arg4[%add3A, %run_scoped3A_47, %dma_start3A_91, %dma_start3A_92, %dma_start3A_93] : memref<32x2x5x8x128xi32, #tpu.memory_space<hbm>> -> memref<1x1x5x8x128xi32, #tpu.memory_space<hbm>>
      %dma_start3A_95 = tpu.memref_squeeze %dma_start3A_94 : memref<1x1x5x8x128xi32, #tpu.memory_space<hbm>> -> memref<5x8x128xi32, #tpu.memory_space<hbm>>
      %dma_start3A_96 = arith.constant 0 : i32
      %dma_start3A_97 = arith.constant 0 : i32
      %dma_start3A_98 = arith.constant 0 : i32
      %dma_start3A_99 = tpu.memref_slice %arg4[%add3A, %run_scoped3A_47, %dma_start3A_96, %dma_start3A_97, %dma_start3A_98] : memref<32x2x5x8x128xi32, #tpu.memory_space<hbm>> -> memref<1x1x5x8x128xi32, #tpu.memory_space<hbm>>
      %dma_start3A_100 = tpu.memref_squeeze %dma_start3A_99 : memref<1x1x5x8x128xi32, #tpu.memory_space<hbm>> -> memref<5x8x128xi32, #tpu.memory_space<hbm>>
      tpu.enqueue_dma source(%dma_start3A_100 : memref<5x8x128xi32, #tpu.memory_space<hbm>>) target(%arg7 : memref<5x8x128xi32, #tpu.memory_space<vmem>>) target_semaphore(%run_scoped3A_90 : memref<!tpu.dma_semaphore, #tpu.memory_space<semaphore_mem>>)
      %dma_wait3A_101 = arith.constant 0 : i32
      %dma_wait3A_102 = arith.constant 0 : i32
      %dma_wait3A_103 = arith.constant 0 : i32
      %dma_wait3A_104 = tpu.memref_slice %arg4[%add3A, %run_scoped3A_47, %dma_wait3A_101, %dma_wait3A_102, %dma_wait3A_103] : memref<32x2x5x8x128xi32, #tpu.memory_space<hbm>> -> memref<1x1x5x8x128xi32, #tpu.memory_space<hbm>>
      %dma_wait3A_105 = tpu.memref_squeeze %dma_wait3A_104 : memref<1x1x5x8x128xi32, #tpu.memory_space<hbm>> -> memref<5x8x128xi32, #tpu.memory_space<hbm>>
      %dma_wait3A_106 = arith.constant 0 : i32
      %dma_wait3A_107 = arith.constant 0 : i32
      %dma_wait3A_108 = arith.constant 0 : i32
      %dma_wait3A_109 = tpu.memref_slice %arg4[%add3A, %run_scoped3A_47, %dma_wait3A_106, %dma_wait3A_107, %dma_wait3A_108] : memref<32x2x5x8x128xi32, #tpu.memory_space<hbm>> -> memref<1x1x5x8x128xi32, #tpu.memory_space<hbm>>
      %dma_wait3A_110 = tpu.memref_squeeze %dma_wait3A_109 : memref<1x1x5x8x128xi32, #tpu.memory_space<hbm>> -> memref<5x8x128xi32, #tpu.memory_space<hbm>>
      tpu.wait_dma2 semaphore(%run_scoped3A_90 : memref<!tpu.dma_semaphore, #tpu.memory_space<semaphore_mem>>) src(%dma_wait3A_110 : memref<5x8x128xi32, #tpu.memory_space<hbm>>) dst(%arg7 : memref<5x8x128xi32, #tpu.memory_space<vmem>>)
      tpu.yield
    }) : () -> ()
    %run_scoped3A_48 = arith.constant 1 : i32
    "tpu.region"() ({
      %run_scoped3A_90 = tpu.sem_alloc : memref<!tpu.dma_semaphore, #tpu.memory_space<semaphore_mem>>
      %dma_start3A_91 = arith.constant 0 : i32
      %dma_start3A_92 = arith.constant 0 : i32
      %dma_start3A_93 = arith.constant 0 : i32
      %dma_start3A_94 = tpu.memref_slice %arg5[%add3A, %run_scoped3A_48, %dma_start3A_91, %dma_start3A_92, %dma_start3A_93] : memref<32x2x5x8x128xi32, #tpu.memory_space<hbm>> -> memref<1x1x5x8x128xi32, #tpu.memory_space<hbm>>
      %dma_start3A_95 = tpu.memref_squeeze %dma_start3A_94 : memref<1x1x5x8x128xi32, #tpu.memory_space<hbm>> -> memref<5x8x128xi32, #tpu.memory_space<hbm>>
      %dma_start3A_96 = arith.constant 0 : i32
      %dma_start3A_97 = arith.constant 0 : i32
      %dma_start3A_98 = arith.constant 0 : i32
      %dma_start3A_99 = tpu.memref_slice %arg5[%add3A, %run_scoped3A_48, %dma_start3A_96, %dma_start3A_97, %dma_start3A_98] : memref<32x2x5x8x128xi32, #tpu.memory_space<hbm>> -> memref<1x1x5x8x128xi32, #tpu.memory_space<hbm>>
      %dma_start3A_100 = tpu.memref_squeeze %dma_start3A_99 : memref<1x1x5x8x128xi32, #tpu.memory_space<hbm>> -> memref<5x8x128xi32, #tpu.memory_space<hbm>>
      tpu.enqueue_dma source(%dma_start3A_100 : memref<5x8x128xi32, #tpu.memory_space<hbm>>) target(%arg8 : memref<5x8x128xi32, #tpu.memory_space<vmem>>) target_semaphore(%run_scoped3A_90 : memref<!tpu.dma_semaphore, #tpu.memory_space<semaphore_mem>>)
      %dma_wait3A_101 = arith.constant 0 : i32
      %dma_wait3A_102 = arith.constant 0 : i32
      %dma_wait3A_103 = arith.constant 0 : i32
      %dma_wait3A_104 = tpu.memref_slice %arg5[%add3A, %run_scoped3A_48, %dma_wait3A_101, %dma_wait3A_102, %dma_wait3A_103] : memref<32x2x5x8x128xi32, #tpu.memory_space<hbm>> -> memref<1x1x5x8x128xi32, #tpu.memory_space<hbm>>
      %dma_wait3A_105 = tpu.memref_squeeze %dma_wait3A_104 : memref<1x1x5x8x128xi32, #tpu.memory_space<hbm>> -> memref<5x8x128xi32, #tpu.memory_space<hbm>>
      %dma_wait3A_106 = arith.constant 0 : i32
      %dma_wait3A_107 = arith.constant 0 : i32
      %dma_wait3A_108 = arith.constant 0 : i32
      %dma_wait3A_109 = tpu.memref_slice %arg5[%add3A, %run_scoped3A_48, %dma_wait3A_106, %dma_wait3A_107, %dma_wait3A_108] : memref<32x2x5x8x128xi32, #tpu.memory_space<hbm>> -> memref<1x1x5x8x128xi32, #tpu.memory_space<hbm>>
      %dma_wait3A_110 = tpu.memref_squeeze %dma_wait3A_109 : memref<1x1x5x8x128xi32, #tpu.memory_space<hbm>> -> memref<5x8x128xi32, #tpu.memory_space<hbm>>
      tpu.wait_dma2 semaphore(%run_scoped3A_90 : memref<!tpu.dma_semaphore, #tpu.memory_space<semaphore_mem>>) src(%dma_wait3A_110 : memref<5x8x128xi32, #tpu.memory_space<hbm>>) dst(%arg8 : memref<5x8x128xi32, #tpu.memory_space<vmem>>)
      tpu.yield
    }) : () -> ()
    %rem3A_49 = arith.constant 0 : i32
    %rem3A_50 = arith.constant 8 : i32
    %rem3A_51 = arith.remsi %rem3A_49, %rem3A_50 : i32
    %dma_start3A_52 = arith.constant 0 : i32
    %dma_start3A_53 = arith.constant 0 : i32
    %dma_start3A_54 = arith.constant 0 : i32
    %dma_start3A_55 = arith.constant 0 : i32
    %dma_start3A_56 = tpu.memref_slice %arg9[%dma_start3A_53, %dma_start3A_54, %dma_start3A_55] : memref<2x128x128xf32, #tpu.memory_space<vmem>> -> memref<1x128x128xf32, #tpu.memory_space<vmem>>
    %dma_start3A_57 = tpu.memref_squeeze %dma_start3A_56 : memref<1x128x128xf32, #tpu.memory_space<vmem>> -> memref<128x128xf32, #tpu.memory_space<vmem>>
    %dma_start3A_58 = arith.constant 0 : i32
    %dma_start3A_59 = tpu.memref_slice %arg7[%dma_start3A_52, %rem3A_51, %dma_start3A_58] : memref<5x8x128xi32, #tpu.memory_space<vmem>> -> memref<1x1x128xi32, #tpu.memory_space<vmem>>
    %dma_start3A_60 = tpu.memref_squeeze %dma_start3A_59 : memref<1x1x128xi32, #tpu.memory_space<vmem>> -> memref<128xi32, #tpu.memory_space<vmem>>
    %dma_start3A_61 = arith.constant 0 : i32
    %dma_start3A_62 = arith.constant 0 : i32
    %dma_start3A_63 = tpu.memref_slice %arg2[%dma_start3A_61, %dma_start3A_62] : memref<10240x128xf32, #tpu.memory_space<hbm>> -> memref<10240x128xf32, #tpu.memory_space<hbm>>
    tpu.enqueue_indirect_dma source(%dma_start3A_63 : memref<10240x128xf32, #tpu.memory_space<hbm>>) target(%dma_start3A_57 : memref<128x128xf32, #tpu.memory_space<vmem>>) offsets(%dma_start3A_60 : memref<128xi32, #tpu.memory_space<vmem>>) semaphore(%arg11 : memref<!tpu.dma_semaphore, #tpu.memory_space<semaphore_mem>>)
    %scan3A_64 = arith.constant 0 : i32
    %scan3A_65 = arith.constant 0 : i32
    %scan3A_66 = arith.constant 20 : i32
    %scan3A_67 = arith.addi %scan3A_65, %scan3A_66 : i32
    %scan3A_68 = arith.constant 1 : i32
    scf.for %scan3A_90 = %scan3A_65 to %scan3A_67 step %scan3A_68  : i32 {
      %mul3A_91 = arith.constant 2 : i32
      %mul3A_92 = arith.muli %mul3A_91, %scan3A_90 : i32
      %add3A_93 = arith.constant 1 : i32
      %add3A_94 = arith.addi %mul3A_92, %add3A_93 : i32
      %gt3A = arith.constant 0 : i32
      %gt3A_95 = arith.cmpi sgt, %scan3A_90, %gt3A : i32
      %convert_element_type3A_96 = arith.extui %gt3A_95 : i1 to i32
      %cond3A_97 = arith.constant 0 : i32
      %cond3A_98 = arith.cmpi ne, %convert_element_type3A_96, %cond3A_97 : i32
      scf.if %cond3A_98 {
        %jit3A_320 = arith.constant 8 : i32
        %div3A_321 = arith.divsi %mul3A_92, %jit3A_320 : i32
        %sign3A_322 = arith.constant 0 : i32
        %sign3A_323 = arith.cmpi sgt, %mul3A_92, %sign3A_322 : i32
        %sign3A_324 = arith.extui %sign3A_323 : i1 to i32
        %sign3A_325 = arith.constant 0 : i32
        %sign3A_326 = arith.cmpi slt, %mul3A_92, %sign3A_325 : i32
        %sign3A_327 = arith.extui %sign3A_326 : i1 to i32
        %sign3A_328 = arith.subi %sign3A_324, %sign3A_327 : i32
        %sign3A_329 = arith.constant 0 : i32
        %sign3A_330 = arith.cmpi sgt, %jit3A_320, %sign3A_329 : i32
        %sign3A_331 = arith.extui %sign3A_330 : i1 to i32
        %sign3A_332 = arith.constant 0 : i32
        %sign3A_333 = arith.cmpi slt, %jit3A_320, %sign3A_332 : i32
        %sign3A_334 = arith.extui %sign3A_333 : i1 to i32
        %sign3A_335 = arith.subi %sign3A_331, %sign3A_334 : i32
        %ne3A_336 = arith.cmpi ne, %sign3A_328, %sign3A_335 : i32
        %rem3A_337 = arith.remsi %mul3A_92, %jit3A_320 : i32
        %ne3A_338 = arith.constant 0 : i32
        %ne3A_339 = arith.cmpi ne, %rem3A_337, %ne3A_338 : i32
        %and3A_340 = arith.andi %ne3A_336, %ne3A_339 : i1
        %sub3A_341 = arith.constant 1 : i32
        %sub3A_342 = arith.subi %div3A_321, %sub3A_341 : i32
        %select_n3A_343 = arith.select %and3A_340, %sub3A_342, %div3A_321 : i32
        %rem3A_344 = arith.constant 8 : i32
        %rem3A_345 = arith.remsi %mul3A_92, %rem3A_344 : i32
        %dma_wait3A_346 = arith.constant 1 : i32
        %dma_wait3A_347 = arith.constant 0 : i32
        %dma_wait3A_348 = arith.constant 0 : i32
        %dma_wait3A_349 = tpu.memref_slice %arg9[%dma_wait3A_346, %dma_wait3A_347, %dma_wait3A_348] : memref<2x128x128xf32, #tpu.memory_space<vmem>> -> memref<1x128x128xf32, #tpu.memory_space<vmem>>
        %dma_wait3A_350 = tpu.memref_squeeze %dma_wait3A_349 : memref<1x128x128xf32, #tpu.memory_space<vmem>> -> memref<128x128xf32, #tpu.memory_space<vmem>>
        %dma_wait3A_351 = arith.constant 0 : i32
        %dma_wait3A_352 = tpu.memref_slice %arg8[%select_n3A_343, %rem3A_345, %dma_wait3A_351] : memref<5x8x128xi32, #tpu.memory_space<vmem>> -> memref<1x1x128xi32, #tpu.memory_space<vmem>>
        %dma_wait3A_353 = tpu.memref_squeeze %dma_wait3A_352 : memref<1x1x128xi32, #tpu.memory_space<vmem>> -> memref<128xi32, #tpu.memory_space<vmem>>
        %dma_wait3A_354 = arith.constant 0 : i32
        %dma_wait3A_355 = arith.constant 0 : i32
        %dma_wait3A_356 = tpu.memref_slice %arg10[%dma_wait3A_354, %dma_wait3A_355] : memref<10240x128xf32, #tpu.memory_space<vmem_shared>> -> memref<10240x128xf32, #tpu.memory_space<vmem_shared>>
        tpu.wait_indirect_dma semaphore(%arg12 : memref<!tpu.dma_semaphore, #tpu.memory_space<semaphore_mem>>) src(%dma_wait3A_350 : memref<128x128xf32, #tpu.memory_space<vmem>>) dst(%dma_wait3A_356 : memref<10240x128xf32, #tpu.memory_space<vmem_shared>>)
      } else {
      }
      %jit3A = arith.constant 8 : i32
      %div3A = arith.divsi %add3A_94, %jit3A : i32
      %sign3A = arith.constant 0 : i32
      %sign3A_99 = arith.cmpi sgt, %add3A_94, %sign3A : i32
      %sign3A_100 = arith.extui %sign3A_99 : i1 to i32
      %sign3A_101 = arith.constant 0 : i32
      %sign3A_102 = arith.cmpi slt, %add3A_94, %sign3A_101 : i32
      %sign3A_103 = arith.extui %sign3A_102 : i1 to i32
      %sign3A_104 = arith.subi %sign3A_100, %sign3A_103 : i32
      %sign3A_105 = arith.constant 0 : i32
      %sign3A_106 = arith.cmpi sgt, %jit3A, %sign3A_105 : i32
      %sign3A_107 = arith.extui %sign3A_106 : i1 to i32
      %sign3A_108 = arith.constant 0 : i32
      %sign3A_109 = arith.cmpi slt, %jit3A, %sign3A_108 : i32
      %sign3A_110 = arith.extui %sign3A_109 : i1 to i32
      %sign3A_111 = arith.subi %sign3A_107, %sign3A_110 : i32
      %ne3A = arith.cmpi ne, %sign3A_104, %sign3A_111 : i32
      %rem3A_112 = arith.remsi %add3A_94, %jit3A : i32
      %ne3A_113 = arith.constant 0 : i32
      %ne3A_114 = arith.cmpi ne, %rem3A_112, %ne3A_113 : i32
      %and3A = arith.andi %ne3A, %ne3A_114 : i1
      %sub3A = arith.constant 1 : i32
      %sub3A_115 = arith.subi %div3A, %sub3A : i32
      %select_n3A = arith.select %and3A, %sub3A_115, %div3A : i32
      %rem3A_116 = arith.constant 8 : i32
      %rem3A_117 = arith.remsi %add3A_94, %rem3A_116 : i32
      %dma_start3A_118 = arith.constant 1 : i32
      %dma_start3A_119 = arith.constant 0 : i32
      %dma_start3A_120 = arith.constant 0 : i32
      %dma_start3A_121 = tpu.memref_slice %arg9[%dma_start3A_118, %dma_start3A_119, %dma_start3A_120] : memref<2x128x128xf32, #tpu.memory_space<vmem>> -> memref<1x128x128xf32, #tpu.memory_space<vmem>>
      %dma_start3A_122 = tpu.memref_squeeze %dma_start3A_121 : memref<1x128x128xf32, #tpu.memory_space<vmem>> -> memref<128x128xf32, #tpu.memory_space<vmem>>
      %dma_start3A_123 = arith.constant 0 : i32
      %dma_start3A_124 = tpu.memref_slice %arg7[%select_n3A, %rem3A_117, %dma_start3A_123] : memref<5x8x128xi32, #tpu.memory_space<vmem>> -> memref<1x1x128xi32, #tpu.memory_space<vmem>>
      %dma_start3A_125 = tpu.memref_squeeze %dma_start3A_124 : memref<1x1x128xi32, #tpu.memory_space<vmem>> -> memref<128xi32, #tpu.memory_space<vmem>>
      %dma_start3A_126 = arith.constant 0 : i32
      %dma_start3A_127 = arith.constant 0 : i32
      %dma_start3A_128 = tpu.memref_slice %arg2[%dma_start3A_126, %dma_start3A_127] : memref<10240x128xf32, #tpu.memory_space<hbm>> -> memref<10240x128xf32, #tpu.memory_space<hbm>>
      tpu.enqueue_indirect_dma source(%dma_start3A_128 : memref<10240x128xf32, #tpu.memory_space<hbm>>) target(%dma_start3A_122 : memref<128x128xf32, #tpu.memory_space<vmem>>) offsets(%dma_start3A_125 : memref<128xi32, #tpu.memory_space<vmem>>) semaphore(%arg11 : memref<!tpu.dma_semaphore, #tpu.memory_space<semaphore_mem>>)
      %jit3A_129 = arith.constant 8 : i32
      %div3A_130 = arith.divsi %mul3A_92, %jit3A_129 : i32
      %sign3A_131 = arith.constant 0 : i32
      %sign3A_132 = arith.cmpi sgt, %mul3A_92, %sign3A_131 : i32
      %sign3A_133 = arith.extui %sign3A_132 : i1 to i32
      %sign3A_134 = arith.constant 0 : i32
      %sign3A_135 = arith.cmpi slt, %mul3A_92, %sign3A_134 : i32
      %sign3A_136 = arith.extui %sign3A_135 : i1 to i32
      %sign3A_137 = arith.subi %sign3A_133, %sign3A_136 : i32
      %sign3A_138 = arith.constant 0 : i32
      %sign3A_139 = arith.cmpi sgt, %jit3A_129, %sign3A_138 : i32
      %sign3A_140 = arith.extui %sign3A_139 : i1 to i32
      %sign3A_141 = arith.constant 0 : i32
      %sign3A_142 = arith.cmpi slt, %jit3A_129, %sign3A_141 : i32
      %sign3A_143 = arith.extui %sign3A_142 : i1 to i32
      %sign3A_144 = arith.subi %sign3A_140, %sign3A_143 : i32
      %ne3A_145 = arith.cmpi ne, %sign3A_137, %sign3A_144 : i32
      %rem3A_146 = arith.remsi %mul3A_92, %jit3A_129 : i32
      %ne3A_147 = arith.constant 0 : i32
      %ne3A_148 = arith.cmpi ne, %rem3A_146, %ne3A_147 : i32
      %and3A_149 = arith.andi %ne3A_145, %ne3A_148 : i1
      %sub3A_150 = arith.constant 1 : i32
      %sub3A_151 = arith.subi %div3A_130, %sub3A_150 : i32
      %select_n3A_152 = arith.select %and3A_149, %sub3A_151, %div3A_130 : i32
      %rem3A_153 = arith.constant 8 : i32
      %rem3A_154 = arith.remsi %mul3A_92, %rem3A_153 : i32
      %dma_wait3A_155 = arith.constant 0 : i32
      %dma_wait3A_156 = arith.constant 0 : i32
      %dma_wait3A_157 = arith.constant 0 : i32
      %dma_wait3A_158 = tpu.memref_slice %arg9[%dma_wait3A_155, %dma_wait3A_156, %dma_wait3A_157] : memref<2x128x128xf32, #tpu.memory_space<vmem>> -> memref<1x128x128xf32, #tpu.memory_space<vmem>>
      %dma_wait3A_159 = tpu.memref_squeeze %dma_wait3A_158 : memref<1x128x128xf32, #tpu.memory_space<vmem>> -> memref<128x128xf32, #tpu.memory_space<vmem>>
      %dma_wait3A_160 = arith.constant 0 : i32
      %dma_wait3A_161 = tpu.memref_slice %arg7[%select_n3A_152, %rem3A_154, %dma_wait3A_160] : memref<5x8x128xi32, #tpu.memory_space<vmem>> -> memref<1x1x128xi32, #tpu.memory_space<vmem>>
      %dma_wait3A_162 = tpu.memref_squeeze %dma_wait3A_161 : memref<1x1x128xi32, #tpu.memory_space<vmem>> -> memref<128xi32, #tpu.memory_space<vmem>>
      %dma_wait3A_163 = arith.constant 0 : i32
      %dma_wait3A_164 = arith.constant 0 : i32
      %dma_wait3A_165 = tpu.memref_slice %arg2[%dma_wait3A_163, %dma_wait3A_164] : memref<10240x128xf32, #tpu.memory_space<hbm>> -> memref<10240x128xf32, #tpu.memory_space<hbm>>
      tpu.wait_indirect_dma semaphore(%arg11 : memref<!tpu.dma_semaphore, #tpu.memory_space<semaphore_mem>>) src(%dma_wait3A_165 : memref<10240x128xf32, #tpu.memory_space<hbm>>) dst(%dma_wait3A_159 : memref<128x128xf32, #tpu.memory_space<vmem>>)
      %jit3A_166 = arith.constant 8 : i32
      %div3A_167 = arith.divsi %mul3A_92, %jit3A_166 : i32
      %sign3A_168 = arith.constant 0 : i32
      %sign3A_169 = arith.cmpi sgt, %mul3A_92, %sign3A_168 : i32
      %sign3A_170 = arith.extui %sign3A_169 : i1 to i32
      %sign3A_171 = arith.constant 0 : i32
      %sign3A_172 = arith.cmpi slt, %mul3A_92, %sign3A_171 : i32
      %sign3A_173 = arith.extui %sign3A_172 : i1 to i32
      %sign3A_174 = arith.subi %sign3A_170, %sign3A_173 : i32
      %sign3A_175 = arith.constant 0 : i32
      %sign3A_176 = arith.cmpi sgt, %jit3A_166, %sign3A_175 : i32
      %sign3A_177 = arith.extui %sign3A_176 : i1 to i32
      %sign3A_178 = arith.constant 0 : i32
      %sign3A_179 = arith.cmpi slt, %jit3A_166, %sign3A_178 : i32
      %sign3A_180 = arith.extui %sign3A_179 : i1 to i32
      %sign3A_181 = arith.subi %sign3A_177, %sign3A_180 : i32
      %ne3A_182 = arith.cmpi ne, %sign3A_174, %sign3A_181 : i32
      %rem3A_183 = arith.remsi %mul3A_92, %jit3A_166 : i32
      %ne3A_184 = arith.constant 0 : i32
      %ne3A_185 = arith.cmpi ne, %rem3A_183, %ne3A_184 : i32
      %and3A_186 = arith.andi %ne3A_182, %ne3A_185 : i1
      %sub3A_187 = arith.constant 1 : i32
      %sub3A_188 = arith.subi %div3A_167, %sub3A_187 : i32
      %select_n3A_189 = arith.select %and3A_186, %sub3A_188, %div3A_167 : i32
      %rem3A_190 = arith.constant 8 : i32
      %rem3A_191 = arith.remsi %mul3A_92, %rem3A_190 : i32
      %dma_start3A_192 = arith.constant 0 : i32
      %dma_start3A_193 = arith.constant 0 : i32
      %dma_start3A_194 = arith.constant 0 : i32
      %dma_start3A_195 = tpu.memref_slice %arg9[%dma_start3A_192, %dma_start3A_193, %dma_start3A_194] : memref<2x128x128xf32, #tpu.memory_space<vmem>> -> memref<1x128x128xf32, #tpu.memory_space<vmem>>
      %dma_start3A_196 = tpu.memref_squeeze %dma_start3A_195 : memref<1x128x128xf32, #tpu.memory_space<vmem>> -> memref<128x128xf32, #tpu.memory_space<vmem>>
      %dma_start3A_197 = arith.constant 0 : i32
      %dma_start3A_198 = tpu.memref_slice %arg8[%select_n3A_189, %rem3A_191, %dma_start3A_197] : memref<5x8x128xi32, #tpu.memory_space<vmem>> -> memref<1x1x128xi32, #tpu.memory_space<vmem>>
      %dma_start3A_199 = tpu.memref_squeeze %dma_start3A_198 : memref<1x1x128xi32, #tpu.memory_space<vmem>> -> memref<128xi32, #tpu.memory_space<vmem>>
      %dma_start3A_200 = arith.constant 0 : i32
      %dma_start3A_201 = arith.constant 0 : i32
      %dma_start3A_202 = tpu.memref_slice %arg10[%dma_start3A_200, %dma_start3A_201] : memref<10240x128xf32, #tpu.memory_space<vmem_shared>> -> memref<10240x128xf32, #tpu.memory_space<vmem_shared>>
      tpu.enqueue_indirect_dma source(%dma_start3A_196 : memref<128x128xf32, #tpu.memory_space<vmem>>) target(%dma_start3A_202 : memref<10240x128xf32, #tpu.memory_space<vmem_shared>>) offsets(%dma_start3A_199 : memref<128xi32, #tpu.memory_space<vmem>>) semaphore(%arg12 : memref<!tpu.dma_semaphore, #tpu.memory_space<semaphore_mem>>)
      %jit3A_203 = arith.constant 8 : i32
      %div3A_204 = arith.divsi %add3A_94, %jit3A_203 : i32
      %sign3A_205 = arith.constant 0 : i32
      %sign3A_206 = arith.cmpi sgt, %add3A_94, %sign3A_205 : i32
      %sign3A_207 = arith.extui %sign3A_206 : i1 to i32
      %sign3A_208 = arith.constant 0 : i32
      %sign3A_209 = arith.cmpi slt, %add3A_94, %sign3A_208 : i32
      %sign3A_210 = arith.extui %sign3A_209 : i1 to i32
      %sign3A_211 = arith.subi %sign3A_207, %sign3A_210 : i32
      %sign3A_212 = arith.constant 0 : i32
      %sign3A_213 = arith.cmpi sgt, %jit3A_203, %sign3A_212 : i32
      %sign3A_214 = arith.extui %sign3A_213 : i1 to i32
      %sign3A_215 = arith.constant 0 : i32
      %sign3A_216 = arith.cmpi slt, %jit3A_203, %sign3A_215 : i32
      %sign3A_217 = arith.extui %sign3A_216 : i1 to i32
      %sign3A_218 = arith.subi %sign3A_214, %sign3A_217 : i32
      %ne3A_219 = arith.cmpi ne, %sign3A_211, %sign3A_218 : i32
      %rem3A_220 = arith.remsi %add3A_94, %jit3A_203 : i32
      %ne3A_221 = arith.constant 0 : i32
      %ne3A_222 = arith.cmpi ne, %rem3A_220, %ne3A_221 : i32
      %and3A_223 = arith.andi %ne3A_219, %ne3A_222 : i1
      %sub3A_224 = arith.constant 1 : i32
      %sub3A_225 = arith.subi %div3A_204, %sub3A_224 : i32
      %select_n3A_226 = arith.select %and3A_223, %sub3A_225, %div3A_204 : i32
      %rem3A_227 = arith.constant 8 : i32
      %rem3A_228 = arith.remsi %add3A_94, %rem3A_227 : i32
      %dma_wait3A_229 = arith.constant 1 : i32
      %dma_wait3A_230 = arith.constant 0 : i32
      %dma_wait3A_231 = arith.constant 0 : i32
      %dma_wait3A_232 = tpu.memref_slice %arg9[%dma_wait3A_229, %dma_wait3A_230, %dma_wait3A_231] : memref<2x128x128xf32, #tpu.memory_space<vmem>> -> memref<1x128x128xf32, #tpu.memory_space<vmem>>
      %dma_wait3A_233 = tpu.memref_squeeze %dma_wait3A_232 : memref<1x128x128xf32, #tpu.memory_space<vmem>> -> memref<128x128xf32, #tpu.memory_space<vmem>>
      %dma_wait3A_234 = arith.constant 0 : i32
      %dma_wait3A_235 = tpu.memref_slice %arg7[%select_n3A_226, %rem3A_228, %dma_wait3A_234] : memref<5x8x128xi32, #tpu.memory_space<vmem>> -> memref<1x1x128xi32, #tpu.memory_space<vmem>>
      %dma_wait3A_236 = tpu.memref_squeeze %dma_wait3A_235 : memref<1x1x128xi32, #tpu.memory_space<vmem>> -> memref<128xi32, #tpu.memory_space<vmem>>
      %dma_wait3A_237 = arith.constant 0 : i32
      %dma_wait3A_238 = arith.constant 0 : i32
      %dma_wait3A_239 = tpu.memref_slice %arg2[%dma_wait3A_237, %dma_wait3A_238] : memref<10240x128xf32, #tpu.memory_space<hbm>> -> memref<10240x128xf32, #tpu.memory_space<hbm>>
      tpu.wait_indirect_dma semaphore(%arg11 : memref<!tpu.dma_semaphore, #tpu.memory_space<semaphore_mem>>) src(%dma_wait3A_239 : memref<10240x128xf32, #tpu.memory_space<hbm>>) dst(%dma_wait3A_233 : memref<128x128xf32, #tpu.memory_space<vmem>>)
      %jit3A_240 = arith.constant 8 : i32
      %div3A_241 = arith.divsi %mul3A_92, %jit3A_240 : i32
      %sign3A_242 = arith.constant 0 : i32
      %sign3A_243 = arith.cmpi sgt, %mul3A_92, %sign3A_242 : i32
      %sign3A_244 = arith.extui %sign3A_243 : i1 to i32
      %sign3A_245 = arith.constant 0 : i32
      %sign3A_246 = arith.cmpi slt, %mul3A_92, %sign3A_245 : i32
      %sign3A_247 = arith.extui %sign3A_246 : i1 to i32
      %sign3A_248 = arith.subi %sign3A_244, %sign3A_247 : i32
      %sign3A_249 = arith.constant 0 : i32
      %sign3A_250 = arith.cmpi sgt, %jit3A_240, %sign3A_249 : i32
      %sign3A_251 = arith.extui %sign3A_250 : i1 to i32
      %sign3A_252 = arith.constant 0 : i32
      %sign3A_253 = arith.cmpi slt, %jit3A_240, %sign3A_252 : i32
      %sign3A_254 = arith.extui %sign3A_253 : i1 to i32
      %sign3A_255 = arith.subi %sign3A_251, %sign3A_254 : i32
      %ne3A_256 = arith.cmpi ne, %sign3A_248, %sign3A_255 : i32
      %rem3A_257 = arith.remsi %mul3A_92, %jit3A_240 : i32
      %ne3A_258 = arith.constant 0 : i32
      %ne3A_259 = arith.cmpi ne, %rem3A_257, %ne3A_258 : i32
      %and3A_260 = arith.andi %ne3A_256, %ne3A_259 : i1
      %sub3A_261 = arith.constant 1 : i32
      %sub3A_262 = arith.subi %div3A_241, %sub3A_261 : i32
      %select_n3A_263 = arith.select %and3A_260, %sub3A_262, %div3A_241 : i32
      %rem3A_264 = arith.constant 8 : i32
      %rem3A_265 = arith.remsi %mul3A_92, %rem3A_264 : i32
      %dma_wait3A_266 = arith.constant 0 : i32
      %dma_wait3A_267 = arith.constant 0 : i32
      %dma_wait3A_268 = arith.constant 0 : i32
      %dma_wait3A_269 = tpu.memref_slice %arg9[%dma_wait3A_266, %dma_wait3A_267, %dma_wait3A_268] : memref<2x128x128xf32, #tpu.memory_space<vmem>> -> memref<1x128x128xf32, #tpu.memory_space<vmem>>
      %dma_wait3A_270 = tpu.memref_squeeze %dma_wait3A_269 : memref<1x128x128xf32, #tpu.memory_space<vmem>> -> memref<128x128xf32, #tpu.memory_space<vmem>>
      %dma_wait3A_271 = arith.constant 0 : i32
      %dma_wait3A_272 = tpu.memref_slice %arg8[%select_n3A_263, %rem3A_265, %dma_wait3A_271] : memref<5x8x128xi32, #tpu.memory_space<vmem>> -> memref<1x1x128xi32, #tpu.memory_space<vmem>>
      %dma_wait3A_273 = tpu.memref_squeeze %dma_wait3A_272 : memref<1x1x128xi32, #tpu.memory_space<vmem>> -> memref<128xi32, #tpu.memory_space<vmem>>
      %dma_wait3A_274 = arith.constant 0 : i32
      %dma_wait3A_275 = arith.constant 0 : i32
      %dma_wait3A_276 = tpu.memref_slice %arg10[%dma_wait3A_274, %dma_wait3A_275] : memref<10240x128xf32, #tpu.memory_space<vmem_shared>> -> memref<10240x128xf32, #tpu.memory_space<vmem_shared>>
      tpu.wait_indirect_dma semaphore(%arg12 : memref<!tpu.dma_semaphore, #tpu.memory_space<semaphore_mem>>) src(%dma_wait3A_270 : memref<128x128xf32, #tpu.memory_space<vmem>>) dst(%dma_wait3A_276 : memref<10240x128xf32, #tpu.memory_space<vmem_shared>>)
      %add3A_277 = arith.constant 2 : i32
      %add3A_278 = arith.addi %mul3A_92, %add3A_277 : i32
      %lt3A = arith.constant 40 : i32
      %lt3A_279 = arith.cmpi slt, %add3A_278, %lt3A : i32
      %convert_element_type3A_280 = arith.extui %lt3A_279 : i1 to i32
      %cond3A_281 = arith.constant 0 : i32
      %cond3A_282 = arith.cmpi ne, %convert_element_type3A_280, %cond3A_281 : i32
      scf.if %cond3A_282 {
        %add3A_320 = arith.constant 2 : i32
        %add3A_321 = arith.addi %mul3A_92, %add3A_320 : i32
        %jit3A_322 = arith.constant 8 : i32
        %div3A_323 = arith.divsi %add3A_321, %jit3A_322 : i32
        %sign3A_324 = arith.constant 0 : i32
        %sign3A_325 = arith.cmpi sgt, %add3A_321, %sign3A_324 : i32
        %sign3A_326 = arith.extui %sign3A_325 : i1 to i32
        %sign3A_327 = arith.constant 0 : i32
        %sign3A_328 = arith.cmpi slt, %add3A_321, %sign3A_327 : i32
        %sign3A_329 = arith.extui %sign3A_328 : i1 to i32
        %sign3A_330 = arith.subi %sign3A_326, %sign3A_329 : i32
        %sign3A_331 = arith.constant 0 : i32
        %sign3A_332 = arith.cmpi sgt, %jit3A_322, %sign3A_331 : i32
        %sign3A_333 = arith.extui %sign3A_332 : i1 to i32
        %sign3A_334 = arith.constant 0 : i32
        %sign3A_335 = arith.cmpi slt, %jit3A_322, %sign3A_334 : i32
        %sign3A_336 = arith.extui %sign3A_335 : i1 to i32
        %sign3A_337 = arith.subi %sign3A_333, %sign3A_336 : i32
        %ne3A_338 = arith.cmpi ne, %sign3A_330, %sign3A_337 : i32
        %rem3A_339 = arith.remsi %add3A_321, %jit3A_322 : i32
        %ne3A_340 = arith.constant 0 : i32
        %ne3A_341 = arith.cmpi ne, %rem3A_339, %ne3A_340 : i32
        %and3A_342 = arith.andi %ne3A_338, %ne3A_341 : i1
        %sub3A_343 = arith.constant 1 : i32
        %sub3A_344 = arith.subi %div3A_323, %sub3A_343 : i32
        %select_n3A_345 = arith.select %and3A_342, %sub3A_344, %div3A_323 : i32
        %rem3A_346 = arith.constant 8 : i32
        %rem3A_347 = arith.remsi %add3A_321, %rem3A_346 : i32
        %dma_start3A_348 = arith.constant 0 : i32
        %dma_start3A_349 = arith.constant 0 : i32
        %dma_start3A_350 = arith.constant 0 : i32
        %dma_start3A_351 = tpu.memref_slice %arg9[%dma_start3A_348, %dma_start3A_349, %dma_start3A_350] : memref<2x128x128xf32, #tpu.memory_space<vmem>> -> memref<1x128x128xf32, #tpu.memory_space<vmem>>
        %dma_start3A_352 = tpu.memref_squeeze %dma_start3A_351 : memref<1x128x128xf32, #tpu.memory_space<vmem>> -> memref<128x128xf32, #tpu.memory_space<vmem>>
        %dma_start3A_353 = arith.constant 0 : i32
        %dma_start3A_354 = tpu.memref_slice %arg7[%select_n3A_345, %rem3A_347, %dma_start3A_353] : memref<5x8x128xi32, #tpu.memory_space<vmem>> -> memref<1x1x128xi32, #tpu.memory_space<vmem>>
        %dma_start3A_355 = tpu.memref_squeeze %dma_start3A_354 : memref<1x1x128xi32, #tpu.memory_space<vmem>> -> memref<128xi32, #tpu.memory_space<vmem>>
        %dma_start3A_356 = arith.constant 0 : i32
        %dma_start3A_357 = arith.constant 0 : i32
        %dma_start3A_358 = tpu.memref_slice %arg2[%dma_start3A_356, %dma_start3A_357] : memref<10240x128xf32, #tpu.memory_space<hbm>> -> memref<10240x128xf32, #tpu.memory_space<hbm>>
        tpu.enqueue_indirect_dma source(%dma_start3A_358 : memref<10240x128xf32, #tpu.memory_space<hbm>>) target(%dma_start3A_352 : memref<128x128xf32, #tpu.memory_space<vmem>>) offsets(%dma_start3A_355 : memref<128xi32, #tpu.memory_space<vmem>>) semaphore(%arg11 : memref<!tpu.dma_semaphore, #tpu.memory_space<semaphore_mem>>)
      } else {
      }
      %jit3A_283 = arith.constant 8 : i32
      %div3A_284 = arith.divsi %add3A_94, %jit3A_283 : i32
      %sign3A_285 = arith.constant 0 : i32
      %sign3A_286 = arith.cmpi sgt, %add3A_94, %sign3A_285 : i32
      %sign3A_287 = arith.extui %sign3A_286 : i1 to i32
      %sign3A_288 = arith.constant 0 : i32
      %sign3A_289 = arith.cmpi slt, %add3A_94, %sign3A_288 : i32
      %sign3A_290 = arith.extui %sign3A_289 : i1 to i32
      %sign3A_291 = arith.subi %sign3A_287, %sign3A_290 : i32
      %sign3A_292 = arith.constant 0 : i32
      %sign3A_293 = arith.cmpi sgt, %jit3A_283, %sign3A_292 : i32
      %sign3A_294 = arith.extui %sign3A_293 : i1 to i32
      %sign3A_295 = arith.constant 0 : i32
      %sign3A_296 = arith.cmpi slt, %jit3A_283, %sign3A_295 : i32
      %sign3A_297 = arith.extui %sign3A_296 : i1 to i32
      %sign3A_298 = arith.subi %sign3A_294, %sign3A_297 : i32
      %ne3A_299 = arith.cmpi ne, %sign3A_291, %sign3A_298 : i32
      %rem3A_300 = arith.remsi %add3A_94, %jit3A_283 : i32
      %ne3A_301 = arith.constant 0 : i32
      %ne3A_302 = arith.cmpi ne, %rem3A_300, %ne3A_301 : i32
      %and3A_303 = arith.andi %ne3A_299, %ne3A_302 : i1
      %sub3A_304 = arith.constant 1 : i32
      %sub3A_305 = arith.subi %div3A_284, %sub3A_304 : i32
      %select_n3A_306 = arith.select %and3A_303, %sub3A_305, %div3A_284 : i32
      %rem3A_307 = arith.constant 8 : i32
      %rem3A_308 = arith.remsi %add3A_94, %rem3A_307 : i32
      %dma_start3A_309 = arith.constant 1 : i32
      %dma_start3A_310 = arith.constant 0 : i32
      %dma_start3A_311 = arith.constant 0 : i32
      %dma_start3A_312 = tpu.memref_slice %arg9[%dma_start3A_309, %dma_start3A_310, %dma_start3A_311] : memref<2x128x128xf32, #tpu.memory_space<vmem>> -> memref<1x128x128xf32, #tpu.memory_space<vmem>>
      %dma_start3A_313 = tpu.memref_squeeze %dma_start3A_312 : memref<1x128x128xf32, #tpu.memory_space<vmem>> -> memref<128x128xf32, #tpu.memory_space<vmem>>
      %dma_start3A_314 = arith.constant 0 : i32
      %dma_start3A_315 = tpu.memref_slice %arg8[%select_n3A_306, %rem3A_308, %dma_start3A_314] : memref<5x8x128xi32, #tpu.memory_space<vmem>> -> memref<1x1x128xi32, #tpu.memory_space<vmem>>
      %dma_start3A_316 = tpu.memref_squeeze %dma_start3A_315 : memref<1x1x128xi32, #tpu.memory_space<vmem>> -> memref<128xi32, #tpu.memory_space<vmem>>
      %dma_start3A_317 = arith.constant 0 : i32
      %dma_start3A_318 = arith.constant 0 : i32
      %dma_start3A_319 = tpu.memref_slice %arg10[%dma_start3A_317, %dma_start3A_318] : memref<10240x128xf32, #tpu.memory_space<vmem_shared>> -> memref<10240x128xf32, #tpu.memory_space<vmem_shared>>
      tpu.enqueue_indirect_dma source(%dma_start3A_313 : memref<128x128xf32, #tpu.memory_space<vmem>>) target(%dma_start3A_319 : memref<10240x128xf32, #tpu.memory_space<vmem_shared>>) offsets(%dma_start3A_316 : memref<128xi32, #tpu.memory_space<vmem>>) semaphore(%arg12 : memref<!tpu.dma_semaphore, #tpu.memory_space<semaphore_mem>>)
    }
    %scan3A_69 = arith.constant 20 : i32
    %rem3A_70 = arith.constant 0 : i32
    %rem3A_71 = arith.constant 8 : i32
    %rem3A_72 = arith.remsi %rem3A_70, %rem3A_71 : i32
    %dma_wait3A_73 = arith.constant 1 : i32
    %dma_wait3A_74 = arith.constant 0 : i32
    %dma_wait3A_75 = arith.constant 0 : i32
    %dma_wait3A_76 = arith.constant 0 : i32
    %dma_wait3A_77 = tpu.memref_slice %arg9[%dma_wait3A_73, %dma_wait3A_75, %dma_wait3A_76] : memref<2x128x128xf32, #tpu.memory_space<vmem>> -> memref<1x128x128xf32, #tpu.memory_space<vmem>>
    %dma_wait3A_78 = tpu.memref_squeeze %dma_wait3A_77 : memref<1x128x128xf32, #tpu.memory_space<vmem>> -> memref<128x128xf32, #tpu.memory_space<vmem>>
    %dma_wait3A_79 = arith.constant 0 : i32
    %dma_wait3A_80 = tpu.memref_slice %arg8[%dma_wait3A_74, %rem3A_72, %dma_wait3A_79] : memref<5x8x128xi32, #tpu.memory_space<vmem>> -> memref<1x1x128xi32, #tpu.memory_space<vmem>>
    %dma_wait3A_81 = tpu.memref_squeeze %dma_wait3A_80 : memref<1x1x128xi32, #tpu.memory_space<vmem>> -> memref<128xi32, #tpu.memory_space<vmem>>
    %dma_wait3A_82 = arith.constant 0 : i32
    %dma_wait3A_83 = arith.constant 0 : i32
    %dma_wait3A_84 = tpu.memref_slice %arg10[%dma_wait3A_82, %dma_wait3A_83] : memref<10240x128xf32, #tpu.memory_space<vmem_shared>> -> memref<10240x128xf32, #tpu.memory_space<vmem_shared>>
    tpu.wait_indirect_dma semaphore(%arg12 : memref<!tpu.dma_semaphore, #tpu.memory_space<semaphore_mem>>) src(%dma_wait3A_78 : memref<128x128xf32, #tpu.memory_space<vmem>>) dst(%dma_wait3A_84 : memref<10240x128xf32, #tpu.memory_space<vmem_shared>>)
    %barrier3A_85 = arith.constant 0 : index
    tpu.barrier barrier_id(%barrier3A_85)
    %mul3A_86 = arith.constant 640 : i32
    %mul3A_87 = arith.muli %arg1, %mul3A_86 : i32
    %mul3A_88 = arith.constant 640 : i32
    %mul3A_89 = arith.muli %arg1, %mul3A_88 : i32
    "tpu.region"() ({
      %run_scoped3A_90 = tpu.sem_alloc : memref<!tpu.dma_semaphore, #tpu.memory_space<semaphore_mem>>
      %dma_start3A_91 = arith.constant 0 : i32
      %dma_start3A_92 = tpu.memref_slice %arg6[%arg0, %mul3A_89, %dma_start3A_91] : memref<2x10240x128xf32, #tpu.memory_space<hbm>> -> memref<1x640x128xf32, #tpu.memory_space<hbm>>
      %dma_start3A_93 = tpu.memref_squeeze %dma_start3A_92 : memref<1x640x128xf32, #tpu.memory_space<hbm>> -> memref<640x128xf32, #tpu.memory_space<hbm>>
      %dma_start3A_94 = arith.constant 0 : i32
      %dma_start3A_95 = tpu.memref_slice %arg10[%mul3A_87, %dma_start3A_94] : memref<10240x128xf32, #tpu.memory_space<vmem_shared>> -> memref<640x128xf32, #tpu.memory_space<vmem_shared>>
      tpu.enqueue_dma source(%dma_start3A_95 : memref<640x128xf32, #tpu.memory_space<vmem_shared>>) target(%dma_start3A_93 : memref<640x128xf32, #tpu.memory_space<hbm>>) target_semaphore(%run_scoped3A_90 : memref<!tpu.dma_semaphore, #tpu.memory_space<semaphore_mem>>)
      %dma_wait3A_96 = arith.constant 0 : i32
      %dma_wait3A_97 = tpu.memref_slice %arg6[%arg0, %mul3A_89, %dma_wait3A_96] : memref<2x10240x128xf32, #tpu.memory_space<hbm>> -> memref<1x640x128xf32, #tpu.memory_space<hbm>>
      %dma_wait3A_98 = tpu.memref_squeeze %dma_wait3A_97 : memref<1x640x128xf32, #tpu.memory_space<hbm>> -> memref<640x128xf32, #tpu.memory_space<hbm>>
      %dma_wait3A_99 = arith.constant 0 : i32
      %dma_wait3A_100 = tpu.memref_slice %arg10[%mul3A_87, %dma_wait3A_99] : memref<10240x128xf32, #tpu.memory_space<vmem_shared>> -> memref<640x128xf32, #tpu.memory_space<vmem_shared>>
      tpu.wait_dma2 semaphore(%run_scoped3A_90 : memref<!tpu.dma_semaphore, #tpu.memory_space<semaphore_mem>>) src(%dma_wait3A_100 : memref<640x128xf32, #tpu.memory_space<vmem_shared>>) dst(%dma_wait3A_98 : memref<640x128xf32, #tpu.memory_space<hbm>>)
      tpu.yield
    }) : () -> ()
    return
  }
}

module attributes {stable_mosaic.version = 14 : i64} {
  func.func @body(%arg0: memref<2x10240x1xf32, #tpu.memory_space<vmem>>, %arg1: memref<10240x128xf32, #tpu.memory_space<vmem>>, %arg2: memref<10240x1xf32, #tpu.memory_space<vmem>>, %arg3: memref<10240x128xf32, #tpu.memory_space<vmem>>) attributes {dimension_semantics = [], scalar_prefetch = 0 : i64, scratch_operands = 0 : i64, tpu.core_type = #tpu.core_type<tc>} {
    %get3A = arith.constant 0 : index
    %get3A_0 = arith.constant 0 : index
    %get3A_1 = arith.constant 0 : index
    %get3A_2 = vector.load %arg0[%get3A, %get3A_0, %get3A_1] : memref<2x10240x1xf32, #tpu.memory_space<vmem>>, vector<1x10240x1xf32>
    %get3A_3 = vector.shape_cast %get3A_2 : vector<1x10240x1xf32> to vector<10240x1xf32>
    %get3A_4 = arith.constant 1 : index
    %get3A_5 = arith.constant 0 : index
    %get3A_6 = arith.constant 0 : index
    %get3A_7 = vector.load %arg0[%get3A_4, %get3A_5, %get3A_6] : memref<2x10240x1xf32, #tpu.memory_space<vmem>>, vector<1x10240x1xf32>
    %get3A_8 = vector.shape_cast %get3A_7 : vector<1x10240x1xf32> to vector<10240x1xf32>
    %add3A = arith.addf %get3A_3, %get3A_8 : vector<10240x1xf32>
    %sub3A = arith.constant 1.000000e+00 : f32
    %sub3A_9 = vector.broadcast %sub3A : f32 to vector<10240x1xf32>
    %sub3A_10 = arith.subf %add3A, %sub3A_9 : vector<10240x1xf32>
    %rsqrt3A = math.rsqrt %sub3A_10 : vector<10240x1xf32>
    %swap3A = arith.constant 0 : index
    %swap3A_11 = arith.constant 0 : index
    %swap3A_12 = vector.load %arg2[%swap3A, %swap3A_11] : memref<10240x1xf32, #tpu.memory_space<vmem>>, vector<10240x1xf32>
    tpu.vector_store %arg2[%swap3A, %swap3A_11], %rsqrt3A {strides = array<i32>} : memref<10240x1xf32, #tpu.memory_space<vmem>>, vector<10240x1xf32>,
    %get3A_13 = arith.constant 0 : index
    %get3A_14 = arith.constant 0 : index
    %get3A_15 = vector.load %arg1[%get3A_13, %get3A_14] : memref<10240x128xf32, #tpu.memory_space<vmem>>, vector<10240x128xf32>
    %mul3A = vector.broadcast %rsqrt3A : vector<10240x1xf32> to vector<10240x128xf32>
    %mul3A_16 = arith.mulf %get3A_15, %mul3A : vector<10240x128xf32>
    %swap3A_17 = arith.constant 0 : index
    %swap3A_18 = arith.constant 0 : index
    %swap3A_19 = vector.load %arg3[%swap3A_17, %swap3A_18] : memref<10240x128xf32, #tpu.memory_space<vmem>>, vector<10240x128xf32>
    tpu.vector_store %arg3[%swap3A_17, %swap3A_18], %mul3A_16 {strides = array<i32>} : memref<10240x128xf32, #tpu.memory_space<vmem>>, vector<10240x128xf32>,
    return
  }
}

module attributes {stable_mosaic.version = 14 : i64} {
  func.func @body(%arg0: memref<10000x128xf32, #tpu.memory_space<vmem>>, %arg1: memref<128x128xf32, #tpu.memory_space<vmem>>, %arg2: memref<10240x128xf32, #tpu.memory_space<vmem>>) attributes {dimension_semantics = [], scalar_prefetch = 0 : i64, scratch_operands = 0 : i64, tpu.core_type = #tpu.core_type<tc>} {
    %get3A = arith.constant 0 : index
    %get3A_0 = arith.constant 0 : index
    %get3A_1 = vector.load %arg0[%get3A, %get3A_0] : memref<10000x128xf32, #tpu.memory_space<vmem>>, vector<10000x128xf32>
    %get3A_2 = arith.constant 0 : index
    %get3A_3 = arith.constant 0 : index
    %get3A_4 = vector.load %arg1[%get3A_2, %get3A_3] : memref<128x128xf32, #tpu.memory_space<vmem>>, vector<128x128xf32>
    %dot_general3A = arith.constant dense<0.000000e+00> : vector<10000x128xf32>
    %dot_general3A_5 = tpu.matmul %get3A_1, %get3A_4, %dot_general3A {dimension_numbers = #tpu.dot_dimension_numbers<[1], [0], [0], [1], [0, 0, 1, 1], [], []>, transpose_lhs_hint = false} : vector<10000x128xf32>, vector<128x128xf32>, vector<10000x128xf32> -> vector<10000x128xf32>
    %swap3A = arith.constant 0 : index
    %swap3A_6 = arith.constant 0 : index
    %swap3A_7 = vector.load %arg2[%swap3A, %swap3A_6] : memref<10240x128xf32, #tpu.memory_space<vmem>>, vector<10000x128xf32>
    tpu.vector_store %arg2[%swap3A, %swap3A_6], %dot_general3A_5 {strides = array<i32>} : memref<10240x128xf32, #tpu.memory_space<vmem>>, vector<10000x128xf32>,
    %broadcast_in_dim3A = arith.constant 0.000000e+00 : f32
    %broadcast_in_dim3A_8 = vector.broadcast %broadcast_in_dim3A : f32 to vector<240x128xf32>
    %swap3A_9 = arith.constant 10000 : index
    %swap3A_10 = arith.constant 0 : index
    %swap3A_11 = vector.load %arg2[%swap3A_9, %swap3A_10] : memref<10240x128xf32, #tpu.memory_space<vmem>>, vector<240x128xf32>
    tpu.vector_store %arg2[%swap3A_9, %swap3A_10], %broadcast_in_dim3A_8 {strides = array<i32>} : memref<10240x128xf32, #tpu.memory_space<vmem>>, vector<240x128xf32>,
    return
  }
}

module attributes {stable_mosaic.version = 14 : i64} {
  func.func @body(%arg0: memref<2x10240x128xf32, #tpu.memory_space<vmem>>, %arg1: memref<10240x1xf32, #tpu.memory_space<vmem>>, %arg2: memref<1x128xf32, #tpu.memory_space<vmem>>, %arg3: memref<10240x128xf32, #tpu.memory_space<vmem>>) attributes {dimension_semantics = [], scalar_prefetch = 0 : i64, scratch_operands = 0 : i64, tpu.core_type = #tpu.core_type<tc>} {
    %get3A = arith.constant 0 : index
    %get3A_0 = arith.constant 0 : index
    %get3A_1 = vector.load %arg1[%get3A, %get3A_0] : memref<10240x1xf32, #tpu.memory_space<vmem>>, vector<10240x1xf32>
    %get3A_2 = arith.constant 0 : index
    %get3A_3 = arith.constant 0 : index
    %get3A_4 = arith.constant 0 : index
    %get3A_5 = vector.load %arg0[%get3A_2, %get3A_3, %get3A_4] : memref<2x10240x128xf32, #tpu.memory_space<vmem>>, vector<1x10240x128xf32>
    %get3A_6 = vector.shape_cast %get3A_5 : vector<1x10240x128xf32> to vector<10240x128xf32>
    %get3A_7 = arith.constant 1 : index
    %get3A_8 = arith.constant 0 : index
    %get3A_9 = arith.constant 0 : index
    %get3A_10 = vector.load %arg0[%get3A_7, %get3A_8, %get3A_9] : memref<2x10240x128xf32, #tpu.memory_space<vmem>>, vector<1x10240x128xf32>
    %get3A_11 = vector.shape_cast %get3A_10 : vector<1x10240x128xf32> to vector<10240x128xf32>
    %add3A = arith.addf %get3A_6, %get3A_11 : vector<10240x128xf32>
    %mul3A = vector.broadcast %get3A_1 : vector<10240x1xf32> to vector<10240x128xf32>
    %mul3A_12 = arith.mulf %mul3A, %add3A : vector<10240x128xf32>
    %get3A_13 = arith.constant 0 : index
    %get3A_14 = arith.constant 0 : index
    %get3A_15 = vector.load %arg1[%get3A_13, %get3A_14] : memref<10240x1xf32, #tpu.memory_space<vmem>>, vector<10240x1xf32>
    %get3A_16 = arith.constant 0 : index
    %get3A_17 = arith.constant 0 : index
    %get3A_18 = vector.load %arg2[%get3A_16, %get3A_17] : memref<1x128xf32, #tpu.memory_space<vmem>>, vector<1x128xf32>
    %add3A_19 = vector.broadcast %get3A_18 : vector<1x128xf32> to vector<10240x128xf32>
    %add3A_20 = arith.addf %mul3A_12, %add3A_19 : vector<10240x128xf32>
    %max3A = arith.constant 0.000000e+00 : f32
    %max3A_21 = vector.broadcast %max3A : f32 to vector<10240x128xf32>
    %max3A_22 = arith.maximumf %add3A_20, %max3A_21 : vector<10240x128xf32>
    %mul3A_23 = vector.broadcast %get3A_15 : vector<10240x1xf32> to vector<10240x128xf32>
    %mul3A_24 = arith.mulf %mul3A_23, %max3A_22 : vector<10240x128xf32>
    %swap3A = arith.constant 0 : index
    %swap3A_25 = arith.constant 0 : index
    %swap3A_26 = vector.load %arg3[%swap3A, %swap3A_25] : memref<10240x128xf32, #tpu.memory_space<vmem>>, vector<10240x128xf32>
    tpu.vector_store %arg3[%swap3A, %swap3A_25], %mul3A_24 {strides = array<i32>} : memref<10240x128xf32, #tpu.memory_space<vmem>>, vector<10240x128xf32>,
    return
  }
}

module attributes {stable_mosaic.version = 14 : i64} {
  func.func @body(%arg0: memref<2x10240x128xf32, #tpu.memory_space<vmem>>, %arg1: memref<10240x1xf32, #tpu.memory_space<vmem>>, %arg2: memref<128x128xf32, #tpu.memory_space<vmem>>, %arg3: memref<1x128xf32, #tpu.memory_space<vmem>>, %arg4: memref<10240x128xf32, #tpu.memory_space<vmem>>) attributes {dimension_semantics = [], scalar_prefetch = 0 : i64, scratch_operands = 0 : i64, tpu.core_type = #tpu.core_type<tc>} {
    %get3A = arith.constant 0 : index
    %get3A_0 = arith.constant 0 : index
    %get3A_1 = vector.load %arg1[%get3A, %get3A_0] : memref<10240x1xf32, #tpu.memory_space<vmem>>, vector<10240x1xf32>
    %get3A_2 = arith.constant 0 : index
    %get3A_3 = arith.constant 0 : index
    %get3A_4 = arith.constant 0 : index
    %get3A_5 = vector.load %arg0[%get3A_2, %get3A_3, %get3A_4] : memref<2x10240x128xf32, #tpu.memory_space<vmem>>, vector<1x10240x128xf32>
    %get3A_6 = vector.shape_cast %get3A_5 : vector<1x10240x128xf32> to vector<10240x128xf32>
    %get3A_7 = arith.constant 1 : index
    %get3A_8 = arith.constant 0 : index
    %get3A_9 = arith.constant 0 : index
    %get3A_10 = vector.load %arg0[%get3A_7, %get3A_8, %get3A_9] : memref<2x10240x128xf32, #tpu.memory_space<vmem>>, vector<1x10240x128xf32>
    %get3A_11 = vector.shape_cast %get3A_10 : vector<1x10240x128xf32> to vector<10240x128xf32>
    %add3A = arith.addf %get3A_6, %get3A_11 : vector<10240x128xf32>
    %mul3A = vector.broadcast %get3A_1 : vector<10240x1xf32> to vector<10240x128xf32>
    %mul3A_12 = arith.mulf %mul3A, %add3A : vector<10240x128xf32>
    %get3A_13 = arith.constant 0 : index
    %get3A_14 = arith.constant 0 : index
    %get3A_15 = vector.load %arg2[%get3A_13, %get3A_14] : memref<128x128xf32, #tpu.memory_space<vmem>>, vector<128x128xf32>
    %dot_general3A = arith.constant dense<0.000000e+00> : vector<10240x128xf32>
    %dot_general3A_16 = tpu.matmul %mul3A_12, %get3A_15, %dot_general3A {dimension_numbers = #tpu.dot_dimension_numbers<[1], [0], [0], [1], [0, 0, 1, 1], [], []>, transpose_lhs_hint = false} : vector<10240x128xf32>, vector<128x128xf32>, vector<10240x128xf32> -> vector<10240x128xf32>
    %get3A_17 = arith.constant 0 : index
    %get3A_18 = arith.constant 0 : index
    %get3A_19 = vector.load %arg3[%get3A_17, %get3A_18] : memref<1x128xf32, #tpu.memory_space<vmem>>, vector<1x128xf32>
    %add3A_20 = vector.broadcast %get3A_19 : vector<1x128xf32> to vector<10240x128xf32>
    %add3A_21 = arith.addf %dot_general3A_16, %add3A_20 : vector<10240x128xf32>
    %get3A_22 = arith.constant 0 : index
    %get3A_23 = arith.constant 0 : index
    %get3A_24 = vector.load %arg1[%get3A_22, %get3A_23] : memref<10240x1xf32, #tpu.memory_space<vmem>>, vector<10240x1xf32>
    %max3A = arith.constant 0.000000e+00 : f32
    %max3A_25 = vector.broadcast %max3A : f32 to vector<10240x128xf32>
    %max3A_26 = arith.maximumf %add3A_21, %max3A_25 : vector<10240x128xf32>
    %mul3A_27 = vector.broadcast %get3A_24 : vector<10240x1xf32> to vector<10240x128xf32>
    %mul3A_28 = arith.mulf %mul3A_27, %max3A_26 : vector<10240x128xf32>
    %swap3A = arith.constant 0 : index
    %swap3A_29 = arith.constant 0 : index
    %swap3A_30 = vector.load %arg4[%swap3A, %swap3A_29] : memref<10240x128xf32, #tpu.memory_space<vmem>>, vector<10240x128xf32>
    tpu.vector_store %arg4[%swap3A, %swap3A_29], %mul3A_28 {strides = array<i32>} : memref<10240x128xf32, #tpu.memory_space<vmem>>, vector<10240x128xf32>,
    return
  }
}

module attributes {stable_mosaic.version = 14 : i64} {
  func.func @body(%arg0: memref<2x10240x128xf32, #tpu.memory_space<vmem>>, %arg1: memref<10240x1xf32, #tpu.memory_space<vmem>>, %arg2: memref<128x64xf32, #tpu.memory_space<vmem>>, %arg3: memref<1x64xf32, #tpu.memory_space<vmem>>, %arg4: memref<128x64xf32, #tpu.memory_space<vmem>>, %arg5: memref<1x64xf32, #tpu.memory_space<vmem>>, %arg6: memref<10000x64xf32, #tpu.memory_space<vmem>>, %arg7: memref<10000x64xf32, #tpu.memory_space<vmem>>) attributes {dimension_semantics = [], scalar_prefetch = 0 : i64, scratch_operands = 0 : i64, tpu.core_type = #tpu.core_type<tc>} {
    %get3A = arith.constant 0 : index
    %get3A_0 = arith.constant 0 : index
    %get3A_1 = vector.load %arg1[%get3A, %get3A_0] : memref<10240x1xf32, #tpu.memory_space<vmem>>, vector<10240x1xf32>
    %get3A_2 = arith.constant 0 : index
    %get3A_3 = arith.constant 0 : index
    %get3A_4 = arith.constant 0 : index
    %get3A_5 = vector.load %arg0[%get3A_2, %get3A_3, %get3A_4] : memref<2x10240x128xf32, #tpu.memory_space<vmem>>, vector<1x10240x128xf32>
    %get3A_6 = vector.shape_cast %get3A_5 : vector<1x10240x128xf32> to vector<10240x128xf32>
    %get3A_7 = arith.constant 1 : index
    %get3A_8 = arith.constant 0 : index
    %get3A_9 = arith.constant 0 : index
    %get3A_10 = vector.load %arg0[%get3A_7, %get3A_8, %get3A_9] : memref<2x10240x128xf32, #tpu.memory_space<vmem>>, vector<1x10240x128xf32>
    %get3A_11 = vector.shape_cast %get3A_10 : vector<1x10240x128xf32> to vector<10240x128xf32>
    %add3A = arith.addf %get3A_6, %get3A_11 : vector<10240x128xf32>
    %mul3A = vector.broadcast %get3A_1 : vector<10240x1xf32> to vector<10240x128xf32>
    %mul3A_12 = arith.mulf %mul3A, %add3A : vector<10240x128xf32>
    %slice3A = vector.extract_strided_slice %mul3A_12 {offsets = [0, 0], sizes = [10000, 128], strides = [1, 1]} : vector<10240x128xf32> to vector<10000x128xf32>
    %get3A_13 = arith.constant 0 : index
    %get3A_14 = arith.constant 0 : index
    %get3A_15 = vector.load %arg2[%get3A_13, %get3A_14] : memref<128x64xf32, #tpu.memory_space<vmem>>, vector<128x64xf32>
    %dot_general3A = arith.constant dense<0.000000e+00> : vector<10000x64xf32>
    %dot_general3A_16 = tpu.matmul %slice3A, %get3A_15, %dot_general3A {dimension_numbers = #tpu.dot_dimension_numbers<[1], [0], [0], [1], [0, 0, 1, 1], [], []>, transpose_lhs_hint = false} : vector<10000x128xf32>, vector<128x64xf32>, vector<10000x64xf32> -> vector<10000x64xf32>
    %get3A_17 = arith.constant 0 : index
    %get3A_18 = arith.constant 0 : index
    %get3A_19 = vector.load %arg3[%get3A_17, %get3A_18] : memref<1x64xf32, #tpu.memory_space<vmem>>, vector<1x64xf32>
    %add3A_20 = vector.broadcast %get3A_19 : vector<1x64xf32> to vector<10000x64xf32>
    %add3A_21 = arith.addf %dot_general3A_16, %add3A_20 : vector<10000x64xf32>
    %swap3A = arith.constant 0 : index
    %swap3A_22 = arith.constant 0 : index
    %swap3A_23 = vector.load %arg6[%swap3A, %swap3A_22] : memref<10000x64xf32, #tpu.memory_space<vmem>>, vector<10000x64xf32>
    tpu.vector_store %arg6[%swap3A, %swap3A_22], %add3A_21 {strides = array<i32>} : memref<10000x64xf32, #tpu.memory_space<vmem>>, vector<10000x64xf32>,
    %get3A_24 = arith.constant 0 : index
    %get3A_25 = arith.constant 0 : index
    %get3A_26 = vector.load %arg4[%get3A_24, %get3A_25] : memref<128x64xf32, #tpu.memory_space<vmem>>, vector<128x64xf32>
    %dot_general3A_27 = arith.constant dense<0.000000e+00> : vector<10000x64xf32>
    %dot_general3A_28 = tpu.matmul %slice3A, %get3A_26, %dot_general3A_27 {dimension_numbers = #tpu.dot_dimension_numbers<[1], [0], [0], [1], [0, 0, 1, 1], [], []>, transpose_lhs_hint = false} : vector<10000x128xf32>, vector<128x64xf32>, vector<10000x64xf32> -> vector<10000x64xf32>
    %get3A_29 = arith.constant 0 : index
    %get3A_30 = arith.constant 0 : index
    %get3A_31 = vector.load %arg5[%get3A_29, %get3A_30] : memref<1x64xf32, #tpu.memory_space<vmem>>, vector<1x64xf32>
    %add3A_32 = vector.broadcast %get3A_31 : vector<1x64xf32> to vector<10000x64xf32>
    %add3A_33 = arith.addf %dot_general3A_28, %add3A_32 : vector<10000x64xf32>
    %swap3A_34 = arith.constant 0 : index
    %swap3A_35 = arith.constant 0 : index
    %swap3A_36 = vector.load %arg7[%swap3A_34, %swap3A_35] : memref<10000x64xf32, #tpu.memory_space<vmem>>, vector<10000x64xf32>
    tpu.vector_store %arg7[%swap3A_34, %swap3A_35], %add3A_33 {strides = array<i32>} : memref<10000x64xf32, #tpu.memory_space<vmem>>, vector<10000x64xf32>,
    return
  }
}

</mosaic_0001>

<sc_bundles>
// kernel: kernel.13.cloned.1.call-start
scs
__scs_entry_jumppad:
0x0: {  	(pc) =	sbr.rel $0x88, $3  }
0x1: {  	(tag) =	ssettag $0x0;
	lr =	simm.s32 $0x1  }
0x2: {  	[smem:$0x3F95] =	sst lr;
	_ =	strace $0xD0000000  }
0x3: {  	_ = 	snop  }
0x4: {  	_ = 	snop  }
0x5: {  	_ = 	snop  }
0x6: {  	_ = 	snop  }
0x7: {  	_ = 	snop  }
__scs_overlays_trampoline_lowered:
0x8: {  	[smem:$0x3FA4] =	sst s0  }
0x9: {  	[smem:$0x3FA5] =	sst s1  }
0xa: {  	[smem:$0x3FA6] =	sst s2  }
0xb: {  	[smem:$0x3FA7] =	sst s3  }
0xc: {  	[smem:$0x3FA8] =	sst s4  }
0xd: {  	[smem:$0x3FA9] =	sst s5  }
0xe: {  	[smem:$0x3FAA] =	sst s6  }
0xf: {  	[smem:$0x3FAB] =	sst s7  }
0x10: {  	[smem:$0x3FAC] =	sst s8  }
0x11: {  	[smem:$0x3FAD] =	sst s9;
	s0 =	simm.s32 @!p0 $0x0  }
0x12: {  	s1 =	sld [smem:$0x3F93];
	s0 =	simm.s32 @p0 $0x1  }
0x13: {  	[smem:$0x3FAE] =	sst s0;
	s0 =	simm.s32 @!p1 $0x0  }
0x14: {  	s2 =	sld [smem:$0x3F92];
	s0 =	simm.s32 @p1 $0x1  }
0x15: {  	[smem:$0x3FAF] =	sst s0;
	s0 =	simm.s32 @!p2 $0x0  }
0x16: {  	s3 =	sld [smem:$0x3FDB];
	s0 =	simm.s32 @p2 $0x1  }
0x17: {  	s4 =	simm.s32 $0x1BF5;
	[smem:$0x3FB1] =	sst s0  }
0x18: {  	s0 =	sld [smem:$0x3F94];
	_ =	swait.ge [sflag:s4], $0x0  }
0x19: {  	s7 =	sld [smem:$0x3F95]  }
0x1a: {  	s8 =	sadd.s32 $0xFFFFE003, lr  }
0x1b: {  	s9 =	sadd.s32 $0xFFFFFEF7, lr;
	s5 =	simm.s32 $0xFFFFFFFF;
	p2 =	slt.u32 s8, $0xFFFFF086  }
0x1c: {  	p1 =	slt.u32 s9, $0xF7A;
	s5 =	simm.s32 @!p2 $0x0  }
0x1d: {  	s5 =	simm.s32 @p1 $0x1;
	p0 =	seq.s32 s7, s2  }
0x1e: {  	s7 =	smul.u32 @!p0 $0xF7A, s2;
	p2 =	seq.s32 @!p0 s5, $0x0  }
0x1f: {  	s9 =	smul.u32 $0xF7A, s1;
	s8 =	simm.s32 @!p0 $0x1BF5;
	p2 =	por !p2, p0  }
0x20: {  	[sflag:s8] =	ssyncset.s32 @!p0 $0xFFFFF086;
	s6 =	sadd.s32 @!p0 s3, s7;
	s7 =	simm.s32 @!p0 $0x108  }
0x21: {  	s3 =	sadd.s32 s3, s9;
	s6 =	sadd.s32 @!p0 $0x88, s6;
	s7 =	simm.s32 @p2 $0x1082  }
0x22: {  	[simem:s7], [sflag:s8] =	dma.local @!p0 [hbm:s6], $0xF7A  }
0x23: {  	s9 =	sor.u32 $0xD0000000, s2;
	s6 =	simm.s32 $0x108;
	_ =	swait.ge @!p0 [sflag:s8], $0x0  }
0x24: {  	s3 =	sadd.s32 $0x88, s3;
	s6 =	simm.s32 @!p1 $0x1082;
	[sflag:s4] =	ssyncset.s32 $0xFFFFF086  }
0x25: {  	[simem:s6], [sflag:s4] =	dma.local [hbm:s3], $0xF7A  }
0x26: {  	[smem:$0x3F95] =	sst s1;
	(tag) =	ssettag s2;
	_ =	strace s9  }
0x27: {  	s1 =	sld [smem:$0x3FA5]  }
0x28: {  	s2 =	sld [smem:$0x3FA6]  }
0x29: {  	s4 =	sld [smem:$0x3FA8]  }
0x2a: {  	p0 =	seq.s32 s5, $0x0;
	s5 =	sld [smem:$0x3FA9]  }
0x2b: {  	s6 =	sld [smem:$0x3FAA]  }
0x2c: {  	s7 =	sld [smem:$0x3FAB]  }
0x2d: {  	s3 =	simm.s32 $0x108;
	s8 =	sld [smem:$0x3FAC]  }
0x2e: {  	s3 =	simm.s32 @!p0 $0x1082;
	s9 =	sld [smem:$0x3FAD]  }
0x2f: {  	lr =	sadd.s32 s0, s3;
	s0 =	sld [smem:$0x3FA4]  }
0x30: {  	s3 =	sld [smem:$0x3FA7]  }
0x31: {  	[smem:$0x3FB0] =	sst s10  }
0x32: {  	s10 =	sld [smem:$0x3FAE];
	_ =	sdelay $0x3  }
0x33: {  	p0 =	seq.s32 s10, $0x1;
	s10 =	sld [smem:$0x3FB0];
	_ =	sdelay $0x3  }
0x34: {  	[smem:$0x3FB0] =	sst s10  }
0x35: {  	s10 =	sld [smem:$0x3FAF];
	_ =	sdelay $0x3  }
0x36: {  	p1 =	seq.s32 s10, $0x1;
	s10 =	sld [smem:$0x3FB0];
	_ =	sdelay $0x3  }
0x37: {  	[smem:$0x3FB0] =	sst s10  }
0x38: {  	s10 =	sld [smem:$0x3FB1]  }
0x39: {  	_ = 	snop;
	(pc) =	sbr.ind lr, $3  }
0x3a: {  	_ = 	snop  }
0x3b: {  	_ = 	snop  }
0x3c: {  	p2 =	seq.s32 s10, $0x1;
	s10 =	sld [smem:$0x3FB0]  }
0x3d: {  	_ =	shalt  }
0x3e: {  	_ =	shalt  }
0x3f: {  	_ =	shalt  }
0x40: {  	_ =	shalt  }
0x41: {  	_ =	shalt  }
0x42: {  	_ =	shalt  }
0x43: {  	_ =	shalt  }
0x44: {  	_ =	shalt  }
0x45: {  	_ =	shalt  }
0x46: {  	_ =	shalt  }
0x47: {  	_ =	shalt  }
0x48: {  	_ =	shalt  }
0x49: {  	_ =	shalt  }
0x4a: {  	_ =	shalt  }
0x4b: {  	_ =	shalt  }
0x4c: {  	_ =	shalt  }
0x4d: {  	_ =	shalt  }
0x4e: {  	_ =	shalt  }
0x4f: {  	_ =	shalt  }
0x50: {  	_ =	shalt  }
0x51: {  	_ =	shalt  }
0x52: {  	_ =	shalt  }
0x53: {  	_ =	shalt  }
0x54: {  	_ =	shalt  }
0x55: {  	_ =	shalt  }
0x56: {  	_ =	shalt  }
0x57: {  	_ =	shalt  }
0x58: {  	_ =	shalt  }
0x59: {  	_ =	shalt  }
0x5a: {  	_ =	shalt  }
0x5b: {  	_ =	shalt  }
0x5c: {  	_ =	shalt  }
0x5d: {  	_ =	shalt  }
0x5e: {  	_ =	shalt  }
0x5f: {  	_ =	shalt  }
0x60: {  	_ =	shalt  }
0x61: {  	_ =	shalt  }
0x62: {  	_ =	shalt  }
0x63: {  	_ =	shalt  }
0x64: {  	_ =	shalt  }
0x65: {  	_ =	shalt  }
0x66: {  	_ =	shalt  }
0x67: {  	_ =	shalt  }
0x68: {  	_ =	shalt  }
0x69: {  	_ =	shalt  }
0x6a: {  	_ =	shalt  }
0x6b: {  	_ =	shalt  }
0x6c: {  	_ =	shalt  }
0x6d: {  	_ =	shalt  }
0x6e: {  	_ =	shalt  }
0x6f: {  	_ =	shalt  }
0x70: {  	_ =	shalt  }
0x71: {  	_ =	shalt  }
0x72: {  	_ =	shalt  }
0x73: {  	_ =	shalt  }
0x74: {  	_ =	shalt  }
0x75: {  	_ =	shalt  }
0x76: {  	_ =	shalt  }
0x77: {  	_ =	shalt  }
0x78: {  	_ =	shalt  }
0x79: {  	_ =	shalt  }
0x7a: {  	_ =	shalt  }
0x7b: {  	_ =	shalt  }
0x7c: {  	_ =	shalt  }
0x7d: {  	_ =	shalt  }
0x7e: {  	_ =	shalt  }
0x7f: {  	_ =	shalt  }
0x80: {  	_ =	shalt  }
0x81: {  	_ =	shalt  }
0x82: {  	_ =	shalt  }
0x83: {  	_ =	shalt  }
0x84: {  	_ =	shalt  }
0x85: {  	_ =	shalt  }
0x86: {  	_ =	shalt  }
0x87: {  	_ =	shalt  }
.Lfunc_end0:
.L_simem_size_0:
called_computation_lowered:
.L_overlay_start_0:
0x88: {  	s2 =	sld [smem:$0x3FD9]  }
0x89: {  	s3 =	sld [smem:$0x3FFE];
	_ =	sdelay $0x1  }
0x8a: {  	s1 =	srdreg.scid  }
0x8b: {  	s0 =	sand.u32 $0x1, s1  }
0x8c: {  	s14 =	sshll.u32 s0, $0xA;
	s2 =	sadd.s32 s3, s2  }
0x8d: {  	s2 =	sadd.s32 s2, s14  }
0x8e: {  	[smem:$0x3FBC] =	sst s2  }
0x8f: {  	_ = 	snop  }
0x90: {  	s2 =	sld [smem:$0x3FD0];
	_ =	sdelay $0x2  }
0x91: {  	s15 =	simm.s32 $0xA;
	s4 =	simm.s32 $0x10  }
0x92: {  	[smem:s4], [sflag:s15] =	dma.local [hbm:s2], $0x1  }
0x93: {  	_ =	swait.eq [sflag:s15], $0x1  }
0x94: {  	[sflag:s15] =	ssyncset.done $0x0  }
0x95: {  	[sflag:s15] =	ssyncadd.s32 $0xFFFFFFFF  }
0x96: {  	s16 =	sld [smem:$0x10];
	(tm) =	ssettm $0x1  }
0x97: {  	s17 =	sld [smem:$0x3FFB];
	_ =	sdelay $0x3  }
0x98: {  	_ =	strace s17  }
0x99: {  	s3 =	sld [smem:$0x3FFC];
	_ =	sdelay $0x3  }
0x9a: {  	_ =	strace s3  }
0x9b: {  	s3 =	sld [smem:$0x3FFD];
	_ =	sdelay $0x3  }
0x9c: {  	_ =	strace s3  }
0x9d: {  	_ =	strace $0x8FFFFFFF  }
0x9e: {  	s18 =	sld [smem:$0x3FDB];
	_ =	sdelay $0x1  }
0x9f: {  	s19 =	simm.s32 $_scs_section_size  }
0xa0: {  	s5 =	simm.s32 $_size__tile_overlayer_lowered;
	s6 =	simm.s32 $_tile_overlayer_lowered  }
0xa1: {  	s22 =	simm.s32 $0x1BFF;
	s21 =	sshll.u32 s6, $0x1;
	s3 =	sadd.s32 s19, s18  }
0xa2: {  	s7 =	simm.s32 $0x0;
	s20 =	sshll.u32 s5, $0x1;
	s5 =	sadd.s32 s21, s3  }
0xa3: {  	[timem:s7], [sflag:s22] =	dma.local [hbm:s5], s20  }
0xa4: {  	_ =	swait.ge [sflag:s22], s20  }
0xa5: {  	s4 =	ssub.s32 $0x0, s20;
	[sflag:s22] =	ssyncset.done $0x0  }
0xa6: {  	[sflag:s22] =	ssyncadd.s32 s4;
	_ =	sdelay $0x1  }
0xa7: {  	s23 =	simm.s32 $0x1B8B  }
0xa8: {  	_ =	swait.ge [sflag:s23], $0x1  }
0xa9: {  	[sflag:s23] =	ssyncset.done $0x0  }
0xaa: {  	s25 =	simm.s32 $0x1B8E;
	s24 =	sld [smem:$0x3FFE];
	[sflag:s23] =	ssyncadd.s32 $0xFFFFFFFF  }
0xab: {  	s26 =	simm.s32 $execute0_lowered;
	[smem:$0x3FD2] =	sst s25  }
0xac: {  	s5 =	sshll.u32 s26, $0x1;
	_ =	strace $0x80000046;
	[dreg:$0x1] =	wrdreg $0xFFFFFFFF  }
0xad: {  	s28 =	simm.s32 $_size_execute0_lowered;
	s3 =	sadd.s32 s3, s5;
	[dreg:$0x0] =	wrdreg $0x0  }
0xae: {  	s5 =	sshll.u32 s28, $0x1;
	[dreg:$0x2] =	wrdreg s3  }
0xaf: {  	[dreg:$0x3] =	wrdreg s5  }
0xb0: {  	[dreg:$0x4] =	wrdreg $0xC0  }
0xb1: {  	_ =	task [dreg:s7], $0x5FFFF  }
0xb2: {  	[dreg:$0x1] =	wrdreg $0xFFFFFFFF  }
0xb3: {  	[dreg:$0x0] =	wrdreg $0x60  }
0xb4: {  	[dreg:$0x2] =	wrdreg s16  }
0xb5: {  	[dreg:$0x3] =	wrdreg s24  }
0xb6: {  	[dreg:$0x4] =	wrdreg $0x54000  }
0xb7: {  	[dreg:$0x5] =	wrdreg $0x9  }
0xb8: {  	_ =	task.clear_ibuf [dreg:s7], $0x6FFFF;
	_ =	strace $0x90000046  }
0xb9: {  	s29 =	simm.s32 $0x9;
	_ =	strace $0x80000048  }
0xba: {  	_ =	swait.ge [sflag:s29], $0x1  }
0xbb: {  	[sflag:s29] =	ssyncadd.s32 $0xFFFFFFFF  }
0xbc: {  	_ =	strace $0x90000048  }
0xbd: {  	_ =	sfence  }
0xbe: {  	s30 =	sld [smem:$0x0];
	_ =	sdelay $0x2  }
0xbf: {  	s31 =	sshll.u32 s1, $0xD;
	s1 =	sshrl.u32 s1, $0x2  }
0xc0: {  	s3 =	sand.u32 $0x4000, s31;
	s1 =	sadd.s32 s1, s30  }
0xc1: {  	s0 =	sor.u32 s3, s0;
	s1 =	sshll.u32 s1, $0x11  }
0xc2: {  	s0 =	sor.u32 s1, s0  }
0xc3: {  	s0 =	sadd.s32 $0x8F2B, s0  }
0xc4: {  	[sflag:s0] =	ssyncadd.remote.s32 $0x1  }
0xc5: {  	_ =	sfence.sel $0xFFFF  }
0xc6: {  	[dreg:$0x0] =	wrdreg $0xFFFFFFFF;
	(pc) =	sbr.abs _section_cstart, $3  }
0xc7: {  	[dreg:$0x1] =	wrdreg $0xFFFFFFFF  }
0xc8: {  	_ =	task.clear_ibuf [dreg:s7], $0x2FFFF;
	_ =	strace $0x9FFFFFFF  }
0xc9: {  	(tm) =	ssettm $0x7FFFFFFF  }
tec
execute0_lowered:
.L_overlay_start_1:
0x0: {  	(tag) =	ssettag $0x1  }
0x1: {  	s5 =	rddreg [dreg:$0x0]  }
0x2: {  	s6 =	rddreg [dreg:$0x1]  }
0x3: {  	s2 =	rddreg [dreg:$0x2]  }
0x4: {  	s0 =	rddreg [dreg:$0x3]  }
0x5: {  	s4 =	srdreg.scid;
	s1 =	stileid.u32;
	s3 =	simm.s32 $0x0  }
0x6: {  	s14 =	simm.s32 $0x80;
	s15 =	simm.s32 $0x1;
	s7 =	smul.u32 $0x14000, s1  }
0x7: {  	s16 =	simm.s32 $0x0;
	s4 =	sand.u32 $0x1, s4;
	s10 =	smul.u32 $0x50000, s1  }
0x8: {  	[smem:$0x7FF] =	sst s3;
	s12 =	sshll.u32 s1, $0x6;
	s8 =	smul.u32 $0x140000, s4  }
0x9: {  	_ =	strace $0x80000047;
	s9 =	sshll.u32 s4, $0x4;
	s11 =	ssub.s32 $0x2, s4  }
0xa: {  	s4 =	sadd.s32 $0x3C00, s6;
	s12 =	sor.u32 $0x1C02, s12;
	s9 =	sor.u32 s1, s9  }
0xb: {  	s29 =	sshrl.u32 s11, $0x1;
	s30 =	sshrl.u32 s10, $0x2;
	s31 =	sshrl.u32 s7, $0x3  }
0xc: {  	s10 =	simm.s32 $0x1400;
	s8 =	sadd.s32 s7, s8;
	s9 =	smul.u32 $0x2800, s9  }
0xd: {  	s11 =	ssub.s32 s11, s29;
	s13 =	sadd.s32 s30, s2;
	s8 =	sshrl.u32 s8, $0x3  }
0xe: {  	s13 =	sshrl.u32 s13, $0x3;
	s8 =	sadd.s32 s8, s6;
	s9 =	sshrl.u32 s9, $0x3  }
0xf: {  	s6 =	sadd.s32 s4, s31;
	s5 =	sadd.s32 s5, s9;
	s8 =	sadd.s32 $0x2BC00, s8  }
0x10: {  	s9 =	smax.u32 s11, $0x1;
	s11 =	simm.s32 $0x2;
	s7 =	sadd.s32 $0x280, s5  }
.LBB2_1:
0x11: {  	[tilespmem:s10], [sflag:$0x2] =	stream.linear.gather [hbm4b:s4+s3], $0x4000, $0x38;
	[tilespmem:$0x5680] =	vst v63  }
0x12: {  	_ =	swait.ge [sflag:s11], $0x4000  }
0x13: {  	[sflag:s11] =	ssyncset.done $0x0  }
0x14: {  	[sflag:s11] =	ssyncadd.s32 $0xFFFFC000  }
0x15: {  	[spmem:s13], [sflag:s12] =	dma.local [hbm:s6], $0x2800  }
0x16: {  	_ =	swait.ge [sflag:s11], $0x2800  }
0x17: {  	[sflag:s11] =	ssyncset.done $0x0  }
0x18: {  	[sflag:s11] =	ssyncadd.s32 $0xFFFFD800  }
0x19: {  	[bflag:$0x0] =	sbarrier.arrive $0xFFFF  }
0x1a: {  	[tilespmem:s3], [sflag:$0x2] =	stream.linear.gather [hbm4b:s5+s3], $0x1400, $0x38;
	[tilespmem:$0x5680] =	vst v63  }
0x1b: {  	_ =	swait.ge [sflag:s11], $0x1400  }
0x1c: {  	[sflag:s11] =	ssyncset.done $0x0  }
0x1d: {  	s17 =	simm.s32 $0x0;
	[sflag:s11] =	ssyncadd.s32 $0xFFFFEC00  }
.LBB2_2:
0x1e: {  	p0 =	sne.s32 s17, $0x4E00  }
.Ltmp0:
0x1f: {  	_ = 	snop;
	(pc) =	sbr.rel @p0 .LBB2_2-.Ltmp0, $4  }
0x20: {  	_ = 	snop  }
0x21: {  	s18 =	sand.u32 $0x7E00, s17  }
0x22: {  	s17 =	sadd.s32 $0x200, s17;
	s18 =	sshrl.u32 s18, $0x2  }
0x23: {  	[spmem:s2] =	stream.indirect.scatter [tilespmem:s10], [sflag:$0x1], $0x1, s18, s14, $0xb8;
	[tilespmem:$0x5680] =	vst v63  }
0x24: {  	_ =	swait.ge [sflag:s15], $0x80  }
0x25: {  	s17 =	simm.s32 $0x27;
	[sflag:s15] =	ssyncset.done $0x0  }
.LBB2_4:
0x26: {  	p0 =	sne.s32 s17, $0x1;
	s17 =	sadd.s32 $0xFFFFFFFF, s17;
	[sflag:s15] =	ssyncadd.s32 $0xFFFFFF80  }
.Ltmp1:
0x27: {  	(pc) =	sbr.rel @p0 .LBB2_4-.Ltmp1, $3  }
0x28: {  	_ =	sdelay $0x1  }
0x29: {  	_ =	swait.ge [sflag:s15], $0x80  }
0x2a: {  	[sflag:s15] =	ssyncset.done $0x0  }
0x2b: {  	[sflag:s15] =	ssyncadd.s32 $0xFFFFFF80;
	s17 =	simm.s32 $0x0  }
0x2c: {  	[tilespmem:s17], [sflag:$0x2] =	stream.linear.gather [hbm4b:s7+s17], $0x1400, $0x38;
	[tilespmem:$0x5680] =	vst v63  }
0x2d: {  	_ =	swait.ge [sflag:s11], $0x1400  }
0x2e: {  	[sflag:s11] =	ssyncset.done $0x0  }
0x2f: {  	[sflag:s11] =	ssyncadd.s32 $0xFFFFEC00  }
.LBB2_6:
0x30: {  	p0 =	sne.s32 s17, $0x4E00  }
.Ltmp2:
0x31: {  	_ = 	snop;
	(pc) =	sbr.rel @p0 .LBB2_6-.Ltmp2, $4  }
0x32: {  	_ = 	snop  }
0x33: {  	s18 =	sand.u32 $0x7E00, s17  }
0x34: {  	s17 =	sadd.s32 $0x200, s17;
	s18 =	sshrl.u32 s18, $0x2  }
0x35: {  	[spmem:s2] =	stream.indirect.scatter [tilespmem:s10], [sflag:$0x1], $0x1, s18, s14, $0xb8;
	[tilespmem:$0x5680] =	vst v63  }
0x36: {  	_ =	swait.ge [sflag:s15], $0x80  }
0x37: {  	s17 =	simm.s32 $0x27;
	[sflag:s15] =	ssyncset.done $0x0  }
.LBB2_8:
0x38: {  	p0 =	sne.s32 s17, $0x1;
	s17 =	sadd.s32 $0xFFFFFFFF, s17;
	[sflag:s15] =	ssyncadd.s32 $0xFFFFFF80  }
.Ltmp3:
0x39: {  	(pc) =	sbr.rel @p0 .LBB2_8-.Ltmp3, $3  }
0x3a: {  	_ =	sdelay $0x1  }
0x3b: {  	_ =	swait.ge [sflag:s15], $0x80  }
0x3c: {  	[sflag:s15] =	ssyncset.done $0x0  }
0x3d: {  	s16 =	sadd.s32 $0x1, s16  }
0x3e: {  	[sflag:s15] =	ssyncadd.s32 $0xFFFFFF80;
	p0 =	sne.s32 s16, s9  }
.Ltmp4:
0x3f: {  	[bflag:$0x0] =	sbarrier.arrive $0xFFFF;
	(pc) =	sbr.rel @p0 .LBB2_1-.Ltmp4, $4  }
0x40: {  	[hbm:s8], [sflag:s12] =	dma.local [spmem:s13], $0x2800  }
0x41: {  	_ =	swait.ge [sflag:s11], $0x2800  }
0x42: {  	[sflag:s11] =	ssyncset.done $0x0  }
0x43: {  	[sflag:s11] =	ssyncadd.s32 $0xFFFFD800  }
0x44: {  	_ =	sfence.sel $0x180000  }
0x45: {  	[bflag:$0x0] =	sbarrier.arrive $0xFFFF  }
0x46: {  	p0 =	sne.s32 s1, $0x0;
	_ =	strace $0x90000047  }
0x47: {  	s0 =	sadd.s32 @!p0 $0x100000, s0;
	[bflag:$0x2] =	sbarrier.arrive $0xFFFF  }
0x48: {  	[sflag:s0] =	ssyncadd.tile.s32 @!p0 $0x1;
	_ =	shalt  }
.Lfunc_end2:
_tile_overlayer_lowered:
.L_overlay_start_2:
0x49: {  	(tag) =	ssettag $0x2  }
0x4a: {  	s0 =	rddreg [dreg:$0x0];
	s2 =	stileid.u32  }
0x4b: {  	s1 =	rddreg [dreg:$0x1];
	p0 =	sne.s32 s2, $0x0  }
0x4c: {  	s3 =	rddreg [dreg:$0x2];
	[bflag:$0x3] =	sbarrier.arrive $0xFFFF;
	s2 =	simm.s32 @!p0 $0x1C02  }
0x4d: {  	[timem:s3], [sflag:s2] =	dma.local @!p0 [hbm:s0], s1  }
0x4e: {  	s0 =	simm.s32 @!p0 $0x2  }
0x4f: {  	_ =	swait.ge @!p0 [sflag:s0], s1  }
0x50: {  	s1 =	ssub.s32 @!p0 $0x0, s1;
	[sflag:s0] =	ssyncset.done @!p0 $0x0  }
0x51: {  	[sflag:s0] =	ssyncadd.s32 @!p0 s1  }
0x52: {  	[bflag:$0x3] =	sbarrier.arrive $0xFFFF  }
0x53: {  	_ =	shalt  }

// kernel: kernel.16.cloned.1.call-start
scs
__scs_entry_jumppad:
0x0: {  	(pc) =	sbr.rel $0x88, $3  }
0x1: {  	(tag) =	ssettag $0x0;
	lr =	simm.s32 $0x1  }
0x2: {  	[smem:$0x3F95] =	sst lr;
	_ =	strace $0xD0000000  }
0x3: {  	_ = 	snop  }
0x4: {  	_ = 	snop  }
0x5: {  	_ = 	snop  }
0x6: {  	_ = 	snop  }
0x7: {  	_ = 	snop  }
__scs_overlays_trampoline_lowered:
0x8: {  	[smem:$0x3FA4] =	sst s0  }
0x9: {  	[smem:$0x3FA5] =	sst s1  }
0xa: {  	[smem:$0x3FA6] =	sst s2  }
0xb: {  	[smem:$0x3FA7] =	sst s3  }
0xc: {  	[smem:$0x3FA8] =	sst s4  }
0xd: {  	[smem:$0x3FA9] =	sst s5  }
0xe: {  	[smem:$0x3FAA] =	sst s6  }
0xf: {  	[smem:$0x3FAB] =	sst s7  }
0x10: {  	[smem:$0x3FAC] =	sst s8  }
0x11: {  	[smem:$0x3FAD] =	sst s9;
	s0 =	simm.s32 @!p0 $0x0  }
0x12: {  	s1 =	sld [smem:$0x3F93];
	s0 =	simm.s32 @p0 $0x1  }
0x13: {  	[smem:$0x3FAE] =	sst s0;
	s0 =	simm.s32 @!p1 $0x0  }
0x14: {  	s2 =	sld [smem:$0x3F92];
	s0 =	simm.s32 @p1 $0x1  }
0x15: {  	[smem:$0x3FAF] =	sst s0;
	s0 =	simm.s32 @!p2 $0x0  }
0x16: {  	s3 =	sld [smem:$0x3FDB];
	s0 =	simm.s32 @p2 $0x1  }
0x17: {  	s4 =	simm.s32 $0x1BF5;
	[smem:$0x3FB1] =	sst s0  }
0x18: {  	s0 =	sld [smem:$0x3F94];
	_ =	swait.ge [sflag:s4], $0x0  }
0x19: {  	s7 =	sld [smem:$0x3F95]  }
0x1a: {  	s8 =	sadd.s32 $0xFFFFE003, lr  }
0x1b: {  	s9 =	sadd.s32 $0xFFFFFEF7, lr;
	s5 =	simm.s32 $0xFFFFFFFF;
	p2 =	slt.u32 s8, $0xFFFFF086  }
0x1c: {  	p1 =	slt.u32 s9, $0xF7A;
	s5 =	simm.s32 @!p2 $0x0  }
0x1d: {  	s5 =	simm.s32 @p1 $0x1;
	p0 =	seq.s32 s7, s2  }
0x1e: {  	s7 =	smul.u32 @!p0 $0xF7A, s2;
	p2 =	seq.s32 @!p0 s5, $0x0  }
0x1f: {  	s9 =	smul.u32 $0xF7A, s1;
	s8 =	simm.s32 @!p0 $0x1BF5;
	p2 =	por !p2, p0  }
0x20: {  	[sflag:s8] =	ssyncset.s32 @!p0 $0xFFFFF086;
	s6 =	sadd.s32 @!p0 s3, s7;
	s7 =	simm.s32 @!p0 $0x108  }
0x21: {  	s3 =	sadd.s32 s3, s9;
	s6 =	sadd.s32 @!p0 $0x88, s6;
	s7 =	simm.s32 @p2 $0x1082  }
0x22: {  	[simem:s7], [sflag:s8] =	dma.local @!p0 [hbm:s6], $0xF7A  }
0x23: {  	s9 =	sor.u32 $0xD0000000, s2;
	s6 =	simm.s32 $0x108;
	_ =	swait.ge @!p0 [sflag:s8], $0x0  }
0x24: {  	s3 =	sadd.s32 $0x88, s3;
	s6 =	simm.s32 @!p1 $0x1082;
	[sflag:s4] =	ssyncset.s32 $0xFFFFF086  }
0x25: {  	[simem:s6], [sflag:s4] =	dma.local [hbm:s3], $0xF7A  }
0x26: {  	[smem:$0x3F95] =	sst s1;
	(tag) =	ssettag s2;
	_ =	strace s9  }
0x27: {  	s1 =	sld [smem:$0x3FA5]  }
0x28: {  	s2 =	sld [smem:$0x3FA6]  }
0x29: {  	s4 =	sld [smem:$0x3FA8]  }
0x2a: {  	p0 =	seq.s32 s5, $0x0;
	s5 =	sld [smem:$0x3FA9]  }
0x2b: {  	s6 =	sld [smem:$0x3FAA]  }
0x2c: {  	s7 =	sld [smem:$0x3FAB]  }
0x2d: {  	s3 =	simm.s32 $0x108;
	s8 =	sld [smem:$0x3FAC]  }
0x2e: {  	s3 =	simm.s32 @!p0 $0x1082;
	s9 =	sld [smem:$0x3FAD]  }
0x2f: {  	lr =	sadd.s32 s0, s3;
	s0 =	sld [smem:$0x3FA4]  }
0x30: {  	s3 =	sld [smem:$0x3FA7]  }
0x31: {  	[smem:$0x3FB0] =	sst s10  }
0x32: {  	s10 =	sld [smem:$0x3FAE];
	_ =	sdelay $0x3  }
0x33: {  	p0 =	seq.s32 s10, $0x1;
	s10 =	sld [smem:$0x3FB0];
	_ =	sdelay $0x3  }
0x34: {  	[smem:$0x3FB0] =	sst s10  }
0x35: {  	s10 =	sld [smem:$0x3FAF];
	_ =	sdelay $0x3  }
0x36: {  	p1 =	seq.s32 s10, $0x1;
	s10 =	sld [smem:$0x3FB0];
	_ =	sdelay $0x3  }
0x37: {  	[smem:$0x3FB0] =	sst s10  }
0x38: {  	s10 =	sld [smem:$0x3FB1]  }
0x39: {  	_ = 	snop;
	(pc) =	sbr.ind lr, $3  }
0x3a: {  	_ = 	snop  }
0x3b: {  	_ = 	snop  }
0x3c: {  	p2 =	seq.s32 s10, $0x1;
	s10 =	sld [smem:$0x3FB0]  }
0x3d: {  	_ =	shalt  }
0x3e: {  	_ =	shalt  }
0x3f: {  	_ =	shalt  }
0x40: {  	_ =	shalt  }
0x41: {  	_ =	shalt  }
0x42: {  	_ =	shalt  }
0x43: {  	_ =	shalt  }
0x44: {  	_ =	shalt  }
0x45: {  	_ =	shalt  }
0x46: {  	_ =	shalt  }
0x47: {  	_ =	shalt  }
0x48: {  	_ =	shalt  }
0x49: {  	_ =	shalt  }
0x4a: {  	_ =	shalt  }
0x4b: {  	_ =	shalt  }
0x4c: {  	_ =	shalt  }
0x4d: {  	_ =	shalt  }
0x4e: {  	_ =	shalt  }
0x4f: {  	_ =	shalt  }
0x50: {  	_ =	shalt  }
0x51: {  	_ =	shalt  }
0x52: {  	_ =	shalt  }
0x53: {  	_ =	shalt  }
0x54: {  	_ =	shalt  }
0x55: {  	_ =	shalt  }
0x56: {  	_ =	shalt  }
0x57: {  	_ =	shalt  }
0x58: {  	_ =	shalt  }
0x59: {  	_ =	shalt  }
0x5a: {  	_ =	shalt  }
0x5b: {  	_ =	shalt  }
0x5c: {  	_ =	shalt  }
0x5d: {  	_ =	shalt  }
0x5e: {  	_ =	shalt  }
0x5f: {  	_ =	shalt  }
0x60: {  	_ =	shalt  }
0x61: {  	_ =	shalt  }
0x62: {  	_ =	shalt  }
0x63: {  	_ =	shalt  }
0x64: {  	_ =	shalt  }
0x65: {  	_ =	shalt  }
0x66: {  	_ =	shalt  }
0x67: {  	_ =	shalt  }
0x68: {  	_ =	shalt  }
0x69: {  	_ =	shalt  }
0x6a: {  	_ =	shalt  }
0x6b: {  	_ =	shalt  }
0x6c: {  	_ =	shalt  }
0x6d: {  	_ =	shalt  }
0x6e: {  	_ =	shalt  }
0x6f: {  	_ =	shalt  }
0x70: {  	_ =	shalt  }
0x71: {  	_ =	shalt  }
0x72: {  	_ =	shalt  }
0x73: {  	_ =	shalt  }
0x74: {  	_ =	shalt  }
0x75: {  	_ =	shalt  }
0x76: {  	_ =	shalt  }
0x77: {  	_ =	shalt  }
0x78: {  	_ =	shalt  }
0x79: {  	_ =	shalt  }
0x7a: {  	_ =	shalt  }
0x7b: {  	_ =	shalt  }
0x7c: {  	_ =	shalt  }
0x7d: {  	_ =	shalt  }
0x7e: {  	_ =	shalt  }
0x7f: {  	_ =	shalt  }
0x80: {  	_ =	shalt  }
0x81: {  	_ =	shalt  }
0x82: {  	_ =	shalt  }
0x83: {  	_ =	shalt  }
0x84: {  	_ =	shalt  }
0x85: {  	_ =	shalt  }
0x86: {  	_ =	shalt  }
0x87: {  	_ =	shalt  }
.Lfunc_end0:
.L_simem_size_0:
called_computation.1_lowered:
.L_overlay_start_0:
0x88: {  	s2 =	sld [smem:$0x3FD9]  }
0x89: {  	s3 =	sld [smem:$0x3FFE];
	_ =	sdelay $0x1  }
0x8a: {  	s1 =	srdreg.scid  }
0x8b: {  	s0 =	sand.u32 $0x1, s1  }
0x8c: {  	s14 =	sshll.u32 s0, $0xA;
	s2 =	sadd.s32 s3, s2  }
0x8d: {  	s2 =	sadd.s32 s2, s14  }
0x8e: {  	[smem:$0x3FBC] =	sst s2  }
0x8f: {  	_ = 	snop  }
0x90: {  	s2 =	sld [smem:$0x3FD0];
	_ =	sdelay $0x2  }
0x91: {  	s15 =	simm.s32 $0xA;
	s4 =	simm.s32 $0x10  }
0x92: {  	[smem:s4], [sflag:s15] =	dma.local [hbm:s2], $0x1  }
0x93: {  	_ =	swait.eq [sflag:s15], $0x1  }
0x94: {  	[sflag:s15] =	ssyncset.done $0x0  }
0x95: {  	s16 =	sld [smem:$0x10];
	[sflag:s15] =	ssyncadd.s32 $0xFFFFFFFF  }
0x96: {  	s17 =	sld [smem:$0x11];
	(tm) =	ssettm $0x1  }
0x97: {  	s18 =	sld [smem:$0x3FFB];
	_ =	sdelay $0x3  }
0x98: {  	_ =	strace s18  }
0x99: {  	s4 =	sld [smem:$0x3FFC];
	_ =	sdelay $0x3  }
0x9a: {  	_ =	strace s4  }
0x9b: {  	s4 =	sld [smem:$0x3FFD];
	_ =	sdelay $0x3  }
0x9c: {  	_ =	strace s4  }
0x9d: {  	_ =	strace $0x8FFFFFFF  }
0x9e: {  	s19 =	sld [smem:$0x3FDB];
	_ =	sdelay $0x1  }
0x9f: {  	s5 =	simm.s32 $_scs_section_size  }
0xa0: {  	s6 =	simm.s32 $_size__tile_overlayer_lowered;
	s7 =	simm.s32 $_tile_overlayer_lowered  }
0xa1: {  	s22 =	simm.s32 $0x1BFF;
	s21 =	sshll.u32 s7, $0x1;
	s4 =	sadd.s32 s5, s19  }
0xa2: {  	s8 =	simm.s32 $0x0;
	s20 =	sshll.u32 s6, $0x1;
	s6 =	sadd.s32 s21, s4  }
0xa3: {  	[timem:s8], [sflag:s22] =	dma.local [hbm:s6], s20  }
0xa4: {  	_ =	swait.ge [sflag:s22], s20  }
0xa5: {  	s5 =	ssub.s32 $0x0, s20;
	[sflag:s22] =	ssyncset.done $0x0  }
0xa6: {  	[sflag:s22] =	ssyncadd.s32 s5;
	_ =	sdelay $0x1  }
0xa7: {  	s23 =	simm.s32 $0x1B8B  }
0xa8: {  	_ =	swait.ge [sflag:s23], $0x1  }
0xa9: {  	[sflag:s23] =	ssyncset.done $0x0  }
0xaa: {  	s25 =	simm.s32 $0x1B8E;
	s24 =	sld [smem:$0x3FFE];
	[sflag:s23] =	ssyncadd.s32 $0xFFFFFFFF  }
0xab: {  	s26 =	simm.s32 $execute0_lowered;
	[smem:$0x3FD2] =	sst s25  }
0xac: {  	s6 =	sshll.u32 s26, $0x1;
	_ =	strace $0x80000049;
	[dreg:$0x1] =	wrdreg $0xFFFFFFFF  }
0xad: {  	s28 =	simm.s32 $_size_execute0_lowered;
	s4 =	sadd.s32 s4, s6;
	[dreg:$0x0] =	wrdreg $0x0  }
0xae: {  	s6 =	sshll.u32 s28, $0x1;
	[dreg:$0x2] =	wrdreg s4  }
0xaf: {  	[dreg:$0x3] =	wrdreg s6  }
0xb0: {  	[dreg:$0x4] =	wrdreg $0xC0  }
0xb1: {  	_ =	task [dreg:s8], $0x5FFFF  }
0xb2: {  	[dreg:$0x1] =	wrdreg $0xFFFFFFFF  }
0xb3: {  	[dreg:$0x0] =	wrdreg $0x60  }
0xb4: {  	[dreg:$0x2] =	wrdreg s24  }
0xb5: {  	[dreg:$0x3] =	wrdreg s17  }
0xb6: {  	[dreg:$0x4] =	wrdreg s16  }
0xb7: {  	[dreg:$0x5] =	wrdreg $0xA8000  }
0xb8: {  	[dreg:$0x6] =	wrdreg $0x9  }
0xb9: {  	_ =	task.clear_ibuf [dreg:s8], $0x7FFFF;
	_ =	strace $0x90000049  }
0xba: {  	s29 =	simm.s32 $0x9;
	_ =	strace $0x8000004B  }
0xbb: {  	_ =	swait.ge [sflag:s29], $0x1  }
0xbc: {  	[sflag:s29] =	ssyncadd.s32 $0xFFFFFFFF  }
0xbd: {  	_ =	strace $0x9000004B  }
0xbe: {  	_ =	sfence  }
0xbf: {  	s30 =	sld [smem:$0x0];
	_ =	sdelay $0x2  }
0xc0: {  	s31 =	sshll.u32 s1, $0xD;
	s1 =	sshrl.u32 s1, $0x2  }
0xc1: {  	s3 =	sand.u32 $0x4000, s31;
	s1 =	sadd.s32 s1, s30  }
0xc2: {  	s0 =	sor.u32 s3, s0;
	s1 =	sshll.u32 s1, $0x11  }
0xc3: {  	s0 =	sor.u32 s1, s0  }
0xc4: {  	s0 =	sadd.s32 $0x8F2B, s0  }
0xc5: {  	[sflag:s0] =	ssyncadd.remote.s32 $0x1  }
0xc6: {  	_ =	sfence.sel $0xFFFF  }
0xc7: {  	[dreg:$0x0] =	wrdreg $0xFFFFFFFF;
	(pc) =	sbr.abs _section_cstart, $3  }
0xc8: {  	[dreg:$0x1] =	wrdreg $0xFFFFFFFF  }
0xc9: {  	_ =	task.clear_ibuf [dreg:s8], $0x2FFFF;
	_ =	strace $0x9FFFFFFF  }
0xca: {  	(tm) =	ssettm $0x7FFFFFFF  }
0xcb: {  	_ =	shalt  }
tec
execute0_lowered:
.L_overlay_start_1:
0x0: {  	(tag) =	ssettag $0x1  }
0x1: {  	s5 =	rddreg [dreg:$0x0]  }
0x2: {  	s8 =	rddreg [dreg:$0x1]  }
0x3: {  	s9 =	rddreg [dreg:$0x2]  }
0x4: {  	s1 =	rddreg [dreg:$0x3]  }
0x5: {  	s2 =	srdreg.scid;
	s0 =	rddreg [dreg:$0x4]  }
0x6: {  	s3 =	simm.s32 $0x0;
	s17 =	simm.s32 $0x80;
	s18 =	simm.s32 $0x2800  }
0x7: {  	s19 =	simm.s32 $0x3;
	s20 =	simm.s32 $0x6800;
	s21 =	simm.s32 $0x1  }
0x8: {  	s22 =	simm.s32 $0x2;
	s23 =	simm.s32 $0x100;
	s24 =	simm.s32 $0x1480  }
0x9: {  	s25 =	simm.s32 $0x0;
	s6 =	sand.u32 $0x1, s2;
	s2 =	stileid.u32  }
0xa: {  	[smem:$0x7FF] =	sst s3;
	s4 =	sadd.s32 $0x3C00, s5;
	s7 =	smul.u32 $0x140000, s6  }
0xb: {  	s13 =	sadd.s32 $0x2BC00, s5;
	s10 =	smul.u32 $0x14000, s2;
	_ =	strace $0x8000004A  }
0xc: {  	s28 =	sshll.u32 s6, $0x4;
	s11 =	ssub.s32 $0x2, s6;
	s12 =	smul.u32 $0x50000, s2  }
0xd: {  	s29 =	smul.u32 $0x2800, s2;
	p0 =	seq.s32 s6, $0x1;
	s14 =	sshrl.u32 s11, $0x1  }
0xe: {  	s7 =	sadd.s32 s10, s7;
	s10 =	sor.u32 s2, s28;
	s14 =	ssub.s32 s11, s14  }
0xf: {  	s30 =	sshrl.u32 s12, $0x2;
	s11 =	sshll.u32 s2, $0x6;
	s7 =	sshrl.u32 s7, $0x3  }
0x10: {  	s10 =	smul.u32 $0x2800, s10;
	s16 =	sadd.s32 s30, s1;
	s12 =	smax.u32 s14, $0x1  }
.Ltmp0:
0x11: {  	s15 =	sadd.s32 s7, s5;
	s5 =	sadd.s32 s4, s29;
	(pc) =	sbr.rel .LBB2_1-.Ltmp0, $4  }
0x12: {  	s14 =	sshrl.u32 s16, $0x3;
	s16 =	simm.s32 $0x1400;
	s31 =	sshrl.u32 s10, $0x3  }
0x13: {  	s5 =	smov.u32 @p0 s13;
	s13 =	sor.u32 $0x1C03, s11;
	s10 =	sadd.s32 $0x280, s31  }
0x14: {  	s6 =	sadd.s32 s8, s31;
	s7 =	sadd.s32 s9, s31;
	s8 =	sadd.s32 s8, s10  }
0x15: {  	s9 =	sadd.s32 s9, s10;
	s10 =	sadd.s32 $0x2E400, s15;
	s15 =	simm.s32 $0x4  }
.LBB2_7:
0x16: {  	[spmem:s1] =	stream.indirect.scatter [tilespmem:s20], [sflag:$0x2], $0x80, s29, s17, $0xb8;
	[tilespmem:$0x1E800] =	vst v63  }
0x17: {  	_ =	swait.ge [sflag:s22], $0x4000  }
0x18: {  	s25 =	sadd.s32 $0x1, s25;
	[sflag:s22] =	ssyncset.done $0x0  }
0x19: {  	p0 =	sne.s32 s25, s12;
	[sflag:s22] =	ssyncadd.s32 $0xFFFFC000  }
.Ltmp1:
0x1a: {  	s26 =	sor.u32 $0x1C04, s11;
	[bflag:$0x0] =	sbarrier.arrive $0xFFFF;
	(pc) =	sbr.rel @!p0 .LBB2_8-.Ltmp1, $4  }
0x1b: {  	[hbm:s10], [sflag:s26] =	dma.local [spmem:s14], $0x2800  }
0x1c: {  	_ =	swait.ge [sflag:s15], $0x2800  }
0x1d: {  	[sflag:s15] =	ssyncset.done $0x0  }
0x1e: {  	[sflag:s15] =	ssyncadd.s32 $0xFFFFD800  }
.LBB2_1:
0x1f: {  	[spmem:s14], [sflag:s13] =	dma.local [hbm:s5], $0x2800  }
0x20: {  	[tilespmem:s3], [sflag:$0x4] =	stream.linear.gather [hbm4b:s6+s3], $0x1400, $0x38;
	[tilespmem:$0x1E800] =	vst v63  }
0x21: {  	_ =	swait.ge [sflag:s15], $0x1400  }
0x22: {  	[sflag:s15] =	ssyncset.done $0x0  }
0x23: {  	[sflag:s15] =	ssyncadd.s32 $0xFFFFEC00  }
0x24: {  	[tilespmem:s16], [sflag:$0x4] =	stream.linear.gather [hbm4b:s7+s3], $0x1400, $0x38;
	[tilespmem:$0x1E800] =	vst v63  }
0x25: {  	_ =	swait.ge [sflag:s15], $0x1400  }
0x26: {  	[sflag:s15] =	ssyncset.done $0x0  }
0x27: {  	[sflag:s15] =	ssyncadd.s32 $0xFFFFEC00  }
0x28: {  	[tilespmem:s18], [sflag:$0x1] =	stream.indirect.gather [hbm4b:s4+s17], $0x80, s3, s17, $0xb8;
	[tilespmem:$0x1E800] =	vst v63  }
0x29: {  	_ =	swait.ge [sflag:s19], $0x2800  }
0x2a: {  	[sflag:s19] =	ssyncset.done $0x0  }
0x2b: {  	[sflag:s19] =	ssyncadd.s32 $0xFFFFD800  }
0x2c: {  	[bflag:$0x0] =	sbarrier.arrive $0xFFFF  }
0x2d: {  	[tilespmem:s20], [sflag:$0x1] =	stream.indirect.gather [hbm4b:s4+s17], $0x80, s17, s17, $0xb8;
	[tilespmem:$0x1E800] =	vst v63  }
0x2e: {  	_ =	swait.ge [sflag:s21], $0x4000  }
0x2f: {  	[sflag:s21] =	ssyncset.done $0x0  }
0x30: {  	[sflag:s21] =	ssyncadd.s32 $0xFFFFC000  }
0x31: {  	[spmem:s1] =	stream.indirect.scatter [tilespmem:s18], [sflag:$0x2], $0x80, s16, s17, $0xb8;
	[tilespmem:$0x1E800] =	vst v63  }
0x32: {  	_ =	swait.ge [sflag:s21], $0x4000  }
0x33: {  	[sflag:s21] =	ssyncset.done $0x0  }
0x34: {  	[sflag:s21] =	ssyncadd.s32 $0xFFFFC000  }
0x35: {  	_ =	swait.ge [sflag:s22], $0x4000  }
0x36: {  	[sflag:s22] =	ssyncset.done $0x0  }
0x37: {  	[sflag:s22] =	ssyncadd.s32 $0xFFFFC000  }
0x38: {  	[tilespmem:s18], [sflag:$0x1] =	stream.indirect.gather [hbm4b:s4+s17], $0x80, s23, s17, $0xb8;
	[tilespmem:$0x1E800] =	vst v63  }
0x39: {  	s26 =	simm.s32 $0x0  }
0x3a: {  	[spmem:s1] =	stream.indirect.scatter [tilespmem:s20], [sflag:$0x2], $0x80, s24, s17, $0xb8;
	[tilespmem:$0x1E800] =	vst v63  }
.LBB2_2:
0x3b: {  	_ =	swait.ge [sflag:s22], $0x4000  }
0x3c: {  	s29 =	sshra.s32 s26, $0x2;
	[sflag:s22] =	ssyncset.done $0x0  }
0x3d: {  	s28 =	sadd.s32 $0x400, s26;
	s30 =	sadd.s32 $0x180, s29;
	[sflag:s22] =	ssyncadd.s32 $0xFFFFC000  }
0x3e: {  	[tilespmem:s20], [sflag:$0x1] =	stream.indirect.gather [hbm4b:s4+s17], $0x80, s30, s17, $0xb8;
	[tilespmem:$0x1E800] =	vst v63  }
0x3f: {  	s31 =	sand.u32 $0x7C00, s28;
	_ =	swait.ge [sflag:s21], $0x4000  }
0x40: {  	s30 =	sshrl.u32 s31, $0x2;
	[sflag:s21] =	ssyncset.done $0x0  }
0x41: {  	s30 =	sadd.s32 $0x1400, s30;
	[sflag:s21] =	ssyncadd.s32 $0xFFFFC000  }
0x42: {  	[spmem:s1] =	stream.indirect.scatter [tilespmem:s18], [sflag:$0x2], $0x80, s30, s17, $0xb8;
	[tilespmem:$0x1E800] =	vst v63  }
0x43: {  	p0 =	seq.s32 s26, $0x4800;
	_ =	swait.ge [sflag:s21], $0x4000  }
.Ltmp2:
0x44: {  	[sflag:s21] =	ssyncset.done $0x0;
	(pc) =	sbr.rel @p0 .LBB2_4-.Ltmp2, $4  }
0x45: {  	[sflag:s21] =	ssyncadd.s32 $0xFFFFC000  }
0x46: {  	_ =	swait.ge [sflag:s22], $0x4000  }
0x47: {  	[sflag:s22] =	ssyncset.done $0x0  }
0x48: {  	s29 =	sadd.s32 $0x1580, s29;
	[sflag:s22] =	ssyncadd.s32 $0xFFFFC000  }
0x49: {  	s26 =	sadd.s32 $0x800, s26  }
.Ltmp3:
0x4a: {  	s26 =	sand.u32 $0xFC00, s26;
	(pc) =	sbr.rel .LBB2_2-.Ltmp3, $4  }
0x4b: {  	s26 =	sshrl.u32 s26, $0x2  }
0x4c: {  	[tilespmem:s18], [sflag:$0x1] =	stream.indirect.gather [hbm4b:s4+s17], $0x80, s26, s17, $0xb8;
	[tilespmem:$0x1E800] =	vst v63  }
0x4d: {  	s26 =	smov.u32 s28  }
0x4e: {  	[spmem:s1] =	stream.indirect.scatter [tilespmem:s20], [sflag:$0x2], $0x80, s29, s17, $0xb8;
	[tilespmem:$0x1E800] =	vst v63  }
.LBB2_4:
0x4f: {  	[spmem:s1] =	stream.indirect.scatter [tilespmem:s20], [sflag:$0x2], $0x80, s29, s17, $0xb8;
	[tilespmem:$0x1E800] =	vst v63  }
0x50: {  	_ =	swait.ge [sflag:s22], $0x4000  }
0x51: {  	[sflag:s22] =	ssyncset.done $0x0  }
0x52: {  	s26 =	simm.s32 $0x0;
	[sflag:s22] =	ssyncadd.s32 $0xFFFFC000  }
0x53: {  	[tilespmem:s26], [sflag:$0x4] =	stream.linear.gather [hbm4b:s8+s26], $0x1400, $0x38;
	[tilespmem:$0x1E800] =	vst v63  }
0x54: {  	_ =	swait.ge [sflag:s15], $0x1400  }
0x55: {  	[sflag:s15] =	ssyncset.done $0x0  }
0x56: {  	[sflag:s15] =	ssyncadd.s32 $0xFFFFEC00  }
0x57: {  	[tilespmem:s16], [sflag:$0x4] =	stream.linear.gather [hbm4b:s9+s26], $0x1400, $0x38;
	[tilespmem:$0x1E800] =	vst v63  }
0x58: {  	_ =	swait.ge [sflag:s15], $0x1400  }
0x59: {  	[sflag:s15] =	ssyncset.done $0x0  }
0x5a: {  	[sflag:s15] =	ssyncadd.s32 $0xFFFFEC00  }
0x5b: {  	[tilespmem:s18], [sflag:$0x1] =	stream.indirect.gather [hbm4b:s4+s17], $0x80, s26, s17, $0xb8;
	[tilespmem:$0x1E800] =	vst v63  }
0x5c: {  	_ = 	snop  }
0x5d: {  	[tilespmem:s20], [sflag:$0x1] =	stream.indirect.gather [hbm4b:s4+s17], $0x80, s17, s17, $0xb8;
	[tilespmem:$0x1E800] =	vst v63  }
0x5e: {  	_ =	swait.ge [sflag:s21], $0x4000  }
0x5f: {  	[sflag:s21] =	ssyncset.done $0x0  }
0x60: {  	[sflag:s21] =	ssyncadd.s32 $0xFFFFC000  }
0x61: {  	[spmem:s1] =	stream.indirect.scatter [tilespmem:s18], [sflag:$0x2], $0x80, s16, s17, $0xb8;
	[tilespmem:$0x1E800] =	vst v63  }
0x62: {  	_ =	swait.ge [sflag:s21], $0x4000  }
0x63: {  	[sflag:s21] =	ssyncset.done $0x0  }
0x64: {  	[sflag:s21] =	ssyncadd.s32 $0xFFFFC000  }
0x65: {  	_ =	swait.ge [sflag:s22], $0x4000  }
0x66: {  	[sflag:s22] =	ssyncset.done $0x0  }
0x67: {  	[sflag:s22] =	ssyncadd.s32 $0xFFFFC000  }
0x68: {  	[tilespmem:s18], [sflag:$0x1] =	stream.indirect.gather [hbm4b:s4+s17], $0x80, s23, s17, $0xb8;
	[tilespmem:$0x1E800] =	vst v63  }
0x69: {  	_ = 	snop  }
0x6a: {  	[spmem:s1] =	stream.indirect.scatter [tilespmem:s20], [sflag:$0x2], $0x80, s24, s17, $0xb8;
	[tilespmem:$0x1E800] =	vst v63  }
.LBB2_5:
0x6b: {  	_ =	swait.ge [sflag:s22], $0x4000  }
0x6c: {  	s29 =	sshra.s32 s26, $0x2;
	[sflag:s22] =	ssyncset.done $0x0  }
0x6d: {  	s28 =	sadd.s32 $0x400, s26;
	s30 =	sadd.s32 $0x180, s29;
	[sflag:s22] =	ssyncadd.s32 $0xFFFFC000  }
0x6e: {  	[tilespmem:s20], [sflag:$0x1] =	stream.indirect.gather [hbm4b:s4+s17], $0x80, s30, s17, $0xb8;
	[tilespmem:$0x1E800] =	vst v63  }
0x6f: {  	s31 =	sand.u32 $0x7C00, s28;
	_ =	swait.ge [sflag:s21], $0x4000  }
0x70: {  	s30 =	sshrl.u32 s31, $0x2;
	[sflag:s21] =	ssyncset.done $0x0  }
0x71: {  	s30 =	sadd.s32 $0x1400, s30;
	[sflag:s21] =	ssyncadd.s32 $0xFFFFC000  }
0x72: {  	[spmem:s1] =	stream.indirect.scatter [tilespmem:s18], [sflag:$0x2], $0x80, s30, s17, $0xb8;
	[tilespmem:$0x1E800] =	vst v63  }
0x73: {  	p0 =	seq.s32 s26, $0x4800;
	_ =	swait.ge [sflag:s21], $0x4000  }
.Ltmp4:
0x74: {  	[sflag:s21] =	ssyncset.done $0x0;
	(pc) =	sbr.rel @p0 .LBB2_7-.Ltmp4, $4  }
0x75: {  	[sflag:s21] =	ssyncadd.s32 $0xFFFFC000  }
0x76: {  	_ =	swait.ge [sflag:s22], $0x4000  }
0x77: {  	[sflag:s22] =	ssyncset.done $0x0  }
0x78: {  	s29 =	sadd.s32 $0x1580, s29;
	[sflag:s22] =	ssyncadd.s32 $0xFFFFC000  }
0x79: {  	s26 =	sadd.s32 $0x800, s26  }
.Ltmp5:
0x7a: {  	s26 =	sand.u32 $0xFC00, s26;
	(pc) =	sbr.rel .LBB2_5-.Ltmp5, $4  }
0x7b: {  	s26 =	sshrl.u32 s26, $0x2  }
0x7c: {  	[tilespmem:s18], [sflag:$0x1] =	stream.indirect.gather [hbm4b:s4+s17], $0x80, s26, s17, $0xb8;
	[tilespmem:$0x1E800] =	vst v63  }
0x7d: {  	s26 =	smov.u32 s28  }
0x7e: {  	[spmem:s1] =	stream.indirect.scatter [tilespmem:s20], [sflag:$0x2], $0x80, s29, s17, $0xb8;
	[tilespmem:$0x1E800] =	vst v63  }
.LBB2_8:
0x7f: {  	_ =	sfence.sel $0x180000  }
0x80: {  	[bflag:$0x0] =	sbarrier.arrive $0xFFFF  }
0x81: {  	p0 =	sne.s32 s2, $0x0;
	_ =	strace $0x9000004A  }
0x82: {  	s0 =	sadd.s32 @!p0 $0x100000, s0;
	[bflag:$0x2] =	sbarrier.arrive $0xFFFF  }
0x83: {  	[sflag:s0] =	ssyncadd.tile.s32 @!p0 $0x1;
	_ =	shalt  }
.Lfunc_end2:
_tile_overlayer_lowered:
.L_overlay_start_2:
0x84: {  	(tag) =	ssettag $0x2  }
0x85: {  	s0 =	rddreg [dreg:$0x0];
	s2 =	stileid.u32  }
0x86: {  	s1 =	rddreg [dreg:$0x1];
	p0 =	sne.s32 s2, $0x0  }
0x87: {  	s3 =	rddreg [dreg:$0x2];
	[bflag:$0x3] =	sbarrier.arrive $0xFFFF;
	s2 =	simm.s32 @!p0 $0x1C04  }
0x88: {  	[timem:s3], [sflag:s2] =	dma.local @!p0 [hbm:s0], s1  }
0x89: {  	s0 =	simm.s32 @!p0 $0x4  }
0x8a: {  	_ =	swait.ge @!p0 [sflag:s0], s1  }
0x8b: {  	s1 =	ssub.s32 @!p0 $0x0, s1;
	[sflag:s0] =	ssyncset.done @!p0 $0x0  }
0x8c: {  	[sflag:s0] =	ssyncadd.s32 @!p0 s1  }
0x8d: {  	[bflag:$0x3] =	sbarrier.arrive $0xFFFF  }
0x8e: {  	_ =	shalt  }

// kernel: kernel.19.cloned.1.call-start
scs
__scs_entry_jumppad:
0x0: {  	(pc) =	sbr.rel $0x88, $3  }
0x1: {  	(tag) =	ssettag $0x0;
	lr =	simm.s32 $0x1  }
0x2: {  	[smem:$0x3F95] =	sst lr;
	_ =	strace $0xD0000000  }
0x3: {  	_ = 	snop  }
0x4: {  	_ = 	snop  }
0x5: {  	_ = 	snop  }
0x6: {  	_ = 	snop  }
0x7: {  	_ = 	snop  }
__scs_overlays_trampoline_lowered:
0x8: {  	[smem:$0x3FA4] =	sst s0  }
0x9: {  	[smem:$0x3FA5] =	sst s1  }
0xa: {  	[smem:$0x3FA6] =	sst s2  }
0xb: {  	[smem:$0x3FA7] =	sst s3  }
0xc: {  	[smem:$0x3FA8] =	sst s4  }
0xd: {  	[smem:$0x3FA9] =	sst s5  }
0xe: {  	[smem:$0x3FAA] =	sst s6  }
0xf: {  	[smem:$0x3FAB] =	sst s7  }
0x10: {  	[smem:$0x3FAC] =	sst s8  }
0x11: {  	[smem:$0x3FAD] =	sst s9;
	s0 =	simm.s32 @!p0 $0x0  }
0x12: {  	s1 =	sld [smem:$0x3F93];
	s0 =	simm.s32 @p0 $0x1  }
0x13: {  	[smem:$0x3FAE] =	sst s0;
	s0 =	simm.s32 @!p1 $0x0  }
0x14: {  	s2 =	sld [smem:$0x3F92];
	s0 =	simm.s32 @p1 $0x1  }
0x15: {  	[smem:$0x3FAF] =	sst s0;
	s0 =	simm.s32 @!p2 $0x0  }
0x16: {  	s3 =	sld [smem:$0x3FDB];
	s0 =	simm.s32 @p2 $0x1  }
0x17: {  	s4 =	simm.s32 $0x1BF5;
	[smem:$0x3FB1] =	sst s0  }
0x18: {  	s0 =	sld [smem:$0x3F94];
	_ =	swait.ge [sflag:s4], $0x0  }
0x19: {  	s7 =	sld [smem:$0x3F95]  }
0x1a: {  	s8 =	sadd.s32 $0xFFFFE003, lr  }
0x1b: {  	s9 =	sadd.s32 $0xFFFFFEF7, lr;
	s5 =	simm.s32 $0xFFFFFFFF;
	p2 =	slt.u32 s8, $0xFFFFF086  }
0x1c: {  	p1 =	slt.u32 s9, $0xF7A;
	s5 =	simm.s32 @!p2 $0x0  }
0x1d: {  	s5 =	simm.s32 @p1 $0x1;
	p0 =	seq.s32 s7, s2  }
0x1e: {  	s7 =	smul.u32 @!p0 $0xF7A, s2;
	p2 =	seq.s32 @!p0 s5, $0x0  }
0x1f: {  	s9 =	smul.u32 $0xF7A, s1;
	s8 =	simm.s32 @!p0 $0x1BF5;
	p2 =	por !p2, p0  }
0x20: {  	[sflag:s8] =	ssyncset.s32 @!p0 $0xFFFFF086;
	s6 =	sadd.s32 @!p0 s3, s7;
	s7 =	simm.s32 @!p0 $0x108  }
0x21: {  	s3 =	sadd.s32 s3, s9;
	s6 =	sadd.s32 @!p0 $0x88, s6;
	s7 =	simm.s32 @p2 $0x1082  }
0x22: {  	[simem:s7], [sflag:s8] =	dma.local @!p0 [hbm:s6], $0xF7A  }
0x23: {  	s9 =	sor.u32 $0xD0000000, s2;
	s6 =	simm.s32 $0x108;
	_ =	swait.ge @!p0 [sflag:s8], $0x0  }
0x24: {  	s3 =	sadd.s32 $0x88, s3;
	s6 =	simm.s32 @!p1 $0x1082;
	[sflag:s4] =	ssyncset.s32 $0xFFFFF086  }
0x25: {  	[simem:s6], [sflag:s4] =	dma.local [hbm:s3], $0xF7A  }
0x26: {  	[smem:$0x3F95] =	sst s1;
	(tag) =	ssettag s2;
	_ =	strace s9  }
0x27: {  	s1 =	sld [smem:$0x3FA5]  }
0x28: {  	s2 =	sld [smem:$0x3FA6]  }
0x29: {  	s4 =	sld [smem:$0x3FA8]  }
0x2a: {  	p0 =	seq.s32 s5, $0x0;
	s5 =	sld [smem:$0x3FA9]  }
0x2b: {  	s6 =	sld [smem:$0x3FAA]  }
0x2c: {  	s7 =	sld [smem:$0x3FAB]  }
0x2d: {  	s3 =	simm.s32 $0x108;
	s8 =	sld [smem:$0x3FAC]  }
0x2e: {  	s3 =	simm.s32 @!p0 $0x1082;
	s9 =	sld [smem:$0x3FAD]  }
0x2f: {  	lr =	sadd.s32 s0, s3;
	s0 =	sld [smem:$0x3FA4]  }
0x30: {  	s3 =	sld [smem:$0x3FA7]  }
0x31: {  	[smem:$0x3FB0] =	sst s10  }
0x32: {  	s10 =	sld [smem:$0x3FAE];
	_ =	sdelay $0x3  }
0x33: {  	p0 =	seq.s32 s10, $0x1;
	s10 =	sld [smem:$0x3FB0];
	_ =	sdelay $0x3  }
0x34: {  	[smem:$0x3FB0] =	sst s10  }
0x35: {  	s10 =	sld [smem:$0x3FAF];
	_ =	sdelay $0x3  }
0x36: {  	p1 =	seq.s32 s10, $0x1;
	s10 =	sld [smem:$0x3FB0];
	_ =	sdelay $0x3  }
0x37: {  	[smem:$0x3FB0] =	sst s10  }
0x38: {  	s10 =	sld [smem:$0x3FB1]  }
0x39: {  	_ = 	snop;
	(pc) =	sbr.ind lr, $3  }
0x3a: {  	_ = 	snop  }
0x3b: {  	_ = 	snop  }
0x3c: {  	p2 =	seq.s32 s10, $0x1;
	s10 =	sld [smem:$0x3FB0]  }
0x3d: {  	_ =	shalt  }
0x3e: {  	_ =	shalt  }
0x3f: {  	_ =	shalt  }
0x40: {  	_ =	shalt  }
0x41: {  	_ =	shalt  }
0x42: {  	_ =	shalt  }
0x43: {  	_ =	shalt  }
0x44: {  	_ =	shalt  }
0x45: {  	_ =	shalt  }
0x46: {  	_ =	shalt  }
0x47: {  	_ =	shalt  }
0x48: {  	_ =	shalt  }
0x49: {  	_ =	shalt  }
0x4a: {  	_ =	shalt  }
0x4b: {  	_ =	shalt  }
0x4c: {  	_ =	shalt  }
0x4d: {  	_ =	shalt  }
0x4e: {  	_ =	shalt  }
0x4f: {  	_ =	shalt  }
0x50: {  	_ =	shalt  }
0x51: {  	_ =	shalt  }
0x52: {  	_ =	shalt  }
0x53: {  	_ =	shalt  }
0x54: {  	_ =	shalt  }
0x55: {  	_ =	shalt  }
0x56: {  	_ =	shalt  }
0x57: {  	_ =	shalt  }
0x58: {  	_ =	shalt  }
0x59: {  	_ =	shalt  }
0x5a: {  	_ =	shalt  }
0x5b: {  	_ =	shalt  }
0x5c: {  	_ =	shalt  }
0x5d: {  	_ =	shalt  }
0x5e: {  	_ =	shalt  }
0x5f: {  	_ =	shalt  }
0x60: {  	_ =	shalt  }
0x61: {  	_ =	shalt  }
0x62: {  	_ =	shalt  }
0x63: {  	_ =	shalt  }
0x64: {  	_ =	shalt  }
0x65: {  	_ =	shalt  }
0x66: {  	_ =	shalt  }
0x67: {  	_ =	shalt  }
0x68: {  	_ =	shalt  }
0x69: {  	_ =	shalt  }
0x6a: {  	_ =	shalt  }
0x6b: {  	_ =	shalt  }
0x6c: {  	_ =	shalt  }
0x6d: {  	_ =	shalt  }
0x6e: {  	_ =	shalt  }
0x6f: {  	_ =	shalt  }
0x70: {  	_ =	shalt  }
0x71: {  	_ =	shalt  }
0x72: {  	_ =	shalt  }
0x73: {  	_ =	shalt  }
0x74: {  	_ =	shalt  }
0x75: {  	_ =	shalt  }
0x76: {  	_ =	shalt  }
0x77: {  	_ =	shalt  }
0x78: {  	_ =	shalt  }
0x79: {  	_ =	shalt  }
0x7a: {  	_ =	shalt  }
0x7b: {  	_ =	shalt  }
0x7c: {  	_ =	shalt  }
0x7d: {  	_ =	shalt  }
0x7e: {  	_ =	shalt  }
0x7f: {  	_ =	shalt  }
0x80: {  	_ =	shalt  }
0x81: {  	_ =	shalt  }
0x82: {  	_ =	shalt  }
0x83: {  	_ =	shalt  }
0x84: {  	_ =	shalt  }
0x85: {  	_ =	shalt  }
0x86: {  	_ =	shalt  }
0x87: {  	_ =	shalt  }
.Lfunc_end0:
.L_simem_size_0:
called_computation.2_lowered:
.L_overlay_start_0:
0x88: {  	s2 =	sld [smem:$0x3FD9]  }
0x89: {  	s3 =	sld [smem:$0x3FFE];
	_ =	sdelay $0x1  }
0x8a: {  	s1 =	srdreg.scid  }
0x8b: {  	s0 =	sand.u32 $0x1, s1  }
0x8c: {  	s14 =	sshll.u32 s0, $0xA;
	s2 =	sadd.s32 s3, s2  }
0x8d: {  	s2 =	sadd.s32 s2, s14  }
0x8e: {  	[smem:$0x3FBC] =	sst s2  }
0x8f: {  	_ = 	snop  }
0x90: {  	s2 =	sld [smem:$0x3FD0];
	_ =	sdelay $0x2  }
0x91: {  	s15 =	simm.s32 $0xA;
	s4 =	simm.s32 $0x10  }
0x92: {  	[smem:s4], [sflag:s15] =	dma.local [hbm:s2], $0x1  }
0x93: {  	_ =	swait.eq [sflag:s15], $0x1  }
0x94: {  	[sflag:s15] =	ssyncset.done $0x0  }
0x95: {  	s16 =	sld [smem:$0x10];
	[sflag:s15] =	ssyncadd.s32 $0xFFFFFFFF  }
0x96: {  	s17 =	sld [smem:$0x11];
	(tm) =	ssettm $0x1  }
0x97: {  	s18 =	sld [smem:$0x3FFB];
	_ =	sdelay $0x3  }
0x98: {  	_ =	strace s18  }
0x99: {  	s4 =	sld [smem:$0x3FFC];
	_ =	sdelay $0x3  }
0x9a: {  	_ =	strace s4  }
0x9b: {  	s4 =	sld [smem:$0x3FFD];
	_ =	sdelay $0x3  }
0x9c: {  	_ =	strace s4  }
0x9d: {  	_ =	strace $0x8FFFFFFF  }
0x9e: {  	s19 =	sld [smem:$0x3FDB];
	_ =	sdelay $0x1  }
0x9f: {  	s5 =	simm.s32 $_scs_section_size  }
0xa0: {  	s6 =	simm.s32 $_size__tile_overlayer_lowered;
	s7 =	simm.s32 $_tile_overlayer_lowered  }
0xa1: {  	s22 =	simm.s32 $0x1BFF;
	s21 =	sshll.u32 s7, $0x1;
	s4 =	sadd.s32 s5, s19  }
0xa2: {  	s8 =	simm.s32 $0x0;
	s20 =	sshll.u32 s6, $0x1;
	s6 =	sadd.s32 s21, s4  }
0xa3: {  	[timem:s8], [sflag:s22] =	dma.local [hbm:s6], s20  }
0xa4: {  	_ =	swait.ge [sflag:s22], s20  }
0xa5: {  	s5 =	ssub.s32 $0x0, s20;
	[sflag:s22] =	ssyncset.done $0x0  }
0xa6: {  	[sflag:s22] =	ssyncadd.s32 s5;
	_ =	sdelay $0x1  }
0xa7: {  	s23 =	simm.s32 $0x1B8B  }
0xa8: {  	_ =	swait.ge [sflag:s23], $0x1  }
0xa9: {  	[sflag:s23] =	ssyncset.done $0x0  }
0xaa: {  	s25 =	simm.s32 $0x1B8E;
	s24 =	sld [smem:$0x3FFE];
	[sflag:s23] =	ssyncadd.s32 $0xFFFFFFFF  }
0xab: {  	s26 =	simm.s32 $execute0_lowered;
	[smem:$0x3FD2] =	sst s25  }
0xac: {  	s6 =	sshll.u32 s26, $0x1;
	_ =	strace $0x8000004C;
	[dreg:$0x1] =	wrdreg $0xFFFFFFFF  }
0xad: {  	s28 =	simm.s32 $_size_execute0_lowered;
	s4 =	sadd.s32 s4, s6;
	[dreg:$0x0] =	wrdreg $0x0  }
0xae: {  	s6 =	sshll.u32 s28, $0x1;
	[dreg:$0x2] =	wrdreg s4  }
0xaf: {  	[dreg:$0x3] =	wrdreg s6  }
0xb0: {  	[dreg:$0x4] =	wrdreg $0xC0  }
0xb1: {  	_ =	task [dreg:s8], $0x5FFFF  }
0xb2: {  	[dreg:$0x1] =	wrdreg $0xFFFFFFFF  }
0xb3: {  	[dreg:$0x0] =	wrdreg $0x60  }
0xb4: {  	[dreg:$0x2] =	wrdreg s24  }
0xb5: {  	[dreg:$0x3] =	wrdreg s17  }
0xb6: {  	[dreg:$0x4] =	wrdreg s16  }
0xb7: {  	[dreg:$0x5] =	wrdreg $0xA8000  }
0xb8: {  	[dreg:$0x6] =	wrdreg $0x9  }
0xb9: {  	_ =	task.clear_ibuf [dreg:s8], $0x7FFFF;
	_ =	strace $0x9000004C  }
0xba: {  	s29 =	simm.s32 $0x9;
	_ =	strace $0x8000004E  }
0xbb: {  	_ =	swait.ge [sflag:s29], $0x1  }
0xbc: {  	[sflag:s29] =	ssyncadd.s32 $0xFFFFFFFF  }
0xbd: {  	_ =	strace $0x9000004E  }
0xbe: {  	_ =	sfence  }
0xbf: {  	s30 =	sld [smem:$0x0];
	_ =	sdelay $0x2  }
0xc0: {  	s31 =	sshll.u32 s1, $0xD;
	s1 =	sshrl.u32 s1, $0x2  }
0xc1: {  	s3 =	sand.u32 $0x4000, s31;
	s1 =	sadd.s32 s1, s30  }
0xc2: {  	s0 =	sor.u32 s3, s0;
	s1 =	sshll.u32 s1, $0x11  }
0xc3: {  	s0 =	sor.u32 s1, s0  }
0xc4: {  	s0 =	sadd.s32 $0x8F2B, s0  }
0xc5: {  	[sflag:s0] =	ssyncadd.remote.s32 $0x1  }
0xc6: {  	_ =	sfence.sel $0xFFFF  }
0xc7: {  	[dreg:$0x0] =	wrdreg $0xFFFFFFFF;
	(pc) =	sbr.abs _section_cstart, $3  }
0xc8: {  	[dreg:$0x1] =	wrdreg $0xFFFFFFFF  }
0xc9: {  	_ =	task.clear_ibuf [dreg:s8], $0x2FFFF;
	_ =	strace $0x9FFFFFFF  }
0xca: {  	(tm) =	ssettm $0x7FFFFFFF  }
0xcb: {  	_ =	shalt  }
tec
execute0_lowered:
.L_overlay_start_1:
0x0: {  	(tag) =	ssettag $0x1  }
0x1: {  	s5 =	rddreg [dreg:$0x0]  }
0x2: {  	s8 =	rddreg [dreg:$0x1]  }
0x3: {  	s9 =	rddreg [dreg:$0x2]  }
0x4: {  	s1 =	rddreg [dreg:$0x3]  }
0x5: {  	s2 =	srdreg.scid;
	s0 =	rddreg [dreg:$0x4]  }
0x6: {  	s3 =	simm.s32 $0x0;
	s17 =	simm.s32 $0x80;
	s18 =	simm.s32 $0x2800  }
0x7: {  	s19 =	simm.s32 $0x3;
	s20 =	simm.s32 $0x6800;
	s21 =	simm.s32 $0x1  }
0x8: {  	s22 =	simm.s32 $0x2;
	s23 =	simm.s32 $0x100;
	s24 =	simm.s32 $0x1480  }
0x9: {  	s25 =	simm.s32 $0x0;
	s6 =	sand.u32 $0x1, s2;
	s2 =	stileid.u32  }
0xa: {  	[smem:$0x7FF] =	sst s3;
	s4 =	sadd.s32 $0x3C00, s5;
	s7 =	smul.u32 $0x140000, s6  }
0xb: {  	s13 =	sadd.s32 $0x2BC00, s5;
	s10 =	smul.u32 $0x14000, s2;
	_ =	strace $0x8000004D  }
0xc: {  	s28 =	sshll.u32 s6, $0x4;
	s11 =	ssub.s32 $0x2, s6;
	s12 =	smul.u32 $0x50000, s2  }
0xd: {  	s29 =	smul.u32 $0x2800, s2;
	p0 =	seq.s32 s6, $0x1;
	s14 =	sshrl.u32 s11, $0x1  }
0xe: {  	s7 =	sadd.s32 s10, s7;
	s10 =	sor.u32 s2, s28;
	s14 =	ssub.s32 s11, s14  }
0xf: {  	s30 =	sshrl.u32 s12, $0x2;
	s11 =	sshll.u32 s2, $0x6;
	s7 =	sshrl.u32 s7, $0x3  }
0x10: {  	s10 =	smul.u32 $0x2800, s10;
	s16 =	sadd.s32 s30, s1;
	s12 =	smax.u32 s14, $0x1  }
.Ltmp0:
0x11: {  	s15 =	sadd.s32 s7, s5;
	s5 =	sadd.s32 s4, s29;
	(pc) =	sbr.rel .LBB2_1-.Ltmp0, $4  }
0x12: {  	s14 =	sshrl.u32 s16, $0x3;
	s16 =	simm.s32 $0x1400;
	s31 =	sshrl.u32 s10, $0x3  }
0x13: {  	s5 =	smov.u32 @p0 s13;
	s13 =	sor.u32 $0x1C03, s11;
	s10 =	sadd.s32 $0x280, s31  }
0x14: {  	s6 =	sadd.s32 s8, s31;
	s7 =	sadd.s32 s9, s31;
	s8 =	sadd.s32 s8, s10  }
0x15: {  	s9 =	sadd.s32 s9, s10;
	s10 =	sadd.s32 $0x2E400, s15;
	s15 =	simm.s32 $0x4  }
.LBB2_7:
0x16: {  	[spmem:s1] =	stream.indirect.scatter [tilespmem:s20], [sflag:$0x2], $0x80, s29, s17, $0xb8;
	[tilespmem:$0x1E800] =	vst v63  }
0x17: {  	_ =	swait.ge [sflag:s22], $0x4000  }
0x18: {  	s25 =	sadd.s32 $0x1, s25;
	[sflag:s22] =	ssyncset.done $0x0  }
0x19: {  	p0 =	sne.s32 s25, s12;
	[sflag:s22] =	ssyncadd.s32 $0xFFFFC000  }
.Ltmp1:
0x1a: {  	s26 =	sor.u32 $0x1C04, s11;
	[bflag:$0x0] =	sbarrier.arrive $0xFFFF;
	(pc) =	sbr.rel @!p0 .LBB2_8-.Ltmp1, $4  }
0x1b: {  	[hbm:s10], [sflag:s26] =	dma.local [spmem:s14], $0x2800  }
0x1c: {  	_ =	swait.ge [sflag:s15], $0x2800  }
0x1d: {  	[sflag:s15] =	ssyncset.done $0x0  }
0x1e: {  	[sflag:s15] =	ssyncadd.s32 $0xFFFFD800  }
.LBB2_1:
0x1f: {  	[spmem:s14], [sflag:s13] =	dma.local [hbm:s5], $0x2800  }
0x20: {  	[tilespmem:s3], [sflag:$0x4] =	stream.linear.gather [hbm4b:s6+s3], $0x1400, $0x38;
	[tilespmem:$0x1E800] =	vst v63  }
0x21: {  	_ =	swait.ge [sflag:s15], $0x1400  }
0x22: {  	[sflag:s15] =	ssyncset.done $0x0  }
0x23: {  	[sflag:s15] =	ssyncadd.s32 $0xFFFFEC00  }
0x24: {  	[tilespmem:s16], [sflag:$0x4] =	stream.linear.gather [hbm4b:s7+s3], $0x1400, $0x38;
	[tilespmem:$0x1E800] =	vst v63  }
0x25: {  	_ =	swait.ge [sflag:s15], $0x1400  }
0x26: {  	[sflag:s15] =	ssyncset.done $0x0  }
0x27: {  	[sflag:s15] =	ssyncadd.s32 $0xFFFFEC00  }
0x28: {  	[tilespmem:s18], [sflag:$0x1] =	stream.indirect.gather [hbm4b:s4+s17], $0x80, s3, s17, $0xb8;
	[tilespmem:$0x1E800] =	vst v63  }
0x29: {  	_ =	swait.ge [sflag:s19], $0x2800  }
0x2a: {  	[sflag:s19] =	ssyncset.done $0x0  }
0x2b: {  	[sflag:s19] =	ssyncadd.s32 $0xFFFFD800  }
0x2c: {  	[bflag:$0x0] =	sbarrier.arrive $0xFFFF  }
0x2d: {  	[tilespmem:s20], [sflag:$0x1] =	stream.indirect.gather [hbm4b:s4+s17], $0x80, s17, s17, $0xb8;
	[tilespmem:$0x1E800] =	vst v63  }
0x2e: {  	_ =	swait.ge [sflag:s21], $0x4000  }
0x2f: {  	[sflag:s21] =	ssyncset.done $0x0  }
0x30: {  	[sflag:s21] =	ssyncadd.s32 $0xFFFFC000  }
0x31: {  	[spmem:s1] =	stream.indirect.scatter [tilespmem:s18], [sflag:$0x2], $0x80, s16, s17, $0xb8;
	[tilespmem:$0x1E800] =	vst v63  }
0x32: {  	_ =	swait.ge [sflag:s21], $0x4000  }
0x33: {  	[sflag:s21] =	ssyncset.done $0x0  }
0x34: {  	[sflag:s21] =	ssyncadd.s32 $0xFFFFC000  }
0x35: {  	_ =	swait.ge [sflag:s22], $0x4000  }
0x36: {  	[sflag:s22] =	ssyncset.done $0x0  }
0x37: {  	[sflag:s22] =	ssyncadd.s32 $0xFFFFC000  }
0x38: {  	[tilespmem:s18], [sflag:$0x1] =	stream.indirect.gather [hbm4b:s4+s17], $0x80, s23, s17, $0xb8;
	[tilespmem:$0x1E800] =	vst v63  }
0x39: {  	s26 =	simm.s32 $0x0  }
0x3a: {  	[spmem:s1] =	stream.indirect.scatter [tilespmem:s20], [sflag:$0x2], $0x80, s24, s17, $0xb8;
	[tilespmem:$0x1E800] =	vst v63  }
.LBB2_2:
0x3b: {  	_ =	swait.ge [sflag:s22], $0x4000  }
0x3c: {  	s29 =	sshra.s32 s26, $0x2;
	[sflag:s22] =	ssyncset.done $0x0  }
0x3d: {  	s28 =	sadd.s32 $0x400, s26;
	s30 =	sadd.s32 $0x180, s29;
	[sflag:s22] =	ssyncadd.s32 $0xFFFFC000  }
0x3e: {  	[tilespmem:s20], [sflag:$0x1] =	stream.indirect.gather [hbm4b:s4+s17], $0x80, s30, s17, $0xb8;
	[tilespmem:$0x1E800] =	vst v63  }
0x3f: {  	s31 =	sand.u32 $0x7C00, s28;
	_ =	swait.ge [sflag:s21], $0x4000  }
0x40: {  	s30 =	sshrl.u32 s31, $0x2;
	[sflag:s21] =	ssyncset.done $0x0  }
0x41: {  	s30 =	sadd.s32 $0x1400, s30;
	[sflag:s21] =	ssyncadd.s32 $0xFFFFC000  }
0x42: {  	[spmem:s1] =	stream.indirect.scatter [tilespmem:s18], [sflag:$0x2], $0x80, s30, s17, $0xb8;
	[tilespmem:$0x1E800] =	vst v63  }
0x43: {  	p0 =	seq.s32 s26, $0x4800;
	_ =	swait.ge [sflag:s21], $0x4000  }
.Ltmp2:
0x44: {  	[sflag:s21] =	ssyncset.done $0x0;
	(pc) =	sbr.rel @p0 .LBB2_4-.Ltmp2, $4  }
0x45: {  	[sflag:s21] =	ssyncadd.s32 $0xFFFFC000  }
0x46: {  	_ =	swait.ge [sflag:s22], $0x4000  }
0x47: {  	[sflag:s22] =	ssyncset.done $0x0  }
0x48: {  	s29 =	sadd.s32 $0x1580, s29;
	[sflag:s22] =	ssyncadd.s32 $0xFFFFC000  }
0x49: {  	s26 =	sadd.s32 $0x800, s26  }
.Ltmp3:
0x4a: {  	s26 =	sand.u32 $0xFC00, s26;
	(pc) =	sbr.rel .LBB2_2-.Ltmp3, $4  }
0x4b: {  	s26 =	sshrl.u32 s26, $0x2  }
0x4c: {  	[tilespmem:s18], [sflag:$0x1] =	stream.indirect.gather [hbm4b:s4+s17], $0x80, s26, s17, $0xb8;
	[tilespmem:$0x1E800] =	vst v63  }
0x4d: {  	s26 =	smov.u32 s28  }
0x4e: {  	[spmem:s1] =	stream.indirect.scatter [tilespmem:s20], [sflag:$0x2], $0x80, s29, s17, $0xb8;
	[tilespmem:$0x1E800] =	vst v63  }
.LBB2_4:
0x4f: {  	[spmem:s1] =	stream.indirect.scatter [tilespmem:s20], [sflag:$0x2], $0x80, s29, s17, $0xb8;
	[tilespmem:$0x1E800] =	vst v63  }
0x50: {  	_ =	swait.ge [sflag:s22], $0x4000  }
0x51: {  	[sflag:s22] =	ssyncset.done $0x0  }
0x52: {  	s26 =	simm.s32 $0x0;
	[sflag:s22] =	ssyncadd.s32 $0xFFFFC000  }
0x53: {  	[tilespmem:s26], [sflag:$0x4] =	stream.linear.gather [hbm4b:s8+s26], $0x1400, $0x38;
	[tilespmem:$0x1E800] =	vst v63  }
0x54: {  	_ =	swait.ge [sflag:s15], $0x1400  }
0x55: {  	[sflag:s15] =	ssyncset.done $0x0  }
0x56: {  	[sflag:s15] =	ssyncadd.s32 $0xFFFFEC00  }
0x57: {  	[tilespmem:s16], [sflag:$0x4] =	stream.linear.gather [hbm4b:s9+s26], $0x1400, $0x38;
	[tilespmem:$0x1E800] =	vst v63  }
0x58: {  	_ =	swait.ge [sflag:s15], $0x1400  }
0x59: {  	[sflag:s15] =	ssyncset.done $0x0  }
0x5a: {  	[sflag:s15] =	ssyncadd.s32 $0xFFFFEC00  }
0x5b: {  	[tilespmem:s18], [sflag:$0x1] =	stream.indirect.gather [hbm4b:s4+s17], $0x80, s26, s17, $0xb8;
	[tilespmem:$0x1E800] =	vst v63  }
0x5c: {  	_ = 	snop  }
0x5d: {  	[tilespmem:s20], [sflag:$0x1] =	stream.indirect.gather [hbm4b:s4+s17], $0x80, s17, s17, $0xb8;
	[tilespmem:$0x1E800] =	vst v63  }
0x5e: {  	_ =	swait.ge [sflag:s21], $0x4000  }
0x5f: {  	[sflag:s21] =	ssyncset.done $0x0  }
0x60: {  	[sflag:s21] =	ssyncadd.s32 $0xFFFFC000  }
0x61: {  	[spmem:s1] =	stream.indirect.scatter [tilespmem:s18], [sflag:$0x2], $0x80, s16, s17, $0xb8;
	[tilespmem:$0x1E800] =	vst v63  }
0x62: {  	_ =	swait.ge [sflag:s21], $0x4000  }
0x63: {  	[sflag:s21] =	ssyncset.done $0x0  }
0x64: {  	[sflag:s21] =	ssyncadd.s32 $0xFFFFC000  }
0x65: {  	_ =	swait.ge [sflag:s22], $0x4000  }
0x66: {  	[sflag:s22] =	ssyncset.done $0x0  }
0x67: {  	[sflag:s22] =	ssyncadd.s32 $0xFFFFC000  }
0x68: {  	[tilespmem:s18], [sflag:$0x1] =	stream.indirect.gather [hbm4b:s4+s17], $0x80, s23, s17, $0xb8;
	[tilespmem:$0x1E800] =	vst v63  }
0x69: {  	_ = 	snop  }
0x6a: {  	[spmem:s1] =	stream.indirect.scatter [tilespmem:s20], [sflag:$0x2], $0x80, s24, s17, $0xb8;
	[tilespmem:$0x1E800] =	vst v63  }
.LBB2_5:
0x6b: {  	_ =	swait.ge [sflag:s22], $0x4000  }
0x6c: {  	s29 =	sshra.s32 s26, $0x2;
	[sflag:s22] =	ssyncset.done $0x0  }
0x6d: {  	s28 =	sadd.s32 $0x400, s26;
	s30 =	sadd.s32 $0x180, s29;
	[sflag:s22] =	ssyncadd.s32 $0xFFFFC000  }
0x6e: {  	[tilespmem:s20], [sflag:$0x1] =	stream.indirect.gather [hbm4b:s4+s17], $0x80, s30, s17, $0xb8;
	[tilespmem:$0x1E800] =	vst v63  }
0x6f: {  	s31 =	sand.u32 $0x7C00, s28;
	_ =	swait.ge [sflag:s21], $0x4000  }
0x70: {  	s30 =	sshrl.u32 s31, $0x2;
	[sflag:s21] =	ssyncset.done $0x0  }
0x71: {  	s30 =	sadd.s32 $0x1400, s30;
	[sflag:s21] =	ssyncadd.s32 $0xFFFFC000  }
0x72: {  	[spmem:s1] =	stream.indirect.scatter [tilespmem:s18], [sflag:$0x2], $0x80, s30, s17, $0xb8;
	[tilespmem:$0x1E800] =	vst v63  }
0x73: {  	p0 =	seq.s32 s26, $0x4800;
	_ =	swait.ge [sflag:s21], $0x4000  }
.Ltmp4:
0x74: {  	[sflag:s21] =	ssyncset.done $0x0;
	(pc) =	sbr.rel @p0 .LBB2_7-.Ltmp4, $4  }
0x75: {  	[sflag:s21] =	ssyncadd.s32 $0xFFFFC000  }
0x76: {  	_ =	swait.ge [sflag:s22], $0x4000  }
0x77: {  	[sflag:s22] =	ssyncset.done $0x0  }
0x78: {  	s29 =	sadd.s32 $0x1580, s29;
	[sflag:s22] =	ssyncadd.s32 $0xFFFFC000  }
0x79: {  	s26 =	sadd.s32 $0x800, s26  }
.Ltmp5:
0x7a: {  	s26 =	sand.u32 $0xFC00, s26;
	(pc) =	sbr.rel .LBB2_5-.Ltmp5, $4  }
0x7b: {  	s26 =	sshrl.u32 s26, $0x2  }
0x7c: {  	[tilespmem:s18], [sflag:$0x1] =	stream.indirect.gather [hbm4b:s4+s17], $0x80, s26, s17, $0xb8;
	[tilespmem:$0x1E800] =	vst v63  }
0x7d: {  	s26 =	smov.u32 s28  }
0x7e: {  	[spmem:s1] =	stream.indirect.scatter [tilespmem:s20], [sflag:$0x2], $0x80, s29, s17, $0xb8;
	[tilespmem:$0x1E800] =	vst v63  }
.LBB2_8:
0x7f: {  	_ =	sfence.sel $0x180000  }
0x80: {  	[bflag:$0x0] =	sbarrier.arrive $0xFFFF  }
0x81: {  	p0 =	sne.s32 s2, $0x0;
	_ =	strace $0x9000004D  }
0x82: {  	s0 =	sadd.s32 @!p0 $0x100000, s0;
	[bflag:$0x2] =	sbarrier.arrive $0xFFFF  }
0x83: {  	[sflag:s0] =	ssyncadd.tile.s32 @!p0 $0x1;
	_ =	shalt  }
.Lfunc_end2:
_tile_overlayer_lowered:
.L_overlay_start_2:
0x84: {  	(tag) =	ssettag $0x2  }
0x85: {  	s0 =	rddreg [dreg:$0x0];
	s2 =	stileid.u32  }
0x86: {  	s1 =	rddreg [dreg:$0x1];
	p0 =	sne.s32 s2, $0x0  }
0x87: {  	s3 =	rddreg [dreg:$0x2];
	[bflag:$0x3] =	sbarrier.arrive $0xFFFF;
	s2 =	simm.s32 @!p0 $0x1C04  }
0x88: {  	[timem:s3], [sflag:s2] =	dma.local @!p0 [hbm:s0], s1  }
0x89: {  	s0 =	simm.s32 @!p0 $0x4  }
0x8a: {  	_ =	swait.ge @!p0 [sflag:s0], s1  }
0x8b: {  	s1 =	ssub.s32 @!p0 $0x0, s1;
	[sflag:s0] =	ssyncset.done @!p0 $0x0  }
0x8c: {  	[sflag:s0] =	ssyncadd.s32 @!p0 s1  }
0x8d: {  	[bflag:$0x3] =	sbarrier.arrive $0xFFFF  }
0x8e: {  	_ =	shalt  }

// kernel: kernel.22.cloned.1.call-start
scs
__scs_entry_jumppad:
0x0: {  	(pc) =	sbr.rel $0x88, $3  }
0x1: {  	(tag) =	ssettag $0x0;
	lr =	simm.s32 $0x1  }
0x2: {  	[smem:$0x3F95] =	sst lr;
	_ =	strace $0xD0000000  }
0x3: {  	_ = 	snop  }
0x4: {  	_ = 	snop  }
0x5: {  	_ = 	snop  }
0x6: {  	_ = 	snop  }
0x7: {  	_ = 	snop  }
__scs_overlays_trampoline_lowered:
0x8: {  	[smem:$0x3FA4] =	sst s0  }
0x9: {  	[smem:$0x3FA5] =	sst s1  }
0xa: {  	[smem:$0x3FA6] =	sst s2  }
0xb: {  	[smem:$0x3FA7] =	sst s3  }
0xc: {  	[smem:$0x3FA8] =	sst s4  }
0xd: {  	[smem:$0x3FA9] =	sst s5  }
0xe: {  	[smem:$0x3FAA] =	sst s6  }
0xf: {  	[smem:$0x3FAB] =	sst s7  }
0x10: {  	[smem:$0x3FAC] =	sst s8  }
0x11: {  	[smem:$0x3FAD] =	sst s9;
	s0 =	simm.s32 @!p0 $0x0  }
0x12: {  	s1 =	sld [smem:$0x3F93];
	s0 =	simm.s32 @p0 $0x1  }
0x13: {  	[smem:$0x3FAE] =	sst s0;
	s0 =	simm.s32 @!p1 $0x0  }
0x14: {  	s2 =	sld [smem:$0x3F92];
	s0 =	simm.s32 @p1 $0x1  }
0x15: {  	[smem:$0x3FAF] =	sst s0;
	s0 =	simm.s32 @!p2 $0x0  }
0x16: {  	s3 =	sld [smem:$0x3FDB];
	s0 =	simm.s32 @p2 $0x1  }
0x17: {  	s4 =	simm.s32 $0x1BF5;
	[smem:$0x3FB1] =	sst s0  }
0x18: {  	s0 =	sld [smem:$0x3F94];
	_ =	swait.ge [sflag:s4], $0x0  }
0x19: {  	s7 =	sld [smem:$0x3F95]  }
0x1a: {  	s8 =	sadd.s32 $0xFFFFE003, lr  }
0x1b: {  	s9 =	sadd.s32 $0xFFFFFEF7, lr;
	s5 =	simm.s32 $0xFFFFFFFF;
	p2 =	slt.u32 s8, $0xFFFFF086  }
0x1c: {  	p1 =	slt.u32 s9, $0xF7A;
	s5 =	simm.s32 @!p2 $0x0  }
0x1d: {  	s5 =	simm.s32 @p1 $0x1;
	p0 =	seq.s32 s7, s2  }
0x1e: {  	s7 =	smul.u32 @!p0 $0xF7A, s2;
	p2 =	seq.s32 @!p0 s5, $0x0  }
0x1f: {  	s9 =	smul.u32 $0xF7A, s1;
	s8 =	simm.s32 @!p0 $0x1BF5;
	p2 =	por !p2, p0  }
0x20: {  	[sflag:s8] =	ssyncset.s32 @!p0 $0xFFFFF086;
	s6 =	sadd.s32 @!p0 s3, s7;
	s7 =	simm.s32 @!p0 $0x108  }
0x21: {  	s3 =	sadd.s32 s3, s9;
	s6 =	sadd.s32 @!p0 $0x88, s6;
	s7 =	simm.s32 @p2 $0x1082  }
0x22: {  	[simem:s7], [sflag:s8] =	dma.local @!p0 [hbm:s6], $0xF7A  }
0x23: {  	s9 =	sor.u32 $0xD0000000, s2;
	s6 =	simm.s32 $0x108;
	_ =	swait.ge @!p0 [sflag:s8], $0x0  }
0x24: {  	s3 =	sadd.s32 $0x88, s3;
	s6 =	simm.s32 @!p1 $0x1082;
	[sflag:s4] =	ssyncset.s32 $0xFFFFF086  }
0x25: {  	[simem:s6], [sflag:s4] =	dma.local [hbm:s3], $0xF7A  }
0x26: {  	[smem:$0x3F95] =	sst s1;
	(tag) =	ssettag s2;
	_ =	strace s9  }
0x27: {  	s1 =	sld [smem:$0x3FA5]  }
0x28: {  	s2 =	sld [smem:$0x3FA6]  }
0x29: {  	s4 =	sld [smem:$0x3FA8]  }
0x2a: {  	p0 =	seq.s32 s5, $0x0;
	s5 =	sld [smem:$0x3FA9]  }
0x2b: {  	s6 =	sld [smem:$0x3FAA]  }
0x2c: {  	s7 =	sld [smem:$0x3FAB]  }
0x2d: {  	s3 =	simm.s32 $0x108;
	s8 =	sld [smem:$0x3FAC]  }
0x2e: {  	s3 =	simm.s32 @!p0 $0x1082;
	s9 =	sld [smem:$0x3FAD]  }
0x2f: {  	lr =	sadd.s32 s0, s3;
	s0 =	sld [smem:$0x3FA4]  }
0x30: {  	s3 =	sld [smem:$0x3FA7]  }
0x31: {  	[smem:$0x3FB0] =	sst s10  }
0x32: {  	s10 =	sld [smem:$0x3FAE];
	_ =	sdelay $0x3  }
0x33: {  	p0 =	seq.s32 s10, $0x1;
	s10 =	sld [smem:$0x3FB0];
	_ =	sdelay $0x3  }
0x34: {  	[smem:$0x3FB0] =	sst s10  }
0x35: {  	s10 =	sld [smem:$0x3FAF];
	_ =	sdelay $0x3  }
0x36: {  	p1 =	seq.s32 s10, $0x1;
	s10 =	sld [smem:$0x3FB0];
	_ =	sdelay $0x3  }
0x37: {  	[smem:$0x3FB0] =	sst s10  }
0x38: {  	s10 =	sld [smem:$0x3FB1]  }
0x39: {  	_ = 	snop;
	(pc) =	sbr.ind lr, $3  }
0x3a: {  	_ = 	snop  }
0x3b: {  	_ = 	snop  }
0x3c: {  	p2 =	seq.s32 s10, $0x1;
	s10 =	sld [smem:$0x3FB0]  }
0x3d: {  	_ =	shalt  }
0x3e: {  	_ =	shalt  }
0x3f: {  	_ =	shalt  }
0x40: {  	_ =	shalt  }
0x41: {  	_ =	shalt  }
0x42: {  	_ =	shalt  }
0x43: {  	_ =	shalt  }
0x44: {  	_ =	shalt  }
0x45: {  	_ =	shalt  }
0x46: {  	_ =	shalt  }
0x47: {  	_ =	shalt  }
0x48: {  	_ =	shalt  }
0x49: {  	_ =	shalt  }
0x4a: {  	_ =	shalt  }
0x4b: {  	_ =	shalt  }
0x4c: {  	_ =	shalt  }
0x4d: {  	_ =	shalt  }
0x4e: {  	_ =	shalt  }
0x4f: {  	_ =	shalt  }
0x50: {  	_ =	shalt  }
0x51: {  	_ =	shalt  }
0x52: {  	_ =	shalt  }
0x53: {  	_ =	shalt  }
0x54: {  	_ =	shalt  }
0x55: {  	_ =	shalt  }
0x56: {  	_ =	shalt  }
0x57: {  	_ =	shalt  }
0x58: {  	_ =	shalt  }
0x59: {  	_ =	shalt  }
0x5a: {  	_ =	shalt  }
0x5b: {  	_ =	shalt  }
0x5c: {  	_ =	shalt  }
0x5d: {  	_ =	shalt  }
0x5e: {  	_ =	shalt  }
0x5f: {  	_ =	shalt  }
0x60: {  	_ =	shalt  }
0x61: {  	_ =	shalt  }
0x62: {  	_ =	shalt  }
0x63: {  	_ =	shalt  }
0x64: {  	_ =	shalt  }
0x65: {  	_ =	shalt  }
0x66: {  	_ =	shalt  }
0x67: {  	_ =	shalt  }
0x68: {  	_ =	shalt  }
0x69: {  	_ =	shalt  }
0x6a: {  	_ =	shalt  }
0x6b: {  	_ =	shalt  }
0x6c: {  	_ =	shalt  }
0x6d: {  	_ =	shalt  }
0x6e: {  	_ =	shalt  }
0x6f: {  	_ =	shalt  }
0x70: {  	_ =	shalt  }
0x71: {  	_ =	shalt  }
0x72: {  	_ =	shalt  }
0x73: {  	_ =	shalt  }
0x74: {  	_ =	shalt  }
0x75: {  	_ =	shalt  }
0x76: {  	_ =	shalt  }
0x77: {  	_ =	shalt  }
0x78: {  	_ =	shalt  }
0x79: {  	_ =	shalt  }
0x7a: {  	_ =	shalt  }
0x7b: {  	_ =	shalt  }
0x7c: {  	_ =	shalt  }
0x7d: {  	_ =	shalt  }
0x7e: {  	_ =	shalt  }
0x7f: {  	_ =	shalt  }
0x80: {  	_ =	shalt  }
0x81: {  	_ =	shalt  }
0x82: {  	_ =	shalt  }
0x83: {  	_ =	shalt  }
0x84: {  	_ =	shalt  }
0x85: {  	_ =	shalt  }
0x86: {  	_ =	shalt  }
0x87: {  	_ =	shalt  }
.Lfunc_end0:
.L_simem_size_0:
called_computation.3_lowered:
.L_overlay_start_0:
0x88: {  	s2 =	sld [smem:$0x3FD9]  }
0x89: {  	s3 =	sld [smem:$0x3FFE];
	_ =	sdelay $0x1  }
0x8a: {  	s1 =	srdreg.scid  }
0x8b: {  	s0 =	sand.u32 $0x1, s1  }
0x8c: {  	s14 =	sshll.u32 s0, $0xA;
	s2 =	sadd.s32 s3, s2  }
0x8d: {  	s2 =	sadd.s32 s2, s14  }
0x8e: {  	[smem:$0x3FBC] =	sst s2  }
0x8f: {  	_ = 	snop  }
0x90: {  	s2 =	sld [smem:$0x3FD0];
	_ =	sdelay $0x2  }
0x91: {  	s15 =	simm.s32 $0xA;
	s4 =	simm.s32 $0x10  }
0x92: {  	[smem:s4], [sflag:s15] =	dma.local [hbm:s2], $0x1  }
0x93: {  	_ =	swait.eq [sflag:s15], $0x1  }
0x94: {  	[sflag:s15] =	ssyncset.done $0x0  }
0x95: {  	s16 =	sld [smem:$0x10];
	[sflag:s15] =	ssyncadd.s32 $0xFFFFFFFF  }
0x96: {  	s17 =	sld [smem:$0x11];
	(tm) =	ssettm $0x1  }
0x97: {  	s18 =	sld [smem:$0x3FFB];
	_ =	sdelay $0x3  }
0x98: {  	_ =	strace s18  }
0x99: {  	s4 =	sld [smem:$0x3FFC];
	_ =	sdelay $0x3  }
0x9a: {  	_ =	strace s4  }
0x9b: {  	s4 =	sld [smem:$0x3FFD];
	_ =	sdelay $0x3  }
0x9c: {  	_ =	strace s4  }
0x9d: {  	_ =	strace $0x8FFFFFFF  }
0x9e: {  	s19 =	sld [smem:$0x3FDB];
	_ =	sdelay $0x1  }
0x9f: {  	s5 =	simm.s32 $_scs_section_size  }
0xa0: {  	s6 =	simm.s32 $_size__tile_overlayer_lowered;
	s7 =	simm.s32 $_tile_overlayer_lowered  }
0xa1: {  	s22 =	simm.s32 $0x1BFF;
	s21 =	sshll.u32 s7, $0x1;
	s4 =	sadd.s32 s5, s19  }
0xa2: {  	s8 =	simm.s32 $0x0;
	s20 =	sshll.u32 s6, $0x1;
	s6 =	sadd.s32 s21, s4  }
0xa3: {  	[timem:s8], [sflag:s22] =	dma.local [hbm:s6], s20  }
0xa4: {  	_ =	swait.ge [sflag:s22], s20  }
0xa5: {  	s5 =	ssub.s32 $0x0, s20;
	[sflag:s22] =	ssyncset.done $0x0  }
0xa6: {  	[sflag:s22] =	ssyncadd.s32 s5;
	_ =	sdelay $0x1  }
0xa7: {  	s23 =	simm.s32 $0x1B8B  }
0xa8: {  	_ =	swait.ge [sflag:s23], $0x1  }
0xa9: {  	[sflag:s23] =	ssyncset.done $0x0  }
0xaa: {  	s25 =	simm.s32 $0x1B8E;
	s24 =	sld [smem:$0x3FFE];
	[sflag:s23] =	ssyncadd.s32 $0xFFFFFFFF  }
0xab: {  	s26 =	simm.s32 $execute0_lowered;
	[smem:$0x3FD2] =	sst s25  }
0xac: {  	s6 =	sshll.u32 s26, $0x1;
	_ =	strace $0x8000004F;
	[dreg:$0x1] =	wrdreg $0xFFFFFFFF  }
0xad: {  	s28 =	simm.s32 $_size_execute0_lowered;
	s4 =	sadd.s32 s4, s6;
	[dreg:$0x0] =	wrdreg $0x0  }
0xae: {  	s6 =	sshll.u32 s28, $0x1;
	[dreg:$0x2] =	wrdreg s4  }
0xaf: {  	[dreg:$0x3] =	wrdreg s6  }
0xb0: {  	[dreg:$0x4] =	wrdreg $0xC0  }
0xb1: {  	_ =	task [dreg:s8], $0x5FFFF  }
0xb2: {  	[dreg:$0x1] =	wrdreg $0xFFFFFFFF  }
0xb3: {  	[dreg:$0x0] =	wrdreg $0x60  }
0xb4: {  	[dreg:$0x2] =	wrdreg s24  }
0xb5: {  	[dreg:$0x3] =	wrdreg s17  }
0xb6: {  	[dreg:$0x4] =	wrdreg s16  }
0xb7: {  	[dreg:$0x5] =	wrdreg $0xA8000  }
0xb8: {  	[dreg:$0x6] =	wrdreg $0x9  }
0xb9: {  	_ =	task.clear_ibuf [dreg:s8], $0x7FFFF;
	_ =	strace $0x9000004F  }
0xba: {  	s29 =	simm.s32 $0x9;
	_ =	strace $0x80000051  }
0xbb: {  	_ =	swait.ge [sflag:s29], $0x1  }
0xbc: {  	[sflag:s29] =	ssyncadd.s32 $0xFFFFFFFF  }
0xbd: {  	_ =	strace $0x90000051  }
0xbe: {  	_ =	sfence  }
0xbf: {  	s30 =	sld [smem:$0x0];
	_ =	sdelay $0x2  }
0xc0: {  	s31 =	sshll.u32 s1, $0xD;
	s1 =	sshrl.u32 s1, $0x2  }
0xc1: {  	s3 =	sand.u32 $0x4000, s31;
	s1 =	sadd.s32 s1, s30  }
0xc2: {  	s0 =	sor.u32 s3, s0;
	s1 =	sshll.u32 s1, $0x11  }
0xc3: {  	s0 =	sor.u32 s1, s0  }
0xc4: {  	s0 =	sadd.s32 $0x8F2B, s0  }
0xc5: {  	[sflag:s0] =	ssyncadd.remote.s32 $0x1  }
0xc6: {  	_ =	sfence.sel $0xFFFF  }
0xc7: {  	[dreg:$0x0] =	wrdreg $0xFFFFFFFF;
	(pc) =	sbr.abs _section_cstart, $3  }
0xc8: {  	[dreg:$0x1] =	wrdreg $0xFFFFFFFF  }
0xc9: {  	_ =	task.clear_ibuf [dreg:s8], $0x2FFFF;
	_ =	strace $0x9FFFFFFF  }
0xca: {  	(tm) =	ssettm $0x7FFFFFFF  }
0xcb: {  	_ =	shalt  }
tec
execute0_lowered:
.L_overlay_start_1:
0x0: {  	(tag) =	ssettag $0x1  }
0x1: {  	s5 =	rddreg [dreg:$0x0]  }
0x2: {  	s8 =	rddreg [dreg:$0x1]  }
0x3: {  	s9 =	rddreg [dreg:$0x2]  }
0x4: {  	s1 =	rddreg [dreg:$0x3]  }
0x5: {  	s2 =	srdreg.scid;
	s0 =	rddreg [dreg:$0x4]  }
0x6: {  	s3 =	simm.s32 $0x0;
	s17 =	simm.s32 $0x80;
	s18 =	simm.s32 $0x2800  }
0x7: {  	s19 =	simm.s32 $0x3;
	s20 =	simm.s32 $0x6800;
	s21 =	simm.s32 $0x1  }
0x8: {  	s22 =	simm.s32 $0x2;
	s23 =	simm.s32 $0x100;
	s24 =	simm.s32 $0x1480  }
0x9: {  	s25 =	simm.s32 $0x0;
	s6 =	sand.u32 $0x1, s2;
	s2 =	stileid.u32  }
0xa: {  	[smem:$0x7FF] =	sst s3;
	s4 =	sadd.s32 $0x3C00, s5;
	s7 =	smul.u32 $0x140000, s6  }
0xb: {  	s13 =	sadd.s32 $0x2BC00, s5;
	s10 =	smul.u32 $0x14000, s2;
	_ =	strace $0x80000050  }
0xc: {  	s28 =	sshll.u32 s6, $0x4;
	s11 =	ssub.s32 $0x2, s6;
	s12 =	smul.u32 $0x50000, s2  }
0xd: {  	s29 =	smul.u32 $0x2800, s2;
	p0 =	seq.s32 s6, $0x1;
	s14 =	sshrl.u32 s11, $0x1  }
0xe: {  	s7 =	sadd.s32 s10, s7;
	s10 =	sor.u32 s2, s28;
	s14 =	ssub.s32 s11, s14  }
0xf: {  	s30 =	sshrl.u32 s12, $0x2;
	s11 =	sshll.u32 s2, $0x6;
	s7 =	sshrl.u32 s7, $0x3  }
0x10: {  	s10 =	smul.u32 $0x2800, s10;
	s16 =	sadd.s32 s30, s1;
	s12 =	smax.u32 s14, $0x1  }
.Ltmp0:
0x11: {  	s15 =	sadd.s32 s7, s5;
	s5 =	sadd.s32 s4, s29;
	(pc) =	sbr.rel .LBB2_1-.Ltmp0, $4  }
0x12: {  	s14 =	sshrl.u32 s16, $0x3;
	s16 =	simm.s32 $0x1400;
	s31 =	sshrl.u32 s10, $0x3  }
0x13: {  	s5 =	smov.u32 @p0 s13;
	s13 =	sor.u32 $0x1C03, s11;
	s10 =	sadd.s32 $0x280, s31  }
0x14: {  	s6 =	sadd.s32 s8, s31;
	s7 =	sadd.s32 s9, s31;
	s8 =	sadd.s32 s8, s10  }
0x15: {  	s9 =	sadd.s32 s9, s10;
	s10 =	sadd.s32 $0x2E400, s15;
	s15 =	simm.s32 $0x4  }
.LBB2_7:
0x16: {  	[spmem:s1] =	stream.indirect.scatter [tilespmem:s20], [sflag:$0x2], $0x80, s29, s17, $0xb8;
	[tilespmem:$0x1E800] =	vst v63  }
0x17: {  	_ =	swait.ge [sflag:s22], $0x4000  }
0x18: {  	s25 =	sadd.s32 $0x1, s25;
	[sflag:s22] =	ssyncset.done $0x0  }
0x19: {  	p0 =	sne.s32 s25, s12;
	[sflag:s22] =	ssyncadd.s32 $0xFFFFC000  }
.Ltmp1:
0x1a: {  	s26 =	sor.u32 $0x1C04, s11;
	[bflag:$0x0] =	sbarrier.arrive $0xFFFF;
	(pc) =	sbr.rel @!p0 .LBB2_8-.Ltmp1, $4  }
0x1b: {  	[hbm:s10], [sflag:s26] =	dma.local [spmem:s14], $0x2800  }
0x1c: {  	_ =	swait.ge [sflag:s15], $0x2800  }
0x1d: {  	[sflag:s15] =	ssyncset.done $0x0  }
0x1e: {  	[sflag:s15] =	ssyncadd.s32 $0xFFFFD800  }
.LBB2_1:
0x1f: {  	[spmem:s14], [sflag:s13] =	dma.local [hbm:s5], $0x2800  }
0x20: {  	[tilespmem:s3], [sflag:$0x4] =	stream.linear.gather [hbm4b:s6+s3], $0x1400, $0x38;
	[tilespmem:$0x1E800] =	vst v63  }
0x21: {  	_ =	swait.ge [sflag:s15], $0x1400  }
0x22: {  	[sflag:s15] =	ssyncset.done $0x0  }
0x23: {  	[sflag:s15] =	ssyncadd.s32 $0xFFFFEC00  }
0x24: {  	[tilespmem:s16], [sflag:$0x4] =	stream.linear.gather [hbm4b:s7+s3], $0x1400, $0x38;
	[tilespmem:$0x1E800] =	vst v63  }
0x25: {  	_ =	swait.ge [sflag:s15], $0x1400  }
0x26: {  	[sflag:s15] =	ssyncset.done $0x0  }
0x27: {  	[sflag:s15] =	ssyncadd.s32 $0xFFFFEC00  }
0x28: {  	[tilespmem:s18], [sflag:$0x1] =	stream.indirect.gather [hbm4b:s4+s17], $0x80, s3, s17, $0xb8;
	[tilespmem:$0x1E800] =	vst v63  }
0x29: {  	_ =	swait.ge [sflag:s19], $0x2800  }
0x2a: {  	[sflag:s19] =	ssyncset.done $0x0  }
0x2b: {  	[sflag:s19] =	ssyncadd.s32 $0xFFFFD800  }
0x2c: {  	[bflag:$0x0] =	sbarrier.arrive $0xFFFF  }
0x2d: {  	[tilespmem:s20], [sflag:$0x1] =	stream.indirect.gather [hbm4b:s4+s17], $0x80, s17, s17, $0xb8;
	[tilespmem:$0x1E800] =	vst v63  }
0x2e: {  	_ =	swait.ge [sflag:s21], $0x4000  }
0x2f: {  	[sflag:s21] =	ssyncset.done $0x0  }
0x30: {  	[sflag:s21] =	ssyncadd.s32 $0xFFFFC000  }
0x31: {  	[spmem:s1] =	stream.indirect.scatter [tilespmem:s18], [sflag:$0x2], $0x80, s16, s17, $0xb8;
	[tilespmem:$0x1E800] =	vst v63  }
0x32: {  	_ =	swait.ge [sflag:s21], $0x4000  }
0x33: {  	[sflag:s21] =	ssyncset.done $0x0  }
0x34: {  	[sflag:s21] =	ssyncadd.s32 $0xFFFFC000  }
0x35: {  	_ =	swait.ge [sflag:s22], $0x4000  }
0x36: {  	[sflag:s22] =	ssyncset.done $0x0  }
0x37: {  	[sflag:s22] =	ssyncadd.s32 $0xFFFFC000  }
0x38: {  	[tilespmem:s18], [sflag:$0x1] =	stream.indirect.gather [hbm4b:s4+s17], $0x80, s23, s17, $0xb8;
	[tilespmem:$0x1E800] =	vst v63  }
0x39: {  	s26 =	simm.s32 $0x0  }
0x3a: {  	[spmem:s1] =	stream.indirect.scatter [tilespmem:s20], [sflag:$0x2], $0x80, s24, s17, $0xb8;
	[tilespmem:$0x1E800] =	vst v63  }
.LBB2_2:
0x3b: {  	_ =	swait.ge [sflag:s22], $0x4000  }
0x3c: {  	s29 =	sshra.s32 s26, $0x2;
	[sflag:s22] =	ssyncset.done $0x0  }
0x3d: {  	s28 =	sadd.s32 $0x400, s26;
	s30 =	sadd.s32 $0x180, s29;
	[sflag:s22] =	ssyncadd.s32 $0xFFFFC000  }
0x3e: {  	[tilespmem:s20], [sflag:$0x1] =	stream.indirect.gather [hbm4b:s4+s17], $0x80, s30, s17, $0xb8;
	[tilespmem:$0x1E800] =	vst v63  }
0x3f: {  	s31 =	sand.u32 $0x7C00, s28;
	_ =	swait.ge [sflag:s21], $0x4000  }
0x40: {  	s30 =	sshrl.u32 s31, $0x2;
	[sflag:s21] =	ssyncset.done $0x0  }
0x41: {  	s30 =	sadd.s32 $0x1400, s30;
	[sflag:s21] =	ssyncadd.s32 $0xFFFFC000  }
0x42: {  	[spmem:s1] =	stream.indirect.scatter [tilespmem:s18], [sflag:$0x2], $0x80, s30, s17, $0xb8;
	[tilespmem:$0x1E800] =	vst v63  }
0x43: {  	p0 =	seq.s32 s26, $0x4800;
	_ =	swait.ge [sflag:s21], $0x4000  }
.Ltmp2:
0x44: {  	[sflag:s21] =	ssyncset.done $0x0;
	(pc) =	sbr.rel @p0 .LBB2_4-.Ltmp2, $4  }
0x45: {  	[sflag:s21] =	ssyncadd.s32 $0xFFFFC000  }
0x46: {  	_ =	swait.ge [sflag:s22], $0x4000  }
0x47: {  	[sflag:s22] =	ssyncset.done $0x0  }
0x48: {  	s29 =	sadd.s32 $0x1580, s29;
	[sflag:s22] =	ssyncadd.s32 $0xFFFFC000  }
0x49: {  	s26 =	sadd.s32 $0x800, s26  }
.Ltmp3:
0x4a: {  	s26 =	sand.u32 $0xFC00, s26;
	(pc) =	sbr.rel .LBB2_2-.Ltmp3, $4  }
0x4b: {  	s26 =	sshrl.u32 s26, $0x2  }
0x4c: {  	[tilespmem:s18], [sflag:$0x1] =	stream.indirect.gather [hbm4b:s4+s17], $0x80, s26, s17, $0xb8;
	[tilespmem:$0x1E800] =	vst v63  }
0x4d: {  	s26 =	smov.u32 s28  }
0x4e: {  	[spmem:s1] =	stream.indirect.scatter [tilespmem:s20], [sflag:$0x2], $0x80, s29, s17, $0xb8;
	[tilespmem:$0x1E800] =	vst v63  }
.LBB2_4:
0x4f: {  	[spmem:s1] =	stream.indirect.scatter [tilespmem:s20], [sflag:$0x2], $0x80, s29, s17, $0xb8;
	[tilespmem:$0x1E800] =	vst v63  }
0x50: {  	_ =	swait.ge [sflag:s22], $0x4000  }
0x51: {  	[sflag:s22] =	ssyncset.done $0x0  }
0x52: {  	s26 =	simm.s32 $0x0;
	[sflag:s22] =	ssyncadd.s32 $0xFFFFC000  }
0x53: {  	[tilespmem:s26], [sflag:$0x4] =	stream.linear.gather [hbm4b:s8+s26], $0x1400, $0x38;
	[tilespmem:$0x1E800] =	vst v63  }
0x54: {  	_ =	swait.ge [sflag:s15], $0x1400  }
0x55: {  	[sflag:s15] =	ssyncset.done $0x0  }
0x56: {  	[sflag:s15] =	ssyncadd.s32 $0xFFFFEC00  }
0x57: {  	[tilespmem:s16], [sflag:$0x4] =	stream.linear.gather [hbm4b:s9+s26], $0x1400, $0x38;
	[tilespmem:$0x1E800] =	vst v63  }
0x58: {  	_ =	swait.ge [sflag:s15], $0x1400  }
0x59: {  	[sflag:s15] =	ssyncset.done $0x0  }
0x5a: {  	[sflag:s15] =	ssyncadd.s32 $0xFFFFEC00  }
0x5b: {  	[tilespmem:s18], [sflag:$0x1] =	stream.indirect.gather [hbm4b:s4+s17], $0x80, s26, s17, $0xb8;
	[tilespmem:$0x1E800] =	vst v63  }
0x5c: {  	_ = 	snop  }
0x5d: {  	[tilespmem:s20], [sflag:$0x1] =	stream.indirect.gather [hbm4b:s4+s17], $0x80, s17, s17, $0xb8;
	[tilespmem:$0x1E800] =	vst v63  }
0x5e: {  	_ =	swait.ge [sflag:s21], $0x4000  }
0x5f: {  	[sflag:s21] =	ssyncset.done $0x0  }
0x60: {  	[sflag:s21] =	ssyncadd.s32 $0xFFFFC000  }
0x61: {  	[spmem:s1] =	stream.indirect.scatter [tilespmem:s18], [sflag:$0x2], $0x80, s16, s17, $0xb8;
	[tilespmem:$0x1E800] =	vst v63  }
0x62: {  	_ =	swait.ge [sflag:s21], $0x4000  }
0x63: {  	[sflag:s21] =	ssyncset.done $0x0  }
0x64: {  	[sflag:s21] =	ssyncadd.s32 $0xFFFFC000  }
0x65: {  	_ =	swait.ge [sflag:s22], $0x4000  }
0x66: {  	[sflag:s22] =	ssyncset.done $0x0  }
0x67: {  	[sflag:s22] =	ssyncadd.s32 $0xFFFFC000  }
0x68: {  	[tilespmem:s18], [sflag:$0x1] =	stream.indirect.gather [hbm4b:s4+s17], $0x80, s23, s17, $0xb8;
	[tilespmem:$0x1E800] =	vst v63  }
0x69: {  	_ = 	snop  }
0x6a: {  	[spmem:s1] =	stream.indirect.scatter [tilespmem:s20], [sflag:$0x2], $0x80, s24, s17, $0xb8;
	[tilespmem:$0x1E800] =	vst v63  }
.LBB2_5:
0x6b: {  	_ =	swait.ge [sflag:s22], $0x4000  }
0x6c: {  	s29 =	sshra.s32 s26, $0x2;
	[sflag:s22] =	ssyncset.done $0x0  }
0x6d: {  	s28 =	sadd.s32 $0x400, s26;
	s30 =	sadd.s32 $0x180, s29;
	[sflag:s22] =	ssyncadd.s32 $0xFFFFC000  }
0x6e: {  	[tilespmem:s20], [sflag:$0x1] =	stream.indirect.gather [hbm4b:s4+s17], $0x80, s30, s17, $0xb8;
	[tilespmem:$0x1E800] =	vst v63  }
0x6f: {  	s31 =	sand.u32 $0x7C00, s28;
	_ =	swait.ge [sflag:s21], $0x4000  }
0x70: {  	s30 =	sshrl.u32 s31, $0x2;
	[sflag:s21] =	ssyncset.done $0x0  }
0x71: {  	s30 =	sadd.s32 $0x1400, s30;
	[sflag:s21] =	ssyncadd.s32 $0xFFFFC000  }
0x72: {  	[spmem:s1] =	stream.indirect.scatter [tilespmem:s18], [sflag:$0x2], $0x80, s30, s17, $0xb8;
	[tilespmem:$0x1E800] =	vst v63  }
0x73: {  	p0 =	seq.s32 s26, $0x4800;
	_ =	swait.ge [sflag:s21], $0x4000  }
.Ltmp4:
0x74: {  	[sflag:s21] =	ssyncset.done $0x0;
	(pc) =	sbr.rel @p0 .LBB2_7-.Ltmp4, $4  }
0x75: {  	[sflag:s21] =	ssyncadd.s32 $0xFFFFC000  }
0x76: {  	_ =	swait.ge [sflag:s22], $0x4000  }
0x77: {  	[sflag:s22] =	ssyncset.done $0x0  }
0x78: {  	s29 =	sadd.s32 $0x1580, s29;
	[sflag:s22] =	ssyncadd.s32 $0xFFFFC000  }
0x79: {  	s26 =	sadd.s32 $0x800, s26  }
.Ltmp5:
0x7a: {  	s26 =	sand.u32 $0xFC00, s26;
	(pc) =	sbr.rel .LBB2_5-.Ltmp5, $4  }
0x7b: {  	s26 =	sshrl.u32 s26, $0x2  }
0x7c: {  	[tilespmem:s18], [sflag:$0x1] =	stream.indirect.gather [hbm4b:s4+s17], $0x80, s26, s17, $0xb8;
	[tilespmem:$0x1E800] =	vst v63  }
0x7d: {  	s26 =	smov.u32 s28  }
0x7e: {  	[spmem:s1] =	stream.indirect.scatter [tilespmem:s20], [sflag:$0x2], $0x80, s29, s17, $0xb8;
	[tilespmem:$0x1E800] =	vst v63  }
.LBB2_8:
0x7f: {  	_ =	sfence.sel $0x180000  }
0x80: {  	[bflag:$0x0] =	sbarrier.arrive $0xFFFF  }
0x81: {  	p0 =	sne.s32 s2, $0x0;
	_ =	strace $0x90000050  }
0x82: {  	s0 =	sadd.s32 @!p0 $0x100000, s0;
	[bflag:$0x2] =	sbarrier.arrive $0xFFFF  }
0x83: {  	[sflag:s0] =	ssyncadd.tile.s32 @!p0 $0x1;
	_ =	shalt  }
.Lfunc_end2:
_tile_overlayer_lowered:
.L_overlay_start_2:
0x84: {  	(tag) =	ssettag $0x2  }
0x85: {  	s0 =	rddreg [dreg:$0x0];
	s2 =	stileid.u32  }
0x86: {  	s1 =	rddreg [dreg:$0x1];
	p0 =	sne.s32 s2, $0x0  }
0x87: {  	s3 =	rddreg [dreg:$0x2];
	[bflag:$0x3] =	sbarrier.arrive $0xFFFF;
	s2 =	simm.s32 @!p0 $0x1C04  }
0x88: {  	[timem:s3], [sflag:s2] =	dma.local @!p0 [hbm:s0], s1  }
0x89: {  	s0 =	simm.s32 @!p0 $0x4  }
0x8a: {  	_ =	swait.ge @!p0 [sflag:s0], s1  }
0x8b: {  	s1 =	ssub.s32 @!p0 $0x0, s1;
	[sflag:s0] =	ssyncset.done @!p0 $0x0  }
0x8c: {  	[sflag:s0] =	ssyncadd.s32 @!p0 s1  }
0x8d: {  	[bflag:$0x3] =	sbarrier.arrive $0xFFFF  }
0x8e: {  	_ =	shalt  }

// kernel: kernel.25.cloned.1.call-start
scs
__scs_entry_jumppad:
0x0: {  	(pc) =	sbr.rel $0x88, $3  }
0x1: {  	(tag) =	ssettag $0x0;
	lr =	simm.s32 $0x1  }
0x2: {  	[smem:$0x3F95] =	sst lr;
	_ =	strace $0xD0000000  }
0x3: {  	_ = 	snop  }
0x4: {  	_ = 	snop  }
0x5: {  	_ = 	snop  }
0x6: {  	_ = 	snop  }
0x7: {  	_ = 	snop  }
__scs_overlays_trampoline_lowered:
0x8: {  	[smem:$0x3FA4] =	sst s0  }
0x9: {  	[smem:$0x3FA5] =	sst s1  }
0xa: {  	[smem:$0x3FA6] =	sst s2  }
0xb: {  	[smem:$0x3FA7] =	sst s3  }
0xc: {  	[smem:$0x3FA8] =	sst s4  }
0xd: {  	[smem:$0x3FA9] =	sst s5  }
0xe: {  	[smem:$0x3FAA] =	sst s6  }
0xf: {  	[smem:$0x3FAB] =	sst s7  }
0x10: {  	[smem:$0x3FAC] =	sst s8  }
0x11: {  	[smem:$0x3FAD] =	sst s9;
	s0 =	simm.s32 @!p0 $0x0  }
0x12: {  	s1 =	sld [smem:$0x3F93];
	s0 =	simm.s32 @p0 $0x1  }
0x13: {  	[smem:$0x3FAE] =	sst s0;
	s0 =	simm.s32 @!p1 $0x0  }
0x14: {  	s2 =	sld [smem:$0x3F92];
	s0 =	simm.s32 @p1 $0x1  }
0x15: {  	[smem:$0x3FAF] =	sst s0;
	s0 =	simm.s32 @!p2 $0x0  }
0x16: {  	s3 =	sld [smem:$0x3FDB];
	s0 =	simm.s32 @p2 $0x1  }
0x17: {  	s4 =	simm.s32 $0x1BF5;
	[smem:$0x3FB1] =	sst s0  }
0x18: {  	s0 =	sld [smem:$0x3F94];
	_ =	swait.ge [sflag:s4], $0x0  }
0x19: {  	s7 =	sld [smem:$0x3F95]  }
0x1a: {  	s8 =	sadd.s32 $0xFFFFE003, lr  }
0x1b: {  	s9 =	sadd.s32 $0xFFFFFEF7, lr;
	s5 =	simm.s32 $0xFFFFFFFF;
	p2 =	slt.u32 s8, $0xFFFFF086  }
0x1c: {  	p1 =	slt.u32 s9, $0xF7A;
	s5 =	simm.s32 @!p2 $0x0  }
0x1d: {  	s5 =	simm.s32 @p1 $0x1;
	p0 =	seq.s32 s7, s2  }
0x1e: {  	s7 =	smul.u32 @!p0 $0xF7A, s2;
	p2 =	seq.s32 @!p0 s5, $0x0  }
0x1f: {  	s9 =	smul.u32 $0xF7A, s1;
	s8 =	simm.s32 @!p0 $0x1BF5;
	p2 =	por !p2, p0  }
0x20: {  	[sflag:s8] =	ssyncset.s32 @!p0 $0xFFFFF086;
	s6 =	sadd.s32 @!p0 s3, s7;
	s7 =	simm.s32 @!p0 $0x108  }
0x21: {  	s3 =	sadd.s32 s3, s9;
	s6 =	sadd.s32 @!p0 $0x88, s6;
	s7 =	simm.s32 @p2 $0x1082  }
0x22: {  	[simem:s7], [sflag:s8] =	dma.local @!p0 [hbm:s6], $0xF7A  }
0x23: {  	s9 =	sor.u32 $0xD0000000, s2;
	s6 =	simm.s32 $0x108;
	_ =	swait.ge @!p0 [sflag:s8], $0x0  }
0x24: {  	s3 =	sadd.s32 $0x88, s3;
	s6 =	simm.s32 @!p1 $0x1082;
	[sflag:s4] =	ssyncset.s32 $0xFFFFF086  }
0x25: {  	[simem:s6], [sflag:s4] =	dma.local [hbm:s3], $0xF7A  }
0x26: {  	[smem:$0x3F95] =	sst s1;
	(tag) =	ssettag s2;
	_ =	strace s9  }
0x27: {  	s1 =	sld [smem:$0x3FA5]  }
0x28: {  	s2 =	sld [smem:$0x3FA6]  }
0x29: {  	s4 =	sld [smem:$0x3FA8]  }
0x2a: {  	p0 =	seq.s32 s5, $0x0;
	s5 =	sld [smem:$0x3FA9]  }
0x2b: {  	s6 =	sld [smem:$0x3FAA]  }
0x2c: {  	s7 =	sld [smem:$0x3FAB]  }
0x2d: {  	s3 =	simm.s32 $0x108;
	s8 =	sld [smem:$0x3FAC]  }
0x2e: {  	s3 =	simm.s32 @!p0 $0x1082;
	s9 =	sld [smem:$0x3FAD]  }
0x2f: {  	lr =	sadd.s32 s0, s3;
	s0 =	sld [smem:$0x3FA4]  }
0x30: {  	s3 =	sld [smem:$0x3FA7]  }
0x31: {  	[smem:$0x3FB0] =	sst s10  }
0x32: {  	s10 =	sld [smem:$0x3FAE];
	_ =	sdelay $0x3  }
0x33: {  	p0 =	seq.s32 s10, $0x1;
	s10 =	sld [smem:$0x3FB0];
	_ =	sdelay $0x3  }
0x34: {  	[smem:$0x3FB0] =	sst s10  }
0x35: {  	s10 =	sld [smem:$0x3FAF];
	_ =	sdelay $0x3  }
0x36: {  	p1 =	seq.s32 s10, $0x1;
	s10 =	sld [smem:$0x3FB0];
	_ =	sdelay $0x3  }
0x37: {  	[smem:$0x3FB0] =	sst s10  }
0x38: {  	s10 =	sld [smem:$0x3FB1]  }
0x39: {  	_ = 	snop;
	(pc) =	sbr.ind lr, $3  }
0x3a: {  	_ = 	snop  }
0x3b: {  	_ = 	snop  }
0x3c: {  	p2 =	seq.s32 s10, $0x1;
	s10 =	sld [smem:$0x3FB0]  }
0x3d: {  	_ =	shalt  }
0x3e: {  	_ =	shalt  }
0x3f: {  	_ =	shalt  }
0x40: {  	_ =	shalt  }
0x41: {  	_ =	shalt  }
0x42: {  	_ =	shalt  }
0x43: {  	_ =	shalt  }
0x44: {  	_ =	shalt  }
0x45: {  	_ =	shalt  }
0x46: {  	_ =	shalt  }
0x47: {  	_ =	shalt  }
0x48: {  	_ =	shalt  }
0x49: {  	_ =	shalt  }
0x4a: {  	_ =	shalt  }
0x4b: {  	_ =	shalt  }
0x4c: {  	_ =	shalt  }
0x4d: {  	_ =	shalt  }
0x4e: {  	_ =	shalt  }
0x4f: {  	_ =	shalt  }
0x50: {  	_ =	shalt  }
0x51: {  	_ =	shalt  }
0x52: {  	_ =	shalt  }
0x53: {  	_ =	shalt  }
0x54: {  	_ =	shalt  }
0x55: {  	_ =	shalt  }
0x56: {  	_ =	shalt  }
0x57: {  	_ =	shalt  }
0x58: {  	_ =	shalt  }
0x59: {  	_ =	shalt  }
0x5a: {  	_ =	shalt  }
0x5b: {  	_ =	shalt  }
0x5c: {  	_ =	shalt  }
0x5d: {  	_ =	shalt  }
0x5e: {  	_ =	shalt  }
0x5f: {  	_ =	shalt  }
0x60: {  	_ =	shalt  }
0x61: {  	_ =	shalt  }
0x62: {  	_ =	shalt  }
0x63: {  	_ =	shalt  }
0x64: {  	_ =	shalt  }
0x65: {  	_ =	shalt  }
0x66: {  	_ =	shalt  }
0x67: {  	_ =	shalt  }
0x68: {  	_ =	shalt  }
0x69: {  	_ =	shalt  }
0x6a: {  	_ =	shalt  }
0x6b: {  	_ =	shalt  }
0x6c: {  	_ =	shalt  }
0x6d: {  	_ =	shalt  }
0x6e: {  	_ =	shalt  }
0x6f: {  	_ =	shalt  }
0x70: {  	_ =	shalt  }
0x71: {  	_ =	shalt  }
0x72: {  	_ =	shalt  }
0x73: {  	_ =	shalt  }
0x74: {  	_ =	shalt  }
0x75: {  	_ =	shalt  }
0x76: {  	_ =	shalt  }
0x77: {  	_ =	shalt  }
0x78: {  	_ =	shalt  }
0x79: {  	_ =	shalt  }
0x7a: {  	_ =	shalt  }
0x7b: {  	_ =	shalt  }
0x7c: {  	_ =	shalt  }
0x7d: {  	_ =	shalt  }
0x7e: {  	_ =	shalt  }
0x7f: {  	_ =	shalt  }
0x80: {  	_ =	shalt  }
0x81: {  	_ =	shalt  }
0x82: {  	_ =	shalt  }
0x83: {  	_ =	shalt  }
0x84: {  	_ =	shalt  }
0x85: {  	_ =	shalt  }
0x86: {  	_ =	shalt  }
0x87: {  	_ =	shalt  }
.Lfunc_end0:
.L_simem_size_0:
called_computation.4_lowered:
.L_overlay_start_0:
0x88: {  	s2 =	sld [smem:$0x3FD9]  }
0x89: {  	s3 =	sld [smem:$0x3FFE];
	_ =	sdelay $0x1  }
0x8a: {  	s1 =	srdreg.scid  }
0x8b: {  	s0 =	sand.u32 $0x1, s1  }
0x8c: {  	s14 =	sshll.u32 s0, $0xA;
	s2 =	sadd.s32 s3, s2  }
0x8d: {  	s2 =	sadd.s32 s2, s14  }
0x8e: {  	[smem:$0x3FBC] =	sst s2  }
0x8f: {  	_ = 	snop  }
0x90: {  	s2 =	sld [smem:$0x3FD0];
	_ =	sdelay $0x2  }
0x91: {  	s15 =	simm.s32 $0xA;
	s4 =	simm.s32 $0x10  }
0x92: {  	[smem:s4], [sflag:s15] =	dma.local [hbm:s2], $0x1  }
0x93: {  	_ =	swait.eq [sflag:s15], $0x1  }
0x94: {  	[sflag:s15] =	ssyncset.done $0x0  }
0x95: {  	s16 =	sld [smem:$0x10];
	[sflag:s15] =	ssyncadd.s32 $0xFFFFFFFF  }
0x96: {  	s17 =	sld [smem:$0x11];
	(tm) =	ssettm $0x1  }
0x97: {  	s18 =	sld [smem:$0x3FFB];
	_ =	sdelay $0x3  }
0x98: {  	_ =	strace s18  }
0x99: {  	s4 =	sld [smem:$0x3FFC];
	_ =	sdelay $0x3  }
0x9a: {  	_ =	strace s4  }
0x9b: {  	s4 =	sld [smem:$0x3FFD];
	_ =	sdelay $0x3  }
0x9c: {  	_ =	strace s4  }
0x9d: {  	_ =	strace $0x8FFFFFFF  }
0x9e: {  	s19 =	sld [smem:$0x3FDB];
	_ =	sdelay $0x1  }
0x9f: {  	s5 =	simm.s32 $_scs_section_size  }
0xa0: {  	s6 =	simm.s32 $_size__tile_overlayer_lowered;
	s7 =	simm.s32 $_tile_overlayer_lowered  }
0xa1: {  	s22 =	simm.s32 $0x1BFF;
	s21 =	sshll.u32 s7, $0x1;
	s4 =	sadd.s32 s5, s19  }
0xa2: {  	s8 =	simm.s32 $0x0;
	s20 =	sshll.u32 s6, $0x1;
	s6 =	sadd.s32 s21, s4  }
0xa3: {  	[timem:s8], [sflag:s22] =	dma.local [hbm:s6], s20  }
0xa4: {  	_ =	swait.ge [sflag:s22], s20  }
0xa5: {  	s5 =	ssub.s32 $0x0, s20;
	[sflag:s22] =	ssyncset.done $0x0  }
0xa6: {  	[sflag:s22] =	ssyncadd.s32 s5;
	_ =	sdelay $0x1  }
0xa7: {  	s23 =	simm.s32 $0x1B8B  }
0xa8: {  	_ =	swait.ge [sflag:s23], $0x1  }
0xa9: {  	[sflag:s23] =	ssyncset.done $0x0  }
0xaa: {  	s25 =	simm.s32 $0x1B8E;
	s24 =	sld [smem:$0x3FFE];
	[sflag:s23] =	ssyncadd.s32 $0xFFFFFFFF  }
0xab: {  	s26 =	simm.s32 $execute0_lowered;
	[smem:$0x3FD2] =	sst s25  }
0xac: {  	s6 =	sshll.u32 s26, $0x1;
	_ =	strace $0x80000052;
	[dreg:$0x1] =	wrdreg $0xFFFFFFFF  }
0xad: {  	s28 =	simm.s32 $_size_execute0_lowered;
	s4 =	sadd.s32 s4, s6;
	[dreg:$0x0] =	wrdreg $0x0  }
0xae: {  	s6 =	sshll.u32 s28, $0x1;
	[dreg:$0x2] =	wrdreg s4  }
0xaf: {  	[dreg:$0x3] =	wrdreg s6  }
0xb0: {  	[dreg:$0x4] =	wrdreg $0xC0  }
0xb1: {  	_ =	task [dreg:s8], $0x5FFFF  }
0xb2: {  	[dreg:$0x1] =	wrdreg $0xFFFFFFFF  }
0xb3: {  	[dreg:$0x0] =	wrdreg $0x60  }
0xb4: {  	[dreg:$0x2] =	wrdreg s24  }
0xb5: {  	[dreg:$0x3] =	wrdreg s17  }
0xb6: {  	[dreg:$0x4] =	wrdreg s16  }
0xb7: {  	[dreg:$0x5] =	wrdreg $0xA8000  }
0xb8: {  	[dreg:$0x6] =	wrdreg $0x9  }
0xb9: {  	_ =	task.clear_ibuf [dreg:s8], $0x7FFFF;
	_ =	strace $0x90000052  }
0xba: {  	s29 =	simm.s32 $0x9;
	_ =	strace $0x80000054  }
0xbb: {  	_ =	swait.ge [sflag:s29], $0x1  }
0xbc: {  	[sflag:s29] =	ssyncadd.s32 $0xFFFFFFFF  }
0xbd: {  	_ =	strace $0x90000054  }
0xbe: {  	_ =	sfence  }
0xbf: {  	s30 =	sld [smem:$0x0];
	_ =	sdelay $0x2  }
0xc0: {  	s31 =	sshll.u32 s1, $0xD;
	s1 =	sshrl.u32 s1, $0x2  }
0xc1: {  	s3 =	sand.u32 $0x4000, s31;
	s1 =	sadd.s32 s1, s30  }
0xc2: {  	s0 =	sor.u32 s3, s0;
	s1 =	sshll.u32 s1, $0x11  }
0xc3: {  	s0 =	sor.u32 s1, s0  }
0xc4: {  	s0 =	sadd.s32 $0x8F2B, s0  }
0xc5: {  	[sflag:s0] =	ssyncadd.remote.s32 $0x1  }
0xc6: {  	_ =	sfence.sel $0xFFFF  }
0xc7: {  	[dreg:$0x0] =	wrdreg $0xFFFFFFFF;
	(pc) =	sbr.abs _section_cstart, $3  }
0xc8: {  	[dreg:$0x1] =	wrdreg $0xFFFFFFFF  }
0xc9: {  	_ =	task.clear_ibuf [dreg:s8], $0x2FFFF;
	_ =	strace $0x9FFFFFFF  }
0xca: {  	(tm) =	ssettm $0x7FFFFFFF  }
0xcb: {  	_ =	shalt  }
tec
execute0_lowered:
.L_overlay_start_1:
0x0: {  	(tag) =	ssettag $0x1  }
0x1: {  	s5 =	rddreg [dreg:$0x0]  }
0x2: {  	s8 =	rddreg [dreg:$0x1]  }
0x3: {  	s9 =	rddreg [dreg:$0x2]  }
0x4: {  	s1 =	rddreg [dreg:$0x3]  }
0x5: {  	s2 =	srdreg.scid;
	s0 =	rddreg [dreg:$0x4]  }
0x6: {  	s3 =	simm.s32 $0x0;
	s17 =	simm.s32 $0x80;
	s18 =	simm.s32 $0x2800  }
0x7: {  	s19 =	simm.s32 $0x3;
	s20 =	simm.s32 $0x6800;
	s21 =	simm.s32 $0x1  }
0x8: {  	s22 =	simm.s32 $0x2;
	s23 =	simm.s32 $0x100;
	s24 =	simm.s32 $0x1480  }
0x9: {  	s25 =	simm.s32 $0x0;
	s6 =	sand.u32 $0x1, s2;
	s2 =	stileid.u32  }
0xa: {  	[smem:$0x7FF] =	sst s3;
	s4 =	sadd.s32 $0x3C00, s5;
	s7 =	smul.u32 $0x140000, s6  }
0xb: {  	s13 =	sadd.s32 $0x2BC00, s5;
	s10 =	smul.u32 $0x14000, s2;
	_ =	strace $0x80000053  }
0xc: {  	s28 =	sshll.u32 s6, $0x4;
	s11 =	ssub.s32 $0x2, s6;
	s12 =	smul.u32 $0x50000, s2  }
0xd: {  	s29 =	smul.u32 $0x2800, s2;
	p0 =	seq.s32 s6, $0x1;
	s14 =	sshrl.u32 s11, $0x1  }
0xe: {  	s7 =	sadd.s32 s10, s7;
	s10 =	sor.u32 s2, s28;
	s14 =	ssub.s32 s11, s14  }
0xf: {  	s30 =	sshrl.u32 s12, $0x2;
	s11 =	sshll.u32 s2, $0x6;
	s7 =	sshrl.u32 s7, $0x3  }
0x10: {  	s10 =	smul.u32 $0x2800, s10;
	s16 =	sadd.s32 s30, s1;
	s12 =	smax.u32 s14, $0x1  }
.Ltmp0:
0x11: {  	s15 =	sadd.s32 s7, s5;
	s5 =	sadd.s32 s4, s29;
	(pc) =	sbr.rel .LBB2_1-.Ltmp0, $4  }
0x12: {  	s14 =	sshrl.u32 s16, $0x3;
	s16 =	simm.s32 $0x1400;
	s31 =	sshrl.u32 s10, $0x3  }
0x13: {  	s5 =	smov.u32 @p0 s13;
	s13 =	sor.u32 $0x1C03, s11;
	s10 =	sadd.s32 $0x280, s31  }
0x14: {  	s6 =	sadd.s32 s8, s31;
	s7 =	sadd.s32 s9, s31;
	s8 =	sadd.s32 s8, s10  }
0x15: {  	s9 =	sadd.s32 s9, s10;
	s10 =	sadd.s32 $0x2E400, s15;
	s15 =	simm.s32 $0x4  }
.LBB2_7:
0x16: {  	[spmem:s1] =	stream.indirect.scatter [tilespmem:s20], [sflag:$0x2], $0x80, s29, s17, $0xb8;
	[tilespmem:$0x1E800] =	vst v63  }
0x17: {  	_ =	swait.ge [sflag:s22], $0x4000  }
0x18: {  	s25 =	sadd.s32 $0x1, s25;
	[sflag:s22] =	ssyncset.done $0x0  }
0x19: {  	p0 =	sne.s32 s25, s12;
	[sflag:s22] =	ssyncadd.s32 $0xFFFFC000  }
.Ltmp1:
0x1a: {  	s26 =	sor.u32 $0x1C04, s11;
	[bflag:$0x0] =	sbarrier.arrive $0xFFFF;
	(pc) =	sbr.rel @!p0 .LBB2_8-.Ltmp1, $4  }
0x1b: {  	[hbm:s10], [sflag:s26] =	dma.local [spmem:s14], $0x2800  }
0x1c: {  	_ =	swait.ge [sflag:s15], $0x2800  }
0x1d: {  	[sflag:s15] =	ssyncset.done $0x0  }
0x1e: {  	[sflag:s15] =	ssyncadd.s32 $0xFFFFD800  }
.LBB2_1:
0x1f: {  	[spmem:s14], [sflag:s13] =	dma.local [hbm:s5], $0x2800  }
0x20: {  	[tilespmem:s3], [sflag:$0x4] =	stream.linear.gather [hbm4b:s6+s3], $0x1400, $0x38;
	[tilespmem:$0x1E800] =	vst v63  }
0x21: {  	_ =	swait.ge [sflag:s15], $0x1400  }
0x22: {  	[sflag:s15] =	ssyncset.done $0x0  }
0x23: {  	[sflag:s15] =	ssyncadd.s32 $0xFFFFEC00  }
0x24: {  	[tilespmem:s16], [sflag:$0x4] =	stream.linear.gather [hbm4b:s7+s3], $0x1400, $0x38;
	[tilespmem:$0x1E800] =	vst v63  }
0x25: {  	_ =	swait.ge [sflag:s15], $0x1400  }
0x26: {  	[sflag:s15] =	ssyncset.done $0x0  }
0x27: {  	[sflag:s15] =	ssyncadd.s32 $0xFFFFEC00  }
0x28: {  	[tilespmem:s18], [sflag:$0x1] =	stream.indirect.gather [hbm4b:s4+s17], $0x80, s3, s17, $0xb8;
	[tilespmem:$0x1E800] =	vst v63  }
0x29: {  	_ =	swait.ge [sflag:s19], $0x2800  }
0x2a: {  	[sflag:s19] =	ssyncset.done $0x0  }
0x2b: {  	[sflag:s19] =	ssyncadd.s32 $0xFFFFD800  }
0x2c: {  	[bflag:$0x0] =	sbarrier.arrive $0xFFFF  }
0x2d: {  	[tilespmem:s20], [sflag:$0x1] =	stream.indirect.gather [hbm4b:s4+s17], $0x80, s17, s17, $0xb8;
	[tilespmem:$0x1E800] =	vst v63  }
0x2e: {  	_ =	swait.ge [sflag:s21], $0x4000  }
0x2f: {  	[sflag:s21] =	ssyncset.done $0x0  }
0x30: {  	[sflag:s21] =	ssyncadd.s32 $0xFFFFC000  }
0x31: {  	[spmem:s1] =	stream.indirect.scatter [tilespmem:s18], [sflag:$0x2], $0x80, s16, s17, $0xb8;
	[tilespmem:$0x1E800] =	vst v63  }
0x32: {  	_ =	swait.ge [sflag:s21], $0x4000  }
0x33: {  	[sflag:s21] =	ssyncset.done $0x0  }
0x34: {  	[sflag:s21] =	ssyncadd.s32 $0xFFFFC000  }
0x35: {  	_ =	swait.ge [sflag:s22], $0x4000  }
0x36: {  	[sflag:s22] =	ssyncset.done $0x0  }
0x37: {  	[sflag:s22] =	ssyncadd.s32 $0xFFFFC000  }
0x38: {  	[tilespmem:s18], [sflag:$0x1] =	stream.indirect.gather [hbm4b:s4+s17], $0x80, s23, s17, $0xb8;
	[tilespmem:$0x1E800] =	vst v63  }
0x39: {  	s26 =	simm.s32 $0x0  }
0x3a: {  	[spmem:s1] =	stream.indirect.scatter [tilespmem:s20], [sflag:$0x2], $0x80, s24, s17, $0xb8;
	[tilespmem:$0x1E800] =	vst v63  }
.LBB2_2:
0x3b: {  	_ =	swait.ge [sflag:s22], $0x4000  }
0x3c: {  	s29 =	sshra.s32 s26, $0x2;
	[sflag:s22] =	ssyncset.done $0x0  }
0x3d: {  	s28 =	sadd.s32 $0x400, s26;
	s30 =	sadd.s32 $0x180, s29;
	[sflag:s22] =	ssyncadd.s32 $0xFFFFC000  }
0x3e: {  	[tilespmem:s20], [sflag:$0x1] =	stream.indirect.gather [hbm4b:s4+s17], $0x80, s30, s17, $0xb8;
	[tilespmem:$0x1E800] =	vst v63  }
0x3f: {  	s31 =	sand.u32 $0x7C00, s28;
	_ =	swait.ge [sflag:s21], $0x4000  }
0x40: {  	s30 =	sshrl.u32 s31, $0x2;
	[sflag:s21] =	ssyncset.done $0x0  }
0x41: {  	s30 =	sadd.s32 $0x1400, s30;
	[sflag:s21] =	ssyncadd.s32 $0xFFFFC000  }
0x42: {  	[spmem:s1] =	stream.indirect.scatter [tilespmem:s18], [sflag:$0x2], $0x80, s30, s17, $0xb8;
	[tilespmem:$0x1E800] =	vst v63  }
0x43: {  	p0 =	seq.s32 s26, $0x4800;
	_ =	swait.ge [sflag:s21], $0x4000  }
.Ltmp2:
0x44: {  	[sflag:s21] =	ssyncset.done $0x0;
	(pc) =	sbr.rel @p0 .LBB2_4-.Ltmp2, $4  }
0x45: {  	[sflag:s21] =	ssyncadd.s32 $0xFFFFC000  }
0x46: {  	_ =	swait.ge [sflag:s22], $0x4000  }
0x47: {  	[sflag:s22] =	ssyncset.done $0x0  }
0x48: {  	s29 =	sadd.s32 $0x1580, s29;
	[sflag:s22] =	ssyncadd.s32 $0xFFFFC000  }
0x49: {  	s26 =	sadd.s32 $0x800, s26  }
.Ltmp3:
0x4a: {  	s26 =	sand.u32 $0xFC00, s26;
	(pc) =	sbr.rel .LBB2_2-.Ltmp3, $4  }
0x4b: {  	s26 =	sshrl.u32 s26, $0x2  }
0x4c: {  	[tilespmem:s18], [sflag:$0x1] =	stream.indirect.gather [hbm4b:s4+s17], $0x80, s26, s17, $0xb8;
	[tilespmem:$0x1E800] =	vst v63  }
0x4d: {  	s26 =	smov.u32 s28  }
0x4e: {  	[spmem:s1] =	stream.indirect.scatter [tilespmem:s20], [sflag:$0x2], $0x80, s29, s17, $0xb8;
	[tilespmem:$0x1E800] =	vst v63  }
.LBB2_4:
0x4f: {  	[spmem:s1] =	stream.indirect.scatter [tilespmem:s20], [sflag:$0x2], $0x80, s29, s17, $0xb8;
	[tilespmem:$0x1E800] =	vst v63  }
0x50: {  	_ =	swait.ge [sflag:s22], $0x4000  }
0x51: {  	[sflag:s22] =	ssyncset.done $0x0  }
0x52: {  	s26 =	simm.s32 $0x0;
	[sflag:s22] =	ssyncadd.s32 $0xFFFFC000  }
0x53: {  	[tilespmem:s26], [sflag:$0x4] =	stream.linear.gather [hbm4b:s8+s26], $0x1400, $0x38;
	[tilespmem:$0x1E800] =	vst v63  }
0x54: {  	_ =	swait.ge [sflag:s15], $0x1400  }
0x55: {  	[sflag:s15] =	ssyncset.done $0x0  }
0x56: {  	[sflag:s15] =	ssyncadd.s32 $0xFFFFEC00  }
0x57: {  	[tilespmem:s16], [sflag:$0x4] =	stream.linear.gather [hbm4b:s9+s26], $0x1400, $0x38;
	[tilespmem:$0x1E800] =	vst v63  }
0x58: {  	_ =	swait.ge [sflag:s15], $0x1400  }
0x59: {  	[sflag:s15] =	ssyncset.done $0x0  }
0x5a: {  	[sflag:s15] =	ssyncadd.s32 $0xFFFFEC00  }
0x5b: {  	[tilespmem:s18], [sflag:$0x1] =	stream.indirect.gather [hbm4b:s4+s17], $0x80, s26, s17, $0xb8;
	[tilespmem:$0x1E800] =	vst v63  }
0x5c: {  	_ = 	snop  }
0x5d: {  	[tilespmem:s20], [sflag:$0x1] =	stream.indirect.gather [hbm4b:s4+s17], $0x80, s17, s17, $0xb8;
	[tilespmem:$0x1E800] =	vst v63  }
0x5e: {  	_ =	swait.ge [sflag:s21], $0x4000  }
0x5f: {  	[sflag:s21] =	ssyncset.done $0x0  }
0x60: {  	[sflag:s21] =	ssyncadd.s32 $0xFFFFC000  }
0x61: {  	[spmem:s1] =	stream.indirect.scatter [tilespmem:s18], [sflag:$0x2], $0x80, s16, s17, $0xb8;
	[tilespmem:$0x1E800] =	vst v63  }
0x62: {  	_ =	swait.ge [sflag:s21], $0x4000  }
0x63: {  	[sflag:s21] =	ssyncset.done $0x0  }
0x64: {  	[sflag:s21] =	ssyncadd.s32 $0xFFFFC000  }
0x65: {  	_ =	swait.ge [sflag:s22], $0x4000  }
0x66: {  	[sflag:s22] =	ssyncset.done $0x0  }
0x67: {  	[sflag:s22] =	ssyncadd.s32 $0xFFFFC000  }
0x68: {  	[tilespmem:s18], [sflag:$0x1] =	stream.indirect.gather [hbm4b:s4+s17], $0x80, s23, s17, $0xb8;
	[tilespmem:$0x1E800] =	vst v63  }
0x69: {  	_ = 	snop  }
0x6a: {  	[spmem:s1] =	stream.indirect.scatter [tilespmem:s20], [sflag:$0x2], $0x80, s24, s17, $0xb8;
	[tilespmem:$0x1E800] =	vst v63  }
.LBB2_5:
0x6b: {  	_ =	swait.ge [sflag:s22], $0x4000  }
0x6c: {  	s29 =	sshra.s32 s26, $0x2;
	[sflag:s22] =	ssyncset.done $0x0  }
0x6d: {  	s28 =	sadd.s32 $0x400, s26;
	s30 =	sadd.s32 $0x180, s29;
	[sflag:s22] =	ssyncadd.s32 $0xFFFFC000  }
0x6e: {  	[tilespmem:s20], [sflag:$0x1] =	stream.indirect.gather [hbm4b:s4+s17], $0x80, s30, s17, $0xb8;
	[tilespmem:$0x1E800] =	vst v63  }
0x6f: {  	s31 =	sand.u32 $0x7C00, s28;
	_ =	swait.ge [sflag:s21], $0x4000  }
0x70: {  	s30 =	sshrl.u32 s31, $0x2;
	[sflag:s21] =	ssyncset.done $0x0  }
0x71: {  	s30 =	sadd.s32 $0x1400, s30;
	[sflag:s21] =	ssyncadd.s32 $0xFFFFC000  }
0x72: {  	[spmem:s1] =	stream.indirect.scatter [tilespmem:s18], [sflag:$0x2], $0x80, s30, s17, $0xb8;
	[tilespmem:$0x1E800] =	vst v63  }
0x73: {  	p0 =	seq.s32 s26, $0x4800;
	_ =	swait.ge [sflag:s21], $0x4000  }
.Ltmp4:
0x74: {  	[sflag:s21] =	ssyncset.done $0x0;
	(pc) =	sbr.rel @p0 .LBB2_7-.Ltmp4, $4  }
0x75: {  	[sflag:s21] =	ssyncadd.s32 $0xFFFFC000  }
0x76: {  	_ =	swait.ge [sflag:s22], $0x4000  }
0x77: {  	[sflag:s22] =	ssyncset.done $0x0  }
0x78: {  	s29 =	sadd.s32 $0x1580, s29;
	[sflag:s22] =	ssyncadd.s32 $0xFFFFC000  }
0x79: {  	s26 =	sadd.s32 $0x800, s26  }
.Ltmp5:
0x7a: {  	s26 =	sand.u32 $0xFC00, s26;
	(pc) =	sbr.rel .LBB2_5-.Ltmp5, $4  }
0x7b: {  	s26 =	sshrl.u32 s26, $0x2  }
0x7c: {  	[tilespmem:s18], [sflag:$0x1] =	stream.indirect.gather [hbm4b:s4+s17], $0x80, s26, s17, $0xb8;
	[tilespmem:$0x1E800] =	vst v63  }
0x7d: {  	s26 =	smov.u32 s28  }
0x7e: {  	[spmem:s1] =	stream.indirect.scatter [tilespmem:s20], [sflag:$0x2], $0x80, s29, s17, $0xb8;
	[tilespmem:$0x1E800] =	vst v63  }
.LBB2_8:
0x7f: {  	_ =	sfence.sel $0x180000  }
0x80: {  	[bflag:$0x0] =	sbarrier.arrive $0xFFFF  }
0x81: {  	p0 =	sne.s32 s2, $0x0;
	_ =	strace $0x90000053  }
0x82: {  	s0 =	sadd.s32 @!p0 $0x100000, s0;
	[bflag:$0x2] =	sbarrier.arrive $0xFFFF  }
0x83: {  	[sflag:s0] =	ssyncadd.tile.s32 @!p0 $0x1;
	_ =	shalt  }
.Lfunc_end2:
_tile_overlayer_lowered:
.L_overlay_start_2:
0x84: {  	(tag) =	ssettag $0x2  }
0x85: {  	s0 =	rddreg [dreg:$0x0];
	s2 =	stileid.u32  }
0x86: {  	s1 =	rddreg [dreg:$0x1];
	p0 =	sne.s32 s2, $0x0  }
0x87: {  	s3 =	rddreg [dreg:$0x2];
	[bflag:$0x3] =	sbarrier.arrive $0xFFFF;
	s2 =	simm.s32 @!p0 $0x1C04  }
0x88: {  	[timem:s3], [sflag:s2] =	dma.local @!p0 [hbm:s0], s1  }
0x89: {  	s0 =	simm.s32 @!p0 $0x4  }
0x8a: {  	_ =	swait.ge @!p0 [sflag:s0], s1  }
0x8b: {  	s1 =	ssub.s32 @!p0 $0x0, s1;
	[sflag:s0] =	ssyncset.done @!p0 $0x0  }
0x8c: {  	[sflag:s0] =	ssyncadd.s32 @!p0 s1  }
0x8d: {  	[bflag:$0x3] =	sbarrier.arrive $0xFFFF  }
0x8e: {  	_ =	shalt  }

</sc_bundles>
